<compile_context>
chip_gen: v7x
topology: tpu7x:2x2x1
jax: 0.10.2.dev20260603
libtpu: 0.0.44.dev20260713+nightly
codegen_flags: <defaults>
</compile_context>

<pallas_src>
import functools

import jax
import jax.numpy as jnp
from jax import lax
from jax.experimental import pallas as pl
from jax.experimental.pallas import tpu as pltpu
from jax.experimental.pallas import tpu_sc as plsc

_N = 1000
_S = 32
_M = _N * _N
_B = 32768
_GRID = (_M + _B - 1) // _B
_TAIL = _M - (_GRID - 1) * _B
_BIG = 2**30
_MARGIN = 1e-3

_TC_ROWS = 24
_SC_ROWS = _S - _TC_ROWS
_NW = 32
_TPT = 244
_CW = 1024
_NCH = 30
_TTAIL = (_TPT - 30 * 8) * 128
_EPI_OFF = _NW * _TPT * 128
_EPI = _M - _EPI_OFF


def _scores(u, lg):
    uc = jnp.clip(u, 1e-06, 1.0 - 1e-06)
    return lg - jnp.log(-jnp.log(uc))



def _brute_body(rows, emit_lmax, u_ref, l_ref, x_ref, y_ref, lmax_ref,
                accv_ref, acci_ref, lm_ref):
    i = pl.program_id(0)
    u = u_ref[...]
    lg = l_ref[...]

    @pl.when(i == 0)
    def _init():
        accv_ref[...] = _scores(u, lg)
        acci_ref[...] = jnp.zeros((rows, _B), jnp.int32)
        if emit_lmax:
            lm_ref[0, 0] = jnp.max(lg)

    @pl.when(jnp.logical_and(i > 0, i < _GRID - 1))
    def _mid():
        s = _scores(u, lg)
        upd = s > accv_ref[...]
        accv_ref[...] = jnp.where(upd, s, accv_ref[...])
        acci_ref[...] = jnp.where(upd, i, acci_ref[...])
        if emit_lmax:
            lm_ref[0, 0] = jnp.maximum(lm_ref[0, 0], jnp.max(lg))

    @pl.when(i == _GRID - 1)
    def _last():
        col = jax.lax.broadcasted_iota(jnp.int32, (rows, _B), 1)
        s = jnp.where(col < _TAIL, _scores(u, lg), -jnp.inf)
        upd = s > accv_ref[...]
        av = jnp.where(upd, s, accv_ref[...])
        ai = jnp.where(upd, i, acci_ref[...])
        m = jnp.max(av, axis=1, keepdims=True)
        flat = ai * _B + col
        cand = jnp.where(av == m, flat, _BIG)
        ci = jnp.min(cand, axis=1, keepdims=True)
        x_ref[...] = ci // _N
        y_ref[...] = ci - (ci // _N) * _N
        if emit_lmax:
            col1 = jax.lax.broadcasted_iota(jnp.int32, (1, _B), 1)
            lgm = jnp.where(col1 < _TAIL, lg, -jnp.inf)
            lmax_ref[0, 0] = jnp.maximum(lm_ref[0, 0], jnp.max(lgm))


def _brute(uniform, lflat, rows, row_block, emit_lmax):
    body = functools.partial(_brute_body, rows, emit_lmax)
    out = pl.pallas_call(
        body,
        grid=(_GRID,),
        in_specs=[
            pl.BlockSpec((rows, _B), lambda i: (row_block, i)),
            pl.BlockSpec((1, _B), lambda i: (0, i)),
        ],
        out_specs=[
            pl.BlockSpec((rows, 1), lambda i: (0, 0)),
            pl.BlockSpec((rows, 1), lambda i: (0, 0)),
            pl.BlockSpec(memory_space=pltpu.SMEM),
        ],
        out_shape=[
            jax.ShapeDtypeStruct((rows, 1), jnp.int32),
            jax.ShapeDtypeStruct((rows, 1), jnp.int32),
            jax.ShapeDtypeStruct((1, 1), jnp.float32),
        ],
        scratch_shapes=[
            pltpu.VMEM((rows, _B), jnp.float32),
            pltpu.VMEM((rows, _B), jnp.int32),
            pltpu.SMEM((1, 1), jnp.float32),
        ],
    )(uniform, lflat)
    return out



def _sc_candidates(uniform):
    mesh = plsc.VectorSubcoreMesh(core_axis_name="c", subcore_axis_name="s")

    @functools.partial(
        pl.kernel,
        mesh=mesh,
        out_type=[
            jax.ShapeDtypeStruct((_NW, _SC_ROWS, 16), jnp.float32),
            jax.ShapeDtypeStruct((_NW, _SC_ROWS, 16), jnp.int32),
            jax.ShapeDtypeStruct((_NW, _SC_ROWS, 16), jnp.float32),
        ],
        scratch_types=[
            pltpu.VMEM((_SC_ROWS, _CW), jnp.float32),
            pltpu.VMEM((_SC_ROWS, _CW), jnp.float32),
            pltpu.VMEM((_SC_ROWS, _EPI), jnp.float32),
            pltpu.VMEM((_SC_ROWS, 16), jnp.float32),
            pltpu.VMEM((_SC_ROWS, 16), jnp.int32),
            pltpu.VMEM((_SC_ROWS, 16), jnp.float32),
            pltpu.SemaphoreType.DMA,
            pltpu.SemaphoreType.DMA,
        ],
    )
    def k(u_hbm, m1_hbm, i1_hbm, m2_hbm, buf0, buf1, ebuf, m1v, i1v, m2v,
          sem0, sem1):
        wid = lax.axis_index("s") * 2 + lax.axis_index("c")
        base0 = wid * (_TPT * 128)
        iota = lax.broadcasted_iota(jnp.int32, (16,), 0)
        bufs = (buf0, buf1)
        sems = (sem0, sem1)

        def src(c):
            return u_hbm.at[pl.ds(_TC_ROWS, _SC_ROWS),
                            pl.ds(base0 + c * _CW, _CW)]

        def acc_rows(src_buf, ncols, off, carry):
            def kbody(kk, cr):
                cur = (off + kk * 16) + iota
                new = []
                for r in range(_SC_ROWS):
                    m1, i1, m2 = cr[3 * r:3 * r + 3]
                    x = src_buf[r, pl.ds(kk * 16, 16)]
                    b = x > m1
                    new += [jnp.where(b, x, m1),
                            jnp.where(b, cur, i1),
                            jnp.maximum(m2, jnp.where(b, m1, x))]
                return tuple(new)

            return lax.fori_loop(0, ncols // 16, kbody, carry, unroll=4)

        pltpu.make_async_copy(src(0), buf0, sem0).start()
        pltpu.make_async_copy(src(1), buf1, sem1).start()

        def pair_body(c, carry):
            for b in range(2):
                cc = 2 * c + b
                pltpu.make_async_copy(src(cc), bufs[b], sems[b]).wait()
                carry = acc_rows(bufs[b], _CW, base0 + cc * _CW, carry)
                pltpu.make_async_copy(src(cc + 2), bufs[b], sems[b]).start()
            return carry

        init = []
        for _ in range(_SC_ROWS):
            init += [jnp.full((16,), -jnp.inf, jnp.float32),
                     jnp.zeros((16,), jnp.int32),
                     jnp.full((16,), -jnp.inf, jnp.float32)]
        carry = lax.fori_loop(0, _NCH // 2 - 1, pair_body, tuple(init))
        for b in range(2):
            cc = _NCH - 2 + b
            pltpu.make_async_copy(src(cc), bufs[b], sems[b]).wait()
            carry = acc_rows(bufs[b], _CW, base0 + cc * _CW, carry)

        toff = base0 + _NCH * _CW
        pltpu.sync_copy(
            u_hbm.at[pl.ds(_TC_ROWS, _SC_ROWS), pl.ds(toff, _TTAIL)],
            ebuf.at[:, pl.ds(0, _TTAIL)])
        carry = acc_rows(ebuf, _TTAIL, toff, carry)

        pltpu.sync_copy(
            u_hbm.at[pl.ds(_TC_ROWS, _SC_ROWS), pl.ds(_EPI_OFF, _EPI)], ebuf)
        carry = acc_rows(ebuf, _EPI, _EPI_OFF, carry)

        for r in range(_SC_ROWS):
            m1v[r, :] = carry[3 * r]
            i1v[r, :] = carry[3 * r + 1]
            m2v[r, :] = carry[3 * r + 2]
        pltpu.sync_copy(m1v, m1_hbm.at[wid])
        pltpu.sync_copy(i1v, i1_hbm.at[wid])
        pltpu.sync_copy(m2v, m2_hbm.at[wid])

    return k(uniform)



def _cert_body(u_ref, id_ref, lg_ref, m2_ref, lmax_ref, x_ref, y_ref, ok_ref):
    s = _scores(u_ref[...], lg_ref[...])
    m = jnp.max(s, axis=1, keepdims=True)
    cand = jnp.where(s == m, id_ref[...], _BIG)
    ci = jnp.min(cand, axis=1, keepdims=True)
    mm2 = jnp.clip(jnp.max(m2_ref[...], axis=1, keepdims=True),
                   1e-06, 1.0 - 1e-06)
    bound = lmax_ref[0, 0] - jnp.log(-jnp.log(mm2)) + _MARGIN
    ok_ref[...] = (m >= bound).astype(jnp.int32)
    x_ref[...] = ci // _N
    y_ref[...] = ci - (ci // _N) * _N


def _cert(u_cand, idx_cand, lg_cand, m2_cand, lmax):
    nc = _NW * 16
    return pl.pallas_call(
        _cert_body,
        in_specs=[
            pl.BlockSpec((_SC_ROWS, nc), lambda: (0, 0)),
            pl.BlockSpec((_SC_ROWS, nc), lambda: (0, 0)),
            pl.BlockSpec((_SC_ROWS, nc), lambda: (0, 0)),
            pl.BlockSpec((_SC_ROWS, nc), lambda: (0, 0)),
            pl.BlockSpec(memory_space=pltpu.SMEM),
        ],
        out_shape=[
            jax.ShapeDtypeStruct((_SC_ROWS, 1), jnp.int32),
            jax.ShapeDtypeStruct((_SC_ROWS, 1), jnp.int32),
            jax.ShapeDtypeStruct((_SC_ROWS, 1), jnp.int32),
        ],
    )(u_cand, idx_cand, lg_cand, m2_cand, lmax)



def kernel(uniform, logits):
    lflat = logits.reshape(1, _M)

    x24, y24, lmax = _brute(uniform, lflat, _TC_ROWS, 0, True)
    m1, i1, m2 = _sc_candidates(uniform)
    nc = _NW * 16
    m1r = m1.transpose(1, 0, 2).reshape(_SC_ROWS, nc)
    i1r = i1.transpose(1, 0, 2).reshape(_SC_ROWS, nc)
    m2r = m2.transpose(1, 0, 2).reshape(_SC_ROWS, nc)
    lg_cand = jnp.take(lflat.reshape(_M), i1r.reshape(-1),
                       mode="clip").reshape(_SC_ROWS, nc)
    x8c, y8c, ok = _cert(m1r, i1r, lg_cand, m2r, lmax)

    def _fast(_):
        return x8c, y8c

    def _slow(_):
        x8b, y8b, _ = _brute(uniform, lflat, _SC_ROWS, _TC_ROWS // _SC_ROWS,
                             False)
        return x8b, y8b

    x8, y8 = lax.cond(jnp.all(ok == 1), _fast, _slow, None)
    x = jnp.concatenate([x24.reshape(_TC_ROWS), x8.reshape(_SC_ROWS)])
    y = jnp.concatenate([y24.reshape(_TC_ROWS), y8.reshape(_SC_ROWS)])
    return x, y

# --- scband reference (transcript-rebuilt; emitter-appended) ---
"""Pipeline reference for scband-gumbel-terminal-generator-49967649522100 (READ-ONLY COPY).

The authoritative reference and input builder live on the scoring server;
editing this copy changes nothing except your own understanding.
"""

import jax, jax.numpy as jnp
import numpy as np

GRID_SIZE = 999
NUM_SAMPLES = 32
INIT_SCALE = 0.01


def setup_inputs(seed: int = 0) -> dict:
    key = jax.random.key(seed)
    k1, k2 = jax.random.split(key)
    n = GRID_SIZE + 1
    logits = INIT_SCALE * jax.random.normal(k1, (n, n), dtype=jnp.float32)
    # Materialize the uniform noise that torch.rand would generate inside
    # sample_terminal_points, so the computation is deterministic/explicit.
    uniform = jax.random.uniform(k2, (NUM_SAMPLES, n * n), dtype=jnp.float32)
    return {"uniform": uniform, "logits": logits}


def reference(uniform, logits):
    n = logits.shape[0]
    u = jnp.clip(uniform, 1e-06, 1.0 - 1e-06)
    gumbels = -jnp.log(-jnp.log(u))
    flat_logits = logits.reshape(-1)
    scores = flat_logits[None, :] + gumbels
    flat_indices = jnp.argmax(scores, axis=1)
    x = flat_indices // n
    y = flat_indices % n
    return (x, y)

if __name__ == "__main__":
    import jax
    _d = setup_inputs()
    print(jax.jit(kernel)(*tuple(_d.values())))

</pallas_src>

<mosaic_0001>
#map = affine_map<(d0, d1) -> (0, 0)>
#map1 = affine_map<(d0, d1) -> (0, 0, 0)>
module attributes {stable_mosaic.version = 14 : i64} {
  func.func @k(%arg0: i32, %arg1: i32, %arg2: memref<32x1000000xf32, #tpu.memory_space<hbm>>, %arg3: memref<32x8x16xf32, #tpu.memory_space<hbm>>, %arg4: memref<32x8x16xi32, #tpu.memory_space<hbm>>, %arg5: memref<32x8x16xf32, #tpu.memory_space<hbm>>, %arg6: memref<8x1024xf32, #tpu.memory_space<vmem>>, %arg7: memref<8x1024xf32, #tpu.memory_space<vmem>>, %arg8: memref<8x576xf32, #tpu.memory_space<vmem>>, %arg9: memref<8x16xf32, #tpu.memory_space<vmem>>, %arg10: memref<8x16xi32, #tpu.memory_space<vmem>>, %arg11: memref<8x16xf32, #tpu.memory_space<vmem>>, %arg12: memref<!tpu.dma_semaphore, #tpu.memory_space<semaphore_mem>>, %arg13: memref<!tpu.dma_semaphore, #tpu.memory_space<semaphore_mem>>) attributes {dimension_semantics = [#tpu.dimension_semantics<core_parallel>, #tpu.dimension_semantics<subcore_parallel>], iteration_bounds = array<i64: 2, 16>, scalar_prefetch = 0 : i64, scratch_operands = 8 : i64, tpu.core_type = #tpu.core_type<sc_vector_subcore>, window_params = [{transform_indices = #map}, {transform_indices = #map1}, {transform_indices = #map1}, {transform_indices = #map1}]} {
    %mul3A = arith.constant 2 : i32
    %mul3A_0 = arith.muli %arg1, %mul3A : i32
    %add3A = arith.addi %mul3A_0, %arg0 : i32
    %mul3A_1 = arith.constant 31232 : i32
    %mul3A_2 = arith.muli %add3A, %mul3A_1 : i32
    %iota3A = tpu.iota {dimensions = array<i32: 0>} : vector<16xi32>
    %add3A_3 = arith.constant 0 : i32
    %add3A_4 = arith.addi %mul3A_2, %add3A_3 : i32
    %dma_start3A = arith.constant 24 : i32
    %dma_start3A_5 = tpu.memref_slice %arg2[%dma_start3A, %add3A_4] : memref<32x1000000xf32, #tpu.memory_space<hbm>> -> memref<8x1024xf32, #tpu.memory_space<hbm>>
    %dma_start3A_6 = arith.constant 24 : i32
    %dma_start3A_7 = tpu.memref_slice %arg2[%dma_start3A_6, %add3A_4] : memref<32x1000000xf32, #tpu.memory_space<hbm>> -> memref<8x1024xf32, #tpu.memory_space<hbm>>
    tpu.enqueue_dma source(%dma_start3A_7 : memref<8x1024xf32, #tpu.memory_space<hbm>>) target(%arg6 : memref<8x1024xf32, #tpu.memory_space<vmem>>) target_semaphore(%arg12 : memref<!tpu.dma_semaphore, #tpu.memory_space<semaphore_mem>>)
    %add3A_8 = arith.constant 1024 : i32
    %add3A_9 = arith.addi %mul3A_2, %add3A_8 : i32
    %dma_start3A_10 = arith.constant 24 : i32
    %dma_start3A_11 = tpu.memref_slice %arg2[%dma_start3A_10, %add3A_9] : memref<32x1000000xf32, #tpu.memory_space<hbm>> -> memref<8x1024xf32, #tpu.memory_space<hbm>>
    %dma_start3A_12 = arith.constant 24 : i32
    %dma_start3A_13 = tpu.memref_slice %arg2[%dma_start3A_12, %add3A_9] : memref<32x1000000xf32, #tpu.memory_space<hbm>> -> memref<8x1024xf32, #tpu.memory_space<hbm>>
    tpu.enqueue_dma source(%dma_start3A_13 : memref<8x1024xf32, #tpu.memory_space<hbm>>) target(%arg7 : memref<8x1024xf32, #tpu.memory_space<vmem>>) target_semaphore(%arg13 : memref<!tpu.dma_semaphore, #tpu.memory_space<semaphore_mem>>)
    %broadcast_in_dim3A = arith.constant 0xFF800000 : f32
    %broadcast_in_dim3A_14 = vector.broadcast %broadcast_in_dim3A : f32 to vector<16xf32>
    %broadcast_in_dim3A_15 = arith.constant 0 : i32
    %broadcast_in_dim3A_16 = vector.broadcast %broadcast_in_dim3A_15 : i32 to vector<16xi32>
    %broadcast_in_dim3A_17 = arith.constant 0xFF800000 : f32
    %broadcast_in_dim3A_18 = vector.broadcast %broadcast_in_dim3A_17 : f32 to vector<16xf32>
    %broadcast_in_dim3A_19 = arith.constant 0xFF800000 : f32
    %broadcast_in_dim3A_20 = vector.broadcast %broadcast_in_dim3A_19 : f32 to vector<16xf32>
    %broadcast_in_dim3A_21 = arith.constant 0 : i32
    %broadcast_in_dim3A_22 = vector.broadcast %broadcast_in_dim3A_21 : i32 to vector<16xi32>
    %broadcast_in_dim3A_23 = arith.constant 0xFF800000 : f32
    %broadcast_in_dim3A_24 = vector.broadcast %broadcast_in_dim3A_23 : f32 to vector<16xf32>
    %broadcast_in_dim3A_25 = arith.constant 0xFF800000 : f32
    %broadcast_in_dim3A_26 = vector.broadcast %broadcast_in_dim3A_25 : f32 to vector<16xf32>
    %broadcast_in_dim3A_27 = arith.constant 0 : i32
    %broadcast_in_dim3A_28 = vector.broadcast %broadcast_in_dim3A_27 : i32 to vector<16xi32>
    %broadcast_in_dim3A_29 = arith.constant 0xFF800000 : f32
    %broadcast_in_dim3A_30 = vector.broadcast %broadcast_in_dim3A_29 : f32 to vector<16xf32>
    %broadcast_in_dim3A_31 = arith.constant 0xFF800000 : f32
    %broadcast_in_dim3A_32 = vector.broadcast %broadcast_in_dim3A_31 : f32 to vector<16xf32>
    %broadcast_in_dim3A_33 = arith.constant 0 : i32
    %broadcast_in_dim3A_34 = vector.broadcast %broadcast_in_dim3A_33 : i32 to vector<16xi32>
    %broadcast_in_dim3A_35 = arith.constant 0xFF800000 : f32
    %broadcast_in_dim3A_36 = vector.broadcast %broadcast_in_dim3A_35 : f32 to vector<16xf32>
    %broadcast_in_dim3A_37 = arith.constant 0xFF800000 : f32
    %broadcast_in_dim3A_38 = vector.broadcast %broadcast_in_dim3A_37 : f32 to vector<16xf32>
    %broadcast_in_dim3A_39 = arith.constant 0 : i32
    %broadcast_in_dim3A_40 = vector.broadcast %broadcast_in_dim3A_39 : i32 to vector<16xi32>
    %broadcast_in_dim3A_41 = arith.constant 0xFF800000 : f32
    %broadcast_in_dim3A_42 = vector.broadcast %broadcast_in_dim3A_41 : f32 to vector<16xf32>
    %broadcast_in_dim3A_43 = arith.constant 0xFF800000 : f32
    %broadcast_in_dim3A_44 = vector.broadcast %broadcast_in_dim3A_43 : f32 to vector<16xf32>
    %broadcast_in_dim3A_45 = arith.constant 0 : i32
    %broadcast_in_dim3A_46 = vector.broadcast %broadcast_in_dim3A_45 : i32 to vector<16xi32>
    %broadcast_in_dim3A_47 = arith.constant 0xFF800000 : f32
    %broadcast_in_dim3A_48 = vector.broadcast %broadcast_in_dim3A_47 : f32 to vector<16xf32>
    %broadcast_in_dim3A_49 = arith.constant 0xFF800000 : f32
    %broadcast_in_dim3A_50 = vector.broadcast %broadcast_in_dim3A_49 : f32 to vector<16xf32>
    %broadcast_in_dim3A_51 = arith.constant 0 : i32
    %broadcast_in_dim3A_52 = vector.broadcast %broadcast_in_dim3A_51 : i32 to vector<16xi32>
    %broadcast_in_dim3A_53 = arith.constant 0xFF800000 : f32
    %broadcast_in_dim3A_54 = vector.broadcast %broadcast_in_dim3A_53 : f32 to vector<16xf32>
    %broadcast_in_dim3A_55 = arith.constant 0xFF800000 : f32
    %broadcast_in_dim3A_56 = vector.broadcast %broadcast_in_dim3A_55 : f32 to vector<16xf32>
    %broadcast_in_dim3A_57 = arith.constant 0 : i32
    %broadcast_in_dim3A_58 = vector.broadcast %broadcast_in_dim3A_57 : i32 to vector<16xi32>
    %broadcast_in_dim3A_59 = arith.constant 0xFF800000 : f32
    %broadcast_in_dim3A_60 = vector.broadcast %broadcast_in_dim3A_59 : f32 to vector<16xf32>
    %scan3A = arith.constant 0 : i32
    %scan3A_61 = arith.constant 14 : i32
    %scan3A_62 = arith.addi %scan3A, %scan3A_61 : i32
    %scan3A_63 = arith.constant 1 : i32
    %scan3A_64:24 = scf.for %scan3A_250 = %scan3A to %scan3A_62 step %scan3A_63 iter_args(%scan3A_251 = %broadcast_in_dim3A_14, %scan3A_252 = %broadcast_in_dim3A_16, %scan3A_253 = %broadcast_in_dim3A_18, %scan3A_254 = %broadcast_in_dim3A_20, %scan3A_255 = %broadcast_in_dim3A_22, %scan3A_256 = %broadcast_in_dim3A_24, %scan3A_257 = %broadcast_in_dim3A_26, %scan3A_258 = %broadcast_in_dim3A_28, %scan3A_259 = %broadcast_in_dim3A_30, %scan3A_260 = %broadcast_in_dim3A_32, %scan3A_261 = %broadcast_in_dim3A_34, %scan3A_262 = %broadcast_in_dim3A_36, %scan3A_263 = %broadcast_in_dim3A_38, %scan3A_264 = %broadcast_in_dim3A_40, %scan3A_265 = %broadcast_in_dim3A_42, %scan3A_266 = %broadcast_in_dim3A_44, %scan3A_267 = %broadcast_in_dim3A_46, %scan3A_268 = %broadcast_in_dim3A_48, %scan3A_269 = %broadcast_in_dim3A_50, %scan3A_270 = %broadcast_in_dim3A_52, %scan3A_271 = %broadcast_in_dim3A_54, %scan3A_272 = %broadcast_in_dim3A_56, %scan3A_273 = %broadcast_in_dim3A_58, %scan3A_274 = %broadcast_in_dim3A_60) -> (vector<16xf32>, vector<16xi32>, vector<16xf32>, vector<16xf32>, vector<16xi32>, vector<16xf32>, vector<16xf32>, vector<16xi32>, vector<16xf32>, vector<16xf32>, vector<16xi32>, vector<16xf32>, vector<16xf32>, vector<16xi32>, vector<16xf32>, vector<16xf32>, vector<16xi32>, vector<16xf32>, vector<16xf32>, vector<16xi32>, vector<16xf32>, vector<16xf32>, vector<16xi32>, vector<16xf32>)  : i32 {
      %mul3A_275 = arith.constant 2 : i32
      %mul3A_276 = arith.muli %mul3A_275, %scan3A_250 : i32
      %add3A_277 = arith.constant 0 : i32
      %add3A_278 = arith.addi %mul3A_276, %add3A_277 : i32
      %mul3A_279 = arith.constant 1024 : i32
      %mul3A_280 = arith.muli %add3A_278, %mul3A_279 : i32
      %add3A_281 = arith.addi %mul3A_2, %mul3A_280 : i32
      %dma_wait3A_282 = arith.constant 24 : i32
      %dma_wait3A_283 = tpu.memref_slice %arg2[%dma_wait3A_282, %add3A_281] : memref<32x1000000xf32, #tpu.memory_space<hbm>> -> memref<8x1024xf32, #tpu.memory_space<hbm>>
      %dma_wait3A_284 = arith.constant 24 : i32
      %dma_wait3A_285 = tpu.memref_slice %arg2[%dma_wait3A_284, %add3A_281] : memref<32x1000000xf32, #tpu.memory_space<hbm>> -> memref<8x1024xf32, #tpu.memory_space<hbm>>
      tpu.wait_dma2 semaphore(%arg12 : memref<!tpu.dma_semaphore, #tpu.memory_space<semaphore_mem>>) src(%dma_wait3A_285 : memref<8x1024xf32, #tpu.memory_space<hbm>>) dst(%arg6 : memref<8x1024xf32, #tpu.memory_space<vmem>>)
      %mul3A_286 = arith.constant 1024 : i32
      %mul3A_287 = arith.muli %add3A_278, %mul3A_286 : i32
      %add3A_288 = arith.addi %mul3A_2, %mul3A_287 : i32
      %scan3A_289 = arith.constant 0 : i32
      %scan3A_290 = arith.constant 64 : i32
      %scan3A_291 = arith.addi %scan3A_289, %scan3A_290 : i32
      %scan3A_292 = arith.constant 4 : i32
      %scan3A_293:24 = scf.for %scan3A_333 = %scan3A_289 to %scan3A_291 step %scan3A_292 iter_args(%scan3A_334 = %scan3A_251, %scan3A_335 = %scan3A_252, %scan3A_336 = %scan3A_253, %scan3A_337 = %scan3A_254, %scan3A_338 = %scan3A_255, %scan3A_339 = %scan3A_256, %scan3A_340 = %scan3A_257, %scan3A_341 = %scan3A_258, %scan3A_342 = %scan3A_259, %scan3A_343 = %scan3A_260, %scan3A_344 = %scan3A_261, %scan3A_345 = %scan3A_262, %scan3A_346 = %scan3A_263, %scan3A_347 = %scan3A_264, %scan3A_348 = %scan3A_265, %scan3A_349 = %scan3A_266, %scan3A_350 = %scan3A_267, %scan3A_351 = %scan3A_268, %scan3A_352 = %scan3A_269, %scan3A_353 = %scan3A_270, %scan3A_354 = %scan3A_271, %scan3A_355 = %scan3A_272, %scan3A_356 = %scan3A_273, %scan3A_357 = %scan3A_274) -> (vector<16xf32>, vector<16xi32>, vector<16xf32>, vector<16xf32>, vector<16xi32>, vector<16xf32>, vector<16xf32>, vector<16xi32>, vector<16xf32>, vector<16xf32>, vector<16xi32>, vector<16xf32>, vector<16xf32>, vector<16xi32>, vector<16xf32>, vector<16xf32>, vector<16xi32>, vector<16xf32>, vector<16xf32>, vector<16xi32>, vector<16xf32>, vector<16xf32>, vector<16xi32>, vector<16xf32>)  : i32 {
        %mul3A_358 = arith.constant 16 : i32
        %mul3A_359 = arith.muli %scan3A_333, %mul3A_358 : i32
        %add3A_360 = arith.addi %add3A_288, %mul3A_359 : i32
        %add3A_361 = vector.broadcast %add3A_360 : i32 to vector<16xi32>
        %add3A_362 = arith.addi %add3A_361, %iota3A : vector<16xi32>
        %mul3A_363 = arith.constant 16 : i32
        %mul3A_364 = arith.muli %scan3A_333, %mul3A_363 : i32
        %get3A = arith.constant 0 : i32
        %get3A_365 = arith.index_cast %get3A : i32 to index
        %get3A_366 = arith.index_cast %mul3A_364 : i32 to index
        %get3A_367 = tpu.vector_load %arg6[%get3A_365, %get3A_366] {strides = array<i32>} : memref<8x1024xf32, #tpu.memory_space<vmem>>, vector<1x16xf32>,
        %get3A_368 = vector.shape_cast %get3A_367 : vector<1x16xf32> to vector<16xf32>
        %gt3A = arith.cmpf ogt, %get3A_368, %scan3A_334 : vector<16xf32>
        %select_n3A = arith.select %gt3A, %get3A_368, %scan3A_334 : vector<16xi1>, vector<16xf32>
        %select_n3A_369 = arith.select %gt3A, %add3A_362, %scan3A_335 : vector<16xi1>, vector<16xi32>
        %select_n3A_370 = arith.select %gt3A, %scan3A_334, %get3A_368 : vector<16xi1>, vector<16xf32>
        %max3A = arith.maximumf %scan3A_336, %select_n3A_370 : vector<16xf32>
        %mul3A_371 = arith.constant 16 : i32
        %mul3A_372 = arith.muli %scan3A_333, %mul3A_371 : i32
        %get3A_373 = arith.constant 1 : i32
        %get3A_374 = arith.index_cast %get3A_373 : i32 to index
        %get3A_375 = arith.index_cast %mul3A_372 : i32 to index
        %get3A_376 = tpu.vector_load %arg6[%get3A_374, %get3A_375] {strides = array<i32>} : memref<8x1024xf32, #tpu.memory_space<vmem>>, vector<1x16xf32>,
        %get3A_377 = vector.shape_cast %get3A_376 : vector<1x16xf32> to vector<16xf32>
        %gt3A_378 = arith.cmpf ogt, %get3A_377, %scan3A_337 : vector<16xf32>
        %select_n3A_379 = arith.select %gt3A_378, %get3A_377, %scan3A_337 : vector<16xi1>, vector<16xf32>
        %select_n3A_380 = arith.select %gt3A_378, %add3A_362, %scan3A_338 : vector<16xi1>, vector<16xi32>
        %select_n3A_381 = arith.select %gt3A_378, %scan3A_337, %get3A_377 : vector<16xi1>, vector<16xf32>
        %max3A_382 = arith.maximumf %scan3A_339, %select_n3A_381 : vector<16xf32>
        %mul3A_383 = arith.constant 16 : i32
        %mul3A_384 = arith.muli %scan3A_333, %mul3A_383 : i32
        %get3A_385 = arith.constant 2 : i32
        %get3A_386 = arith.index_cast %get3A_385 : i32 to index
        %get3A_387 = arith.index_cast %mul3A_384 : i32 to index
        %get3A_388 = tpu.vector_load %arg6[%get3A_386, %get3A_387] {strides = array<i32>} : memref<8x1024xf32, #tpu.memory_space<vmem>>, vector<1x16xf32>,
        %get3A_389 = vector.shape_cast %get3A_388 : vector<1x16xf32> to vector<16xf32>
        %gt3A_390 = arith.cmpf ogt, %get3A_389, %scan3A_340 : vector<16xf32>
        %select_n3A_391 = arith.select %gt3A_390, %get3A_389, %scan3A_340 : vector<16xi1>, vector<16xf32>
        %select_n3A_392 = arith.select %gt3A_390, %add3A_362, %scan3A_341 : vector<16xi1>, vector<16xi32>
        %select_n3A_393 = arith.select %gt3A_390, %scan3A_340, %get3A_389 : vector<16xi1>, vector<16xf32>
        %max3A_394 = arith.maximumf %scan3A_342, %select_n3A_393 : vector<16xf32>
        %mul3A_395 = arith.constant 16 : i32
        %mul3A_396 = arith.muli %scan3A_333, %mul3A_395 : i32
        %get3A_397 = arith.constant 3 : i32
        %get3A_398 = arith.index_cast %get3A_397 : i32 to index
        %get3A_399 = arith.index_cast %mul3A_396 : i32 to index
        %get3A_400 = tpu.vector_load %arg6[%get3A_398, %get3A_399] {strides = array<i32>} : memref<8x1024xf32, #tpu.memory_space<vmem>>, vector<1x16xf32>,
        %get3A_401 = vector.shape_cast %get3A_400 : vector<1x16xf32> to vector<16xf32>
        %gt3A_402 = arith.cmpf ogt, %get3A_401, %scan3A_343 : vector<16xf32>
        %select_n3A_403 = arith.select %gt3A_402, %get3A_401, %scan3A_343 : vector<16xi1>, vector<16xf32>
        %select_n3A_404 = arith.select %gt3A_402, %add3A_362, %scan3A_344 : vector<16xi1>, vector<16xi32>
        %select_n3A_405 = arith.select %gt3A_402, %scan3A_343, %get3A_401 : vector<16xi1>, vector<16xf32>
        %max3A_406 = arith.maximumf %scan3A_345, %select_n3A_405 : vector<16xf32>
        %mul3A_407 = arith.constant 16 : i32
        %mul3A_408 = arith.muli %scan3A_333, %mul3A_407 : i32
        %get3A_409 = arith.constant 4 : i32
        %get3A_410 = arith.index_cast %get3A_409 : i32 to index
        %get3A_411 = arith.index_cast %mul3A_408 : i32 to index
        %get3A_412 = tpu.vector_load %arg6[%get3A_410, %get3A_411] {strides = array<i32>} : memref<8x1024xf32, #tpu.memory_space<vmem>>, vector<1x16xf32>,
        %get3A_413 = vector.shape_cast %get3A_412 : vector<1x16xf32> to vector<16xf32>
        %gt3A_414 = arith.cmpf ogt, %get3A_413, %scan3A_346 : vector<16xf32>
        %select_n3A_415 = arith.select %gt3A_414, %get3A_413, %scan3A_346 : vector<16xi1>, vector<16xf32>
        %select_n3A_416 = arith.select %gt3A_414, %add3A_362, %scan3A_347 : vector<16xi1>, vector<16xi32>
        %select_n3A_417 = arith.select %gt3A_414, %scan3A_346, %get3A_413 : vector<16xi1>, vector<16xf32>
        %max3A_418 = arith.maximumf %scan3A_348, %select_n3A_417 : vector<16xf32>
        %mul3A_419 = arith.constant 16 : i32
        %mul3A_420 = arith.muli %scan3A_333, %mul3A_419 : i32
        %get3A_421 = arith.constant 5 : i32
        %get3A_422 = arith.index_cast %get3A_421 : i32 to index
        %get3A_423 = arith.index_cast %mul3A_420 : i32 to index
        %get3A_424 = tpu.vector_load %arg6[%get3A_422, %get3A_423] {strides = array<i32>} : memref<8x1024xf32, #tpu.memory_space<vmem>>, vector<1x16xf32>,
        %get3A_425 = vector.shape_cast %get3A_424 : vector<1x16xf32> to vector<16xf32>
        %gt3A_426 = arith.cmpf ogt, %get3A_425, %scan3A_349 : vector<16xf32>
        %select_n3A_427 = arith.select %gt3A_426, %get3A_425, %scan3A_349 : vector<16xi1>, vector<16xf32>
        %select_n3A_428 = arith.select %gt3A_426, %add3A_362, %scan3A_350 : vector<16xi1>, vector<16xi32>
        %select_n3A_429 = arith.select %gt3A_426, %scan3A_349, %get3A_425 : vector<16xi1>, vector<16xf32>
        %max3A_430 = arith.maximumf %scan3A_351, %select_n3A_429 : vector<16xf32>
        %mul3A_431 = arith.constant 16 : i32
        %mul3A_432 = arith.muli %scan3A_333, %mul3A_431 : i32
        %get3A_433 = arith.constant 6 : i32
        %get3A_434 = arith.index_cast %get3A_433 : i32 to index
        %get3A_435 = arith.index_cast %mul3A_432 : i32 to index
        %get3A_436 = tpu.vector_load %arg6[%get3A_434, %get3A_435] {strides = array<i32>} : memref<8x1024xf32, #tpu.memory_space<vmem>>, vector<1x16xf32>,
        %get3A_437 = vector.shape_cast %get3A_436 : vector<1x16xf32> to vector<16xf32>
        %gt3A_438 = arith.cmpf ogt, %get3A_437, %scan3A_352 : vector<16xf32>
        %select_n3A_439 = arith.select %gt3A_438, %get3A_437, %scan3A_352 : vector<16xi1>, vector<16xf32>
        %select_n3A_440 = arith.select %gt3A_438, %add3A_362, %scan3A_353 : vector<16xi1>, vector<16xi32>
        %select_n3A_441 = arith.select %gt3A_438, %scan3A_352, %get3A_437 : vector<16xi1>, vector<16xf32>
        %max3A_442 = arith.maximumf %scan3A_354, %select_n3A_441 : vector<16xf32>
        %mul3A_443 = arith.constant 16 : i32
        %mul3A_444 = arith.muli %scan3A_333, %mul3A_443 : i32
        %get3A_445 = arith.constant 7 : i32
        %get3A_446 = arith.index_cast %get3A_445 : i32 to index
        %get3A_447 = arith.index_cast %mul3A_444 : i32 to index
        %get3A_448 = tpu.vector_load %arg6[%get3A_446, %get3A_447] {strides = array<i32>} : memref<8x1024xf32, #tpu.memory_space<vmem>>, vector<1x16xf32>,
        %get3A_449 = vector.shape_cast %get3A_448 : vector<1x16xf32> to vector<16xf32>
        %gt3A_450 = arith.cmpf ogt, %get3A_449, %scan3A_355 : vector<16xf32>
        %select_n3A_451 = arith.select %gt3A_450, %get3A_449, %scan3A_355 : vector<16xi1>, vector<16xf32>
        %select_n3A_452 = arith.select %gt3A_450, %add3A_362, %scan3A_356 : vector<16xi1>, vector<16xi32>
        %select_n3A_453 = arith.select %gt3A_450, %scan3A_355, %get3A_449 : vector<16xi1>, vector<16xf32>
        %max3A_454 = arith.maximumf %scan3A_357, %select_n3A_453 : vector<16xf32>
        %scan3A_455 = arith.constant 1 : i32
        %scan3A_456 = arith.addi %scan3A_333, %scan3A_455 : i32
        %mul3A_457 = arith.constant 16 : i32
        %mul3A_458 = arith.muli %scan3A_456, %mul3A_457 : i32
        %add3A_459 = arith.addi %add3A_288, %mul3A_458 : i32
        %add3A_460 = vector.broadcast %add3A_459 : i32 to vector<16xi32>
        %add3A_461 = arith.addi %add3A_460, %iota3A : vector<16xi32>
        %mul3A_462 = arith.constant 16 : i32
        %mul3A_463 = arith.muli %scan3A_456, %mul3A_462 : i32
        %get3A_464 = arith.constant 0 : i32
        %get3A_465 = arith.index_cast %get3A_464 : i32 to index
        %get3A_466 = arith.index_cast %mul3A_463 : i32 to index
        %get3A_467 = tpu.vector_load %arg6[%get3A_465, %get3A_466] {strides = array<i32>} : memref<8x1024xf32, #tpu.memory_space<vmem>>, vector<1x16xf32>,
        %get3A_468 = vector.shape_cast %get3A_467 : vector<1x16xf32> to vector<16xf32>
        %gt3A_469 = arith.cmpf ogt, %get3A_468, %select_n3A : vector<16xf32>
        %select_n3A_470 = arith.select %gt3A_469, %get3A_468, %select_n3A : vector<16xi1>, vector<16xf32>
        %select_n3A_471 = arith.select %gt3A_469, %add3A_461, %select_n3A_369 : vector<16xi1>, vector<16xi32>
        %select_n3A_472 = arith.select %gt3A_469, %select_n3A, %get3A_468 : vector<16xi1>, vector<16xf32>
        %max3A_473 = arith.maximumf %max3A, %select_n3A_472 : vector<16xf32>
        %mul3A_474 = arith.constant 16 : i32
        %mul3A_475 = arith.muli %scan3A_456, %mul3A_474 : i32
        %get3A_476 = arith.constant 1 : i32
        %get3A_477 = arith.index_cast %get3A_476 : i32 to index
        %get3A_478 = arith.index_cast %mul3A_475 : i32 to index
        %get3A_479 = tpu.vector_load %arg6[%get3A_477, %get3A_478] {strides = array<i32>} : memref<8x1024xf32, #tpu.memory_space<vmem>>, vector<1x16xf32>,
        %get3A_480 = vector.shape_cast %get3A_479 : vector<1x16xf32> to vector<16xf32>
        %gt3A_481 = arith.cmpf ogt, %get3A_480, %select_n3A_379 : vector<16xf32>
        %select_n3A_482 = arith.select %gt3A_481, %get3A_480, %select_n3A_379 : vector<16xi1>, vector<16xf32>
        %select_n3A_483 = arith.select %gt3A_481, %add3A_461, %select_n3A_380 : vector<16xi1>, vector<16xi32>
        %select_n3A_484 = arith.select %gt3A_481, %select_n3A_379, %get3A_480 : vector<16xi1>, vector<16xf32>
        %max3A_485 = arith.maximumf %max3A_382, %select_n3A_484 : vector<16xf32>
        %mul3A_486 = arith.constant 16 : i32
        %mul3A_487 = arith.muli %scan3A_456, %mul3A_486 : i32
        %get3A_488 = arith.constant 2 : i32
        %get3A_489 = arith.index_cast %get3A_488 : i32 to index
        %get3A_490 = arith.index_cast %mul3A_487 : i32 to index
        %get3A_491 = tpu.vector_load %arg6[%get3A_489, %get3A_490] {strides = array<i32>} : memref<8x1024xf32, #tpu.memory_space<vmem>>, vector<1x16xf32>,
        %get3A_492 = vector.shape_cast %get3A_491 : vector<1x16xf32> to vector<16xf32>
        %gt3A_493 = arith.cmpf ogt, %get3A_492, %select_n3A_391 : vector<16xf32>
        %select_n3A_494 = arith.select %gt3A_493, %get3A_492, %select_n3A_391 : vector<16xi1>, vector<16xf32>
        %select_n3A_495 = arith.select %gt3A_493, %add3A_461, %select_n3A_392 : vector<16xi1>, vector<16xi32>
        %select_n3A_496 = arith.select %gt3A_493, %select_n3A_391, %get3A_492 : vector<16xi1>, vector<16xf32>
        %max3A_497 = arith.maximumf %max3A_394, %select_n3A_496 : vector<16xf32>
        %mul3A_498 = arith.constant 16 : i32
        %mul3A_499 = arith.muli %scan3A_456, %mul3A_498 : i32
        %get3A_500 = arith.constant 3 : i32
        %get3A_501 = arith.index_cast %get3A_500 : i32 to index
        %get3A_502 = arith.index_cast %mul3A_499 : i32 to index
        %get3A_503 = tpu.vector_load %arg6[%get3A_501, %get3A_502] {strides = array<i32>} : memref<8x1024xf32, #tpu.memory_space<vmem>>, vector<1x16xf32>,
        %get3A_504 = vector.shape_cast %get3A_503 : vector<1x16xf32> to vector<16xf32>
        %gt3A_505 = arith.cmpf ogt, %get3A_504, %select_n3A_403 : vector<16xf32>
        %select_n3A_506 = arith.select %gt3A_505, %get3A_504, %select_n3A_403 : vector<16xi1>, vector<16xf32>
        %select_n3A_507 = arith.select %gt3A_505, %add3A_461, %select_n3A_404 : vector<16xi1>, vector<16xi32>
        %select_n3A_508 = arith.select %gt3A_505, %select_n3A_403, %get3A_504 : vector<16xi1>, vector<16xf32>
        %max3A_509 = arith.maximumf %max3A_406, %select_n3A_508 : vector<16xf32>
        %mul3A_510 = arith.constant 16 : i32
        %mul3A_511 = arith.muli %scan3A_456, %mul3A_510 : i32
        %get3A_512 = arith.constant 4 : i32
        %get3A_513 = arith.index_cast %get3A_512 : i32 to index
        %get3A_514 = arith.index_cast %mul3A_511 : i32 to index
        %get3A_515 = tpu.vector_load %arg6[%get3A_513, %get3A_514] {strides = array<i32>} : memref<8x1024xf32, #tpu.memory_space<vmem>>, vector<1x16xf32>,
        %get3A_516 = vector.shape_cast %get3A_515 : vector<1x16xf32> to vector<16xf32>
        %gt3A_517 = arith.cmpf ogt, %get3A_516, %select_n3A_415 : vector<16xf32>
        %select_n3A_518 = arith.select %gt3A_517, %get3A_516, %select_n3A_415 : vector<16xi1>, vector<16xf32>
        %select_n3A_519 = arith.select %gt3A_517, %add3A_461, %select_n3A_416 : vector<16xi1>, vector<16xi32>
        %select_n3A_520 = arith.select %gt3A_517, %select_n3A_415, %get3A_516 : vector<16xi1>, vector<16xf32>
        %max3A_521 = arith.maximumf %max3A_418, %select_n3A_520 : vector<16xf32>
        %mul3A_522 = arith.constant 16 : i32
        %mul3A_523 = arith.muli %scan3A_456, %mul3A_522 : i32
        %get3A_524 = arith.constant 5 : i32
        %get3A_525 = arith.index_cast %get3A_524 : i32 to index
        %get3A_526 = arith.index_cast %mul3A_523 : i32 to index
        %get3A_527 = tpu.vector_load %arg6[%get3A_525, %get3A_526] {strides = array<i32>} : memref<8x1024xf32, #tpu.memory_space<vmem>>, vector<1x16xf32>,
        %get3A_528 = vector.shape_cast %get3A_527 : vector<1x16xf32> to vector<16xf32>
        %gt3A_529 = arith.cmpf ogt, %get3A_528, %select_n3A_427 : vector<16xf32>
        %select_n3A_530 = arith.select %gt3A_529, %get3A_528, %select_n3A_427 : vector<16xi1>, vector<16xf32>
        %select_n3A_531 = arith.select %gt3A_529, %add3A_461, %select_n3A_428 : vector<16xi1>, vector<16xi32>
        %select_n3A_532 = arith.select %gt3A_529, %select_n3A_427, %get3A_528 : vector<16xi1>, vector<16xf32>
        %max3A_533 = arith.maximumf %max3A_430, %select_n3A_532 : vector<16xf32>
        %mul3A_534 = arith.constant 16 : i32
        %mul3A_535 = arith.muli %scan3A_456, %mul3A_534 : i32
        %get3A_536 = arith.constant 6 : i32
        %get3A_537 = arith.index_cast %get3A_536 : i32 to index
        %get3A_538 = arith.index_cast %mul3A_535 : i32 to index
        %get3A_539 = tpu.vector_load %arg6[%get3A_537, %get3A_538] {strides = array<i32>} : memref<8x1024xf32, #tpu.memory_space<vmem>>, vector<1x16xf32>,
        %get3A_540 = vector.shape_cast %get3A_539 : vector<1x16xf32> to vector<16xf32>
        %gt3A_541 = arith.cmpf ogt, %get3A_540, %select_n3A_439 : vector<16xf32>
        %select_n3A_542 = arith.select %gt3A_541, %get3A_540, %select_n3A_439 : vector<16xi1>, vector<16xf32>
        %select_n3A_543 = arith.select %gt3A_541, %add3A_461, %select_n3A_440 : vector<16xi1>, vector<16xi32>
        %select_n3A_544 = arith.select %gt3A_541, %select_n3A_439, %get3A_540 : vector<16xi1>, vector<16xf32>
        %max3A_545 = arith.maximumf %max3A_442, %select_n3A_544 : vector<16xf32>
        %mul3A_546 = arith.constant 16 : i32
        %mul3A_547 = arith.muli %scan3A_456, %mul3A_546 : i32
        %get3A_548 = arith.constant 7 : i32
        %get3A_549 = arith.index_cast %get3A_548 : i32 to index
        %get3A_550 = arith.index_cast %mul3A_547 : i32 to index
        %get3A_551 = tpu.vector_load %arg6[%get3A_549, %get3A_550] {strides = array<i32>} : memref<8x1024xf32, #tpu.memory_space<vmem>>, vector<1x16xf32>,
        %get3A_552 = vector.shape_cast %get3A_551 : vector<1x16xf32> to vector<16xf32>
        %gt3A_553 = arith.cmpf ogt, %get3A_552, %select_n3A_451 : vector<16xf32>
        %select_n3A_554 = arith.select %gt3A_553, %get3A_552, %select_n3A_451 : vector<16xi1>, vector<16xf32>
        %select_n3A_555 = arith.select %gt3A_553, %add3A_461, %select_n3A_452 : vector<16xi1>, vector<16xi32>
        %select_n3A_556 = arith.select %gt3A_553, %select_n3A_451, %get3A_552 : vector<16xi1>, vector<16xf32>
        %max3A_557 = arith.maximumf %max3A_454, %select_n3A_556 : vector<16xf32>
        %scan3A_558 = arith.constant 2 : i32
        %scan3A_559 = arith.addi %scan3A_333, %scan3A_558 : i32
        %mul3A_560 = arith.constant 16 : i32
        %mul3A_561 = arith.muli %scan3A_559, %mul3A_560 : i32
        %add3A_562 = arith.addi %add3A_288, %mul3A_561 : i32
        %add3A_563 = vector.broadcast %add3A_562 : i32 to vector<16xi32>
        %add3A_564 = arith.addi %add3A_563, %iota3A : vector<16xi32>
        %mul3A_565 = arith.constant 16 : i32
        %mul3A_566 = arith.muli %scan3A_559, %mul3A_565 : i32
        %get3A_567 = arith.constant 0 : i32
        %get3A_568 = arith.index_cast %get3A_567 : i32 to index
        %get3A_569 = arith.index_cast %mul3A_566 : i32 to index
        %get3A_570 = tpu.vector_load %arg6[%get3A_568, %get3A_569] {strides = array<i32>} : memref<8x1024xf32, #tpu.memory_space<vmem>>, vector<1x16xf32>,
        %get3A_571 = vector.shape_cast %get3A_570 : vector<1x16xf32> to vector<16xf32>
        %gt3A_572 = arith.cmpf ogt, %get3A_571, %select_n3A_470 : vector<16xf32>
        %select_n3A_573 = arith.select %gt3A_572, %get3A_571, %select_n3A_470 : vector<16xi1>, vector<16xf32>
        %select_n3A_574 = arith.select %gt3A_572, %add3A_564, %select_n3A_471 : vector<16xi1>, vector<16xi32>
        %select_n3A_575 = arith.select %gt3A_572, %select_n3A_470, %get3A_571 : vector<16xi1>, vector<16xf32>
        %max3A_576 = arith.maximumf %max3A_473, %select_n3A_575 : vector<16xf32>
        %mul3A_577 = arith.constant 16 : i32
        %mul3A_578 = arith.muli %scan3A_559, %mul3A_577 : i32
        %get3A_579 = arith.constant 1 : i32
        %get3A_580 = arith.index_cast %get3A_579 : i32 to index
        %get3A_581 = arith.index_cast %mul3A_578 : i32 to index
        %get3A_582 = tpu.vector_load %arg6[%get3A_580, %get3A_581] {strides = array<i32>} : memref<8x1024xf32, #tpu.memory_space<vmem>>, vector<1x16xf32>,
        %get3A_583 = vector.shape_cast %get3A_582 : vector<1x16xf32> to vector<16xf32>
        %gt3A_584 = arith.cmpf ogt, %get3A_583, %select_n3A_482 : vector<16xf32>
        %select_n3A_585 = arith.select %gt3A_584, %get3A_583, %select_n3A_482 : vector<16xi1>, vector<16xf32>
        %select_n3A_586 = arith.select %gt3A_584, %add3A_564, %select_n3A_483 : vector<16xi1>, vector<16xi32>
        %select_n3A_587 = arith.select %gt3A_584, %select_n3A_482, %get3A_583 : vector<16xi1>, vector<16xf32>
        %max3A_588 = arith.maximumf %max3A_485, %select_n3A_587 : vector<16xf32>
        %mul3A_589 = arith.constant 16 : i32
        %mul3A_590 = arith.muli %scan3A_559, %mul3A_589 : i32
        %get3A_591 = arith.constant 2 : i32
        %get3A_592 = arith.index_cast %get3A_591 : i32 to index
        %get3A_593 = arith.index_cast %mul3A_590 : i32 to index
        %get3A_594 = tpu.vector_load %arg6[%get3A_592, %get3A_593] {strides = array<i32>} : memref<8x1024xf32, #tpu.memory_space<vmem>>, vector<1x16xf32>,
        %get3A_595 = vector.shape_cast %get3A_594 : vector<1x16xf32> to vector<16xf32>
        %gt3A_596 = arith.cmpf ogt, %get3A_595, %select_n3A_494 : vector<16xf32>
        %select_n3A_597 = arith.select %gt3A_596, %get3A_595, %select_n3A_494 : vector<16xi1>, vector<16xf32>
        %select_n3A_598 = arith.select %gt3A_596, %add3A_564, %select_n3A_495 : vector<16xi1>, vector<16xi32>
        %select_n3A_599 = arith.select %gt3A_596, %select_n3A_494, %get3A_595 : vector<16xi1>, vector<16xf32>
        %max3A_600 = arith.maximumf %max3A_497, %select_n3A_599 : vector<16xf32>
        %mul3A_601 = arith.constant 16 : i32
        %mul3A_602 = arith.muli %scan3A_559, %mul3A_601 : i32
        %get3A_603 = arith.constant 3 : i32
        %get3A_604 = arith.index_cast %get3A_603 : i32 to index
        %get3A_605 = arith.index_cast %mul3A_602 : i32 to index
        %get3A_606 = tpu.vector_load %arg6[%get3A_604, %get3A_605] {strides = array<i32>} : memref<8x1024xf32, #tpu.memory_space<vmem>>, vector<1x16xf32>,
        %get3A_607 = vector.shape_cast %get3A_606 : vector<1x16xf32> to vector<16xf32>
        %gt3A_608 = arith.cmpf ogt, %get3A_607, %select_n3A_506 : vector<16xf32>
        %select_n3A_609 = arith.select %gt3A_608, %get3A_607, %select_n3A_506 : vector<16xi1>, vector<16xf32>
        %select_n3A_610 = arith.select %gt3A_608, %add3A_564, %select_n3A_507 : vector<16xi1>, vector<16xi32>
        %select_n3A_611 = arith.select %gt3A_608, %select_n3A_506, %get3A_607 : vector<16xi1>, vector<16xf32>
        %max3A_612 = arith.maximumf %max3A_509, %select_n3A_611 : vector<16xf32>
        %mul3A_613 = arith.constant 16 : i32
        %mul3A_614 = arith.muli %scan3A_559, %mul3A_613 : i32
        %get3A_615 = arith.constant 4 : i32
        %get3A_616 = arith.index_cast %get3A_615 : i32 to index
        %get3A_617 = arith.index_cast %mul3A_614 : i32 to index
        %get3A_618 = tpu.vector_load %arg6[%get3A_616, %get3A_617] {strides = array<i32>} : memref<8x1024xf32, #tpu.memory_space<vmem>>, vector<1x16xf32>,
        %get3A_619 = vector.shape_cast %get3A_618 : vector<1x16xf32> to vector<16xf32>
        %gt3A_620 = arith.cmpf ogt, %get3A_619, %select_n3A_518 : vector<16xf32>
        %select_n3A_621 = arith.select %gt3A_620, %get3A_619, %select_n3A_518 : vector<16xi1>, vector<16xf32>
        %select_n3A_622 = arith.select %gt3A_620, %add3A_564, %select_n3A_519 : vector<16xi1>, vector<16xi32>
        %select_n3A_623 = arith.select %gt3A_620, %select_n3A_518, %get3A_619 : vector<16xi1>, vector<16xf32>
        %max3A_624 = arith.maximumf %max3A_521, %select_n3A_623 : vector<16xf32>
        %mul3A_625 = arith.constant 16 : i32
        %mul3A_626 = arith.muli %scan3A_559, %mul3A_625 : i32
        %get3A_627 = arith.constant 5 : i32
        %get3A_628 = arith.index_cast %get3A_627 : i32 to index
        %get3A_629 = arith.index_cast %mul3A_626 : i32 to index
        %get3A_630 = tpu.vector_load %arg6[%get3A_628, %get3A_629] {strides = array<i32>} : memref<8x1024xf32, #tpu.memory_space<vmem>>, vector<1x16xf32>,
        %get3A_631 = vector.shape_cast %get3A_630 : vector<1x16xf32> to vector<16xf32>
        %gt3A_632 = arith.cmpf ogt, %get3A_631, %select_n3A_530 : vector<16xf32>
        %select_n3A_633 = arith.select %gt3A_632, %get3A_631, %select_n3A_530 : vector<16xi1>, vector<16xf32>
        %select_n3A_634 = arith.select %gt3A_632, %add3A_564, %select_n3A_531 : vector<16xi1>, vector<16xi32>
        %select_n3A_635 = arith.select %gt3A_632, %select_n3A_530, %get3A_631 : vector<16xi1>, vector<16xf32>
        %max3A_636 = arith.maximumf %max3A_533, %select_n3A_635 : vector<16xf32>
        %mul3A_637 = arith.constant 16 : i32
        %mul3A_638 = arith.muli %scan3A_559, %mul3A_637 : i32
        %get3A_639 = arith.constant 6 : i32
        %get3A_640 = arith.index_cast %get3A_639 : i32 to index
        %get3A_641 = arith.index_cast %mul3A_638 : i32 to index
        %get3A_642 = tpu.vector_load %arg6[%get3A_640, %get3A_641] {strides = array<i32>} : memref<8x1024xf32, #tpu.memory_space<vmem>>, vector<1x16xf32>,
        %get3A_643 = vector.shape_cast %get3A_642 : vector<1x16xf32> to vector<16xf32>
        %gt3A_644 = arith.cmpf ogt, %get3A_643, %select_n3A_542 : vector<16xf32>
        %select_n3A_645 = arith.select %gt3A_644, %get3A_643, %select_n3A_542 : vector<16xi1>, vector<16xf32>
        %select_n3A_646 = arith.select %gt3A_644, %add3A_564, %select_n3A_543 : vector<16xi1>, vector<16xi32>
        %select_n3A_647 = arith.select %gt3A_644, %select_n3A_542, %get3A_643 : vector<16xi1>, vector<16xf32>
        %max3A_648 = arith.maximumf %max3A_545, %select_n3A_647 : vector<16xf32>
        %mul3A_649 = arith.constant 16 : i32
        %mul3A_650 = arith.muli %scan3A_559, %mul3A_649 : i32
        %get3A_651 = arith.constant 7 : i32
        %get3A_652 = arith.index_cast %get3A_651 : i32 to index
        %get3A_653 = arith.index_cast %mul3A_650 : i32 to index
        %get3A_654 = tpu.vector_load %arg6[%get3A_652, %get3A_653] {strides = array<i32>} : memref<8x1024xf32, #tpu.memory_space<vmem>>, vector<1x16xf32>,
        %get3A_655 = vector.shape_cast %get3A_654 : vector<1x16xf32> to vector<16xf32>
        %gt3A_656 = arith.cmpf ogt, %get3A_655, %select_n3A_554 : vector<16xf32>
        %select_n3A_657 = arith.select %gt3A_656, %get3A_655, %select_n3A_554 : vector<16xi1>, vector<16xf32>
        %select_n3A_658 = arith.select %gt3A_656, %add3A_564, %select_n3A_555 : vector<16xi1>, vector<16xi32>
        %select_n3A_659 = arith.select %gt3A_656, %select_n3A_554, %get3A_655 : vector<16xi1>, vector<16xf32>
        %max3A_660 = arith.maximumf %max3A_557, %select_n3A_659 : vector<16xf32>
        %scan3A_661 = arith.constant 3 : i32
        %scan3A_662 = arith.addi %scan3A_333, %scan3A_661 : i32
        %mul3A_663 = arith.constant 16 : i32
        %mul3A_664 = arith.muli %scan3A_662, %mul3A_663 : i32
        %add3A_665 = arith.addi %add3A_288, %mul3A_664 : i32
        %add3A_666 = vector.broadcast %add3A_665 : i32 to vector<16xi32>
        %add3A_667 = arith.addi %add3A_666, %iota3A : vector<16xi32>
        %mul3A_668 = arith.constant 16 : i32
        %mul3A_669 = arith.muli %scan3A_662, %mul3A_668 : i32
        %get3A_670 = arith.constant 0 : i32
        %get3A_671 = arith.index_cast %get3A_670 : i32 to index
        %get3A_672 = arith.index_cast %mul3A_669 : i32 to index
        %get3A_673 = tpu.vector_load %arg6[%get3A_671, %get3A_672] {strides = array<i32>} : memref<8x1024xf32, #tpu.memory_space<vmem>>, vector<1x16xf32>,
        %get3A_674 = vector.shape_cast %get3A_673 : vector<1x16xf32> to vector<16xf32>
        %gt3A_675 = arith.cmpf ogt, %get3A_674, %select_n3A_573 : vector<16xf32>
        %select_n3A_676 = arith.select %gt3A_675, %get3A_674, %select_n3A_573 : vector<16xi1>, vector<16xf32>
        %select_n3A_677 = arith.select %gt3A_675, %add3A_667, %select_n3A_574 : vector<16xi1>, vector<16xi32>
        %select_n3A_678 = arith.select %gt3A_675, %select_n3A_573, %get3A_674 : vector<16xi1>, vector<16xf32>
        %max3A_679 = arith.maximumf %max3A_576, %select_n3A_678 : vector<16xf32>
        %mul3A_680 = arith.constant 16 : i32
        %mul3A_681 = arith.muli %scan3A_662, %mul3A_680 : i32
        %get3A_682 = arith.constant 1 : i32
        %get3A_683 = arith.index_cast %get3A_682 : i32 to index
        %get3A_684 = arith.index_cast %mul3A_681 : i32 to index
        %get3A_685 = tpu.vector_load %arg6[%get3A_683, %get3A_684] {strides = array<i32>} : memref<8x1024xf32, #tpu.memory_space<vmem>>, vector<1x16xf32>,
        %get3A_686 = vector.shape_cast %get3A_685 : vector<1x16xf32> to vector<16xf32>
        %gt3A_687 = arith.cmpf ogt, %get3A_686, %select_n3A_585 : vector<16xf32>
        %select_n3A_688 = arith.select %gt3A_687, %get3A_686, %select_n3A_585 : vector<16xi1>, vector<16xf32>
        %select_n3A_689 = arith.select %gt3A_687, %add3A_667, %select_n3A_586 : vector<16xi1>, vector<16xi32>
        %select_n3A_690 = arith.select %gt3A_687, %select_n3A_585, %get3A_686 : vector<16xi1>, vector<16xf32>
        %max3A_691 = arith.maximumf %max3A_588, %select_n3A_690 : vector<16xf32>
        %mul3A_692 = arith.constant 16 : i32
        %mul3A_693 = arith.muli %scan3A_662, %mul3A_692 : i32
        %get3A_694 = arith.constant 2 : i32
        %get3A_695 = arith.index_cast %get3A_694 : i32 to index
        %get3A_696 = arith.index_cast %mul3A_693 : i32 to index
        %get3A_697 = tpu.vector_load %arg6[%get3A_695, %get3A_696] {strides = array<i32>} : memref<8x1024xf32, #tpu.memory_space<vmem>>, vector<1x16xf32>,
        %get3A_698 = vector.shape_cast %get3A_697 : vector<1x16xf32> to vector<16xf32>
        %gt3A_699 = arith.cmpf ogt, %get3A_698, %select_n3A_597 : vector<16xf32>
        %select_n3A_700 = arith.select %gt3A_699, %get3A_698, %select_n3A_597 : vector<16xi1>, vector<16xf32>
        %select_n3A_701 = arith.select %gt3A_699, %add3A_667, %select_n3A_598 : vector<16xi1>, vector<16xi32>
        %select_n3A_702 = arith.select %gt3A_699, %select_n3A_597, %get3A_698 : vector<16xi1>, vector<16xf32>
        %max3A_703 = arith.maximumf %max3A_600, %select_n3A_702 : vector<16xf32>
        %mul3A_704 = arith.constant 16 : i32
        %mul3A_705 = arith.muli %scan3A_662, %mul3A_704 : i32
        %get3A_706 = arith.constant 3 : i32
        %get3A_707 = arith.index_cast %get3A_706 : i32 to index
        %get3A_708 = arith.index_cast %mul3A_705 : i32 to index
        %get3A_709 = tpu.vector_load %arg6[%get3A_707, %get3A_708] {strides = array<i32>} : memref<8x1024xf32, #tpu.memory_space<vmem>>, vector<1x16xf32>,
        %get3A_710 = vector.shape_cast %get3A_709 : vector<1x16xf32> to vector<16xf32>
        %gt3A_711 = arith.cmpf ogt, %get3A_710, %select_n3A_609 : vector<16xf32>
        %select_n3A_712 = arith.select %gt3A_711, %get3A_710, %select_n3A_609 : vector<16xi1>, vector<16xf32>
        %select_n3A_713 = arith.select %gt3A_711, %add3A_667, %select_n3A_610 : vector<16xi1>, vector<16xi32>
        %select_n3A_714 = arith.select %gt3A_711, %select_n3A_609, %get3A_710 : vector<16xi1>, vector<16xf32>
        %max3A_715 = arith.maximumf %max3A_612, %select_n3A_714 : vector<16xf32>
        %mul3A_716 = arith.constant 16 : i32
        %mul3A_717 = arith.muli %scan3A_662, %mul3A_716 : i32
        %get3A_718 = arith.constant 4 : i32
        %get3A_719 = arith.index_cast %get3A_718 : i32 to index
        %get3A_720 = arith.index_cast %mul3A_717 : i32 to index
        %get3A_721 = tpu.vector_load %arg6[%get3A_719, %get3A_720] {strides = array<i32>} : memref<8x1024xf32, #tpu.memory_space<vmem>>, vector<1x16xf32>,
        %get3A_722 = vector.shape_cast %get3A_721 : vector<1x16xf32> to vector<16xf32>
        %gt3A_723 = arith.cmpf ogt, %get3A_722, %select_n3A_621 : vector<16xf32>
        %select_n3A_724 = arith.select %gt3A_723, %get3A_722, %select_n3A_621 : vector<16xi1>, vector<16xf32>
        %select_n3A_725 = arith.select %gt3A_723, %add3A_667, %select_n3A_622 : vector<16xi1>, vector<16xi32>
        %select_n3A_726 = arith.select %gt3A_723, %select_n3A_621, %get3A_722 : vector<16xi1>, vector<16xf32>
        %max3A_727 = arith.maximumf %max3A_624, %select_n3A_726 : vector<16xf32>
        %mul3A_728 = arith.constant 16 : i32
        %mul3A_729 = arith.muli %scan3A_662, %mul3A_728 : i32
        %get3A_730 = arith.constant 5 : i32
        %get3A_731 = arith.index_cast %get3A_730 : i32 to index
        %get3A_732 = arith.index_cast %mul3A_729 : i32 to index
        %get3A_733 = tpu.vector_load %arg6[%get3A_731, %get3A_732] {strides = array<i32>} : memref<8x1024xf32, #tpu.memory_space<vmem>>, vector<1x16xf32>,
        %get3A_734 = vector.shape_cast %get3A_733 : vector<1x16xf32> to vector<16xf32>
        %gt3A_735 = arith.cmpf ogt, %get3A_734, %select_n3A_633 : vector<16xf32>
        %select_n3A_736 = arith.select %gt3A_735, %get3A_734, %select_n3A_633 : vector<16xi1>, vector<16xf32>
        %select_n3A_737 = arith.select %gt3A_735, %add3A_667, %select_n3A_634 : vector<16xi1>, vector<16xi32>
        %select_n3A_738 = arith.select %gt3A_735, %select_n3A_633, %get3A_734 : vector<16xi1>, vector<16xf32>
        %max3A_739 = arith.maximumf %max3A_636, %select_n3A_738 : vector<16xf32>
        %mul3A_740 = arith.constant 16 : i32
        %mul3A_741 = arith.muli %scan3A_662, %mul3A_740 : i32
        %get3A_742 = arith.constant 6 : i32
        %get3A_743 = arith.index_cast %get3A_742 : i32 to index
        %get3A_744 = arith.index_cast %mul3A_741 : i32 to index
        %get3A_745 = tpu.vector_load %arg6[%get3A_743, %get3A_744] {strides = array<i32>} : memref<8x1024xf32, #tpu.memory_space<vmem>>, vector<1x16xf32>,
        %get3A_746 = vector.shape_cast %get3A_745 : vector<1x16xf32> to vector<16xf32>
        %gt3A_747 = arith.cmpf ogt, %get3A_746, %select_n3A_645 : vector<16xf32>
        %select_n3A_748 = arith.select %gt3A_747, %get3A_746, %select_n3A_645 : vector<16xi1>, vector<16xf32>
        %select_n3A_749 = arith.select %gt3A_747, %add3A_667, %select_n3A_646 : vector<16xi1>, vector<16xi32>
        %select_n3A_750 = arith.select %gt3A_747, %select_n3A_645, %get3A_746 : vector<16xi1>, vector<16xf32>
        %max3A_751 = arith.maximumf %max3A_648, %select_n3A_750 : vector<16xf32>
        %mul3A_752 = arith.constant 16 : i32
        %mul3A_753 = arith.muli %scan3A_662, %mul3A_752 : i32
        %get3A_754 = arith.constant 7 : i32
        %get3A_755 = arith.index_cast %get3A_754 : i32 to index
        %get3A_756 = arith.index_cast %mul3A_753 : i32 to index
        %get3A_757 = tpu.vector_load %arg6[%get3A_755, %get3A_756] {strides = array<i32>} : memref<8x1024xf32, #tpu.memory_space<vmem>>, vector<1x16xf32>,
        %get3A_758 = vector.shape_cast %get3A_757 : vector<1x16xf32> to vector<16xf32>
        %gt3A_759 = arith.cmpf ogt, %get3A_758, %select_n3A_657 : vector<16xf32>
        %select_n3A_760 = arith.select %gt3A_759, %get3A_758, %select_n3A_657 : vector<16xi1>, vector<16xf32>
        %select_n3A_761 = arith.select %gt3A_759, %add3A_667, %select_n3A_658 : vector<16xi1>, vector<16xi32>
        %select_n3A_762 = arith.select %gt3A_759, %select_n3A_657, %get3A_758 : vector<16xi1>, vector<16xf32>
        %max3A_763 = arith.maximumf %max3A_660, %select_n3A_762 : vector<16xf32>
        scf.yield %select_n3A_676, %select_n3A_677, %max3A_679, %select_n3A_688, %select_n3A_689, %max3A_691, %select_n3A_700, %select_n3A_701, %max3A_703, %select_n3A_712, %select_n3A_713, %max3A_715, %select_n3A_724, %select_n3A_725, %max3A_727, %select_n3A_736, %select_n3A_737, %max3A_739, %select_n3A_748, %select_n3A_749, %max3A_751, %select_n3A_760, %select_n3A_761, %max3A_763 : vector<16xf32>, vector<16xi32>, vector<16xf32>, vector<16xf32>, vector<16xi32>, vector<16xf32>, vector<16xf32>, vector<16xi32>, vector<16xf32>, vector<16xf32>, vector<16xi32>, vector<16xf32>, vector<16xf32>, vector<16xi32>, vector<16xf32>, vector<16xf32>, vector<16xi32>, vector<16xf32>, vector<16xf32>, vector<16xi32>, vector<16xf32>, vector<16xf32>, vector<16xi32>, vector<16xf32>
      }
      %scan3A_294 = arith.constant 64 : i32
      %add3A_295 = arith.constant 2 : i32
      %add3A_296 = arith.addi %add3A_278, %add3A_295 : i32
      %mul3A_297 = arith.constant 1024 : i32
      %mul3A_298 = arith.muli %add3A_296, %mul3A_297 : i32
      %add3A_299 = arith.addi %mul3A_2, %mul3A_298 : i32
      %dma_start3A_300 = arith.constant 24 : i32
      %dma_start3A_301 = tpu.memref_slice %arg2[%dma_start3A_300, %add3A_299] : memref<32x1000000xf32, #tpu.memory_space<hbm>> -> memref<8x1024xf32, #tpu.memory_space<hbm>>
      %dma_start3A_302 = arith.constant 24 : i32
      %dma_start3A_303 = tpu.memref_slice %arg2[%dma_start3A_302, %add3A_299] : memref<32x1000000xf32, #tpu.memory_space<hbm>> -> memref<8x1024xf32, #tpu.memory_space<hbm>>
      tpu.enqueue_dma source(%dma_start3A_303 : memref<8x1024xf32, #tpu.memory_space<hbm>>) target(%arg6 : memref<8x1024xf32, #tpu.memory_space<vmem>>) target_semaphore(%arg12 : memref<!tpu.dma_semaphore, #tpu.memory_space<semaphore_mem>>)
      %mul3A_304 = arith.constant 2 : i32
      %mul3A_305 = arith.muli %mul3A_304, %scan3A_250 : i32
      %add3A_306 = arith.constant 1 : i32
      %add3A_307 = arith.addi %mul3A_305, %add3A_306 : i32
      %mul3A_308 = arith.constant 1024 : i32
      %mul3A_309 = arith.muli %add3A_307, %mul3A_308 : i32
      %add3A_310 = arith.addi %mul3A_2, %mul3A_309 : i32
      %dma_wait3A_311 = arith.constant 24 : i32
      %dma_wait3A_312 = tpu.memref_slice %arg2[%dma_wait3A_311, %add3A_310] : memref<32x1000000xf32, #tpu.memory_space<hbm>> -> memref<8x1024xf32, #tpu.memory_space<hbm>>
      %dma_wait3A_313 = arith.constant 24 : i32
      %dma_wait3A_314 = tpu.memref_slice %arg2[%dma_wait3A_313, %add3A_310] : memref<32x1000000xf32, #tpu.memory_space<hbm>> -> memref<8x1024xf32, #tpu.memory_space<hbm>>
      tpu.wait_dma2 semaphore(%arg13 : memref<!tpu.dma_semaphore, #tpu.memory_space<semaphore_mem>>) src(%dma_wait3A_314 : memref<8x1024xf32, #tpu.memory_space<hbm>>) dst(%arg7 : memref<8x1024xf32, #tpu.memory_space<vmem>>)
      %mul3A_315 = arith.constant 1024 : i32
      %mul3A_316 = arith.muli %add3A_307, %mul3A_315 : i32
      %add3A_317 = arith.addi %mul3A_2, %mul3A_316 : i32
      %scan3A_318 = arith.constant 0 : i32
      %scan3A_319 = arith.constant 64 : i32
      %scan3A_320 = arith.addi %scan3A_318, %scan3A_319 : i32
      %scan3A_321 = arith.constant 4 : i32
      %scan3A_322:24 = scf.for %scan3A_333 = %scan3A_318 to %scan3A_320 step %scan3A_321 iter_args(%scan3A_334 = %scan3A_293#0, %scan3A_335 = %scan3A_293#1, %scan3A_336 = %scan3A_293#2, %scan3A_337 = %scan3A_293#3, %scan3A_338 = %scan3A_293#4, %scan3A_339 = %scan3A_293#5, %scan3A_340 = %scan3A_293#6, %scan3A_341 = %scan3A_293#7, %scan3A_342 = %scan3A_293#8, %scan3A_343 = %scan3A_293#9, %scan3A_344 = %scan3A_293#10, %scan3A_345 = %scan3A_293#11, %scan3A_346 = %scan3A_293#12, %scan3A_347 = %scan3A_293#13, %scan3A_348 = %scan3A_293#14, %scan3A_349 = %scan3A_293#15, %scan3A_350 = %scan3A_293#16, %scan3A_351 = %scan3A_293#17, %scan3A_352 = %scan3A_293#18, %scan3A_353 = %scan3A_293#19, %scan3A_354 = %scan3A_293#20, %scan3A_355 = %scan3A_293#21, %scan3A_356 = %scan3A_293#22, %scan3A_357 = %scan3A_293#23) -> (vector<16xf32>, vector<16xi32>, vector<16xf32>, vector<16xf32>, vector<16xi32>, vector<16xf32>, vector<16xf32>, vector<16xi32>, vector<16xf32>, vector<16xf32>, vector<16xi32>, vector<16xf32>, vector<16xf32>, vector<16xi32>, vector<16xf32>, vector<16xf32>, vector<16xi32>, vector<16xf32>, vector<16xf32>, vector<16xi32>, vector<16xf32>, vector<16xf32>, vector<16xi32>, vector<16xf32>)  : i32 {
        %mul3A_358 = arith.constant 16 : i32
        %mul3A_359 = arith.muli %scan3A_333, %mul3A_358 : i32
        %add3A_360 = arith.addi %add3A_317, %mul3A_359 : i32
        %add3A_361 = vector.broadcast %add3A_360 : i32 to vector<16xi32>
        %add3A_362 = arith.addi %add3A_361, %iota3A : vector<16xi32>
        %mul3A_363 = arith.constant 16 : i32
        %mul3A_364 = arith.muli %scan3A_333, %mul3A_363 : i32
        %get3A = arith.constant 0 : i32
        %get3A_365 = arith.index_cast %get3A : i32 to index
        %get3A_366 = arith.index_cast %mul3A_364 : i32 to index
        %get3A_367 = tpu.vector_load %arg7[%get3A_365, %get3A_366] {strides = array<i32>} : memref<8x1024xf32, #tpu.memory_space<vmem>>, vector<1x16xf32>,
        %get3A_368 = vector.shape_cast %get3A_367 : vector<1x16xf32> to vector<16xf32>
        %gt3A = arith.cmpf ogt, %get3A_368, %scan3A_334 : vector<16xf32>
        %select_n3A = arith.select %gt3A, %get3A_368, %scan3A_334 : vector<16xi1>, vector<16xf32>
        %select_n3A_369 = arith.select %gt3A, %add3A_362, %scan3A_335 : vector<16xi1>, vector<16xi32>
        %select_n3A_370 = arith.select %gt3A, %scan3A_334, %get3A_368 : vector<16xi1>, vector<16xf32>
        %max3A = arith.maximumf %scan3A_336, %select_n3A_370 : vector<16xf32>
        %mul3A_371 = arith.constant 16 : i32
        %mul3A_372 = arith.muli %scan3A_333, %mul3A_371 : i32
        %get3A_373 = arith.constant 1 : i32
        %get3A_374 = arith.index_cast %get3A_373 : i32 to index
        %get3A_375 = arith.index_cast %mul3A_372 : i32 to index
        %get3A_376 = tpu.vector_load %arg7[%get3A_374, %get3A_375] {strides = array<i32>} : memref<8x1024xf32, #tpu.memory_space<vmem>>, vector<1x16xf32>,
        %get3A_377 = vector.shape_cast %get3A_376 : vector<1x16xf32> to vector<16xf32>
        %gt3A_378 = arith.cmpf ogt, %get3A_377, %scan3A_337 : vector<16xf32>
        %select_n3A_379 = arith.select %gt3A_378, %get3A_377, %scan3A_337 : vector<16xi1>, vector<16xf32>
        %select_n3A_380 = arith.select %gt3A_378, %add3A_362, %scan3A_338 : vector<16xi1>, vector<16xi32>
        %select_n3A_381 = arith.select %gt3A_378, %scan3A_337, %get3A_377 : vector<16xi1>, vector<16xf32>
        %max3A_382 = arith.maximumf %scan3A_339, %select_n3A_381 : vector<16xf32>
        %mul3A_383 = arith.constant 16 : i32
        %mul3A_384 = arith.muli %scan3A_333, %mul3A_383 : i32
        %get3A_385 = arith.constant 2 : i32
        %get3A_386 = arith.index_cast %get3A_385 : i32 to index
        %get3A_387 = arith.index_cast %mul3A_384 : i32 to index
        %get3A_388 = tpu.vector_load %arg7[%get3A_386, %get3A_387] {strides = array<i32>} : memref<8x1024xf32, #tpu.memory_space<vmem>>, vector<1x16xf32>,
        %get3A_389 = vector.shape_cast %get3A_388 : vector<1x16xf32> to vector<16xf32>
        %gt3A_390 = arith.cmpf ogt, %get3A_389, %scan3A_340 : vector<16xf32>
        %select_n3A_391 = arith.select %gt3A_390, %get3A_389, %scan3A_340 : vector<16xi1>, vector<16xf32>
        %select_n3A_392 = arith.select %gt3A_390, %add3A_362, %scan3A_341 : vector<16xi1>, vector<16xi32>
        %select_n3A_393 = arith.select %gt3A_390, %scan3A_340, %get3A_389 : vector<16xi1>, vector<16xf32>
        %max3A_394 = arith.maximumf %scan3A_342, %select_n3A_393 : vector<16xf32>
        %mul3A_395 = arith.constant 16 : i32
        %mul3A_396 = arith.muli %scan3A_333, %mul3A_395 : i32
        %get3A_397 = arith.constant 3 : i32
        %get3A_398 = arith.index_cast %get3A_397 : i32 to index
        %get3A_399 = arith.index_cast %mul3A_396 : i32 to index
        %get3A_400 = tpu.vector_load %arg7[%get3A_398, %get3A_399] {strides = array<i32>} : memref<8x1024xf32, #tpu.memory_space<vmem>>, vector<1x16xf32>,
        %get3A_401 = vector.shape_cast %get3A_400 : vector<1x16xf32> to vector<16xf32>
        %gt3A_402 = arith.cmpf ogt, %get3A_401, %scan3A_343 : vector<16xf32>
        %select_n3A_403 = arith.select %gt3A_402, %get3A_401, %scan3A_343 : vector<16xi1>, vector<16xf32>
        %select_n3A_404 = arith.select %gt3A_402, %add3A_362, %scan3A_344 : vector<16xi1>, vector<16xi32>
        %select_n3A_405 = arith.select %gt3A_402, %scan3A_343, %get3A_401 : vector<16xi1>, vector<16xf32>
        %max3A_406 = arith.maximumf %scan3A_345, %select_n3A_405 : vector<16xf32>
        %mul3A_407 = arith.constant 16 : i32
        %mul3A_408 = arith.muli %scan3A_333, %mul3A_407 : i32
        %get3A_409 = arith.constant 4 : i32
        %get3A_410 = arith.index_cast %get3A_409 : i32 to index
        %get3A_411 = arith.index_cast %mul3A_408 : i32 to index
        %get3A_412 = tpu.vector_load %arg7[%get3A_410, %get3A_411] {strides = array<i32>} : memref<8x1024xf32, #tpu.memory_space<vmem>>, vector<1x16xf32>,
        %get3A_413 = vector.shape_cast %get3A_412 : vector<1x16xf32> to vector<16xf32>
        %gt3A_414 = arith.cmpf ogt, %get3A_413, %scan3A_346 : vector<16xf32>
        %select_n3A_415 = arith.select %gt3A_414, %get3A_413, %scan3A_346 : vector<16xi1>, vector<16xf32>
        %select_n3A_416 = arith.select %gt3A_414, %add3A_362, %scan3A_347 : vector<16xi1>, vector<16xi32>
        %select_n3A_417 = arith.select %gt3A_414, %scan3A_346, %get3A_413 : vector<16xi1>, vector<16xf32>
        %max3A_418 = arith.maximumf %scan3A_348, %select_n3A_417 : vector<16xf32>
        %mul3A_419 = arith.constant 16 : i32
        %mul3A_420 = arith.muli %scan3A_333, %mul3A_419 : i32
        %get3A_421 = arith.constant 5 : i32
        %get3A_422 = arith.index_cast %get3A_421 : i32 to index
        %get3A_423 = arith.index_cast %mul3A_420 : i32 to index
        %get3A_424 = tpu.vector_load %arg7[%get3A_422, %get3A_423] {strides = array<i32>} : memref<8x1024xf32, #tpu.memory_space<vmem>>, vector<1x16xf32>,
        %get3A_425 = vector.shape_cast %get3A_424 : vector<1x16xf32> to vector<16xf32>
        %gt3A_426 = arith.cmpf ogt, %get3A_425, %scan3A_349 : vector<16xf32>
        %select_n3A_427 = arith.select %gt3A_426, %get3A_425, %scan3A_349 : vector<16xi1>, vector<16xf32>
        %select_n3A_428 = arith.select %gt3A_426, %add3A_362, %scan3A_350 : vector<16xi1>, vector<16xi32>
        %select_n3A_429 = arith.select %gt3A_426, %scan3A_349, %get3A_425 : vector<16xi1>, vector<16xf32>
        %max3A_430 = arith.maximumf %scan3A_351, %select_n3A_429 : vector<16xf32>
        %mul3A_431 = arith.constant 16 : i32
        %mul3A_432 = arith.muli %scan3A_333, %mul3A_431 : i32
        %get3A_433 = arith.constant 6 : i32
        %get3A_434 = arith.index_cast %get3A_433 : i32 to index
        %get3A_435 = arith.index_cast %mul3A_432 : i32 to index
        %get3A_436 = tpu.vector_load %arg7[%get3A_434, %get3A_435] {strides = array<i32>} : memref<8x1024xf32, #tpu.memory_space<vmem>>, vector<1x16xf32>,
        %get3A_437 = vector.shape_cast %get3A_436 : vector<1x16xf32> to vector<16xf32>
        %gt3A_438 = arith.cmpf ogt, %get3A_437, %scan3A_352 : vector<16xf32>
        %select_n3A_439 = arith.select %gt3A_438, %get3A_437, %scan3A_352 : vector<16xi1>, vector<16xf32>
        %select_n3A_440 = arith.select %gt3A_438, %add3A_362, %scan3A_353 : vector<16xi1>, vector<16xi32>
        %select_n3A_441 = arith.select %gt3A_438, %scan3A_352, %get3A_437 : vector<16xi1>, vector<16xf32>
        %max3A_442 = arith.maximumf %scan3A_354, %select_n3A_441 : vector<16xf32>
        %mul3A_443 = arith.constant 16 : i32
        %mul3A_444 = arith.muli %scan3A_333, %mul3A_443 : i32
        %get3A_445 = arith.constant 7 : i32
        %get3A_446 = arith.index_cast %get3A_445 : i32 to index
        %get3A_447 = arith.index_cast %mul3A_444 : i32 to index
        %get3A_448 = tpu.vector_load %arg7[%get3A_446, %get3A_447] {strides = array<i32>} : memref<8x1024xf32, #tpu.memory_space<vmem>>, vector<1x16xf32>,
        %get3A_449 = vector.shape_cast %get3A_448 : vector<1x16xf32> to vector<16xf32>
        %gt3A_450 = arith.cmpf ogt, %get3A_449, %scan3A_355 : vector<16xf32>
        %select_n3A_451 = arith.select %gt3A_450, %get3A_449, %scan3A_355 : vector<16xi1>, vector<16xf32>
        %select_n3A_452 = arith.select %gt3A_450, %add3A_362, %scan3A_356 : vector<16xi1>, vector<16xi32>
        %select_n3A_453 = arith.select %gt3A_450, %scan3A_355, %get3A_449 : vector<16xi1>, vector<16xf32>
        %max3A_454 = arith.maximumf %scan3A_357, %select_n3A_453 : vector<16xf32>
        %scan3A_455 = arith.constant 1 : i32
        %scan3A_456 = arith.addi %scan3A_333, %scan3A_455 : i32
        %mul3A_457 = arith.constant 16 : i32
        %mul3A_458 = arith.muli %scan3A_456, %mul3A_457 : i32
        %add3A_459 = arith.addi %add3A_317, %mul3A_458 : i32
        %add3A_460 = vector.broadcast %add3A_459 : i32 to vector<16xi32>
        %add3A_461 = arith.addi %add3A_460, %iota3A : vector<16xi32>
        %mul3A_462 = arith.constant 16 : i32
        %mul3A_463 = arith.muli %scan3A_456, %mul3A_462 : i32
        %get3A_464 = arith.constant 0 : i32
        %get3A_465 = arith.index_cast %get3A_464 : i32 to index
        %get3A_466 = arith.index_cast %mul3A_463 : i32 to index
        %get3A_467 = tpu.vector_load %arg7[%get3A_465, %get3A_466] {strides = array<i32>} : memref<8x1024xf32, #tpu.memory_space<vmem>>, vector<1x16xf32>,
        %get3A_468 = vector.shape_cast %get3A_467 : vector<1x16xf32> to vector<16xf32>
        %gt3A_469 = arith.cmpf ogt, %get3A_468, %select_n3A : vector<16xf32>
        %select_n3A_470 = arith.select %gt3A_469, %get3A_468, %select_n3A : vector<16xi1>, vector<16xf32>
        %select_n3A_471 = arith.select %gt3A_469, %add3A_461, %select_n3A_369 : vector<16xi1>, vector<16xi32>
        %select_n3A_472 = arith.select %gt3A_469, %select_n3A, %get3A_468 : vector<16xi1>, vector<16xf32>
        %max3A_473 = arith.maximumf %max3A, %select_n3A_472 : vector<16xf32>
        %mul3A_474 = arith.constant 16 : i32
        %mul3A_475 = arith.muli %scan3A_456, %mul3A_474 : i32
        %get3A_476 = arith.constant 1 : i32
        %get3A_477 = arith.index_cast %get3A_476 : i32 to index
        %get3A_478 = arith.index_cast %mul3A_475 : i32 to index
        %get3A_479 = tpu.vector_load %arg7[%get3A_477, %get3A_478] {strides = array<i32>} : memref<8x1024xf32, #tpu.memory_space<vmem>>, vector<1x16xf32>,
        %get3A_480 = vector.shape_cast %get3A_479 : vector<1x16xf32> to vector<16xf32>
        %gt3A_481 = arith.cmpf ogt, %get3A_480, %select_n3A_379 : vector<16xf32>
        %select_n3A_482 = arith.select %gt3A_481, %get3A_480, %select_n3A_379 : vector<16xi1>, vector<16xf32>
        %select_n3A_483 = arith.select %gt3A_481, %add3A_461, %select_n3A_380 : vector<16xi1>, vector<16xi32>
        %select_n3A_484 = arith.select %gt3A_481, %select_n3A_379, %get3A_480 : vector<16xi1>, vector<16xf32>
        %max3A_485 = arith.maximumf %max3A_382, %select_n3A_484 : vector<16xf32>
        %mul3A_486 = arith.constant 16 : i32
        %mul3A_487 = arith.muli %scan3A_456, %mul3A_486 : i32
        %get3A_488 = arith.constant 2 : i32
        %get3A_489 = arith.index_cast %get3A_488 : i32 to index
        %get3A_490 = arith.index_cast %mul3A_487 : i32 to index
        %get3A_491 = tpu.vector_load %arg7[%get3A_489, %get3A_490] {strides = array<i32>} : memref<8x1024xf32, #tpu.memory_space<vmem>>, vector<1x16xf32>,
        %get3A_492 = vector.shape_cast %get3A_491 : vector<1x16xf32> to vector<16xf32>
        %gt3A_493 = arith.cmpf ogt, %get3A_492, %select_n3A_391 : vector<16xf32>
        %select_n3A_494 = arith.select %gt3A_493, %get3A_492, %select_n3A_391 : vector<16xi1>, vector<16xf32>
        %select_n3A_495 = arith.select %gt3A_493, %add3A_461, %select_n3A_392 : vector<16xi1>, vector<16xi32>
        %select_n3A_496 = arith.select %gt3A_493, %select_n3A_391, %get3A_492 : vector<16xi1>, vector<16xf32>
        %max3A_497 = arith.maximumf %max3A_394, %select_n3A_496 : vector<16xf32>
        %mul3A_498 = arith.constant 16 : i32
        %mul3A_499 = arith.muli %scan3A_456, %mul3A_498 : i32
        %get3A_500 = arith.constant 3 : i32
        %get3A_501 = arith.index_cast %get3A_500 : i32 to index
        %get3A_502 = arith.index_cast %mul3A_499 : i32 to index
        %get3A_503 = tpu.vector_load %arg7[%get3A_501, %get3A_502] {strides = array<i32>} : memref<8x1024xf32, #tpu.memory_space<vmem>>, vector<1x16xf32>,
        %get3A_504 = vector.shape_cast %get3A_503 : vector<1x16xf32> to vector<16xf32>
        %gt3A_505 = arith.cmpf ogt, %get3A_504, %select_n3A_403 : vector<16xf32>
        %select_n3A_506 = arith.select %gt3A_505, %get3A_504, %select_n3A_403 : vector<16xi1>, vector<16xf32>
        %select_n3A_507 = arith.select %gt3A_505, %add3A_461, %select_n3A_404 : vector<16xi1>, vector<16xi32>
        %select_n3A_508 = arith.select %gt3A_505, %select_n3A_403, %get3A_504 : vector<16xi1>, vector<16xf32>
        %max3A_509 = arith.maximumf %max3A_406, %select_n3A_508 : vector<16xf32>
        %mul3A_510 = arith.constant 16 : i32
        %mul3A_511 = arith.muli %scan3A_456, %mul3A_510 : i32
        %get3A_512 = arith.constant 4 : i32
        %get3A_513 = arith.index_cast %get3A_512 : i32 to index
        %get3A_514 = arith.index_cast %mul3A_511 : i32 to index
        %get3A_515 = tpu.vector_load %arg7[%get3A_513, %get3A_514] {strides = array<i32>} : memref<8x1024xf32, #tpu.memory_space<vmem>>, vector<1x16xf32>,
        %get3A_516 = vector.shape_cast %get3A_515 : vector<1x16xf32> to vector<16xf32>
        %gt3A_517 = arith.cmpf ogt, %get3A_516, %select_n3A_415 : vector<16xf32>
        %select_n3A_518 = arith.select %gt3A_517, %get3A_516, %select_n3A_415 : vector<16xi1>, vector<16xf32>
        %select_n3A_519 = arith.select %gt3A_517, %add3A_461, %select_n3A_416 : vector<16xi1>, vector<16xi32>
        %select_n3A_520 = arith.select %gt3A_517, %select_n3A_415, %get3A_516 : vector<16xi1>, vector<16xf32>
        %max3A_521 = arith.maximumf %max3A_418, %select_n3A_520 : vector<16xf32>
        %mul3A_522 = arith.constant 16 : i32
        %mul3A_523 = arith.muli %scan3A_456, %mul3A_522 : i32
        %get3A_524 = arith.constant 5 : i32
        %get3A_525 = arith.index_cast %get3A_524 : i32 to index
        %get3A_526 = arith.index_cast %mul3A_523 : i32 to index
        %get3A_527 = tpu.vector_load %arg7[%get3A_525, %get3A_526] {strides = array<i32>} : memref<8x1024xf32, #tpu.memory_space<vmem>>, vector<1x16xf32>,
        %get3A_528 = vector.shape_cast %get3A_527 : vector<1x16xf32> to vector<16xf32>
        %gt3A_529 = arith.cmpf ogt, %get3A_528, %select_n3A_427 : vector<16xf32>
        %select_n3A_530 = arith.select %gt3A_529, %get3A_528, %select_n3A_427 : vector<16xi1>, vector<16xf32>
        %select_n3A_531 = arith.select %gt3A_529, %add3A_461, %select_n3A_428 : vector<16xi1>, vector<16xi32>
        %select_n3A_532 = arith.select %gt3A_529, %select_n3A_427, %get3A_528 : vector<16xi1>, vector<16xf32>
        %max3A_533 = arith.maximumf %max3A_430, %select_n3A_532 : vector<16xf32>
        %mul3A_534 = arith.constant 16 : i32
        %mul3A_535 = arith.muli %scan3A_456, %mul3A_534 : i32
        %get3A_536 = arith.constant 6 : i32
        %get3A_537 = arith.index_cast %get3A_536 : i32 to index
        %get3A_538 = arith.index_cast %mul3A_535 : i32 to index
        %get3A_539 = tpu.vector_load %arg7[%get3A_537, %get3A_538] {strides = array<i32>} : memref<8x1024xf32, #tpu.memory_space<vmem>>, vector<1x16xf32>,
        %get3A_540 = vector.shape_cast %get3A_539 : vector<1x16xf32> to vector<16xf32>
        %gt3A_541 = arith.cmpf ogt, %get3A_540, %select_n3A_439 : vector<16xf32>
        %select_n3A_542 = arith.select %gt3A_541, %get3A_540, %select_n3A_439 : vector<16xi1>, vector<16xf32>
        %select_n3A_543 = arith.select %gt3A_541, %add3A_461, %select_n3A_440 : vector<16xi1>, vector<16xi32>
        %select_n3A_544 = arith.select %gt3A_541, %select_n3A_439, %get3A_540 : vector<16xi1>, vector<16xf32>
        %max3A_545 = arith.maximumf %max3A_442, %select_n3A_544 : vector<16xf32>
        %mul3A_546 = arith.constant 16 : i32
        %mul3A_547 = arith.muli %scan3A_456, %mul3A_546 : i32
        %get3A_548 = arith.constant 7 : i32
        %get3A_549 = arith.index_cast %get3A_548 : i32 to index
        %get3A_550 = arith.index_cast %mul3A_547 : i32 to index
        %get3A_551 = tpu.vector_load %arg7[%get3A_549, %get3A_550] {strides = array<i32>} : memref<8x1024xf32, #tpu.memory_space<vmem>>, vector<1x16xf32>,
        %get3A_552 = vector.shape_cast %get3A_551 : vector<1x16xf32> to vector<16xf32>
        %gt3A_553 = arith.cmpf ogt, %get3A_552, %select_n3A_451 : vector<16xf32>
        %select_n3A_554 = arith.select %gt3A_553, %get3A_552, %select_n3A_451 : vector<16xi1>, vector<16xf32>
        %select_n3A_555 = arith.select %gt3A_553, %add3A_461, %select_n3A_452 : vector<16xi1>, vector<16xi32>
        %select_n3A_556 = arith.select %gt3A_553, %select_n3A_451, %get3A_552 : vector<16xi1>, vector<16xf32>
        %max3A_557 = arith.maximumf %max3A_454, %select_n3A_556 : vector<16xf32>
        %scan3A_558 = arith.constant 2 : i32
        %scan3A_559 = arith.addi %scan3A_333, %scan3A_558 : i32
        %mul3A_560 = arith.constant 16 : i32
        %mul3A_561 = arith.muli %scan3A_559, %mul3A_560 : i32
        %add3A_562 = arith.addi %add3A_317, %mul3A_561 : i32
        %add3A_563 = vector.broadcast %add3A_562 : i32 to vector<16xi32>
        %add3A_564 = arith.addi %add3A_563, %iota3A : vector<16xi32>
        %mul3A_565 = arith.constant 16 : i32
        %mul3A_566 = arith.muli %scan3A_559, %mul3A_565 : i32
        %get3A_567 = arith.constant 0 : i32
        %get3A_568 = arith.index_cast %get3A_567 : i32 to index
        %get3A_569 = arith.index_cast %mul3A_566 : i32 to index
        %get3A_570 = tpu.vector_load %arg7[%get3A_568, %get3A_569] {strides = array<i32>} : memref<8x1024xf32, #tpu.memory_space<vmem>>, vector<1x16xf32>,
        %get3A_571 = vector.shape_cast %get3A_570 : vector<1x16xf32> to vector<16xf32>
        %gt3A_572 = arith.cmpf ogt, %get3A_571, %select_n3A_470 : vector<16xf32>
        %select_n3A_573 = arith.select %gt3A_572, %get3A_571, %select_n3A_470 : vector<16xi1>, vector<16xf32>
        %select_n3A_574 = arith.select %gt3A_572, %add3A_564, %select_n3A_471 : vector<16xi1>, vector<16xi32>
        %select_n3A_575 = arith.select %gt3A_572, %select_n3A_470, %get3A_571 : vector<16xi1>, vector<16xf32>
        %max3A_576 = arith.maximumf %max3A_473, %select_n3A_575 : vector<16xf32>
        %mul3A_577 = arith.constant 16 : i32
        %mul3A_578 = arith.muli %scan3A_559, %mul3A_577 : i32
        %get3A_579 = arith.constant 1 : i32
        %get3A_580 = arith.index_cast %get3A_579 : i32 to index
        %get3A_581 = arith.index_cast %mul3A_578 : i32 to index
        %get3A_582 = tpu.vector_load %arg7[%get3A_580, %get3A_581] {strides = array<i32>} : memref<8x1024xf32, #tpu.memory_space<vmem>>, vector<1x16xf32>,
        %get3A_583 = vector.shape_cast %get3A_582 : vector<1x16xf32> to vector<16xf32>
        %gt3A_584 = arith.cmpf ogt, %get3A_583, %select_n3A_482 : vector<16xf32>
        %select_n3A_585 = arith.select %gt3A_584, %get3A_583, %select_n3A_482 : vector<16xi1>, vector<16xf32>
        %select_n3A_586 = arith.select %gt3A_584, %add3A_564, %select_n3A_483 : vector<16xi1>, vector<16xi32>
        %select_n3A_587 = arith.select %gt3A_584, %select_n3A_482, %get3A_583 : vector<16xi1>, vector<16xf32>
        %max3A_588 = arith.maximumf %max3A_485, %select_n3A_587 : vector<16xf32>
        %mul3A_589 = arith.constant 16 : i32
        %mul3A_590 = arith.muli %scan3A_559, %mul3A_589 : i32
        %get3A_591 = arith.constant 2 : i32
        %get3A_592 = arith.index_cast %get3A_591 : i32 to index
        %get3A_593 = arith.index_cast %mul3A_590 : i32 to index
        %get3A_594 = tpu.vector_load %arg7[%get3A_592, %get3A_593] {strides = array<i32>} : memref<8x1024xf32, #tpu.memory_space<vmem>>, vector<1x16xf32>,
        %get3A_595 = vector.shape_cast %get3A_594 : vector<1x16xf32> to vector<16xf32>
        %gt3A_596 = arith.cmpf ogt, %get3A_595, %select_n3A_494 : vector<16xf32>
        %select_n3A_597 = arith.select %gt3A_596, %get3A_595, %select_n3A_494 : vector<16xi1>, vector<16xf32>
        %select_n3A_598 = arith.select %gt3A_596, %add3A_564, %select_n3A_495 : vector<16xi1>, vector<16xi32>
        %select_n3A_599 = arith.select %gt3A_596, %select_n3A_494, %get3A_595 : vector<16xi1>, vector<16xf32>
        %max3A_600 = arith.maximumf %max3A_497, %select_n3A_599 : vector<16xf32>
        %mul3A_601 = arith.constant 16 : i32
        %mul3A_602 = arith.muli %scan3A_559, %mul3A_601 : i32
        %get3A_603 = arith.constant 3 : i32
        %get3A_604 = arith.index_cast %get3A_603 : i32 to index
        %get3A_605 = arith.index_cast %mul3A_602 : i32 to index
        %get3A_606 = tpu.vector_load %arg7[%get3A_604, %get3A_605] {strides = array<i32>} : memref<8x1024xf32, #tpu.memory_space<vmem>>, vector<1x16xf32>,
        %get3A_607 = vector.shape_cast %get3A_606 : vector<1x16xf32> to vector<16xf32>
        %gt3A_608 = arith.cmpf ogt, %get3A_607, %select_n3A_506 : vector<16xf32>
        %select_n3A_609 = arith.select %gt3A_608, %get3A_607, %select_n3A_506 : vector<16xi1>, vector<16xf32>
        %select_n3A_610 = arith.select %gt3A_608, %add3A_564, %select_n3A_507 : vector<16xi1>, vector<16xi32>
        %select_n3A_611 = arith.select %gt3A_608, %select_n3A_506, %get3A_607 : vector<16xi1>, vector<16xf32>
        %max3A_612 = arith.maximumf %max3A_509, %select_n3A_611 : vector<16xf32>
        %mul3A_613 = arith.constant 16 : i32
        %mul3A_614 = arith.muli %scan3A_559, %mul3A_613 : i32
        %get3A_615 = arith.constant 4 : i32
        %get3A_616 = arith.index_cast %get3A_615 : i32 to index
        %get3A_617 = arith.index_cast %mul3A_614 : i32 to index
        %get3A_618 = tpu.vector_load %arg7[%get3A_616, %get3A_617] {strides = array<i32>} : memref<8x1024xf32, #tpu.memory_space<vmem>>, vector<1x16xf32>,
        %get3A_619 = vector.shape_cast %get3A_618 : vector<1x16xf32> to vector<16xf32>
        %gt3A_620 = arith.cmpf ogt, %get3A_619, %select_n3A_518 : vector<16xf32>
        %select_n3A_621 = arith.select %gt3A_620, %get3A_619, %select_n3A_518 : vector<16xi1>, vector<16xf32>
        %select_n3A_622 = arith.select %gt3A_620, %add3A_564, %select_n3A_519 : vector<16xi1>, vector<16xi32>
        %select_n3A_623 = arith.select %gt3A_620, %select_n3A_518, %get3A_619 : vector<16xi1>, vector<16xf32>
        %max3A_624 = arith.maximumf %max3A_521, %select_n3A_623 : vector<16xf32>
        %mul3A_625 = arith.constant 16 : i32
        %mul3A_626 = arith.muli %scan3A_559, %mul3A_625 : i32
        %get3A_627 = arith.constant 5 : i32
        %get3A_628 = arith.index_cast %get3A_627 : i32 to index
        %get3A_629 = arith.index_cast %mul3A_626 : i32 to index
        %get3A_630 = tpu.vector_load %arg7[%get3A_628, %get3A_629] {strides = array<i32>} : memref<8x1024xf32, #tpu.memory_space<vmem>>, vector<1x16xf32>,
        %get3A_631 = vector.shape_cast %get3A_630 : vector<1x16xf32> to vector<16xf32>
        %gt3A_632 = arith.cmpf ogt, %get3A_631, %select_n3A_530 : vector<16xf32>
        %select_n3A_633 = arith.select %gt3A_632, %get3A_631, %select_n3A_530 : vector<16xi1>, vector<16xf32>
        %select_n3A_634 = arith.select %gt3A_632, %add3A_564, %select_n3A_531 : vector<16xi1>, vector<16xi32>
        %select_n3A_635 = arith.select %gt3A_632, %select_n3A_530, %get3A_631 : vector<16xi1>, vector<16xf32>
        %max3A_636 = arith.maximumf %max3A_533, %select_n3A_635 : vector<16xf32>
        %mul3A_637 = arith.constant 16 : i32
        %mul3A_638 = arith.muli %scan3A_559, %mul3A_637 : i32
        %get3A_639 = arith.constant 6 : i32
        %get3A_640 = arith.index_cast %get3A_639 : i32 to index
        %get3A_641 = arith.index_cast %mul3A_638 : i32 to index
        %get3A_642 = tpu.vector_load %arg7[%get3A_640, %get3A_641] {strides = array<i32>} : memref<8x1024xf32, #tpu.memory_space<vmem>>, vector<1x16xf32>,
        %get3A_643 = vector.shape_cast %get3A_642 : vector<1x16xf32> to vector<16xf32>
        %gt3A_644 = arith.cmpf ogt, %get3A_643, %select_n3A_542 : vector<16xf32>
        %select_n3A_645 = arith.select %gt3A_644, %get3A_643, %select_n3A_542 : vector<16xi1>, vector<16xf32>
        %select_n3A_646 = arith.select %gt3A_644, %add3A_564, %select_n3A_543 : vector<16xi1>, vector<16xi32>
        %select_n3A_647 = arith.select %gt3A_644, %select_n3A_542, %get3A_643 : vector<16xi1>, vector<16xf32>
        %max3A_648 = arith.maximumf %max3A_545, %select_n3A_647 : vector<16xf32>
        %mul3A_649 = arith.constant 16 : i32
        %mul3A_650 = arith.muli %scan3A_559, %mul3A_649 : i32
        %get3A_651 = arith.constant 7 : i32
        %get3A_652 = arith.index_cast %get3A_651 : i32 to index
        %get3A_653 = arith.index_cast %mul3A_650 : i32 to index
        %get3A_654 = tpu.vector_load %arg7[%get3A_652, %get3A_653] {strides = array<i32>} : memref<8x1024xf32, #tpu.memory_space<vmem>>, vector<1x16xf32>,
        %get3A_655 = vector.shape_cast %get3A_654 : vector<1x16xf32> to vector<16xf32>
        %gt3A_656 = arith.cmpf ogt, %get3A_655, %select_n3A_554 : vector<16xf32>
        %select_n3A_657 = arith.select %gt3A_656, %get3A_655, %select_n3A_554 : vector<16xi1>, vector<16xf32>
        %select_n3A_658 = arith.select %gt3A_656, %add3A_564, %select_n3A_555 : vector<16xi1>, vector<16xi32>
        %select_n3A_659 = arith.select %gt3A_656, %select_n3A_554, %get3A_655 : vector<16xi1>, vector<16xf32>
        %max3A_660 = arith.maximumf %max3A_557, %select_n3A_659 : vector<16xf32>
        %scan3A_661 = arith.constant 3 : i32
        %scan3A_662 = arith.addi %scan3A_333, %scan3A_661 : i32
        %mul3A_663 = arith.constant 16 : i32
        %mul3A_664 = arith.muli %scan3A_662, %mul3A_663 : i32
        %add3A_665 = arith.addi %add3A_317, %mul3A_664 : i32
        %add3A_666 = vector.broadcast %add3A_665 : i32 to vector<16xi32>
        %add3A_667 = arith.addi %add3A_666, %iota3A : vector<16xi32>
        %mul3A_668 = arith.constant 16 : i32
        %mul3A_669 = arith.muli %scan3A_662, %mul3A_668 : i32
        %get3A_670 = arith.constant 0 : i32
        %get3A_671 = arith.index_cast %get3A_670 : i32 to index
        %get3A_672 = arith.index_cast %mul3A_669 : i32 to index
        %get3A_673 = tpu.vector_load %arg7[%get3A_671, %get3A_672] {strides = array<i32>} : memref<8x1024xf32, #tpu.memory_space<vmem>>, vector<1x16xf32>,
        %get3A_674 = vector.shape_cast %get3A_673 : vector<1x16xf32> to vector<16xf32>
        %gt3A_675 = arith.cmpf ogt, %get3A_674, %select_n3A_573 : vector<16xf32>
        %select_n3A_676 = arith.select %gt3A_675, %get3A_674, %select_n3A_573 : vector<16xi1>, vector<16xf32>
        %select_n3A_677 = arith.select %gt3A_675, %add3A_667, %select_n3A_574 : vector<16xi1>, vector<16xi32>
        %select_n3A_678 = arith.select %gt3A_675, %select_n3A_573, %get3A_674 : vector<16xi1>, vector<16xf32>
        %max3A_679 = arith.maximumf %max3A_576, %select_n3A_678 : vector<16xf32>
        %mul3A_680 = arith.constant 16 : i32
        %mul3A_681 = arith.muli %scan3A_662, %mul3A_680 : i32
        %get3A_682 = arith.constant 1 : i32
        %get3A_683 = arith.index_cast %get3A_682 : i32 to index
        %get3A_684 = arith.index_cast %mul3A_681 : i32 to index
        %get3A_685 = tpu.vector_load %arg7[%get3A_683, %get3A_684] {strides = array<i32>} : memref<8x1024xf32, #tpu.memory_space<vmem>>, vector<1x16xf32>,
        %get3A_686 = vector.shape_cast %get3A_685 : vector<1x16xf32> to vector<16xf32>
        %gt3A_687 = arith.cmpf ogt, %get3A_686, %select_n3A_585 : vector<16xf32>
        %select_n3A_688 = arith.select %gt3A_687, %get3A_686, %select_n3A_585 : vector<16xi1>, vector<16xf32>
        %select_n3A_689 = arith.select %gt3A_687, %add3A_667, %select_n3A_586 : vector<16xi1>, vector<16xi32>
        %select_n3A_690 = arith.select %gt3A_687, %select_n3A_585, %get3A_686 : vector<16xi1>, vector<16xf32>
        %max3A_691 = arith.maximumf %max3A_588, %select_n3A_690 : vector<16xf32>
        %mul3A_692 = arith.constant 16 : i32
        %mul3A_693 = arith.muli %scan3A_662, %mul3A_692 : i32
        %get3A_694 = arith.constant 2 : i32
        %get3A_695 = arith.index_cast %get3A_694 : i32 to index
        %get3A_696 = arith.index_cast %mul3A_693 : i32 to index
        %get3A_697 = tpu.vector_load %arg7[%get3A_695, %get3A_696] {strides = array<i32>} : memref<8x1024xf32, #tpu.memory_space<vmem>>, vector<1x16xf32>,
        %get3A_698 = vector.shape_cast %get3A_697 : vector<1x16xf32> to vector<16xf32>
        %gt3A_699 = arith.cmpf ogt, %get3A_698, %select_n3A_597 : vector<16xf32>
        %select_n3A_700 = arith.select %gt3A_699, %get3A_698, %select_n3A_597 : vector<16xi1>, vector<16xf32>
        %select_n3A_701 = arith.select %gt3A_699, %add3A_667, %select_n3A_598 : vector<16xi1>, vector<16xi32>
        %select_n3A_702 = arith.select %gt3A_699, %select_n3A_597, %get3A_698 : vector<16xi1>, vector<16xf32>
        %max3A_703 = arith.maximumf %max3A_600, %select_n3A_702 : vector<16xf32>
        %mul3A_704 = arith.constant 16 : i32
        %mul3A_705 = arith.muli %scan3A_662, %mul3A_704 : i32
        %get3A_706 = arith.constant 3 : i32
        %get3A_707 = arith.index_cast %get3A_706 : i32 to index
        %get3A_708 = arith.index_cast %mul3A_705 : i32 to index
        %get3A_709 = tpu.vector_load %arg7[%get3A_707, %get3A_708] {strides = array<i32>} : memref<8x1024xf32, #tpu.memory_space<vmem>>, vector<1x16xf32>,
        %get3A_710 = vector.shape_cast %get3A_709 : vector<1x16xf32> to vector<16xf32>
        %gt3A_711 = arith.cmpf ogt, %get3A_710, %select_n3A_609 : vector<16xf32>
        %select_n3A_712 = arith.select %gt3A_711, %get3A_710, %select_n3A_609 : vector<16xi1>, vector<16xf32>
        %select_n3A_713 = arith.select %gt3A_711, %add3A_667, %select_n3A_610 : vector<16xi1>, vector<16xi32>
        %select_n3A_714 = arith.select %gt3A_711, %select_n3A_609, %get3A_710 : vector<16xi1>, vector<16xf32>
        %max3A_715 = arith.maximumf %max3A_612, %select_n3A_714 : vector<16xf32>
        %mul3A_716 = arith.constant 16 : i32
        %mul3A_717 = arith.muli %scan3A_662, %mul3A_716 : i32
        %get3A_718 = arith.constant 4 : i32
        %get3A_719 = arith.index_cast %get3A_718 : i32 to index
        %get3A_720 = arith.index_cast %mul3A_717 : i32 to index
        %get3A_721 = tpu.vector_load %arg7[%get3A_719, %get3A_720] {strides = array<i32>} : memref<8x1024xf32, #tpu.memory_space<vmem>>, vector<1x16xf32>,
        %get3A_722 = vector.shape_cast %get3A_721 : vector<1x16xf32> to vector<16xf32>
        %gt3A_723 = arith.cmpf ogt, %get3A_722, %select_n3A_621 : vector<16xf32>
        %select_n3A_724 = arith.select %gt3A_723, %get3A_722, %select_n3A_621 : vector<16xi1>, vector<16xf32>
        %select_n3A_725 = arith.select %gt3A_723, %add3A_667, %select_n3A_622 : vector<16xi1>, vector<16xi32>
        %select_n3A_726 = arith.select %gt3A_723, %select_n3A_621, %get3A_722 : vector<16xi1>, vector<16xf32>
        %max3A_727 = arith.maximumf %max3A_624, %select_n3A_726 : vector<16xf32>
        %mul3A_728 = arith.constant 16 : i32
        %mul3A_729 = arith.muli %scan3A_662, %mul3A_728 : i32
        %get3A_730 = arith.constant 5 : i32
        %get3A_731 = arith.index_cast %get3A_730 : i32 to index
        %get3A_732 = arith.index_cast %mul3A_729 : i32 to index
        %get3A_733 = tpu.vector_load %arg7[%get3A_731, %get3A_732] {strides = array<i32>} : memref<8x1024xf32, #tpu.memory_space<vmem>>, vector<1x16xf32>,
        %get3A_734 = vector.shape_cast %get3A_733 : vector<1x16xf32> to vector<16xf32>
        %gt3A_735 = arith.cmpf ogt, %get3A_734, %select_n3A_633 : vector<16xf32>
        %select_n3A_736 = arith.select %gt3A_735, %get3A_734, %select_n3A_633 : vector<16xi1>, vector<16xf32>
        %select_n3A_737 = arith.select %gt3A_735, %add3A_667, %select_n3A_634 : vector<16xi1>, vector<16xi32>
        %select_n3A_738 = arith.select %gt3A_735, %select_n3A_633, %get3A_734 : vector<16xi1>, vector<16xf32>
        %max3A_739 = arith.maximumf %max3A_636, %select_n3A_738 : vector<16xf32>
        %mul3A_740 = arith.constant 16 : i32
        %mul3A_741 = arith.muli %scan3A_662, %mul3A_740 : i32
        %get3A_742 = arith.constant 6 : i32
        %get3A_743 = arith.index_cast %get3A_742 : i32 to index
        %get3A_744 = arith.index_cast %mul3A_741 : i32 to index
        %get3A_745 = tpu.vector_load %arg7[%get3A_743, %get3A_744] {strides = array<i32>} : memref<8x1024xf32, #tpu.memory_space<vmem>>, vector<1x16xf32>,
        %get3A_746 = vector.shape_cast %get3A_745 : vector<1x16xf32> to vector<16xf32>
        %gt3A_747 = arith.cmpf ogt, %get3A_746, %select_n3A_645 : vector<16xf32>
        %select_n3A_748 = arith.select %gt3A_747, %get3A_746, %select_n3A_645 : vector<16xi1>, vector<16xf32>
        %select_n3A_749 = arith.select %gt3A_747, %add3A_667, %select_n3A_646 : vector<16xi1>, vector<16xi32>
        %select_n3A_750 = arith.select %gt3A_747, %select_n3A_645, %get3A_746 : vector<16xi1>, vector<16xf32>
        %max3A_751 = arith.maximumf %max3A_648, %select_n3A_750 : vector<16xf32>
        %mul3A_752 = arith.constant 16 : i32
        %mul3A_753 = arith.muli %scan3A_662, %mul3A_752 : i32
        %get3A_754 = arith.constant 7 : i32
        %get3A_755 = arith.index_cast %get3A_754 : i32 to index
        %get3A_756 = arith.index_cast %mul3A_753 : i32 to index
        %get3A_757 = tpu.vector_load %arg7[%get3A_755, %get3A_756] {strides = array<i32>} : memref<8x1024xf32, #tpu.memory_space<vmem>>, vector<1x16xf32>,
        %get3A_758 = vector.shape_cast %get3A_757 : vector<1x16xf32> to vector<16xf32>
        %gt3A_759 = arith.cmpf ogt, %get3A_758, %select_n3A_657 : vector<16xf32>
        %select_n3A_760 = arith.select %gt3A_759, %get3A_758, %select_n3A_657 : vector<16xi1>, vector<16xf32>
        %select_n3A_761 = arith.select %gt3A_759, %add3A_667, %select_n3A_658 : vector<16xi1>, vector<16xi32>
        %select_n3A_762 = arith.select %gt3A_759, %select_n3A_657, %get3A_758 : vector<16xi1>, vector<16xf32>
        %max3A_763 = arith.maximumf %max3A_660, %select_n3A_762 : vector<16xf32>
        scf.yield %select_n3A_676, %select_n3A_677, %max3A_679, %select_n3A_688, %select_n3A_689, %max3A_691, %select_n3A_700, %select_n3A_701, %max3A_703, %select_n3A_712, %select_n3A_713, %max3A_715, %select_n3A_724, %select_n3A_725, %max3A_727, %select_n3A_736, %select_n3A_737, %max3A_739, %select_n3A_748, %select_n3A_749, %max3A_751, %select_n3A_760, %select_n3A_761, %max3A_763 : vector<16xf32>, vector<16xi32>, vector<16xf32>, vector<16xf32>, vector<16xi32>, vector<16xf32>, vector<16xf32>, vector<16xi32>, vector<16xf32>, vector<16xf32>, vector<16xi32>, vector<16xf32>, vector<16xf32>, vector<16xi32>, vector<16xf32>, vector<16xf32>, vector<16xi32>, vector<16xf32>, vector<16xf32>, vector<16xi32>, vector<16xf32>, vector<16xf32>, vector<16xi32>, vector<16xf32>
      }
      %scan3A_323 = arith.constant 64 : i32
      %add3A_324 = arith.constant 2 : i32
      %add3A_325 = arith.addi %add3A_307, %add3A_324 : i32
      %mul3A_326 = arith.constant 1024 : i32
      %mul3A_327 = arith.muli %add3A_325, %mul3A_326 : i32
      %add3A_328 = arith.addi %mul3A_2, %mul3A_327 : i32
      %dma_start3A_329 = arith.constant 24 : i32
      %dma_start3A_330 = tpu.memref_slice %arg2[%dma_start3A_329, %add3A_328] : memref<32x1000000xf32, #tpu.memory_space<hbm>> -> memref<8x1024xf32, #tpu.memory_space<hbm>>
      %dma_start3A_331 = arith.constant 24 : i32
      %dma_start3A_332 = tpu.memref_slice %arg2[%dma_start3A_331, %add3A_328] : memref<32x1000000xf32, #tpu.memory_space<hbm>> -> memref<8x1024xf32, #tpu.memory_space<hbm>>
      tpu.enqueue_dma source(%dma_start3A_332 : memref<8x1024xf32, #tpu.memory_space<hbm>>) target(%arg7 : memref<8x1024xf32, #tpu.memory_space<vmem>>) target_semaphore(%arg13 : memref<!tpu.dma_semaphore, #tpu.memory_space<semaphore_mem>>)
      scf.yield %scan3A_322#0, %scan3A_322#1, %scan3A_322#2, %scan3A_322#3, %scan3A_322#4, %scan3A_322#5, %scan3A_322#6, %scan3A_322#7, %scan3A_322#8, %scan3A_322#9, %scan3A_322#10, %scan3A_322#11, %scan3A_322#12, %scan3A_322#13, %scan3A_322#14, %scan3A_322#15, %scan3A_322#16, %scan3A_322#17, %scan3A_322#18, %scan3A_322#19, %scan3A_322#20, %scan3A_322#21, %scan3A_322#22, %scan3A_322#23 : vector<16xf32>, vector<16xi32>, vector<16xf32>, vector<16xf32>, vector<16xi32>, vector<16xf32>, vector<16xf32>, vector<16xi32>, vector<16xf32>, vector<16xf32>, vector<16xi32>, vector<16xf32>, vector<16xf32>, vector<16xi32>, vector<16xf32>, vector<16xf32>, vector<16xi32>, vector<16xf32>, vector<16xf32>, vector<16xi32>, vector<16xf32>, vector<16xf32>, vector<16xi32>, vector<16xf32>
    }
    %scan3A_65 = arith.constant 14 : i32
    %add3A_66 = arith.constant 28672 : i32
    %add3A_67 = arith.addi %mul3A_2, %add3A_66 : i32
    %dma_wait3A = arith.constant 24 : i32
    %dma_wait3A_68 = tpu.memref_slice %arg2[%dma_wait3A, %add3A_67] : memref<32x1000000xf32, #tpu.memory_space<hbm>> -> memref<8x1024xf32, #tpu.memory_space<hbm>>
    %dma_wait3A_69 = arith.constant 24 : i32
    %dma_wait3A_70 = tpu.memref_slice %arg2[%dma_wait3A_69, %add3A_67] : memref<32x1000000xf32, #tpu.memory_space<hbm>> -> memref<8x1024xf32, #tpu.memory_space<hbm>>
    tpu.wait_dma2 semaphore(%arg12 : memref<!tpu.dma_semaphore, #tpu.memory_space<semaphore_mem>>) src(%dma_wait3A_70 : memref<8x1024xf32, #tpu.memory_space<hbm>>) dst(%arg6 : memref<8x1024xf32, #tpu.memory_space<vmem>>)
    %add3A_71 = arith.constant 28672 : i32
    %add3A_72 = arith.addi %mul3A_2, %add3A_71 : i32
    %scan3A_73 = arith.constant 0 : i32
    %scan3A_74 = arith.constant 64 : i32
    %scan3A_75 = arith.addi %scan3A_73, %scan3A_74 : i32
    %scan3A_76 = arith.constant 4 : i32
    %scan3A_77:24 = scf.for %scan3A_250 = %scan3A_73 to %scan3A_75 step %scan3A_76 iter_args(%scan3A_251 = %scan3A_64#0, %scan3A_252 = %scan3A_64#1, %scan3A_253 = %scan3A_64#2, %scan3A_254 = %scan3A_64#3, %scan3A_255 = %scan3A_64#4, %scan3A_256 = %scan3A_64#5, %scan3A_257 = %scan3A_64#6, %scan3A_258 = %scan3A_64#7, %scan3A_259 = %scan3A_64#8, %scan3A_260 = %scan3A_64#9, %scan3A_261 = %scan3A_64#10, %scan3A_262 = %scan3A_64#11, %scan3A_263 = %scan3A_64#12, %scan3A_264 = %scan3A_64#13, %scan3A_265 = %scan3A_64#14, %scan3A_266 = %scan3A_64#15, %scan3A_267 = %scan3A_64#16, %scan3A_268 = %scan3A_64#17, %scan3A_269 = %scan3A_64#18, %scan3A_270 = %scan3A_64#19, %scan3A_271 = %scan3A_64#20, %scan3A_272 = %scan3A_64#21, %scan3A_273 = %scan3A_64#22, %scan3A_274 = %scan3A_64#23) -> (vector<16xf32>, vector<16xi32>, vector<16xf32>, vector<16xf32>, vector<16xi32>, vector<16xf32>, vector<16xf32>, vector<16xi32>, vector<16xf32>, vector<16xf32>, vector<16xi32>, vector<16xf32>, vector<16xf32>, vector<16xi32>, vector<16xf32>, vector<16xf32>, vector<16xi32>, vector<16xf32>, vector<16xf32>, vector<16xi32>, vector<16xf32>, vector<16xf32>, vector<16xi32>, vector<16xf32>)  : i32 {
      %mul3A_275 = arith.constant 16 : i32
      %mul3A_276 = arith.muli %scan3A_250, %mul3A_275 : i32
      %add3A_277 = arith.addi %add3A_72, %mul3A_276 : i32
      %add3A_278 = vector.broadcast %add3A_277 : i32 to vector<16xi32>
      %add3A_279 = arith.addi %add3A_278, %iota3A : vector<16xi32>
      %mul3A_280 = arith.constant 16 : i32
      %mul3A_281 = arith.muli %scan3A_250, %mul3A_280 : i32
      %get3A = arith.constant 0 : i32
      %get3A_282 = arith.index_cast %get3A : i32 to index
      %get3A_283 = arith.index_cast %mul3A_281 : i32 to index
      %get3A_284 = tpu.vector_load %arg6[%get3A_282, %get3A_283] {strides = array<i32>} : memref<8x1024xf32, #tpu.memory_space<vmem>>, vector<1x16xf32>,
      %get3A_285 = vector.shape_cast %get3A_284 : vector<1x16xf32> to vector<16xf32>
      %gt3A = arith.cmpf ogt, %get3A_285, %scan3A_251 : vector<16xf32>
      %select_n3A = arith.select %gt3A, %get3A_285, %scan3A_251 : vector<16xi1>, vector<16xf32>
      %select_n3A_286 = arith.select %gt3A, %add3A_279, %scan3A_252 : vector<16xi1>, vector<16xi32>
      %select_n3A_287 = arith.select %gt3A, %scan3A_251, %get3A_285 : vector<16xi1>, vector<16xf32>
      %max3A = arith.maximumf %scan3A_253, %select_n3A_287 : vector<16xf32>
      %mul3A_288 = arith.constant 16 : i32
      %mul3A_289 = arith.muli %scan3A_250, %mul3A_288 : i32
      %get3A_290 = arith.constant 1 : i32
      %get3A_291 = arith.index_cast %get3A_290 : i32 to index
      %get3A_292 = arith.index_cast %mul3A_289 : i32 to index
      %get3A_293 = tpu.vector_load %arg6[%get3A_291, %get3A_292] {strides = array<i32>} : memref<8x1024xf32, #tpu.memory_space<vmem>>, vector<1x16xf32>,
      %get3A_294 = vector.shape_cast %get3A_293 : vector<1x16xf32> to vector<16xf32>
      %gt3A_295 = arith.cmpf ogt, %get3A_294, %scan3A_254 : vector<16xf32>
      %select_n3A_296 = arith.select %gt3A_295, %get3A_294, %scan3A_254 : vector<16xi1>, vector<16xf32>
      %select_n3A_297 = arith.select %gt3A_295, %add3A_279, %scan3A_255 : vector<16xi1>, vector<16xi32>
      %select_n3A_298 = arith.select %gt3A_295, %scan3A_254, %get3A_294 : vector<16xi1>, vector<16xf32>
      %max3A_299 = arith.maximumf %scan3A_256, %select_n3A_298 : vector<16xf32>
      %mul3A_300 = arith.constant 16 : i32
      %mul3A_301 = arith.muli %scan3A_250, %mul3A_300 : i32
      %get3A_302 = arith.constant 2 : i32
      %get3A_303 = arith.index_cast %get3A_302 : i32 to index
      %get3A_304 = arith.index_cast %mul3A_301 : i32 to index
      %get3A_305 = tpu.vector_load %arg6[%get3A_303, %get3A_304] {strides = array<i32>} : memref<8x1024xf32, #tpu.memory_space<vmem>>, vector<1x16xf32>,
      %get3A_306 = vector.shape_cast %get3A_305 : vector<1x16xf32> to vector<16xf32>
      %gt3A_307 = arith.cmpf ogt, %get3A_306, %scan3A_257 : vector<16xf32>
      %select_n3A_308 = arith.select %gt3A_307, %get3A_306, %scan3A_257 : vector<16xi1>, vector<16xf32>
      %select_n3A_309 = arith.select %gt3A_307, %add3A_279, %scan3A_258 : vector<16xi1>, vector<16xi32>
      %select_n3A_310 = arith.select %gt3A_307, %scan3A_257, %get3A_306 : vector<16xi1>, vector<16xf32>
      %max3A_311 = arith.maximumf %scan3A_259, %select_n3A_310 : vector<16xf32>
      %mul3A_312 = arith.constant 16 : i32
      %mul3A_313 = arith.muli %scan3A_250, %mul3A_312 : i32
      %get3A_314 = arith.constant 3 : i32
      %get3A_315 = arith.index_cast %get3A_314 : i32 to index
      %get3A_316 = arith.index_cast %mul3A_313 : i32 to index
      %get3A_317 = tpu.vector_load %arg6[%get3A_315, %get3A_316] {strides = array<i32>} : memref<8x1024xf32, #tpu.memory_space<vmem>>, vector<1x16xf32>,
      %get3A_318 = vector.shape_cast %get3A_317 : vector<1x16xf32> to vector<16xf32>
      %gt3A_319 = arith.cmpf ogt, %get3A_318, %scan3A_260 : vector<16xf32>
      %select_n3A_320 = arith.select %gt3A_319, %get3A_318, %scan3A_260 : vector<16xi1>, vector<16xf32>
      %select_n3A_321 = arith.select %gt3A_319, %add3A_279, %scan3A_261 : vector<16xi1>, vector<16xi32>
      %select_n3A_322 = arith.select %gt3A_319, %scan3A_260, %get3A_318 : vector<16xi1>, vector<16xf32>
      %max3A_323 = arith.maximumf %scan3A_262, %select_n3A_322 : vector<16xf32>
      %mul3A_324 = arith.constant 16 : i32
      %mul3A_325 = arith.muli %scan3A_250, %mul3A_324 : i32
      %get3A_326 = arith.constant 4 : i32
      %get3A_327 = arith.index_cast %get3A_326 : i32 to index
      %get3A_328 = arith.index_cast %mul3A_325 : i32 to index
      %get3A_329 = tpu.vector_load %arg6[%get3A_327, %get3A_328] {strides = array<i32>} : memref<8x1024xf32, #tpu.memory_space<vmem>>, vector<1x16xf32>,
      %get3A_330 = vector.shape_cast %get3A_329 : vector<1x16xf32> to vector<16xf32>
      %gt3A_331 = arith.cmpf ogt, %get3A_330, %scan3A_263 : vector<16xf32>
      %select_n3A_332 = arith.select %gt3A_331, %get3A_330, %scan3A_263 : vector<16xi1>, vector<16xf32>
      %select_n3A_333 = arith.select %gt3A_331, %add3A_279, %scan3A_264 : vector<16xi1>, vector<16xi32>
      %select_n3A_334 = arith.select %gt3A_331, %scan3A_263, %get3A_330 : vector<16xi1>, vector<16xf32>
      %max3A_335 = arith.maximumf %scan3A_265, %select_n3A_334 : vector<16xf32>
      %mul3A_336 = arith.constant 16 : i32
      %mul3A_337 = arith.muli %scan3A_250, %mul3A_336 : i32
      %get3A_338 = arith.constant 5 : i32
      %get3A_339 = arith.index_cast %get3A_338 : i32 to index
      %get3A_340 = arith.index_cast %mul3A_337 : i32 to index
      %get3A_341 = tpu.vector_load %arg6[%get3A_339, %get3A_340] {strides = array<i32>} : memref<8x1024xf32, #tpu.memory_space<vmem>>, vector<1x16xf32>,
      %get3A_342 = vector.shape_cast %get3A_341 : vector<1x16xf32> to vector<16xf32>
      %gt3A_343 = arith.cmpf ogt, %get3A_342, %scan3A_266 : vector<16xf32>
      %select_n3A_344 = arith.select %gt3A_343, %get3A_342, %scan3A_266 : vector<16xi1>, vector<16xf32>
      %select_n3A_345 = arith.select %gt3A_343, %add3A_279, %scan3A_267 : vector<16xi1>, vector<16xi32>
      %select_n3A_346 = arith.select %gt3A_343, %scan3A_266, %get3A_342 : vector<16xi1>, vector<16xf32>
      %max3A_347 = arith.maximumf %scan3A_268, %select_n3A_346 : vector<16xf32>
      %mul3A_348 = arith.constant 16 : i32
      %mul3A_349 = arith.muli %scan3A_250, %mul3A_348 : i32
      %get3A_350 = arith.constant 6 : i32
      %get3A_351 = arith.index_cast %get3A_350 : i32 to index
      %get3A_352 = arith.index_cast %mul3A_349 : i32 to index
      %get3A_353 = tpu.vector_load %arg6[%get3A_351, %get3A_352] {strides = array<i32>} : memref<8x1024xf32, #tpu.memory_space<vmem>>, vector<1x16xf32>,
      %get3A_354 = vector.shape_cast %get3A_353 : vector<1x16xf32> to vector<16xf32>
      %gt3A_355 = arith.cmpf ogt, %get3A_354, %scan3A_269 : vector<16xf32>
      %select_n3A_356 = arith.select %gt3A_355, %get3A_354, %scan3A_269 : vector<16xi1>, vector<16xf32>
      %select_n3A_357 = arith.select %gt3A_355, %add3A_279, %scan3A_270 : vector<16xi1>, vector<16xi32>
      %select_n3A_358 = arith.select %gt3A_355, %scan3A_269, %get3A_354 : vector<16xi1>, vector<16xf32>
      %max3A_359 = arith.maximumf %scan3A_271, %select_n3A_358 : vector<16xf32>
      %mul3A_360 = arith.constant 16 : i32
      %mul3A_361 = arith.muli %scan3A_250, %mul3A_360 : i32
      %get3A_362 = arith.constant 7 : i32
      %get3A_363 = arith.index_cast %get3A_362 : i32 to index
      %get3A_364 = arith.index_cast %mul3A_361 : i32 to index
      %get3A_365 = tpu.vector_load %arg6[%get3A_363, %get3A_364] {strides = array<i32>} : memref<8x1024xf32, #tpu.memory_space<vmem>>, vector<1x16xf32>,
      %get3A_366 = vector.shape_cast %get3A_365 : vector<1x16xf32> to vector<16xf32>
      %gt3A_367 = arith.cmpf ogt, %get3A_366, %scan3A_272 : vector<16xf32>
      %select_n3A_368 = arith.select %gt3A_367, %get3A_366, %scan3A_272 : vector<16xi1>, vector<16xf32>
      %select_n3A_369 = arith.select %gt3A_367, %add3A_279, %scan3A_273 : vector<16xi1>, vector<16xi32>
      %select_n3A_370 = arith.select %gt3A_367, %scan3A_272, %get3A_366 : vector<16xi1>, vector<16xf32>
      %max3A_371 = arith.maximumf %scan3A_274, %select_n3A_370 : vector<16xf32>
      %scan3A_372 = arith.constant 1 : i32
      %scan3A_373 = arith.addi %scan3A_250, %scan3A_372 : i32
      %mul3A_374 = arith.constant 16 : i32
      %mul3A_375 = arith.muli %scan3A_373, %mul3A_374 : i32
      %add3A_376 = arith.addi %add3A_72, %mul3A_375 : i32
      %add3A_377 = vector.broadcast %add3A_376 : i32 to vector<16xi32>
      %add3A_378 = arith.addi %add3A_377, %iota3A : vector<16xi32>
      %mul3A_379 = arith.constant 16 : i32
      %mul3A_380 = arith.muli %scan3A_373, %mul3A_379 : i32
      %get3A_381 = arith.constant 0 : i32
      %get3A_382 = arith.index_cast %get3A_381 : i32 to index
      %get3A_383 = arith.index_cast %mul3A_380 : i32 to index
      %get3A_384 = tpu.vector_load %arg6[%get3A_382, %get3A_383] {strides = array<i32>} : memref<8x1024xf32, #tpu.memory_space<vmem>>, vector<1x16xf32>,
      %get3A_385 = vector.shape_cast %get3A_384 : vector<1x16xf32> to vector<16xf32>
      %gt3A_386 = arith.cmpf ogt, %get3A_385, %select_n3A : vector<16xf32>
      %select_n3A_387 = arith.select %gt3A_386, %get3A_385, %select_n3A : vector<16xi1>, vector<16xf32>
      %select_n3A_388 = arith.select %gt3A_386, %add3A_378, %select_n3A_286 : vector<16xi1>, vector<16xi32>
      %select_n3A_389 = arith.select %gt3A_386, %select_n3A, %get3A_385 : vector<16xi1>, vector<16xf32>
      %max3A_390 = arith.maximumf %max3A, %select_n3A_389 : vector<16xf32>
      %mul3A_391 = arith.constant 16 : i32
      %mul3A_392 = arith.muli %scan3A_373, %mul3A_391 : i32
      %get3A_393 = arith.constant 1 : i32
      %get3A_394 = arith.index_cast %get3A_393 : i32 to index
      %get3A_395 = arith.index_cast %mul3A_392 : i32 to index
      %get3A_396 = tpu.vector_load %arg6[%get3A_394, %get3A_395] {strides = array<i32>} : memref<8x1024xf32, #tpu.memory_space<vmem>>, vector<1x16xf32>,
      %get3A_397 = vector.shape_cast %get3A_396 : vector<1x16xf32> to vector<16xf32>
      %gt3A_398 = arith.cmpf ogt, %get3A_397, %select_n3A_296 : vector<16xf32>
      %select_n3A_399 = arith.select %gt3A_398, %get3A_397, %select_n3A_296 : vector<16xi1>, vector<16xf32>
      %select_n3A_400 = arith.select %gt3A_398, %add3A_378, %select_n3A_297 : vector<16xi1>, vector<16xi32>
      %select_n3A_401 = arith.select %gt3A_398, %select_n3A_296, %get3A_397 : vector<16xi1>, vector<16xf32>
      %max3A_402 = arith.maximumf %max3A_299, %select_n3A_401 : vector<16xf32>
      %mul3A_403 = arith.constant 16 : i32
      %mul3A_404 = arith.muli %scan3A_373, %mul3A_403 : i32
      %get3A_405 = arith.constant 2 : i32
      %get3A_406 = arith.index_cast %get3A_405 : i32 to index
      %get3A_407 = arith.index_cast %mul3A_404 : i32 to index
      %get3A_408 = tpu.vector_load %arg6[%get3A_406, %get3A_407] {strides = array<i32>} : memref<8x1024xf32, #tpu.memory_space<vmem>>, vector<1x16xf32>,
      %get3A_409 = vector.shape_cast %get3A_408 : vector<1x16xf32> to vector<16xf32>
      %gt3A_410 = arith.cmpf ogt, %get3A_409, %select_n3A_308 : vector<16xf32>
      %select_n3A_411 = arith.select %gt3A_410, %get3A_409, %select_n3A_308 : vector<16xi1>, vector<16xf32>
      %select_n3A_412 = arith.select %gt3A_410, %add3A_378, %select_n3A_309 : vector<16xi1>, vector<16xi32>
      %select_n3A_413 = arith.select %gt3A_410, %select_n3A_308, %get3A_409 : vector<16xi1>, vector<16xf32>
      %max3A_414 = arith.maximumf %max3A_311, %select_n3A_413 : vector<16xf32>
      %mul3A_415 = arith.constant 16 : i32
      %mul3A_416 = arith.muli %scan3A_373, %mul3A_415 : i32
      %get3A_417 = arith.constant 3 : i32
      %get3A_418 = arith.index_cast %get3A_417 : i32 to index
      %get3A_419 = arith.index_cast %mul3A_416 : i32 to index
      %get3A_420 = tpu.vector_load %arg6[%get3A_418, %get3A_419] {strides = array<i32>} : memref<8x1024xf32, #tpu.memory_space<vmem>>, vector<1x16xf32>,
      %get3A_421 = vector.shape_cast %get3A_420 : vector<1x16xf32> to vector<16xf32>
      %gt3A_422 = arith.cmpf ogt, %get3A_421, %select_n3A_320 : vector<16xf32>
      %select_n3A_423 = arith.select %gt3A_422, %get3A_421, %select_n3A_320 : vector<16xi1>, vector<16xf32>
      %select_n3A_424 = arith.select %gt3A_422, %add3A_378, %select_n3A_321 : vector<16xi1>, vector<16xi32>
      %select_n3A_425 = arith.select %gt3A_422, %select_n3A_320, %get3A_421 : vector<16xi1>, vector<16xf32>
      %max3A_426 = arith.maximumf %max3A_323, %select_n3A_425 : vector<16xf32>
      %mul3A_427 = arith.constant 16 : i32
      %mul3A_428 = arith.muli %scan3A_373, %mul3A_427 : i32
      %get3A_429 = arith.constant 4 : i32
      %get3A_430 = arith.index_cast %get3A_429 : i32 to index
      %get3A_431 = arith.index_cast %mul3A_428 : i32 to index
      %get3A_432 = tpu.vector_load %arg6[%get3A_430, %get3A_431] {strides = array<i32>} : memref<8x1024xf32, #tpu.memory_space<vmem>>, vector<1x16xf32>,
      %get3A_433 = vector.shape_cast %get3A_432 : vector<1x16xf32> to vector<16xf32>
      %gt3A_434 = arith.cmpf ogt, %get3A_433, %select_n3A_332 : vector<16xf32>
      %select_n3A_435 = arith.select %gt3A_434, %get3A_433, %select_n3A_332 : vector<16xi1>, vector<16xf32>
      %select_n3A_436 = arith.select %gt3A_434, %add3A_378, %select_n3A_333 : vector<16xi1>, vector<16xi32>
      %select_n3A_437 = arith.select %gt3A_434, %select_n3A_332, %get3A_433 : vector<16xi1>, vector<16xf32>
      %max3A_438 = arith.maximumf %max3A_335, %select_n3A_437 : vector<16xf32>
      %mul3A_439 = arith.constant 16 : i32
      %mul3A_440 = arith.muli %scan3A_373, %mul3A_439 : i32
      %get3A_441 = arith.constant 5 : i32
      %get3A_442 = arith.index_cast %get3A_441 : i32 to index
      %get3A_443 = arith.index_cast %mul3A_440 : i32 to index
      %get3A_444 = tpu.vector_load %arg6[%get3A_442, %get3A_443] {strides = array<i32>} : memref<8x1024xf32, #tpu.memory_space<vmem>>, vector<1x16xf32>,
      %get3A_445 = vector.shape_cast %get3A_444 : vector<1x16xf32> to vector<16xf32>
      %gt3A_446 = arith.cmpf ogt, %get3A_445, %select_n3A_344 : vector<16xf32>
      %select_n3A_447 = arith.select %gt3A_446, %get3A_445, %select_n3A_344 : vector<16xi1>, vector<16xf32>
      %select_n3A_448 = arith.select %gt3A_446, %add3A_378, %select_n3A_345 : vector<16xi1>, vector<16xi32>
      %select_n3A_449 = arith.select %gt3A_446, %select_n3A_344, %get3A_445 : vector<16xi1>, vector<16xf32>
      %max3A_450 = arith.maximumf %max3A_347, %select_n3A_449 : vector<16xf32>
      %mul3A_451 = arith.constant 16 : i32
      %mul3A_452 = arith.muli %scan3A_373, %mul3A_451 : i32
      %get3A_453 = arith.constant 6 : i32
      %get3A_454 = arith.index_cast %get3A_453 : i32 to index
      %get3A_455 = arith.index_cast %mul3A_452 : i32 to index
      %get3A_456 = tpu.vector_load %arg6[%get3A_454, %get3A_455] {strides = array<i32>} : memref<8x1024xf32, #tpu.memory_space<vmem>>, vector<1x16xf32>,
      %get3A_457 = vector.shape_cast %get3A_456 : vector<1x16xf32> to vector<16xf32>
      %gt3A_458 = arith.cmpf ogt, %get3A_457, %select_n3A_356 : vector<16xf32>
      %select_n3A_459 = arith.select %gt3A_458, %get3A_457, %select_n3A_356 : vector<16xi1>, vector<16xf32>
      %select_n3A_460 = arith.select %gt3A_458, %add3A_378, %select_n3A_357 : vector<16xi1>, vector<16xi32>
      %select_n3A_461 = arith.select %gt3A_458, %select_n3A_356, %get3A_457 : vector<16xi1>, vector<16xf32>
      %max3A_462 = arith.maximumf %max3A_359, %select_n3A_461 : vector<16xf32>
      %mul3A_463 = arith.constant 16 : i32
      %mul3A_464 = arith.muli %scan3A_373, %mul3A_463 : i32
      %get3A_465 = arith.constant 7 : i32
      %get3A_466 = arith.index_cast %get3A_465 : i32 to index
      %get3A_467 = arith.index_cast %mul3A_464 : i32 to index
      %get3A_468 = tpu.vector_load %arg6[%get3A_466, %get3A_467] {strides = array<i32>} : memref<8x1024xf32, #tpu.memory_space<vmem>>, vector<1x16xf32>,
      %get3A_469 = vector.shape_cast %get3A_468 : vector<1x16xf32> to vector<16xf32>
      %gt3A_470 = arith.cmpf ogt, %get3A_469, %select_n3A_368 : vector<16xf32>
      %select_n3A_471 = arith.select %gt3A_470, %get3A_469, %select_n3A_368 : vector<16xi1>, vector<16xf32>
      %select_n3A_472 = arith.select %gt3A_470, %add3A_378, %select_n3A_369 : vector<16xi1>, vector<16xi32>
      %select_n3A_473 = arith.select %gt3A_470, %select_n3A_368, %get3A_469 : vector<16xi1>, vector<16xf32>
      %max3A_474 = arith.maximumf %max3A_371, %select_n3A_473 : vector<16xf32>
      %scan3A_475 = arith.constant 2 : i32
      %scan3A_476 = arith.addi %scan3A_250, %scan3A_475 : i32
      %mul3A_477 = arith.constant 16 : i32
      %mul3A_478 = arith.muli %scan3A_476, %mul3A_477 : i32
      %add3A_479 = arith.addi %add3A_72, %mul3A_478 : i32
      %add3A_480 = vector.broadcast %add3A_479 : i32 to vector<16xi32>
      %add3A_481 = arith.addi %add3A_480, %iota3A : vector<16xi32>
      %mul3A_482 = arith.constant 16 : i32
      %mul3A_483 = arith.muli %scan3A_476, %mul3A_482 : i32
      %get3A_484 = arith.constant 0 : i32
      %get3A_485 = arith.index_cast %get3A_484 : i32 to index
      %get3A_486 = arith.index_cast %mul3A_483 : i32 to index
      %get3A_487 = tpu.vector_load %arg6[%get3A_485, %get3A_486] {strides = array<i32>} : memref<8x1024xf32, #tpu.memory_space<vmem>>, vector<1x16xf32>,
      %get3A_488 = vector.shape_cast %get3A_487 : vector<1x16xf32> to vector<16xf32>
      %gt3A_489 = arith.cmpf ogt, %get3A_488, %select_n3A_387 : vector<16xf32>
      %select_n3A_490 = arith.select %gt3A_489, %get3A_488, %select_n3A_387 : vector<16xi1>, vector<16xf32>
      %select_n3A_491 = arith.select %gt3A_489, %add3A_481, %select_n3A_388 : vector<16xi1>, vector<16xi32>
      %select_n3A_492 = arith.select %gt3A_489, %select_n3A_387, %get3A_488 : vector<16xi1>, vector<16xf32>
      %max3A_493 = arith.maximumf %max3A_390, %select_n3A_492 : vector<16xf32>
      %mul3A_494 = arith.constant 16 : i32
      %mul3A_495 = arith.muli %scan3A_476, %mul3A_494 : i32
      %get3A_496 = arith.constant 1 : i32
      %get3A_497 = arith.index_cast %get3A_496 : i32 to index
      %get3A_498 = arith.index_cast %mul3A_495 : i32 to index
      %get3A_499 = tpu.vector_load %arg6[%get3A_497, %get3A_498] {strides = array<i32>} : memref<8x1024xf32, #tpu.memory_space<vmem>>, vector<1x16xf32>,
      %get3A_500 = vector.shape_cast %get3A_499 : vector<1x16xf32> to vector<16xf32>
      %gt3A_501 = arith.cmpf ogt, %get3A_500, %select_n3A_399 : vector<16xf32>
      %select_n3A_502 = arith.select %gt3A_501, %get3A_500, %select_n3A_399 : vector<16xi1>, vector<16xf32>
      %select_n3A_503 = arith.select %gt3A_501, %add3A_481, %select_n3A_400 : vector<16xi1>, vector<16xi32>
      %select_n3A_504 = arith.select %gt3A_501, %select_n3A_399, %get3A_500 : vector<16xi1>, vector<16xf32>
      %max3A_505 = arith.maximumf %max3A_402, %select_n3A_504 : vector<16xf32>
      %mul3A_506 = arith.constant 16 : i32
      %mul3A_507 = arith.muli %scan3A_476, %mul3A_506 : i32
      %get3A_508 = arith.constant 2 : i32
      %get3A_509 = arith.index_cast %get3A_508 : i32 to index
      %get3A_510 = arith.index_cast %mul3A_507 : i32 to index
      %get3A_511 = tpu.vector_load %arg6[%get3A_509, %get3A_510] {strides = array<i32>} : memref<8x1024xf32, #tpu.memory_space<vmem>>, vector<1x16xf32>,
      %get3A_512 = vector.shape_cast %get3A_511 : vector<1x16xf32> to vector<16xf32>
      %gt3A_513 = arith.cmpf ogt, %get3A_512, %select_n3A_411 : vector<16xf32>
      %select_n3A_514 = arith.select %gt3A_513, %get3A_512, %select_n3A_411 : vector<16xi1>, vector<16xf32>
      %select_n3A_515 = arith.select %gt3A_513, %add3A_481, %select_n3A_412 : vector<16xi1>, vector<16xi32>
      %select_n3A_516 = arith.select %gt3A_513, %select_n3A_411, %get3A_512 : vector<16xi1>, vector<16xf32>
      %max3A_517 = arith.maximumf %max3A_414, %select_n3A_516 : vector<16xf32>
      %mul3A_518 = arith.constant 16 : i32
      %mul3A_519 = arith.muli %scan3A_476, %mul3A_518 : i32
      %get3A_520 = arith.constant 3 : i32
      %get3A_521 = arith.index_cast %get3A_520 : i32 to index
      %get3A_522 = arith.index_cast %mul3A_519 : i32 to index
      %get3A_523 = tpu.vector_load %arg6[%get3A_521, %get3A_522] {strides = array<i32>} : memref<8x1024xf32, #tpu.memory_space<vmem>>, vector<1x16xf32>,
      %get3A_524 = vector.shape_cast %get3A_523 : vector<1x16xf32> to vector<16xf32>
      %gt3A_525 = arith.cmpf ogt, %get3A_524, %select_n3A_423 : vector<16xf32>
      %select_n3A_526 = arith.select %gt3A_525, %get3A_524, %select_n3A_423 : vector<16xi1>, vector<16xf32>
      %select_n3A_527 = arith.select %gt3A_525, %add3A_481, %select_n3A_424 : vector<16xi1>, vector<16xi32>
      %select_n3A_528 = arith.select %gt3A_525, %select_n3A_423, %get3A_524 : vector<16xi1>, vector<16xf32>
      %max3A_529 = arith.maximumf %max3A_426, %select_n3A_528 : vector<16xf32>
      %mul3A_530 = arith.constant 16 : i32
      %mul3A_531 = arith.muli %scan3A_476, %mul3A_530 : i32
      %get3A_532 = arith.constant 4 : i32
      %get3A_533 = arith.index_cast %get3A_532 : i32 to index
      %get3A_534 = arith.index_cast %mul3A_531 : i32 to index
      %get3A_535 = tpu.vector_load %arg6[%get3A_533, %get3A_534] {strides = array<i32>} : memref<8x1024xf32, #tpu.memory_space<vmem>>, vector<1x16xf32>,
      %get3A_536 = vector.shape_cast %get3A_535 : vector<1x16xf32> to vector<16xf32>
      %gt3A_537 = arith.cmpf ogt, %get3A_536, %select_n3A_435 : vector<16xf32>
      %select_n3A_538 = arith.select %gt3A_537, %get3A_536, %select_n3A_435 : vector<16xi1>, vector<16xf32>
      %select_n3A_539 = arith.select %gt3A_537, %add3A_481, %select_n3A_436 : vector<16xi1>, vector<16xi32>
      %select_n3A_540 = arith.select %gt3A_537, %select_n3A_435, %get3A_536 : vector<16xi1>, vector<16xf32>
      %max3A_541 = arith.maximumf %max3A_438, %select_n3A_540 : vector<16xf32>
      %mul3A_542 = arith.constant 16 : i32
      %mul3A_543 = arith.muli %scan3A_476, %mul3A_542 : i32
      %get3A_544 = arith.constant 5 : i32
      %get3A_545 = arith.index_cast %get3A_544 : i32 to index
      %get3A_546 = arith.index_cast %mul3A_543 : i32 to index
      %get3A_547 = tpu.vector_load %arg6[%get3A_545, %get3A_546] {strides = array<i32>} : memref<8x1024xf32, #tpu.memory_space<vmem>>, vector<1x16xf32>,
      %get3A_548 = vector.shape_cast %get3A_547 : vector<1x16xf32> to vector<16xf32>
      %gt3A_549 = arith.cmpf ogt, %get3A_548, %select_n3A_447 : vector<16xf32>
      %select_n3A_550 = arith.select %gt3A_549, %get3A_548, %select_n3A_447 : vector<16xi1>, vector<16xf32>
      %select_n3A_551 = arith.select %gt3A_549, %add3A_481, %select_n3A_448 : vector<16xi1>, vector<16xi32>
      %select_n3A_552 = arith.select %gt3A_549, %select_n3A_447, %get3A_548 : vector<16xi1>, vector<16xf32>
      %max3A_553 = arith.maximumf %max3A_450, %select_n3A_552 : vector<16xf32>
      %mul3A_554 = arith.constant 16 : i32
      %mul3A_555 = arith.muli %scan3A_476, %mul3A_554 : i32
      %get3A_556 = arith.constant 6 : i32
      %get3A_557 = arith.index_cast %get3A_556 : i32 to index
      %get3A_558 = arith.index_cast %mul3A_555 : i32 to index
      %get3A_559 = tpu.vector_load %arg6[%get3A_557, %get3A_558] {strides = array<i32>} : memref<8x1024xf32, #tpu.memory_space<vmem>>, vector<1x16xf32>,
      %get3A_560 = vector.shape_cast %get3A_559 : vector<1x16xf32> to vector<16xf32>
      %gt3A_561 = arith.cmpf ogt, %get3A_560, %select_n3A_459 : vector<16xf32>
      %select_n3A_562 = arith.select %gt3A_561, %get3A_560, %select_n3A_459 : vector<16xi1>, vector<16xf32>
      %select_n3A_563 = arith.select %gt3A_561, %add3A_481, %select_n3A_460 : vector<16xi1>, vector<16xi32>
      %select_n3A_564 = arith.select %gt3A_561, %select_n3A_459, %get3A_560 : vector<16xi1>, vector<16xf32>
      %max3A_565 = arith.maximumf %max3A_462, %select_n3A_564 : vector<16xf32>
      %mul3A_566 = arith.constant 16 : i32
      %mul3A_567 = arith.muli %scan3A_476, %mul3A_566 : i32
      %get3A_568 = arith.constant 7 : i32
      %get3A_569 = arith.index_cast %get3A_568 : i32 to index
      %get3A_570 = arith.index_cast %mul3A_567 : i32 to index
      %get3A_571 = tpu.vector_load %arg6[%get3A_569, %get3A_570] {strides = array<i32>} : memref<8x1024xf32, #tpu.memory_space<vmem>>, vector<1x16xf32>,
      %get3A_572 = vector.shape_cast %get3A_571 : vector<1x16xf32> to vector<16xf32>
      %gt3A_573 = arith.cmpf ogt, %get3A_572, %select_n3A_471 : vector<16xf32>
      %select_n3A_574 = arith.select %gt3A_573, %get3A_572, %select_n3A_471 : vector<16xi1>, vector<16xf32>
      %select_n3A_575 = arith.select %gt3A_573, %add3A_481, %select_n3A_472 : vector<16xi1>, vector<16xi32>
      %select_n3A_576 = arith.select %gt3A_573, %select_n3A_471, %get3A_572 : vector<16xi1>, vector<16xf32>
      %max3A_577 = arith.maximumf %max3A_474, %select_n3A_576 : vector<16xf32>
      %scan3A_578 = arith.constant 3 : i32
      %scan3A_579 = arith.addi %scan3A_250, %scan3A_578 : i32
      %mul3A_580 = arith.constant 16 : i32
      %mul3A_581 = arith.muli %scan3A_579, %mul3A_580 : i32
      %add3A_582 = arith.addi %add3A_72, %mul3A_581 : i32
      %add3A_583 = vector.broadcast %add3A_582 : i32 to vector<16xi32>
      %add3A_584 = arith.addi %add3A_583, %iota3A : vector<16xi32>
      %mul3A_585 = arith.constant 16 : i32
      %mul3A_586 = arith.muli %scan3A_579, %mul3A_585 : i32
      %get3A_587 = arith.constant 0 : i32
      %get3A_588 = arith.index_cast %get3A_587 : i32 to index
      %get3A_589 = arith.index_cast %mul3A_586 : i32 to index
      %get3A_590 = tpu.vector_load %arg6[%get3A_588, %get3A_589] {strides = array<i32>} : memref<8x1024xf32, #tpu.memory_space<vmem>>, vector<1x16xf32>,
      %get3A_591 = vector.shape_cast %get3A_590 : vector<1x16xf32> to vector<16xf32>
      %gt3A_592 = arith.cmpf ogt, %get3A_591, %select_n3A_490 : vector<16xf32>
      %select_n3A_593 = arith.select %gt3A_592, %get3A_591, %select_n3A_490 : vector<16xi1>, vector<16xf32>
      %select_n3A_594 = arith.select %gt3A_592, %add3A_584, %select_n3A_491 : vector<16xi1>, vector<16xi32>
      %select_n3A_595 = arith.select %gt3A_592, %select_n3A_490, %get3A_591 : vector<16xi1>, vector<16xf32>
      %max3A_596 = arith.maximumf %max3A_493, %select_n3A_595 : vector<16xf32>
      %mul3A_597 = arith.constant 16 : i32
      %mul3A_598 = arith.muli %scan3A_579, %mul3A_597 : i32
      %get3A_599 = arith.constant 1 : i32
      %get3A_600 = arith.index_cast %get3A_599 : i32 to index
      %get3A_601 = arith.index_cast %mul3A_598 : i32 to index
      %get3A_602 = tpu.vector_load %arg6[%get3A_600, %get3A_601] {strides = array<i32>} : memref<8x1024xf32, #tpu.memory_space<vmem>>, vector<1x16xf32>,
      %get3A_603 = vector.shape_cast %get3A_602 : vector<1x16xf32> to vector<16xf32>
      %gt3A_604 = arith.cmpf ogt, %get3A_603, %select_n3A_502 : vector<16xf32>
      %select_n3A_605 = arith.select %gt3A_604, %get3A_603, %select_n3A_502 : vector<16xi1>, vector<16xf32>
      %select_n3A_606 = arith.select %gt3A_604, %add3A_584, %select_n3A_503 : vector<16xi1>, vector<16xi32>
      %select_n3A_607 = arith.select %gt3A_604, %select_n3A_502, %get3A_603 : vector<16xi1>, vector<16xf32>
      %max3A_608 = arith.maximumf %max3A_505, %select_n3A_607 : vector<16xf32>
      %mul3A_609 = arith.constant 16 : i32
      %mul3A_610 = arith.muli %scan3A_579, %mul3A_609 : i32
      %get3A_611 = arith.constant 2 : i32
      %get3A_612 = arith.index_cast %get3A_611 : i32 to index
      %get3A_613 = arith.index_cast %mul3A_610 : i32 to index
      %get3A_614 = tpu.vector_load %arg6[%get3A_612, %get3A_613] {strides = array<i32>} : memref<8x1024xf32, #tpu.memory_space<vmem>>, vector<1x16xf32>,
      %get3A_615 = vector.shape_cast %get3A_614 : vector<1x16xf32> to vector<16xf32>
      %gt3A_616 = arith.cmpf ogt, %get3A_615, %select_n3A_514 : vector<16xf32>
      %select_n3A_617 = arith.select %gt3A_616, %get3A_615, %select_n3A_514 : vector<16xi1>, vector<16xf32>
      %select_n3A_618 = arith.select %gt3A_616, %add3A_584, %select_n3A_515 : vector<16xi1>, vector<16xi32>
      %select_n3A_619 = arith.select %gt3A_616, %select_n3A_514, %get3A_615 : vector<16xi1>, vector<16xf32>
      %max3A_620 = arith.maximumf %max3A_517, %select_n3A_619 : vector<16xf32>
      %mul3A_621 = arith.constant 16 : i32
      %mul3A_622 = arith.muli %scan3A_579, %mul3A_621 : i32
      %get3A_623 = arith.constant 3 : i32
      %get3A_624 = arith.index_cast %get3A_623 : i32 to index
      %get3A_625 = arith.index_cast %mul3A_622 : i32 to index
      %get3A_626 = tpu.vector_load %arg6[%get3A_624, %get3A_625] {strides = array<i32>} : memref<8x1024xf32, #tpu.memory_space<vmem>>, vector<1x16xf32>,
      %get3A_627 = vector.shape_cast %get3A_626 : vector<1x16xf32> to vector<16xf32>
      %gt3A_628 = arith.cmpf ogt, %get3A_627, %select_n3A_526 : vector<16xf32>
      %select_n3A_629 = arith.select %gt3A_628, %get3A_627, %select_n3A_526 : vector<16xi1>, vector<16xf32>
      %select_n3A_630 = arith.select %gt3A_628, %add3A_584, %select_n3A_527 : vector<16xi1>, vector<16xi32>
      %select_n3A_631 = arith.select %gt3A_628, %select_n3A_526, %get3A_627 : vector<16xi1>, vector<16xf32>
      %max3A_632 = arith.maximumf %max3A_529, %select_n3A_631 : vector<16xf32>
      %mul3A_633 = arith.constant 16 : i32
      %mul3A_634 = arith.muli %scan3A_579, %mul3A_633 : i32
      %get3A_635 = arith.constant 4 : i32
      %get3A_636 = arith.index_cast %get3A_635 : i32 to index
      %get3A_637 = arith.index_cast %mul3A_634 : i32 to index
      %get3A_638 = tpu.vector_load %arg6[%get3A_636, %get3A_637] {strides = array<i32>} : memref<8x1024xf32, #tpu.memory_space<vmem>>, vector<1x16xf32>,
      %get3A_639 = vector.shape_cast %get3A_638 : vector<1x16xf32> to vector<16xf32>
      %gt3A_640 = arith.cmpf ogt, %get3A_639, %select_n3A_538 : vector<16xf32>
      %select_n3A_641 = arith.select %gt3A_640, %get3A_639, %select_n3A_538 : vector<16xi1>, vector<16xf32>
      %select_n3A_642 = arith.select %gt3A_640, %add3A_584, %select_n3A_539 : vector<16xi1>, vector<16xi32>
      %select_n3A_643 = arith.select %gt3A_640, %select_n3A_538, %get3A_639 : vector<16xi1>, vector<16xf32>
      %max3A_644 = arith.maximumf %max3A_541, %select_n3A_643 : vector<16xf32>
      %mul3A_645 = arith.constant 16 : i32
      %mul3A_646 = arith.muli %scan3A_579, %mul3A_645 : i32
      %get3A_647 = arith.constant 5 : i32
      %get3A_648 = arith.index_cast %get3A_647 : i32 to index
      %get3A_649 = arith.index_cast %mul3A_646 : i32 to index
      %get3A_650 = tpu.vector_load %arg6[%get3A_648, %get3A_649] {strides = array<i32>} : memref<8x1024xf32, #tpu.memory_space<vmem>>, vector<1x16xf32>,
      %get3A_651 = vector.shape_cast %get3A_650 : vector<1x16xf32> to vector<16xf32>
      %gt3A_652 = arith.cmpf ogt, %get3A_651, %select_n3A_550 : vector<16xf32>
      %select_n3A_653 = arith.select %gt3A_652, %get3A_651, %select_n3A_550 : vector<16xi1>, vector<16xf32>
      %select_n3A_654 = arith.select %gt3A_652, %add3A_584, %select_n3A_551 : vector<16xi1>, vector<16xi32>
      %select_n3A_655 = arith.select %gt3A_652, %select_n3A_550, %get3A_651 : vector<16xi1>, vector<16xf32>
      %max3A_656 = arith.maximumf %max3A_553, %select_n3A_655 : vector<16xf32>
      %mul3A_657 = arith.constant 16 : i32
      %mul3A_658 = arith.muli %scan3A_579, %mul3A_657 : i32
      %get3A_659 = arith.constant 6 : i32
      %get3A_660 = arith.index_cast %get3A_659 : i32 to index
      %get3A_661 = arith.index_cast %mul3A_658 : i32 to index
      %get3A_662 = tpu.vector_load %arg6[%get3A_660, %get3A_661] {strides = array<i32>} : memref<8x1024xf32, #tpu.memory_space<vmem>>, vector<1x16xf32>,
      %get3A_663 = vector.shape_cast %get3A_662 : vector<1x16xf32> to vector<16xf32>
      %gt3A_664 = arith.cmpf ogt, %get3A_663, %select_n3A_562 : vector<16xf32>
      %select_n3A_665 = arith.select %gt3A_664, %get3A_663, %select_n3A_562 : vector<16xi1>, vector<16xf32>
      %select_n3A_666 = arith.select %gt3A_664, %add3A_584, %select_n3A_563 : vector<16xi1>, vector<16xi32>
      %select_n3A_667 = arith.select %gt3A_664, %select_n3A_562, %get3A_663 : vector<16xi1>, vector<16xf32>
      %max3A_668 = arith.maximumf %max3A_565, %select_n3A_667 : vector<16xf32>
      %mul3A_669 = arith.constant 16 : i32
      %mul3A_670 = arith.muli %scan3A_579, %mul3A_669 : i32
      %get3A_671 = arith.constant 7 : i32
      %get3A_672 = arith.index_cast %get3A_671 : i32 to index
      %get3A_673 = arith.index_cast %mul3A_670 : i32 to index
      %get3A_674 = tpu.vector_load %arg6[%get3A_672, %get3A_673] {strides = array<i32>} : memref<8x1024xf32, #tpu.memory_space<vmem>>, vector<1x16xf32>,
      %get3A_675 = vector.shape_cast %get3A_674 : vector<1x16xf32> to vector<16xf32>
      %gt3A_676 = arith.cmpf ogt, %get3A_675, %select_n3A_574 : vector<16xf32>
      %select_n3A_677 = arith.select %gt3A_676, %get3A_675, %select_n3A_574 : vector<16xi1>, vector<16xf32>
      %select_n3A_678 = arith.select %gt3A_676, %add3A_584, %select_n3A_575 : vector<16xi1>, vector<16xi32>
      %select_n3A_679 = arith.select %gt3A_676, %select_n3A_574, %get3A_675 : vector<16xi1>, vector<16xf32>
      %max3A_680 = arith.maximumf %max3A_577, %select_n3A_679 : vector<16xf32>
      scf.yield %select_n3A_593, %select_n3A_594, %max3A_596, %select_n3A_605, %select_n3A_606, %max3A_608, %select_n3A_617, %select_n3A_618, %max3A_620, %select_n3A_629, %select_n3A_630, %max3A_632, %select_n3A_641, %select_n3A_642, %max3A_644, %select_n3A_653, %select_n3A_654, %max3A_656, %select_n3A_665, %select_n3A_666, %max3A_668, %select_n3A_677, %select_n3A_678, %max3A_680 : vector<16xf32>, vector<16xi32>, vector<16xf32>, vector<16xf32>, vector<16xi32>, vector<16xf32>, vector<16xf32>, vector<16xi32>, vector<16xf32>, vector<16xf32>, vector<16xi32>, vector<16xf32>, vector<16xf32>, vector<16xi32>, vector<16xf32>, vector<16xf32>, vector<16xi32>, vector<16xf32>, vector<16xf32>, vector<16xi32>, vector<16xf32>, vector<16xf32>, vector<16xi32>, vector<16xf32>
    }
    %scan3A_78 = arith.constant 64 : i32
    %add3A_79 = arith.constant 29696 : i32
    %add3A_80 = arith.addi %mul3A_2, %add3A_79 : i32
    %dma_wait3A_81 = arith.constant 24 : i32
    %dma_wait3A_82 = tpu.memref_slice %arg2[%dma_wait3A_81, %add3A_80] : memref<32x1000000xf32, #tpu.memory_space<hbm>> -> memref<8x1024xf32, #tpu.memory_space<hbm>>
    %dma_wait3A_83 = arith.constant 24 : i32
    %dma_wait3A_84 = tpu.memref_slice %arg2[%dma_wait3A_83, %add3A_80] : memref<32x1000000xf32, #tpu.memory_space<hbm>> -> memref<8x1024xf32, #tpu.memory_space<hbm>>
    tpu.wait_dma2 semaphore(%arg13 : memref<!tpu.dma_semaphore, #tpu.memory_space<semaphore_mem>>) src(%dma_wait3A_84 : memref<8x1024xf32, #tpu.memory_space<hbm>>) dst(%arg7 : memref<8x1024xf32, #tpu.memory_space<vmem>>)
    %add3A_85 = arith.constant 29696 : i32
    %add3A_86 = arith.addi %mul3A_2, %add3A_85 : i32
    %scan3A_87 = arith.constant 0 : i32
    %scan3A_88 = arith.constant 64 : i32
    %scan3A_89 = arith.addi %scan3A_87, %scan3A_88 : i32
    %scan3A_90 = arith.constant 4 : i32
    %scan3A_91:24 = scf.for %scan3A_250 = %scan3A_87 to %scan3A_89 step %scan3A_90 iter_args(%scan3A_251 = %scan3A_77#0, %scan3A_252 = %scan3A_77#1, %scan3A_253 = %scan3A_77#2, %scan3A_254 = %scan3A_77#3, %scan3A_255 = %scan3A_77#4, %scan3A_256 = %scan3A_77#5, %scan3A_257 = %scan3A_77#6, %scan3A_258 = %scan3A_77#7, %scan3A_259 = %scan3A_77#8, %scan3A_260 = %scan3A_77#9, %scan3A_261 = %scan3A_77#10, %scan3A_262 = %scan3A_77#11, %scan3A_263 = %scan3A_77#12, %scan3A_264 = %scan3A_77#13, %scan3A_265 = %scan3A_77#14, %scan3A_266 = %scan3A_77#15, %scan3A_267 = %scan3A_77#16, %scan3A_268 = %scan3A_77#17, %scan3A_269 = %scan3A_77#18, %scan3A_270 = %scan3A_77#19, %scan3A_271 = %scan3A_77#20, %scan3A_272 = %scan3A_77#21, %scan3A_273 = %scan3A_77#22, %scan3A_274 = %scan3A_77#23) -> (vector<16xf32>, vector<16xi32>, vector<16xf32>, vector<16xf32>, vector<16xi32>, vector<16xf32>, vector<16xf32>, vector<16xi32>, vector<16xf32>, vector<16xf32>, vector<16xi32>, vector<16xf32>, vector<16xf32>, vector<16xi32>, vector<16xf32>, vector<16xf32>, vector<16xi32>, vector<16xf32>, vector<16xf32>, vector<16xi32>, vector<16xf32>, vector<16xf32>, vector<16xi32>, vector<16xf32>)  : i32 {
      %mul3A_275 = arith.constant 16 : i32
      %mul3A_276 = arith.muli %scan3A_250, %mul3A_275 : i32
      %add3A_277 = arith.addi %add3A_86, %mul3A_276 : i32
      %add3A_278 = vector.broadcast %add3A_277 : i32 to vector<16xi32>
      %add3A_279 = arith.addi %add3A_278, %iota3A : vector<16xi32>
      %mul3A_280 = arith.constant 16 : i32
      %mul3A_281 = arith.muli %scan3A_250, %mul3A_280 : i32
      %get3A = arith.constant 0 : i32
      %get3A_282 = arith.index_cast %get3A : i32 to index
      %get3A_283 = arith.index_cast %mul3A_281 : i32 to index
      %get3A_284 = tpu.vector_load %arg7[%get3A_282, %get3A_283] {strides = array<i32>} : memref<8x1024xf32, #tpu.memory_space<vmem>>, vector<1x16xf32>,
      %get3A_285 = vector.shape_cast %get3A_284 : vector<1x16xf32> to vector<16xf32>
      %gt3A = arith.cmpf ogt, %get3A_285, %scan3A_251 : vector<16xf32>
      %select_n3A = arith.select %gt3A, %get3A_285, %scan3A_251 : vector<16xi1>, vector<16xf32>
      %select_n3A_286 = arith.select %gt3A, %add3A_279, %scan3A_252 : vector<16xi1>, vector<16xi32>
      %select_n3A_287 = arith.select %gt3A, %scan3A_251, %get3A_285 : vector<16xi1>, vector<16xf32>
      %max3A = arith.maximumf %scan3A_253, %select_n3A_287 : vector<16xf32>
      %mul3A_288 = arith.constant 16 : i32
      %mul3A_289 = arith.muli %scan3A_250, %mul3A_288 : i32
      %get3A_290 = arith.constant 1 : i32
      %get3A_291 = arith.index_cast %get3A_290 : i32 to index
      %get3A_292 = arith.index_cast %mul3A_289 : i32 to index
      %get3A_293 = tpu.vector_load %arg7[%get3A_291, %get3A_292] {strides = array<i32>} : memref<8x1024xf32, #tpu.memory_space<vmem>>, vector<1x16xf32>,
      %get3A_294 = vector.shape_cast %get3A_293 : vector<1x16xf32> to vector<16xf32>
      %gt3A_295 = arith.cmpf ogt, %get3A_294, %scan3A_254 : vector<16xf32>
      %select_n3A_296 = arith.select %gt3A_295, %get3A_294, %scan3A_254 : vector<16xi1>, vector<16xf32>
      %select_n3A_297 = arith.select %gt3A_295, %add3A_279, %scan3A_255 : vector<16xi1>, vector<16xi32>
      %select_n3A_298 = arith.select %gt3A_295, %scan3A_254, %get3A_294 : vector<16xi1>, vector<16xf32>
      %max3A_299 = arith.maximumf %scan3A_256, %select_n3A_298 : vector<16xf32>
      %mul3A_300 = arith.constant 16 : i32
      %mul3A_301 = arith.muli %scan3A_250, %mul3A_300 : i32
      %get3A_302 = arith.constant 2 : i32
      %get3A_303 = arith.index_cast %get3A_302 : i32 to index
      %get3A_304 = arith.index_cast %mul3A_301 : i32 to index
      %get3A_305 = tpu.vector_load %arg7[%get3A_303, %get3A_304] {strides = array<i32>} : memref<8x1024xf32, #tpu.memory_space<vmem>>, vector<1x16xf32>,
      %get3A_306 = vector.shape_cast %get3A_305 : vector<1x16xf32> to vector<16xf32>
      %gt3A_307 = arith.cmpf ogt, %get3A_306, %scan3A_257 : vector<16xf32>
      %select_n3A_308 = arith.select %gt3A_307, %get3A_306, %scan3A_257 : vector<16xi1>, vector<16xf32>
      %select_n3A_309 = arith.select %gt3A_307, %add3A_279, %scan3A_258 : vector<16xi1>, vector<16xi32>
      %select_n3A_310 = arith.select %gt3A_307, %scan3A_257, %get3A_306 : vector<16xi1>, vector<16xf32>
      %max3A_311 = arith.maximumf %scan3A_259, %select_n3A_310 : vector<16xf32>
      %mul3A_312 = arith.constant 16 : i32
      %mul3A_313 = arith.muli %scan3A_250, %mul3A_312 : i32
      %get3A_314 = arith.constant 3 : i32
      %get3A_315 = arith.index_cast %get3A_314 : i32 to index
      %get3A_316 = arith.index_cast %mul3A_313 : i32 to index
      %get3A_317 = tpu.vector_load %arg7[%get3A_315, %get3A_316] {strides = array<i32>} : memref<8x1024xf32, #tpu.memory_space<vmem>>, vector<1x16xf32>,
      %get3A_318 = vector.shape_cast %get3A_317 : vector<1x16xf32> to vector<16xf32>
      %gt3A_319 = arith.cmpf ogt, %get3A_318, %scan3A_260 : vector<16xf32>
      %select_n3A_320 = arith.select %gt3A_319, %get3A_318, %scan3A_260 : vector<16xi1>, vector<16xf32>
      %select_n3A_321 = arith.select %gt3A_319, %add3A_279, %scan3A_261 : vector<16xi1>, vector<16xi32>
      %select_n3A_322 = arith.select %gt3A_319, %scan3A_260, %get3A_318 : vector<16xi1>, vector<16xf32>
      %max3A_323 = arith.maximumf %scan3A_262, %select_n3A_322 : vector<16xf32>
      %mul3A_324 = arith.constant 16 : i32
      %mul3A_325 = arith.muli %scan3A_250, %mul3A_324 : i32
      %get3A_326 = arith.constant 4 : i32
      %get3A_327 = arith.index_cast %get3A_326 : i32 to index
      %get3A_328 = arith.index_cast %mul3A_325 : i32 to index
      %get3A_329 = tpu.vector_load %arg7[%get3A_327, %get3A_328] {strides = array<i32>} : memref<8x1024xf32, #tpu.memory_space<vmem>>, vector<1x16xf32>,
      %get3A_330 = vector.shape_cast %get3A_329 : vector<1x16xf32> to vector<16xf32>
      %gt3A_331 = arith.cmpf ogt, %get3A_330, %scan3A_263 : vector<16xf32>
      %select_n3A_332 = arith.select %gt3A_331, %get3A_330, %scan3A_263 : vector<16xi1>, vector<16xf32>
      %select_n3A_333 = arith.select %gt3A_331, %add3A_279, %scan3A_264 : vector<16xi1>, vector<16xi32>
      %select_n3A_334 = arith.select %gt3A_331, %scan3A_263, %get3A_330 : vector<16xi1>, vector<16xf32>
      %max3A_335 = arith.maximumf %scan3A_265, %select_n3A_334 : vector<16xf32>
      %mul3A_336 = arith.constant 16 : i32
      %mul3A_337 = arith.muli %scan3A_250, %mul3A_336 : i32
      %get3A_338 = arith.constant 5 : i32
      %get3A_339 = arith.index_cast %get3A_338 : i32 to index
      %get3A_340 = arith.index_cast %mul3A_337 : i32 to index
      %get3A_341 = tpu.vector_load %arg7[%get3A_339, %get3A_340] {strides = array<i32>} : memref<8x1024xf32, #tpu.memory_space<vmem>>, vector<1x16xf32>,
      %get3A_342 = vector.shape_cast %get3A_341 : vector<1x16xf32> to vector<16xf32>
      %gt3A_343 = arith.cmpf ogt, %get3A_342, %scan3A_266 : vector<16xf32>
      %select_n3A_344 = arith.select %gt3A_343, %get3A_342, %scan3A_266 : vector<16xi1>, vector<16xf32>
      %select_n3A_345 = arith.select %gt3A_343, %add3A_279, %scan3A_267 : vector<16xi1>, vector<16xi32>
      %select_n3A_346 = arith.select %gt3A_343, %scan3A_266, %get3A_342 : vector<16xi1>, vector<16xf32>
      %max3A_347 = arith.maximumf %scan3A_268, %select_n3A_346 : vector<16xf32>
      %mul3A_348 = arith.constant 16 : i32
      %mul3A_349 = arith.muli %scan3A_250, %mul3A_348 : i32
      %get3A_350 = arith.constant 6 : i32
      %get3A_351 = arith.index_cast %get3A_350 : i32 to index
      %get3A_352 = arith.index_cast %mul3A_349 : i32 to index
      %get3A_353 = tpu.vector_load %arg7[%get3A_351, %get3A_352] {strides = array<i32>} : memref<8x1024xf32, #tpu.memory_space<vmem>>, vector<1x16xf32>,
      %get3A_354 = vector.shape_cast %get3A_353 : vector<1x16xf32> to vector<16xf32>
      %gt3A_355 = arith.cmpf ogt, %get3A_354, %scan3A_269 : vector<16xf32>
      %select_n3A_356 = arith.select %gt3A_355, %get3A_354, %scan3A_269 : vector<16xi1>, vector<16xf32>
      %select_n3A_357 = arith.select %gt3A_355, %add3A_279, %scan3A_270 : vector<16xi1>, vector<16xi32>
      %select_n3A_358 = arith.select %gt3A_355, %scan3A_269, %get3A_354 : vector<16xi1>, vector<16xf32>
      %max3A_359 = arith.maximumf %scan3A_271, %select_n3A_358 : vector<16xf32>
      %mul3A_360 = arith.constant 16 : i32
      %mul3A_361 = arith.muli %scan3A_250, %mul3A_360 : i32
      %get3A_362 = arith.constant 7 : i32
      %get3A_363 = arith.index_cast %get3A_362 : i32 to index
      %get3A_364 = arith.index_cast %mul3A_361 : i32 to index
      %get3A_365 = tpu.vector_load %arg7[%get3A_363, %get3A_364] {strides = array<i32>} : memref<8x1024xf32, #tpu.memory_space<vmem>>, vector<1x16xf32>,
      %get3A_366 = vector.shape_cast %get3A_365 : vector<1x16xf32> to vector<16xf32>
      %gt3A_367 = arith.cmpf ogt, %get3A_366, %scan3A_272 : vector<16xf32>
      %select_n3A_368 = arith.select %gt3A_367, %get3A_366, %scan3A_272 : vector<16xi1>, vector<16xf32>
      %select_n3A_369 = arith.select %gt3A_367, %add3A_279, %scan3A_273 : vector<16xi1>, vector<16xi32>
      %select_n3A_370 = arith.select %gt3A_367, %scan3A_272, %get3A_366 : vector<16xi1>, vector<16xf32>
      %max3A_371 = arith.maximumf %scan3A_274, %select_n3A_370 : vector<16xf32>
      %scan3A_372 = arith.constant 1 : i32
      %scan3A_373 = arith.addi %scan3A_250, %scan3A_372 : i32
      %mul3A_374 = arith.constant 16 : i32
      %mul3A_375 = arith.muli %scan3A_373, %mul3A_374 : i32
      %add3A_376 = arith.addi %add3A_86, %mul3A_375 : i32
      %add3A_377 = vector.broadcast %add3A_376 : i32 to vector<16xi32>
      %add3A_378 = arith.addi %add3A_377, %iota3A : vector<16xi32>
      %mul3A_379 = arith.constant 16 : i32
      %mul3A_380 = arith.muli %scan3A_373, %mul3A_379 : i32
      %get3A_381 = arith.constant 0 : i32
      %get3A_382 = arith.index_cast %get3A_381 : i32 to index
      %get3A_383 = arith.index_cast %mul3A_380 : i32 to index
      %get3A_384 = tpu.vector_load %arg7[%get3A_382, %get3A_383] {strides = array<i32>} : memref<8x1024xf32, #tpu.memory_space<vmem>>, vector<1x16xf32>,
      %get3A_385 = vector.shape_cast %get3A_384 : vector<1x16xf32> to vector<16xf32>
      %gt3A_386 = arith.cmpf ogt, %get3A_385, %select_n3A : vector<16xf32>
      %select_n3A_387 = arith.select %gt3A_386, %get3A_385, %select_n3A : vector<16xi1>, vector<16xf32>
      %select_n3A_388 = arith.select %gt3A_386, %add3A_378, %select_n3A_286 : vector<16xi1>, vector<16xi32>
      %select_n3A_389 = arith.select %gt3A_386, %select_n3A, %get3A_385 : vector<16xi1>, vector<16xf32>
      %max3A_390 = arith.maximumf %max3A, %select_n3A_389 : vector<16xf32>
      %mul3A_391 = arith.constant 16 : i32
      %mul3A_392 = arith.muli %scan3A_373, %mul3A_391 : i32
      %get3A_393 = arith.constant 1 : i32
      %get3A_394 = arith.index_cast %get3A_393 : i32 to index
      %get3A_395 = arith.index_cast %mul3A_392 : i32 to index
      %get3A_396 = tpu.vector_load %arg7[%get3A_394, %get3A_395] {strides = array<i32>} : memref<8x1024xf32, #tpu.memory_space<vmem>>, vector<1x16xf32>,
      %get3A_397 = vector.shape_cast %get3A_396 : vector<1x16xf32> to vector<16xf32>
      %gt3A_398 = arith.cmpf ogt, %get3A_397, %select_n3A_296 : vector<16xf32>
      %select_n3A_399 = arith.select %gt3A_398, %get3A_397, %select_n3A_296 : vector<16xi1>, vector<16xf32>
      %select_n3A_400 = arith.select %gt3A_398, %add3A_378, %select_n3A_297 : vector<16xi1>, vector<16xi32>
      %select_n3A_401 = arith.select %gt3A_398, %select_n3A_296, %get3A_397 : vector<16xi1>, vector<16xf32>
      %max3A_402 = arith.maximumf %max3A_299, %select_n3A_401 : vector<16xf32>
      %mul3A_403 = arith.constant 16 : i32
      %mul3A_404 = arith.muli %scan3A_373, %mul3A_403 : i32
      %get3A_405 = arith.constant 2 : i32
      %get3A_406 = arith.index_cast %get3A_405 : i32 to index
      %get3A_407 = arith.index_cast %mul3A_404 : i32 to index
      %get3A_408 = tpu.vector_load %arg7[%get3A_406, %get3A_407] {strides = array<i32>} : memref<8x1024xf32, #tpu.memory_space<vmem>>, vector<1x16xf32>,
      %get3A_409 = vector.shape_cast %get3A_408 : vector<1x16xf32> to vector<16xf32>
      %gt3A_410 = arith.cmpf ogt, %get3A_409, %select_n3A_308 : vector<16xf32>
      %select_n3A_411 = arith.select %gt3A_410, %get3A_409, %select_n3A_308 : vector<16xi1>, vector<16xf32>
      %select_n3A_412 = arith.select %gt3A_410, %add3A_378, %select_n3A_309 : vector<16xi1>, vector<16xi32>
      %select_n3A_413 = arith.select %gt3A_410, %select_n3A_308, %get3A_409 : vector<16xi1>, vector<16xf32>
      %max3A_414 = arith.maximumf %max3A_311, %select_n3A_413 : vector<16xf32>
      %mul3A_415 = arith.constant 16 : i32
      %mul3A_416 = arith.muli %scan3A_373, %mul3A_415 : i32
      %get3A_417 = arith.constant 3 : i32
      %get3A_418 = arith.index_cast %get3A_417 : i32 to index
      %get3A_419 = arith.index_cast %mul3A_416 : i32 to index
      %get3A_420 = tpu.vector_load %arg7[%get3A_418, %get3A_419] {strides = array<i32>} : memref<8x1024xf32, #tpu.memory_space<vmem>>, vector<1x16xf32>,
      %get3A_421 = vector.shape_cast %get3A_420 : vector<1x16xf32> to vector<16xf32>
      %gt3A_422 = arith.cmpf ogt, %get3A_421, %select_n3A_320 : vector<16xf32>
      %select_n3A_423 = arith.select %gt3A_422, %get3A_421, %select_n3A_320 : vector<16xi1>, vector<16xf32>
      %select_n3A_424 = arith.select %gt3A_422, %add3A_378, %select_n3A_321 : vector<16xi1>, vector<16xi32>
      %select_n3A_425 = arith.select %gt3A_422, %select_n3A_320, %get3A_421 : vector<16xi1>, vector<16xf32>
      %max3A_426 = arith.maximumf %max3A_323, %select_n3A_425 : vector<16xf32>
      %mul3A_427 = arith.constant 16 : i32
      %mul3A_428 = arith.muli %scan3A_373, %mul3A_427 : i32
      %get3A_429 = arith.constant 4 : i32
      %get3A_430 = arith.index_cast %get3A_429 : i32 to index
      %get3A_431 = arith.index_cast %mul3A_428 : i32 to index
      %get3A_432 = tpu.vector_load %arg7[%get3A_430, %get3A_431] {strides = array<i32>} : memref<8x1024xf32, #tpu.memory_space<vmem>>, vector<1x16xf32>,
      %get3A_433 = vector.shape_cast %get3A_432 : vector<1x16xf32> to vector<16xf32>
      %gt3A_434 = arith.cmpf ogt, %get3A_433, %select_n3A_332 : vector<16xf32>
      %select_n3A_435 = arith.select %gt3A_434, %get3A_433, %select_n3A_332 : vector<16xi1>, vector<16xf32>
      %select_n3A_436 = arith.select %gt3A_434, %add3A_378, %select_n3A_333 : vector<16xi1>, vector<16xi32>
      %select_n3A_437 = arith.select %gt3A_434, %select_n3A_332, %get3A_433 : vector<16xi1>, vector<16xf32>
      %max3A_438 = arith.maximumf %max3A_335, %select_n3A_437 : vector<16xf32>
      %mul3A_439 = arith.constant 16 : i32
      %mul3A_440 = arith.muli %scan3A_373, %mul3A_439 : i32
      %get3A_441 = arith.constant 5 : i32
      %get3A_442 = arith.index_cast %get3A_441 : i32 to index
      %get3A_443 = arith.index_cast %mul3A_440 : i32 to index
      %get3A_444 = tpu.vector_load %arg7[%get3A_442, %get3A_443] {strides = array<i32>} : memref<8x1024xf32, #tpu.memory_space<vmem>>, vector<1x16xf32>,
      %get3A_445 = vector.shape_cast %get3A_444 : vector<1x16xf32> to vector<16xf32>
      %gt3A_446 = arith.cmpf ogt, %get3A_445, %select_n3A_344 : vector<16xf32>
      %select_n3A_447 = arith.select %gt3A_446, %get3A_445, %select_n3A_344 : vector<16xi1>, vector<16xf32>
      %select_n3A_448 = arith.select %gt3A_446, %add3A_378, %select_n3A_345 : vector<16xi1>, vector<16xi32>
      %select_n3A_449 = arith.select %gt3A_446, %select_n3A_344, %get3A_445 : vector<16xi1>, vector<16xf32>
      %max3A_450 = arith.maximumf %max3A_347, %select_n3A_449 : vector<16xf32>
      %mul3A_451 = arith.constant 16 : i32
      %mul3A_452 = arith.muli %scan3A_373, %mul3A_451 : i32
      %get3A_453 = arith.constant 6 : i32
      %get3A_454 = arith.index_cast %get3A_453 : i32 to index
      %get3A_455 = arith.index_cast %mul3A_452 : i32 to index
      %get3A_456 = tpu.vector_load %arg7[%get3A_454, %get3A_455] {strides = array<i32>} : memref<8x1024xf32, #tpu.memory_space<vmem>>, vector<1x16xf32>,
      %get3A_457 = vector.shape_cast %get3A_456 : vector<1x16xf32> to vector<16xf32>
      %gt3A_458 = arith.cmpf ogt, %get3A_457, %select_n3A_356 : vector<16xf32>
      %select_n3A_459 = arith.select %gt3A_458, %get3A_457, %select_n3A_356 : vector<16xi1>, vector<16xf32>
      %select_n3A_460 = arith.select %gt3A_458, %add3A_378, %select_n3A_357 : vector<16xi1>, vector<16xi32>
      %select_n3A_461 = arith.select %gt3A_458, %select_n3A_356, %get3A_457 : vector<16xi1>, vector<16xf32>
      %max3A_462 = arith.maximumf %max3A_359, %select_n3A_461 : vector<16xf32>
      %mul3A_463 = arith.constant 16 : i32
      %mul3A_464 = arith.muli %scan3A_373, %mul3A_463 : i32
      %get3A_465 = arith.constant 7 : i32
      %get3A_466 = arith.index_cast %get3A_465 : i32 to index
      %get3A_467 = arith.index_cast %mul3A_464 : i32 to index
      %get3A_468 = tpu.vector_load %arg7[%get3A_466, %get3A_467] {strides = array<i32>} : memref<8x1024xf32, #tpu.memory_space<vmem>>, vector<1x16xf32>,
      %get3A_469 = vector.shape_cast %get3A_468 : vector<1x16xf32> to vector<16xf32>
      %gt3A_470 = arith.cmpf ogt, %get3A_469, %select_n3A_368 : vector<16xf32>
      %select_n3A_471 = arith.select %gt3A_470, %get3A_469, %select_n3A_368 : vector<16xi1>, vector<16xf32>
      %select_n3A_472 = arith.select %gt3A_470, %add3A_378, %select_n3A_369 : vector<16xi1>, vector<16xi32>
      %select_n3A_473 = arith.select %gt3A_470, %select_n3A_368, %get3A_469 : vector<16xi1>, vector<16xf32>
      %max3A_474 = arith.maximumf %max3A_371, %select_n3A_473 : vector<16xf32>
      %scan3A_475 = arith.constant 2 : i32
      %scan3A_476 = arith.addi %scan3A_250, %scan3A_475 : i32
      %mul3A_477 = arith.constant 16 : i32
      %mul3A_478 = arith.muli %scan3A_476, %mul3A_477 : i32
      %add3A_479 = arith.addi %add3A_86, %mul3A_478 : i32
      %add3A_480 = vector.broadcast %add3A_479 : i32 to vector<16xi32>
      %add3A_481 = arith.addi %add3A_480, %iota3A : vector<16xi32>
      %mul3A_482 = arith.constant 16 : i32
      %mul3A_483 = arith.muli %scan3A_476, %mul3A_482 : i32
      %get3A_484 = arith.constant 0 : i32
      %get3A_485 = arith.index_cast %get3A_484 : i32 to index
      %get3A_486 = arith.index_cast %mul3A_483 : i32 to index
      %get3A_487 = tpu.vector_load %arg7[%get3A_485, %get3A_486] {strides = array<i32>} : memref<8x1024xf32, #tpu.memory_space<vmem>>, vector<1x16xf32>,
      %get3A_488 = vector.shape_cast %get3A_487 : vector<1x16xf32> to vector<16xf32>
      %gt3A_489 = arith.cmpf ogt, %get3A_488, %select_n3A_387 : vector<16xf32>
      %select_n3A_490 = arith.select %gt3A_489, %get3A_488, %select_n3A_387 : vector<16xi1>, vector<16xf32>
      %select_n3A_491 = arith.select %gt3A_489, %add3A_481, %select_n3A_388 : vector<16xi1>, vector<16xi32>
      %select_n3A_492 = arith.select %gt3A_489, %select_n3A_387, %get3A_488 : vector<16xi1>, vector<16xf32>
      %max3A_493 = arith.maximumf %max3A_390, %select_n3A_492 : vector<16xf32>
      %mul3A_494 = arith.constant 16 : i32
      %mul3A_495 = arith.muli %scan3A_476, %mul3A_494 : i32
      %get3A_496 = arith.constant 1 : i32
      %get3A_497 = arith.index_cast %get3A_496 : i32 to index
      %get3A_498 = arith.index_cast %mul3A_495 : i32 to index
      %get3A_499 = tpu.vector_load %arg7[%get3A_497, %get3A_498] {strides = array<i32>} : memref<8x1024xf32, #tpu.memory_space<vmem>>, vector<1x16xf32>,
      %get3A_500 = vector.shape_cast %get3A_499 : vector<1x16xf32> to vector<16xf32>
      %gt3A_501 = arith.cmpf ogt, %get3A_500, %select_n3A_399 : vector<16xf32>
      %select_n3A_502 = arith.select %gt3A_501, %get3A_500, %select_n3A_399 : vector<16xi1>, vector<16xf32>
      %select_n3A_503 = arith.select %gt3A_501, %add3A_481, %select_n3A_400 : vector<16xi1>, vector<16xi32>
      %select_n3A_504 = arith.select %gt3A_501, %select_n3A_399, %get3A_500 : vector<16xi1>, vector<16xf32>
      %max3A_505 = arith.maximumf %max3A_402, %select_n3A_504 : vector<16xf32>
      %mul3A_506 = arith.constant 16 : i32
      %mul3A_507 = arith.muli %scan3A_476, %mul3A_506 : i32
      %get3A_508 = arith.constant 2 : i32
      %get3A_509 = arith.index_cast %get3A_508 : i32 to index
      %get3A_510 = arith.index_cast %mul3A_507 : i32 to index
      %get3A_511 = tpu.vector_load %arg7[%get3A_509, %get3A_510] {strides = array<i32>} : memref<8x1024xf32, #tpu.memory_space<vmem>>, vector<1x16xf32>,
      %get3A_512 = vector.shape_cast %get3A_511 : vector<1x16xf32> to vector<16xf32>
      %gt3A_513 = arith.cmpf ogt, %get3A_512, %select_n3A_411 : vector<16xf32>
      %select_n3A_514 = arith.select %gt3A_513, %get3A_512, %select_n3A_411 : vector<16xi1>, vector<16xf32>
      %select_n3A_515 = arith.select %gt3A_513, %add3A_481, %select_n3A_412 : vector<16xi1>, vector<16xi32>
      %select_n3A_516 = arith.select %gt3A_513, %select_n3A_411, %get3A_512 : vector<16xi1>, vector<16xf32>
      %max3A_517 = arith.maximumf %max3A_414, %select_n3A_516 : vector<16xf32>
      %mul3A_518 = arith.constant 16 : i32
      %mul3A_519 = arith.muli %scan3A_476, %mul3A_518 : i32
      %get3A_520 = arith.constant 3 : i32
      %get3A_521 = arith.index_cast %get3A_520 : i32 to index
      %get3A_522 = arith.index_cast %mul3A_519 : i32 to index
      %get3A_523 = tpu.vector_load %arg7[%get3A_521, %get3A_522] {strides = array<i32>} : memref<8x1024xf32, #tpu.memory_space<vmem>>, vector<1x16xf32>,
      %get3A_524 = vector.shape_cast %get3A_523 : vector<1x16xf32> to vector<16xf32>
      %gt3A_525 = arith.cmpf ogt, %get3A_524, %select_n3A_423 : vector<16xf32>
      %select_n3A_526 = arith.select %gt3A_525, %get3A_524, %select_n3A_423 : vector<16xi1>, vector<16xf32>
      %select_n3A_527 = arith.select %gt3A_525, %add3A_481, %select_n3A_424 : vector<16xi1>, vector<16xi32>
      %select_n3A_528 = arith.select %gt3A_525, %select_n3A_423, %get3A_524 : vector<16xi1>, vector<16xf32>
      %max3A_529 = arith.maximumf %max3A_426, %select_n3A_528 : vector<16xf32>
      %mul3A_530 = arith.constant 16 : i32
      %mul3A_531 = arith.muli %scan3A_476, %mul3A_530 : i32
      %get3A_532 = arith.constant 4 : i32
      %get3A_533 = arith.index_cast %get3A_532 : i32 to index
      %get3A_534 = arith.index_cast %mul3A_531 : i32 to index
      %get3A_535 = tpu.vector_load %arg7[%get3A_533, %get3A_534] {strides = array<i32>} : memref<8x1024xf32, #tpu.memory_space<vmem>>, vector<1x16xf32>,
      %get3A_536 = vector.shape_cast %get3A_535 : vector<1x16xf32> to vector<16xf32>
      %gt3A_537 = arith.cmpf ogt, %get3A_536, %select_n3A_435 : vector<16xf32>
      %select_n3A_538 = arith.select %gt3A_537, %get3A_536, %select_n3A_435 : vector<16xi1>, vector<16xf32>
      %select_n3A_539 = arith.select %gt3A_537, %add3A_481, %select_n3A_436 : vector<16xi1>, vector<16xi32>
      %select_n3A_540 = arith.select %gt3A_537, %select_n3A_435, %get3A_536 : vector<16xi1>, vector<16xf32>
      %max3A_541 = arith.maximumf %max3A_438, %select_n3A_540 : vector<16xf32>
      %mul3A_542 = arith.constant 16 : i32
      %mul3A_543 = arith.muli %scan3A_476, %mul3A_542 : i32
      %get3A_544 = arith.constant 5 : i32
      %get3A_545 = arith.index_cast %get3A_544 : i32 to index
      %get3A_546 = arith.index_cast %mul3A_543 : i32 to index
      %get3A_547 = tpu.vector_load %arg7[%get3A_545, %get3A_546] {strides = array<i32>} : memref<8x1024xf32, #tpu.memory_space<vmem>>, vector<1x16xf32>,
      %get3A_548 = vector.shape_cast %get3A_547 : vector<1x16xf32> to vector<16xf32>
      %gt3A_549 = arith.cmpf ogt, %get3A_548, %select_n3A_447 : vector<16xf32>
      %select_n3A_550 = arith.select %gt3A_549, %get3A_548, %select_n3A_447 : vector<16xi1>, vector<16xf32>
      %select_n3A_551 = arith.select %gt3A_549, %add3A_481, %select_n3A_448 : vector<16xi1>, vector<16xi32>
      %select_n3A_552 = arith.select %gt3A_549, %select_n3A_447, %get3A_548 : vector<16xi1>, vector<16xf32>
      %max3A_553 = arith.maximumf %max3A_450, %select_n3A_552 : vector<16xf32>
      %mul3A_554 = arith.constant 16 : i32
      %mul3A_555 = arith.muli %scan3A_476, %mul3A_554 : i32
      %get3A_556 = arith.constant 6 : i32
      %get3A_557 = arith.index_cast %get3A_556 : i32 to index
      %get3A_558 = arith.index_cast %mul3A_555 : i32 to index
      %get3A_559 = tpu.vector_load %arg7[%get3A_557, %get3A_558] {strides = array<i32>} : memref<8x1024xf32, #tpu.memory_space<vmem>>, vector<1x16xf32>,
      %get3A_560 = vector.shape_cast %get3A_559 : vector<1x16xf32> to vector<16xf32>
      %gt3A_561 = arith.cmpf ogt, %get3A_560, %select_n3A_459 : vector<16xf32>
      %select_n3A_562 = arith.select %gt3A_561, %get3A_560, %select_n3A_459 : vector<16xi1>, vector<16xf32>
      %select_n3A_563 = arith.select %gt3A_561, %add3A_481, %select_n3A_460 : vector<16xi1>, vector<16xi32>
      %select_n3A_564 = arith.select %gt3A_561, %select_n3A_459, %get3A_560 : vector<16xi1>, vector<16xf32>
      %max3A_565 = arith.maximumf %max3A_462, %select_n3A_564 : vector<16xf32>
      %mul3A_566 = arith.constant 16 : i32
      %mul3A_567 = arith.muli %scan3A_476, %mul3A_566 : i32
      %get3A_568 = arith.constant 7 : i32
      %get3A_569 = arith.index_cast %get3A_568 : i32 to index
      %get3A_570 = arith.index_cast %mul3A_567 : i32 to index
      %get3A_571 = tpu.vector_load %arg7[%get3A_569, %get3A_570] {strides = array<i32>} : memref<8x1024xf32, #tpu.memory_space<vmem>>, vector<1x16xf32>,
      %get3A_572 = vector.shape_cast %get3A_571 : vector<1x16xf32> to vector<16xf32>
      %gt3A_573 = arith.cmpf ogt, %get3A_572, %select_n3A_471 : vector<16xf32>
      %select_n3A_574 = arith.select %gt3A_573, %get3A_572, %select_n3A_471 : vector<16xi1>, vector<16xf32>
      %select_n3A_575 = arith.select %gt3A_573, %add3A_481, %select_n3A_472 : vector<16xi1>, vector<16xi32>
      %select_n3A_576 = arith.select %gt3A_573, %select_n3A_471, %get3A_572 : vector<16xi1>, vector<16xf32>
      %max3A_577 = arith.maximumf %max3A_474, %select_n3A_576 : vector<16xf32>
      %scan3A_578 = arith.constant 3 : i32
      %scan3A_579 = arith.addi %scan3A_250, %scan3A_578 : i32
      %mul3A_580 = arith.constant 16 : i32
      %mul3A_581 = arith.muli %scan3A_579, %mul3A_580 : i32
      %add3A_582 = arith.addi %add3A_86, %mul3A_581 : i32
      %add3A_583 = vector.broadcast %add3A_582 : i32 to vector<16xi32>
      %add3A_584 = arith.addi %add3A_583, %iota3A : vector<16xi32>
      %mul3A_585 = arith.constant 16 : i32
      %mul3A_586 = arith.muli %scan3A_579, %mul3A_585 : i32
      %get3A_587 = arith.constant 0 : i32
      %get3A_588 = arith.index_cast %get3A_587 : i32 to index
      %get3A_589 = arith.index_cast %mul3A_586 : i32 to index
      %get3A_590 = tpu.vector_load %arg7[%get3A_588, %get3A_589] {strides = array<i32>} : memref<8x1024xf32, #tpu.memory_space<vmem>>, vector<1x16xf32>,
      %get3A_591 = vector.shape_cast %get3A_590 : vector<1x16xf32> to vector<16xf32>
      %gt3A_592 = arith.cmpf ogt, %get3A_591, %select_n3A_490 : vector<16xf32>
      %select_n3A_593 = arith.select %gt3A_592, %get3A_591, %select_n3A_490 : vector<16xi1>, vector<16xf32>
      %select_n3A_594 = arith.select %gt3A_592, %add3A_584, %select_n3A_491 : vector<16xi1>, vector<16xi32>
      %select_n3A_595 = arith.select %gt3A_592, %select_n3A_490, %get3A_591 : vector<16xi1>, vector<16xf32>
      %max3A_596 = arith.maximumf %max3A_493, %select_n3A_595 : vector<16xf32>
      %mul3A_597 = arith.constant 16 : i32
      %mul3A_598 = arith.muli %scan3A_579, %mul3A_597 : i32
      %get3A_599 = arith.constant 1 : i32
      %get3A_600 = arith.index_cast %get3A_599 : i32 to index
      %get3A_601 = arith.index_cast %mul3A_598 : i32 to index
      %get3A_602 = tpu.vector_load %arg7[%get3A_600, %get3A_601] {strides = array<i32>} : memref<8x1024xf32, #tpu.memory_space<vmem>>, vector<1x16xf32>,
      %get3A_603 = vector.shape_cast %get3A_602 : vector<1x16xf32> to vector<16xf32>
      %gt3A_604 = arith.cmpf ogt, %get3A_603, %select_n3A_502 : vector<16xf32>
      %select_n3A_605 = arith.select %gt3A_604, %get3A_603, %select_n3A_502 : vector<16xi1>, vector<16xf32>
      %select_n3A_606 = arith.select %gt3A_604, %add3A_584, %select_n3A_503 : vector<16xi1>, vector<16xi32>
      %select_n3A_607 = arith.select %gt3A_604, %select_n3A_502, %get3A_603 : vector<16xi1>, vector<16xf32>
      %max3A_608 = arith.maximumf %max3A_505, %select_n3A_607 : vector<16xf32>
      %mul3A_609 = arith.constant 16 : i32
      %mul3A_610 = arith.muli %scan3A_579, %mul3A_609 : i32
      %get3A_611 = arith.constant 2 : i32
      %get3A_612 = arith.index_cast %get3A_611 : i32 to index
      %get3A_613 = arith.index_cast %mul3A_610 : i32 to index
      %get3A_614 = tpu.vector_load %arg7[%get3A_612, %get3A_613] {strides = array<i32>} : memref<8x1024xf32, #tpu.memory_space<vmem>>, vector<1x16xf32>,
      %get3A_615 = vector.shape_cast %get3A_614 : vector<1x16xf32> to vector<16xf32>
      %gt3A_616 = arith.cmpf ogt, %get3A_615, %select_n3A_514 : vector<16xf32>
      %select_n3A_617 = arith.select %gt3A_616, %get3A_615, %select_n3A_514 : vector<16xi1>, vector<16xf32>
      %select_n3A_618 = arith.select %gt3A_616, %add3A_584, %select_n3A_515 : vector<16xi1>, vector<16xi32>
      %select_n3A_619 = arith.select %gt3A_616, %select_n3A_514, %get3A_615 : vector<16xi1>, vector<16xf32>
      %max3A_620 = arith.maximumf %max3A_517, %select_n3A_619 : vector<16xf32>
      %mul3A_621 = arith.constant 16 : i32
      %mul3A_622 = arith.muli %scan3A_579, %mul3A_621 : i32
      %get3A_623 = arith.constant 3 : i32
      %get3A_624 = arith.index_cast %get3A_623 : i32 to index
      %get3A_625 = arith.index_cast %mul3A_622 : i32 to index
      %get3A_626 = tpu.vector_load %arg7[%get3A_624, %get3A_625] {strides = array<i32>} : memref<8x1024xf32, #tpu.memory_space<vmem>>, vector<1x16xf32>,
      %get3A_627 = vector.shape_cast %get3A_626 : vector<1x16xf32> to vector<16xf32>
      %gt3A_628 = arith.cmpf ogt, %get3A_627, %select_n3A_526 : vector<16xf32>
      %select_n3A_629 = arith.select %gt3A_628, %get3A_627, %select_n3A_526 : vector<16xi1>, vector<16xf32>
      %select_n3A_630 = arith.select %gt3A_628, %add3A_584, %select_n3A_527 : vector<16xi1>, vector<16xi32>
      %select_n3A_631 = arith.select %gt3A_628, %select_n3A_526, %get3A_627 : vector<16xi1>, vector<16xf32>
      %max3A_632 = arith.maximumf %max3A_529, %select_n3A_631 : vector<16xf32>
      %mul3A_633 = arith.constant 16 : i32
      %mul3A_634 = arith.muli %scan3A_579, %mul3A_633 : i32
      %get3A_635 = arith.constant 4 : i32
      %get3A_636 = arith.index_cast %get3A_635 : i32 to index
      %get3A_637 = arith.index_cast %mul3A_634 : i32 to index
      %get3A_638 = tpu.vector_load %arg7[%get3A_636, %get3A_637] {strides = array<i32>} : memref<8x1024xf32, #tpu.memory_space<vmem>>, vector<1x16xf32>,
      %get3A_639 = vector.shape_cast %get3A_638 : vector<1x16xf32> to vector<16xf32>
      %gt3A_640 = arith.cmpf ogt, %get3A_639, %select_n3A_538 : vector<16xf32>
      %select_n3A_641 = arith.select %gt3A_640, %get3A_639, %select_n3A_538 : vector<16xi1>, vector<16xf32>
      %select_n3A_642 = arith.select %gt3A_640, %add3A_584, %select_n3A_539 : vector<16xi1>, vector<16xi32>
      %select_n3A_643 = arith.select %gt3A_640, %select_n3A_538, %get3A_639 : vector<16xi1>, vector<16xf32>
      %max3A_644 = arith.maximumf %max3A_541, %select_n3A_643 : vector<16xf32>
      %mul3A_645 = arith.constant 16 : i32
      %mul3A_646 = arith.muli %scan3A_579, %mul3A_645 : i32
      %get3A_647 = arith.constant 5 : i32
      %get3A_648 = arith.index_cast %get3A_647 : i32 to index
      %get3A_649 = arith.index_cast %mul3A_646 : i32 to index
      %get3A_650 = tpu.vector_load %arg7[%get3A_648, %get3A_649] {strides = array<i32>} : memref<8x1024xf32, #tpu.memory_space<vmem>>, vector<1x16xf32>,
      %get3A_651 = vector.shape_cast %get3A_650 : vector<1x16xf32> to vector<16xf32>
      %gt3A_652 = arith.cmpf ogt, %get3A_651, %select_n3A_550 : vector<16xf32>
      %select_n3A_653 = arith.select %gt3A_652, %get3A_651, %select_n3A_550 : vector<16xi1>, vector<16xf32>
      %select_n3A_654 = arith.select %gt3A_652, %add3A_584, %select_n3A_551 : vector<16xi1>, vector<16xi32>
      %select_n3A_655 = arith.select %gt3A_652, %select_n3A_550, %get3A_651 : vector<16xi1>, vector<16xf32>
      %max3A_656 = arith.maximumf %max3A_553, %select_n3A_655 : vector<16xf32>
      %mul3A_657 = arith.constant 16 : i32
      %mul3A_658 = arith.muli %scan3A_579, %mul3A_657 : i32
      %get3A_659 = arith.constant 6 : i32
      %get3A_660 = arith.index_cast %get3A_659 : i32 to index
      %get3A_661 = arith.index_cast %mul3A_658 : i32 to index
      %get3A_662 = tpu.vector_load %arg7[%get3A_660, %get3A_661] {strides = array<i32>} : memref<8x1024xf32, #tpu.memory_space<vmem>>, vector<1x16xf32>,
      %get3A_663 = vector.shape_cast %get3A_662 : vector<1x16xf32> to vector<16xf32>
      %gt3A_664 = arith.cmpf ogt, %get3A_663, %select_n3A_562 : vector<16xf32>
      %select_n3A_665 = arith.select %gt3A_664, %get3A_663, %select_n3A_562 : vector<16xi1>, vector<16xf32>
      %select_n3A_666 = arith.select %gt3A_664, %add3A_584, %select_n3A_563 : vector<16xi1>, vector<16xi32>
      %select_n3A_667 = arith.select %gt3A_664, %select_n3A_562, %get3A_663 : vector<16xi1>, vector<16xf32>
      %max3A_668 = arith.maximumf %max3A_565, %select_n3A_667 : vector<16xf32>
      %mul3A_669 = arith.constant 16 : i32
      %mul3A_670 = arith.muli %scan3A_579, %mul3A_669 : i32
      %get3A_671 = arith.constant 7 : i32
      %get3A_672 = arith.index_cast %get3A_671 : i32 to index
      %get3A_673 = arith.index_cast %mul3A_670 : i32 to index
      %get3A_674 = tpu.vector_load %arg7[%get3A_672, %get3A_673] {strides = array<i32>} : memref<8x1024xf32, #tpu.memory_space<vmem>>, vector<1x16xf32>,
      %get3A_675 = vector.shape_cast %get3A_674 : vector<1x16xf32> to vector<16xf32>
      %gt3A_676 = arith.cmpf ogt, %get3A_675, %select_n3A_574 : vector<16xf32>
      %select_n3A_677 = arith.select %gt3A_676, %get3A_675, %select_n3A_574 : vector<16xi1>, vector<16xf32>
      %select_n3A_678 = arith.select %gt3A_676, %add3A_584, %select_n3A_575 : vector<16xi1>, vector<16xi32>
      %select_n3A_679 = arith.select %gt3A_676, %select_n3A_574, %get3A_675 : vector<16xi1>, vector<16xf32>
      %max3A_680 = arith.maximumf %max3A_577, %select_n3A_679 : vector<16xf32>
      scf.yield %select_n3A_593, %select_n3A_594, %max3A_596, %select_n3A_605, %select_n3A_606, %max3A_608, %select_n3A_617, %select_n3A_618, %max3A_620, %select_n3A_629, %select_n3A_630, %max3A_632, %select_n3A_641, %select_n3A_642, %max3A_644, %select_n3A_653, %select_n3A_654, %max3A_656, %select_n3A_665, %select_n3A_666, %max3A_668, %select_n3A_677, %select_n3A_678, %max3A_680 : vector<16xf32>, vector<16xi32>, vector<16xf32>, vector<16xf32>, vector<16xi32>, vector<16xf32>, vector<16xf32>, vector<16xi32>, vector<16xf32>, vector<16xf32>, vector<16xi32>, vector<16xf32>, vector<16xf32>, vector<16xi32>, vector<16xf32>, vector<16xf32>, vector<16xi32>, vector<16xf32>, vector<16xf32>, vector<16xi32>, vector<16xf32>, vector<16xf32>, vector<16xi32>, vector<16xf32>
    }
    %scan3A_92 = arith.constant 64 : i32
    %add3A_93 = arith.constant 30720 : i32
    %add3A_94 = arith.addi %mul3A_2, %add3A_93 : i32
    "tpu.region"() ({
      %run_scoped3A = tpu.sem_alloc : memref<!tpu.dma_semaphore, #tpu.memory_space<semaphore_mem>>
      %dma_start3A_250 = arith.constant 0 : i32
      %dma_start3A_251 = arith.constant 0 : i32
      %dma_start3A_252 = tpu.memref_slice %arg8[%dma_start3A_250, %dma_start3A_251] : memref<8x576xf32, #tpu.memory_space<vmem>> -> memref<8x512xf32, #tpu.memory_space<vmem>>
      %dma_start3A_253 = arith.constant 24 : i32
      %dma_start3A_254 = tpu.memref_slice %arg2[%dma_start3A_253, %add3A_94] : memref<32x1000000xf32, #tpu.memory_space<hbm>> -> memref<8x512xf32, #tpu.memory_space<hbm>>
      %dma_start3A_255 = arith.constant 0 : i32
      %dma_start3A_256 = arith.constant 0 : i32
      %dma_start3A_257 = tpu.memref_slice %arg8[%dma_start3A_255, %dma_start3A_256] : memref<8x576xf32, #tpu.memory_space<vmem>> -> memref<8x512xf32, #tpu.memory_space<vmem>>
      %dma_start3A_258 = arith.constant 24 : i32
      %dma_start3A_259 = tpu.memref_slice %arg2[%dma_start3A_258, %add3A_94] : memref<32x1000000xf32, #tpu.memory_space<hbm>> -> memref<8x512xf32, #tpu.memory_space<hbm>>
      tpu.enqueue_dma source(%dma_start3A_259 : memref<8x512xf32, #tpu.memory_space<hbm>>) target(%dma_start3A_257 : memref<8x512xf32, #tpu.memory_space<vmem>>) target_semaphore(%run_scoped3A : memref<!tpu.dma_semaphore, #tpu.memory_space<semaphore_mem>>)
      %dma_wait3A_260 = arith.constant 0 : i32
      %dma_wait3A_261 = arith.constant 0 : i32
      %dma_wait3A_262 = tpu.memref_slice %arg8[%dma_wait3A_260, %dma_wait3A_261] : memref<8x576xf32, #tpu.memory_space<vmem>> -> memref<8x512xf32, #tpu.memory_space<vmem>>
      %dma_wait3A_263 = arith.constant 24 : i32
      %dma_wait3A_264 = tpu.memref_slice %arg2[%dma_wait3A_263, %add3A_94] : memref<32x1000000xf32, #tpu.memory_space<hbm>> -> memref<8x512xf32, #tpu.memory_space<hbm>>
      %dma_wait3A_265 = arith.constant 0 : i32
      %dma_wait3A_266 = arith.constant 0 : i32
      %dma_wait3A_267 = tpu.memref_slice %arg8[%dma_wait3A_265, %dma_wait3A_266] : memref<8x576xf32, #tpu.memory_space<vmem>> -> memref<8x512xf32, #tpu.memory_space<vmem>>
      %dma_wait3A_268 = arith.constant 24 : i32
      %dma_wait3A_269 = tpu.memref_slice %arg2[%dma_wait3A_268, %add3A_94] : memref<32x1000000xf32, #tpu.memory_space<hbm>> -> memref<8x512xf32, #tpu.memory_space<hbm>>
      tpu.wait_dma2 semaphore(%run_scoped3A : memref<!tpu.dma_semaphore, #tpu.memory_space<semaphore_mem>>) src(%dma_wait3A_269 : memref<8x512xf32, #tpu.memory_space<hbm>>) dst(%dma_wait3A_267 : memref<8x512xf32, #tpu.memory_space<vmem>>)
      tpu.yield
    }) : () -> ()
    %scan3A_95 = arith.constant 0 : i32
    %scan3A_96 = arith.constant 32 : i32
    %scan3A_97 = arith.addi %scan3A_95, %scan3A_96 : i32
    %scan3A_98 = arith.constant 4 : i32
    %scan3A_99:24 = scf.for %scan3A_250 = %scan3A_95 to %scan3A_97 step %scan3A_98 iter_args(%scan3A_251 = %scan3A_91#0, %scan3A_252 = %scan3A_91#1, %scan3A_253 = %scan3A_91#2, %scan3A_254 = %scan3A_91#3, %scan3A_255 = %scan3A_91#4, %scan3A_256 = %scan3A_91#5, %scan3A_257 = %scan3A_91#6, %scan3A_258 = %scan3A_91#7, %scan3A_259 = %scan3A_91#8, %scan3A_260 = %scan3A_91#9, %scan3A_261 = %scan3A_91#10, %scan3A_262 = %scan3A_91#11, %scan3A_263 = %scan3A_91#12, %scan3A_264 = %scan3A_91#13, %scan3A_265 = %scan3A_91#14, %scan3A_266 = %scan3A_91#15, %scan3A_267 = %scan3A_91#16, %scan3A_268 = %scan3A_91#17, %scan3A_269 = %scan3A_91#18, %scan3A_270 = %scan3A_91#19, %scan3A_271 = %scan3A_91#20, %scan3A_272 = %scan3A_91#21, %scan3A_273 = %scan3A_91#22, %scan3A_274 = %scan3A_91#23) -> (vector<16xf32>, vector<16xi32>, vector<16xf32>, vector<16xf32>, vector<16xi32>, vector<16xf32>, vector<16xf32>, vector<16xi32>, vector<16xf32>, vector<16xf32>, vector<16xi32>, vector<16xf32>, vector<16xf32>, vector<16xi32>, vector<16xf32>, vector<16xf32>, vector<16xi32>, vector<16xf32>, vector<16xf32>, vector<16xi32>, vector<16xf32>, vector<16xf32>, vector<16xi32>, vector<16xf32>)  : i32 {
      %mul3A_275 = arith.constant 16 : i32
      %mul3A_276 = arith.muli %scan3A_250, %mul3A_275 : i32
      %add3A_277 = arith.addi %add3A_94, %mul3A_276 : i32
      %add3A_278 = vector.broadcast %add3A_277 : i32 to vector<16xi32>
      %add3A_279 = arith.addi %add3A_278, %iota3A : vector<16xi32>
      %mul3A_280 = arith.constant 16 : i32
      %mul3A_281 = arith.muli %scan3A_250, %mul3A_280 : i32
      %get3A = arith.constant 0 : i32
      %get3A_282 = arith.index_cast %get3A : i32 to index
      %get3A_283 = arith.index_cast %mul3A_281 : i32 to index
      %get3A_284 = tpu.vector_load %arg8[%get3A_282, %get3A_283] {strides = array<i32>} : memref<8x576xf32, #tpu.memory_space<vmem>>, vector<1x16xf32>,
      %get3A_285 = vector.shape_cast %get3A_284 : vector<1x16xf32> to vector<16xf32>
      %gt3A = arith.cmpf ogt, %get3A_285, %scan3A_251 : vector<16xf32>
      %select_n3A = arith.select %gt3A, %get3A_285, %scan3A_251 : vector<16xi1>, vector<16xf32>
      %select_n3A_286 = arith.select %gt3A, %add3A_279, %scan3A_252 : vector<16xi1>, vector<16xi32>
      %select_n3A_287 = arith.select %gt3A, %scan3A_251, %get3A_285 : vector<16xi1>, vector<16xf32>
      %max3A = arith.maximumf %scan3A_253, %select_n3A_287 : vector<16xf32>
      %mul3A_288 = arith.constant 16 : i32
      %mul3A_289 = arith.muli %scan3A_250, %mul3A_288 : i32
      %get3A_290 = arith.constant 1 : i32
      %get3A_291 = arith.index_cast %get3A_290 : i32 to index
      %get3A_292 = arith.index_cast %mul3A_289 : i32 to index
      %get3A_293 = tpu.vector_load %arg8[%get3A_291, %get3A_292] {strides = array<i32>} : memref<8x576xf32, #tpu.memory_space<vmem>>, vector<1x16xf32>,
      %get3A_294 = vector.shape_cast %get3A_293 : vector<1x16xf32> to vector<16xf32>
      %gt3A_295 = arith.cmpf ogt, %get3A_294, %scan3A_254 : vector<16xf32>
      %select_n3A_296 = arith.select %gt3A_295, %get3A_294, %scan3A_254 : vector<16xi1>, vector<16xf32>
      %select_n3A_297 = arith.select %gt3A_295, %add3A_279, %scan3A_255 : vector<16xi1>, vector<16xi32>
      %select_n3A_298 = arith.select %gt3A_295, %scan3A_254, %get3A_294 : vector<16xi1>, vector<16xf32>
      %max3A_299 = arith.maximumf %scan3A_256, %select_n3A_298 : vector<16xf32>
      %mul3A_300 = arith.constant 16 : i32
      %mul3A_301 = arith.muli %scan3A_250, %mul3A_300 : i32
      %get3A_302 = arith.constant 2 : i32
      %get3A_303 = arith.index_cast %get3A_302 : i32 to index
      %get3A_304 = arith.index_cast %mul3A_301 : i32 to index
      %get3A_305 = tpu.vector_load %arg8[%get3A_303, %get3A_304] {strides = array<i32>} : memref<8x576xf32, #tpu.memory_space<vmem>>, vector<1x16xf32>,
      %get3A_306 = vector.shape_cast %get3A_305 : vector<1x16xf32> to vector<16xf32>
      %gt3A_307 = arith.cmpf ogt, %get3A_306, %scan3A_257 : vector<16xf32>
      %select_n3A_308 = arith.select %gt3A_307, %get3A_306, %scan3A_257 : vector<16xi1>, vector<16xf32>
      %select_n3A_309 = arith.select %gt3A_307, %add3A_279, %scan3A_258 : vector<16xi1>, vector<16xi32>
      %select_n3A_310 = arith.select %gt3A_307, %scan3A_257, %get3A_306 : vector<16xi1>, vector<16xf32>
      %max3A_311 = arith.maximumf %scan3A_259, %select_n3A_310 : vector<16xf32>
      %mul3A_312 = arith.constant 16 : i32
      %mul3A_313 = arith.muli %scan3A_250, %mul3A_312 : i32
      %get3A_314 = arith.constant 3 : i32
      %get3A_315 = arith.index_cast %get3A_314 : i32 to index
      %get3A_316 = arith.index_cast %mul3A_313 : i32 to index
      %get3A_317 = tpu.vector_load %arg8[%get3A_315, %get3A_316] {strides = array<i32>} : memref<8x576xf32, #tpu.memory_space<vmem>>, vector<1x16xf32>,
      %get3A_318 = vector.shape_cast %get3A_317 : vector<1x16xf32> to vector<16xf32>
      %gt3A_319 = arith.cmpf ogt, %get3A_318, %scan3A_260 : vector<16xf32>
      %select_n3A_320 = arith.select %gt3A_319, %get3A_318, %scan3A_260 : vector<16xi1>, vector<16xf32>
      %select_n3A_321 = arith.select %gt3A_319, %add3A_279, %scan3A_261 : vector<16xi1>, vector<16xi32>
      %select_n3A_322 = arith.select %gt3A_319, %scan3A_260, %get3A_318 : vector<16xi1>, vector<16xf32>
      %max3A_323 = arith.maximumf %scan3A_262, %select_n3A_322 : vector<16xf32>
      %mul3A_324 = arith.constant 16 : i32
      %mul3A_325 = arith.muli %scan3A_250, %mul3A_324 : i32
      %get3A_326 = arith.constant 4 : i32
      %get3A_327 = arith.index_cast %get3A_326 : i32 to index
      %get3A_328 = arith.index_cast %mul3A_325 : i32 to index
      %get3A_329 = tpu.vector_load %arg8[%get3A_327, %get3A_328] {strides = array<i32>} : memref<8x576xf32, #tpu.memory_space<vmem>>, vector<1x16xf32>,
      %get3A_330 = vector.shape_cast %get3A_329 : vector<1x16xf32> to vector<16xf32>
      %gt3A_331 = arith.cmpf ogt, %get3A_330, %scan3A_263 : vector<16xf32>
      %select_n3A_332 = arith.select %gt3A_331, %get3A_330, %scan3A_263 : vector<16xi1>, vector<16xf32>
      %select_n3A_333 = arith.select %gt3A_331, %add3A_279, %scan3A_264 : vector<16xi1>, vector<16xi32>
      %select_n3A_334 = arith.select %gt3A_331, %scan3A_263, %get3A_330 : vector<16xi1>, vector<16xf32>
      %max3A_335 = arith.maximumf %scan3A_265, %select_n3A_334 : vector<16xf32>
      %mul3A_336 = arith.constant 16 : i32
      %mul3A_337 = arith.muli %scan3A_250, %mul3A_336 : i32
      %get3A_338 = arith.constant 5 : i32
      %get3A_339 = arith.index_cast %get3A_338 : i32 to index
      %get3A_340 = arith.index_cast %mul3A_337 : i32 to index
      %get3A_341 = tpu.vector_load %arg8[%get3A_339, %get3A_340] {strides = array<i32>} : memref<8x576xf32, #tpu.memory_space<vmem>>, vector<1x16xf32>,
      %get3A_342 = vector.shape_cast %get3A_341 : vector<1x16xf32> to vector<16xf32>
      %gt3A_343 = arith.cmpf ogt, %get3A_342, %scan3A_266 : vector<16xf32>
      %select_n3A_344 = arith.select %gt3A_343, %get3A_342, %scan3A_266 : vector<16xi1>, vector<16xf32>
      %select_n3A_345 = arith.select %gt3A_343, %add3A_279, %scan3A_267 : vector<16xi1>, vector<16xi32>
      %select_n3A_346 = arith.select %gt3A_343, %scan3A_266, %get3A_342 : vector<16xi1>, vector<16xf32>
      %max3A_347 = arith.maximumf %scan3A_268, %select_n3A_346 : vector<16xf32>
      %mul3A_348 = arith.constant 16 : i32
      %mul3A_349 = arith.muli %scan3A_250, %mul3A_348 : i32
      %get3A_350 = arith.constant 6 : i32
      %get3A_351 = arith.index_cast %get3A_350 : i32 to index
      %get3A_352 = arith.index_cast %mul3A_349 : i32 to index
      %get3A_353 = tpu.vector_load %arg8[%get3A_351, %get3A_352] {strides = array<i32>} : memref<8x576xf32, #tpu.memory_space<vmem>>, vector<1x16xf32>,
      %get3A_354 = vector.shape_cast %get3A_353 : vector<1x16xf32> to vector<16xf32>
      %gt3A_355 = arith.cmpf ogt, %get3A_354, %scan3A_269 : vector<16xf32>
      %select_n3A_356 = arith.select %gt3A_355, %get3A_354, %scan3A_269 : vector<16xi1>, vector<16xf32>
      %select_n3A_357 = arith.select %gt3A_355, %add3A_279, %scan3A_270 : vector<16xi1>, vector<16xi32>
      %select_n3A_358 = arith.select %gt3A_355, %scan3A_269, %get3A_354 : vector<16xi1>, vector<16xf32>
      %max3A_359 = arith.maximumf %scan3A_271, %select_n3A_358 : vector<16xf32>
      %mul3A_360 = arith.constant 16 : i32
      %mul3A_361 = arith.muli %scan3A_250, %mul3A_360 : i32
      %get3A_362 = arith.constant 7 : i32
      %get3A_363 = arith.index_cast %get3A_362 : i32 to index
      %get3A_364 = arith.index_cast %mul3A_361 : i32 to index
      %get3A_365 = tpu.vector_load %arg8[%get3A_363, %get3A_364] {strides = array<i32>} : memref<8x576xf32, #tpu.memory_space<vmem>>, vector<1x16xf32>,
      %get3A_366 = vector.shape_cast %get3A_365 : vector<1x16xf32> to vector<16xf32>
      %gt3A_367 = arith.cmpf ogt, %get3A_366, %scan3A_272 : vector<16xf32>
      %select_n3A_368 = arith.select %gt3A_367, %get3A_366, %scan3A_272 : vector<16xi1>, vector<16xf32>
      %select_n3A_369 = arith.select %gt3A_367, %add3A_279, %scan3A_273 : vector<16xi1>, vector<16xi32>
      %select_n3A_370 = arith.select %gt3A_367, %scan3A_272, %get3A_366 : vector<16xi1>, vector<16xf32>
      %max3A_371 = arith.maximumf %scan3A_274, %select_n3A_370 : vector<16xf32>
      %scan3A_372 = arith.constant 1 : i32
      %scan3A_373 = arith.addi %scan3A_250, %scan3A_372 : i32
      %mul3A_374 = arith.constant 16 : i32
      %mul3A_375 = arith.muli %scan3A_373, %mul3A_374 : i32
      %add3A_376 = arith.addi %add3A_94, %mul3A_375 : i32
      %add3A_377 = vector.broadcast %add3A_376 : i32 to vector<16xi32>
      %add3A_378 = arith.addi %add3A_377, %iota3A : vector<16xi32>
      %mul3A_379 = arith.constant 16 : i32
      %mul3A_380 = arith.muli %scan3A_373, %mul3A_379 : i32
      %get3A_381 = arith.constant 0 : i32
      %get3A_382 = arith.index_cast %get3A_381 : i32 to index
      %get3A_383 = arith.index_cast %mul3A_380 : i32 to index
      %get3A_384 = tpu.vector_load %arg8[%get3A_382, %get3A_383] {strides = array<i32>} : memref<8x576xf32, #tpu.memory_space<vmem>>, vector<1x16xf32>,
      %get3A_385 = vector.shape_cast %get3A_384 : vector<1x16xf32> to vector<16xf32>
      %gt3A_386 = arith.cmpf ogt, %get3A_385, %select_n3A : vector<16xf32>
      %select_n3A_387 = arith.select %gt3A_386, %get3A_385, %select_n3A : vector<16xi1>, vector<16xf32>
      %select_n3A_388 = arith.select %gt3A_386, %add3A_378, %select_n3A_286 : vector<16xi1>, vector<16xi32>
      %select_n3A_389 = arith.select %gt3A_386, %select_n3A, %get3A_385 : vector<16xi1>, vector<16xf32>
      %max3A_390 = arith.maximumf %max3A, %select_n3A_389 : vector<16xf32>
      %mul3A_391 = arith.constant 16 : i32
      %mul3A_392 = arith.muli %scan3A_373, %mul3A_391 : i32
      %get3A_393 = arith.constant 1 : i32
      %get3A_394 = arith.index_cast %get3A_393 : i32 to index
      %get3A_395 = arith.index_cast %mul3A_392 : i32 to index
      %get3A_396 = tpu.vector_load %arg8[%get3A_394, %get3A_395] {strides = array<i32>} : memref<8x576xf32, #tpu.memory_space<vmem>>, vector<1x16xf32>,
      %get3A_397 = vector.shape_cast %get3A_396 : vector<1x16xf32> to vector<16xf32>
      %gt3A_398 = arith.cmpf ogt, %get3A_397, %select_n3A_296 : vector<16xf32>
      %select_n3A_399 = arith.select %gt3A_398, %get3A_397, %select_n3A_296 : vector<16xi1>, vector<16xf32>
      %select_n3A_400 = arith.select %gt3A_398, %add3A_378, %select_n3A_297 : vector<16xi1>, vector<16xi32>
      %select_n3A_401 = arith.select %gt3A_398, %select_n3A_296, %get3A_397 : vector<16xi1>, vector<16xf32>
      %max3A_402 = arith.maximumf %max3A_299, %select_n3A_401 : vector<16xf32>
      %mul3A_403 = arith.constant 16 : i32
      %mul3A_404 = arith.muli %scan3A_373, %mul3A_403 : i32
      %get3A_405 = arith.constant 2 : i32
      %get3A_406 = arith.index_cast %get3A_405 : i32 to index
      %get3A_407 = arith.index_cast %mul3A_404 : i32 to index
      %get3A_408 = tpu.vector_load %arg8[%get3A_406, %get3A_407] {strides = array<i32>} : memref<8x576xf32, #tpu.memory_space<vmem>>, vector<1x16xf32>,
      %get3A_409 = vector.shape_cast %get3A_408 : vector<1x16xf32> to vector<16xf32>
      %gt3A_410 = arith.cmpf ogt, %get3A_409, %select_n3A_308 : vector<16xf32>
      %select_n3A_411 = arith.select %gt3A_410, %get3A_409, %select_n3A_308 : vector<16xi1>, vector<16xf32>
      %select_n3A_412 = arith.select %gt3A_410, %add3A_378, %select_n3A_309 : vector<16xi1>, vector<16xi32>
      %select_n3A_413 = arith.select %gt3A_410, %select_n3A_308, %get3A_409 : vector<16xi1>, vector<16xf32>
      %max3A_414 = arith.maximumf %max3A_311, %select_n3A_413 : vector<16xf32>
      %mul3A_415 = arith.constant 16 : i32
      %mul3A_416 = arith.muli %scan3A_373, %mul3A_415 : i32
      %get3A_417 = arith.constant 3 : i32
      %get3A_418 = arith.index_cast %get3A_417 : i32 to index
      %get3A_419 = arith.index_cast %mul3A_416 : i32 to index
      %get3A_420 = tpu.vector_load %arg8[%get3A_418, %get3A_419] {strides = array<i32>} : memref<8x576xf32, #tpu.memory_space<vmem>>, vector<1x16xf32>,
      %get3A_421 = vector.shape_cast %get3A_420 : vector<1x16xf32> to vector<16xf32>
      %gt3A_422 = arith.cmpf ogt, %get3A_421, %select_n3A_320 : vector<16xf32>
      %select_n3A_423 = arith.select %gt3A_422, %get3A_421, %select_n3A_320 : vector<16xi1>, vector<16xf32>
      %select_n3A_424 = arith.select %gt3A_422, %add3A_378, %select_n3A_321 : vector<16xi1>, vector<16xi32>
      %select_n3A_425 = arith.select %gt3A_422, %select_n3A_320, %get3A_421 : vector<16xi1>, vector<16xf32>
      %max3A_426 = arith.maximumf %max3A_323, %select_n3A_425 : vector<16xf32>
      %mul3A_427 = arith.constant 16 : i32
      %mul3A_428 = arith.muli %scan3A_373, %mul3A_427 : i32
      %get3A_429 = arith.constant 4 : i32
      %get3A_430 = arith.index_cast %get3A_429 : i32 to index
      %get3A_431 = arith.index_cast %mul3A_428 : i32 to index
      %get3A_432 = tpu.vector_load %arg8[%get3A_430, %get3A_431] {strides = array<i32>} : memref<8x576xf32, #tpu.memory_space<vmem>>, vector<1x16xf32>,
      %get3A_433 = vector.shape_cast %get3A_432 : vector<1x16xf32> to vector<16xf32>
      %gt3A_434 = arith.cmpf ogt, %get3A_433, %select_n3A_332 : vector<16xf32>
      %select_n3A_435 = arith.select %gt3A_434, %get3A_433, %select_n3A_332 : vector<16xi1>, vector<16xf32>
      %select_n3A_436 = arith.select %gt3A_434, %add3A_378, %select_n3A_333 : vector<16xi1>, vector<16xi32>
      %select_n3A_437 = arith.select %gt3A_434, %select_n3A_332, %get3A_433 : vector<16xi1>, vector<16xf32>
      %max3A_438 = arith.maximumf %max3A_335, %select_n3A_437 : vector<16xf32>
      %mul3A_439 = arith.constant 16 : i32
      %mul3A_440 = arith.muli %scan3A_373, %mul3A_439 : i32
      %get3A_441 = arith.constant 5 : i32
      %get3A_442 = arith.index_cast %get3A_441 : i32 to index
      %get3A_443 = arith.index_cast %mul3A_440 : i32 to index
      %get3A_444 = tpu.vector_load %arg8[%get3A_442, %get3A_443] {strides = array<i32>} : memref<8x576xf32, #tpu.memory_space<vmem>>, vector<1x16xf32>,
      %get3A_445 = vector.shape_cast %get3A_444 : vector<1x16xf32> to vector<16xf32>
      %gt3A_446 = arith.cmpf ogt, %get3A_445, %select_n3A_344 : vector<16xf32>
      %select_n3A_447 = arith.select %gt3A_446, %get3A_445, %select_n3A_344 : vector<16xi1>, vector<16xf32>
      %select_n3A_448 = arith.select %gt3A_446, %add3A_378, %select_n3A_345 : vector<16xi1>, vector<16xi32>
      %select_n3A_449 = arith.select %gt3A_446, %select_n3A_344, %get3A_445 : vector<16xi1>, vector<16xf32>
      %max3A_450 = arith.maximumf %max3A_347, %select_n3A_449 : vector<16xf32>
      %mul3A_451 = arith.constant 16 : i32
      %mul3A_452 = arith.muli %scan3A_373, %mul3A_451 : i32
      %get3A_453 = arith.constant 6 : i32
      %get3A_454 = arith.index_cast %get3A_453 : i32 to index
      %get3A_455 = arith.index_cast %mul3A_452 : i32 to index
      %get3A_456 = tpu.vector_load %arg8[%get3A_454, %get3A_455] {strides = array<i32>} : memref<8x576xf32, #tpu.memory_space<vmem>>, vector<1x16xf32>,
      %get3A_457 = vector.shape_cast %get3A_456 : vector<1x16xf32> to vector<16xf32>
      %gt3A_458 = arith.cmpf ogt, %get3A_457, %select_n3A_356 : vector<16xf32>
      %select_n3A_459 = arith.select %gt3A_458, %get3A_457, %select_n3A_356 : vector<16xi1>, vector<16xf32>
      %select_n3A_460 = arith.select %gt3A_458, %add3A_378, %select_n3A_357 : vector<16xi1>, vector<16xi32>
      %select_n3A_461 = arith.select %gt3A_458, %select_n3A_356, %get3A_457 : vector<16xi1>, vector<16xf32>
      %max3A_462 = arith.maximumf %max3A_359, %select_n3A_461 : vector<16xf32>
      %mul3A_463 = arith.constant 16 : i32
      %mul3A_464 = arith.muli %scan3A_373, %mul3A_463 : i32
      %get3A_465 = arith.constant 7 : i32
      %get3A_466 = arith.index_cast %get3A_465 : i32 to index
      %get3A_467 = arith.index_cast %mul3A_464 : i32 to index
      %get3A_468 = tpu.vector_load %arg8[%get3A_466, %get3A_467] {strides = array<i32>} : memref<8x576xf32, #tpu.memory_space<vmem>>, vector<1x16xf32>,
      %get3A_469 = vector.shape_cast %get3A_468 : vector<1x16xf32> to vector<16xf32>
      %gt3A_470 = arith.cmpf ogt, %get3A_469, %select_n3A_368 : vector<16xf32>
      %select_n3A_471 = arith.select %gt3A_470, %get3A_469, %select_n3A_368 : vector<16xi1>, vector<16xf32>
      %select_n3A_472 = arith.select %gt3A_470, %add3A_378, %select_n3A_369 : vector<16xi1>, vector<16xi32>
      %select_n3A_473 = arith.select %gt3A_470, %select_n3A_368, %get3A_469 : vector<16xi1>, vector<16xf32>
      %max3A_474 = arith.maximumf %max3A_371, %select_n3A_473 : vector<16xf32>
      %scan3A_475 = arith.constant 2 : i32
      %scan3A_476 = arith.addi %scan3A_250, %scan3A_475 : i32
      %mul3A_477 = arith.constant 16 : i32
      %mul3A_478 = arith.muli %scan3A_476, %mul3A_477 : i32
      %add3A_479 = arith.addi %add3A_94, %mul3A_478 : i32
      %add3A_480 = vector.broadcast %add3A_479 : i32 to vector<16xi32>
      %add3A_481 = arith.addi %add3A_480, %iota3A : vector<16xi32>
      %mul3A_482 = arith.constant 16 : i32
      %mul3A_483 = arith.muli %scan3A_476, %mul3A_482 : i32
      %get3A_484 = arith.constant 0 : i32
      %get3A_485 = arith.index_cast %get3A_484 : i32 to index
      %get3A_486 = arith.index_cast %mul3A_483 : i32 to index
      %get3A_487 = tpu.vector_load %arg8[%get3A_485, %get3A_486] {strides = array<i32>} : memref<8x576xf32, #tpu.memory_space<vmem>>, vector<1x16xf32>,
      %get3A_488 = vector.shape_cast %get3A_487 : vector<1x16xf32> to vector<16xf32>
      %gt3A_489 = arith.cmpf ogt, %get3A_488, %select_n3A_387 : vector<16xf32>
      %select_n3A_490 = arith.select %gt3A_489, %get3A_488, %select_n3A_387 : vector<16xi1>, vector<16xf32>
      %select_n3A_491 = arith.select %gt3A_489, %add3A_481, %select_n3A_388 : vector<16xi1>, vector<16xi32>
      %select_n3A_492 = arith.select %gt3A_489, %select_n3A_387, %get3A_488 : vector<16xi1>, vector<16xf32>
      %max3A_493 = arith.maximumf %max3A_390, %select_n3A_492 : vector<16xf32>
      %mul3A_494 = arith.constant 16 : i32
      %mul3A_495 = arith.muli %scan3A_476, %mul3A_494 : i32
      %get3A_496 = arith.constant 1 : i32
      %get3A_497 = arith.index_cast %get3A_496 : i32 to index
      %get3A_498 = arith.index_cast %mul3A_495 : i32 to index
      %get3A_499 = tpu.vector_load %arg8[%get3A_497, %get3A_498] {strides = array<i32>} : memref<8x576xf32, #tpu.memory_space<vmem>>, vector<1x16xf32>,
      %get3A_500 = vector.shape_cast %get3A_499 : vector<1x16xf32> to vector<16xf32>
      %gt3A_501 = arith.cmpf ogt, %get3A_500, %select_n3A_399 : vector<16xf32>
      %select_n3A_502 = arith.select %gt3A_501, %get3A_500, %select_n3A_399 : vector<16xi1>, vector<16xf32>
      %select_n3A_503 = arith.select %gt3A_501, %add3A_481, %select_n3A_400 : vector<16xi1>, vector<16xi32>
      %select_n3A_504 = arith.select %gt3A_501, %select_n3A_399, %get3A_500 : vector<16xi1>, vector<16xf32>
      %max3A_505 = arith.maximumf %max3A_402, %select_n3A_504 : vector<16xf32>
      %mul3A_506 = arith.constant 16 : i32
      %mul3A_507 = arith.muli %scan3A_476, %mul3A_506 : i32
      %get3A_508 = arith.constant 2 : i32
      %get3A_509 = arith.index_cast %get3A_508 : i32 to index
      %get3A_510 = arith.index_cast %mul3A_507 : i32 to index
      %get3A_511 = tpu.vector_load %arg8[%get3A_509, %get3A_510] {strides = array<i32>} : memref<8x576xf32, #tpu.memory_space<vmem>>, vector<1x16xf32>,
      %get3A_512 = vector.shape_cast %get3A_511 : vector<1x16xf32> to vector<16xf32>
      %gt3A_513 = arith.cmpf ogt, %get3A_512, %select_n3A_411 : vector<16xf32>
      %select_n3A_514 = arith.select %gt3A_513, %get3A_512, %select_n3A_411 : vector<16xi1>, vector<16xf32>
      %select_n3A_515 = arith.select %gt3A_513, %add3A_481, %select_n3A_412 : vector<16xi1>, vector<16xi32>
      %select_n3A_516 = arith.select %gt3A_513, %select_n3A_411, %get3A_512 : vector<16xi1>, vector<16xf32>
      %max3A_517 = arith.maximumf %max3A_414, %select_n3A_516 : vector<16xf32>
      %mul3A_518 = arith.constant 16 : i32
      %mul3A_519 = arith.muli %scan3A_476, %mul3A_518 : i32
      %get3A_520 = arith.constant 3 : i32
      %get3A_521 = arith.index_cast %get3A_520 : i32 to index
      %get3A_522 = arith.index_cast %mul3A_519 : i32 to index
      %get3A_523 = tpu.vector_load %arg8[%get3A_521, %get3A_522] {strides = array<i32>} : memref<8x576xf32, #tpu.memory_space<vmem>>, vector<1x16xf32>,
      %get3A_524 = vector.shape_cast %get3A_523 : vector<1x16xf32> to vector<16xf32>
      %gt3A_525 = arith.cmpf ogt, %get3A_524, %select_n3A_423 : vector<16xf32>
      %select_n3A_526 = arith.select %gt3A_525, %get3A_524, %select_n3A_423 : vector<16xi1>, vector<16xf32>
      %select_n3A_527 = arith.select %gt3A_525, %add3A_481, %select_n3A_424 : vector<16xi1>, vector<16xi32>
      %select_n3A_528 = arith.select %gt3A_525, %select_n3A_423, %get3A_524 : vector<16xi1>, vector<16xf32>
      %max3A_529 = arith.maximumf %max3A_426, %select_n3A_528 : vector<16xf32>
      %mul3A_530 = arith.constant 16 : i32
      %mul3A_531 = arith.muli %scan3A_476, %mul3A_530 : i32
      %get3A_532 = arith.constant 4 : i32
      %get3A_533 = arith.index_cast %get3A_532 : i32 to index
      %get3A_534 = arith.index_cast %mul3A_531 : i32 to index
      %get3A_535 = tpu.vector_load %arg8[%get3A_533, %get3A_534] {strides = array<i32>} : memref<8x576xf32, #tpu.memory_space<vmem>>, vector<1x16xf32>,
      %get3A_536 = vector.shape_cast %get3A_535 : vector<1x16xf32> to vector<16xf32>
      %gt3A_537 = arith.cmpf ogt, %get3A_536, %select_n3A_435 : vector<16xf32>
      %select_n3A_538 = arith.select %gt3A_537, %get3A_536, %select_n3A_435 : vector<16xi1>, vector<16xf32>
      %select_n3A_539 = arith.select %gt3A_537, %add3A_481, %select_n3A_436 : vector<16xi1>, vector<16xi32>
      %select_n3A_540 = arith.select %gt3A_537, %select_n3A_435, %get3A_536 : vector<16xi1>, vector<16xf32>
      %max3A_541 = arith.maximumf %max3A_438, %select_n3A_540 : vector<16xf32>
      %mul3A_542 = arith.constant 16 : i32
      %mul3A_543 = arith.muli %scan3A_476, %mul3A_542 : i32
      %get3A_544 = arith.constant 5 : i32
      %get3A_545 = arith.index_cast %get3A_544 : i32 to index
      %get3A_546 = arith.index_cast %mul3A_543 : i32 to index
      %get3A_547 = tpu.vector_load %arg8[%get3A_545, %get3A_546] {strides = array<i32>} : memref<8x576xf32, #tpu.memory_space<vmem>>, vector<1x16xf32>,
      %get3A_548 = vector.shape_cast %get3A_547 : vector<1x16xf32> to vector<16xf32>
      %gt3A_549 = arith.cmpf ogt, %get3A_548, %select_n3A_447 : vector<16xf32>
      %select_n3A_550 = arith.select %gt3A_549, %get3A_548, %select_n3A_447 : vector<16xi1>, vector<16xf32>
      %select_n3A_551 = arith.select %gt3A_549, %add3A_481, %select_n3A_448 : vector<16xi1>, vector<16xi32>
      %select_n3A_552 = arith.select %gt3A_549, %select_n3A_447, %get3A_548 : vector<16xi1>, vector<16xf32>
      %max3A_553 = arith.maximumf %max3A_450, %select_n3A_552 : vector<16xf32>
      %mul3A_554 = arith.constant 16 : i32
      %mul3A_555 = arith.muli %scan3A_476, %mul3A_554 : i32
      %get3A_556 = arith.constant 6 : i32
      %get3A_557 = arith.index_cast %get3A_556 : i32 to index
      %get3A_558 = arith.index_cast %mul3A_555 : i32 to index
      %get3A_559 = tpu.vector_load %arg8[%get3A_557, %get3A_558] {strides = array<i32>} : memref<8x576xf32, #tpu.memory_space<vmem>>, vector<1x16xf32>,
      %get3A_560 = vector.shape_cast %get3A_559 : vector<1x16xf32> to vector<16xf32>
      %gt3A_561 = arith.cmpf ogt, %get3A_560, %select_n3A_459 : vector<16xf32>
      %select_n3A_562 = arith.select %gt3A_561, %get3A_560, %select_n3A_459 : vector<16xi1>, vector<16xf32>
      %select_n3A_563 = arith.select %gt3A_561, %add3A_481, %select_n3A_460 : vector<16xi1>, vector<16xi32>
      %select_n3A_564 = arith.select %gt3A_561, %select_n3A_459, %get3A_560 : vector<16xi1>, vector<16xf32>
      %max3A_565 = arith.maximumf %max3A_462, %select_n3A_564 : vector<16xf32>
      %mul3A_566 = arith.constant 16 : i32
      %mul3A_567 = arith.muli %scan3A_476, %mul3A_566 : i32
      %get3A_568 = arith.constant 7 : i32
      %get3A_569 = arith.index_cast %get3A_568 : i32 to index
      %get3A_570 = arith.index_cast %mul3A_567 : i32 to index
      %get3A_571 = tpu.vector_load %arg8[%get3A_569, %get3A_570] {strides = array<i32>} : memref<8x576xf32, #tpu.memory_space<vmem>>, vector<1x16xf32>,
      %get3A_572 = vector.shape_cast %get3A_571 : vector<1x16xf32> to vector<16xf32>
      %gt3A_573 = arith.cmpf ogt, %get3A_572, %select_n3A_471 : vector<16xf32>
      %select_n3A_574 = arith.select %gt3A_573, %get3A_572, %select_n3A_471 : vector<16xi1>, vector<16xf32>
      %select_n3A_575 = arith.select %gt3A_573, %add3A_481, %select_n3A_472 : vector<16xi1>, vector<16xi32>
      %select_n3A_576 = arith.select %gt3A_573, %select_n3A_471, %get3A_572 : vector<16xi1>, vector<16xf32>
      %max3A_577 = arith.maximumf %max3A_474, %select_n3A_576 : vector<16xf32>
      %scan3A_578 = arith.constant 3 : i32
      %scan3A_579 = arith.addi %scan3A_250, %scan3A_578 : i32
      %mul3A_580 = arith.constant 16 : i32
      %mul3A_581 = arith.muli %scan3A_579, %mul3A_580 : i32
      %add3A_582 = arith.addi %add3A_94, %mul3A_581 : i32
      %add3A_583 = vector.broadcast %add3A_582 : i32 to vector<16xi32>
      %add3A_584 = arith.addi %add3A_583, %iota3A : vector<16xi32>
      %mul3A_585 = arith.constant 16 : i32
      %mul3A_586 = arith.muli %scan3A_579, %mul3A_585 : i32
      %get3A_587 = arith.constant 0 : i32
      %get3A_588 = arith.index_cast %get3A_587 : i32 to index
      %get3A_589 = arith.index_cast %mul3A_586 : i32 to index
      %get3A_590 = tpu.vector_load %arg8[%get3A_588, %get3A_589] {strides = array<i32>} : memref<8x576xf32, #tpu.memory_space<vmem>>, vector<1x16xf32>,
      %get3A_591 = vector.shape_cast %get3A_590 : vector<1x16xf32> to vector<16xf32>
      %gt3A_592 = arith.cmpf ogt, %get3A_591, %select_n3A_490 : vector<16xf32>
      %select_n3A_593 = arith.select %gt3A_592, %get3A_591, %select_n3A_490 : vector<16xi1>, vector<16xf32>
      %select_n3A_594 = arith.select %gt3A_592, %add3A_584, %select_n3A_491 : vector<16xi1>, vector<16xi32>
      %select_n3A_595 = arith.select %gt3A_592, %select_n3A_490, %get3A_591 : vector<16xi1>, vector<16xf32>
      %max3A_596 = arith.maximumf %max3A_493, %select_n3A_595 : vector<16xf32>
      %mul3A_597 = arith.constant 16 : i32
      %mul3A_598 = arith.muli %scan3A_579, %mul3A_597 : i32
      %get3A_599 = arith.constant 1 : i32
      %get3A_600 = arith.index_cast %get3A_599 : i32 to index
      %get3A_601 = arith.index_cast %mul3A_598 : i32 to index
      %get3A_602 = tpu.vector_load %arg8[%get3A_600, %get3A_601] {strides = array<i32>} : memref<8x576xf32, #tpu.memory_space<vmem>>, vector<1x16xf32>,
      %get3A_603 = vector.shape_cast %get3A_602 : vector<1x16xf32> to vector<16xf32>
      %gt3A_604 = arith.cmpf ogt, %get3A_603, %select_n3A_502 : vector<16xf32>
      %select_n3A_605 = arith.select %gt3A_604, %get3A_603, %select_n3A_502 : vector<16xi1>, vector<16xf32>
      %select_n3A_606 = arith.select %gt3A_604, %add3A_584, %select_n3A_503 : vector<16xi1>, vector<16xi32>
      %select_n3A_607 = arith.select %gt3A_604, %select_n3A_502, %get3A_603 : vector<16xi1>, vector<16xf32>
      %max3A_608 = arith.maximumf %max3A_505, %select_n3A_607 : vector<16xf32>
      %mul3A_609 = arith.constant 16 : i32
      %mul3A_610 = arith.muli %scan3A_579, %mul3A_609 : i32
      %get3A_611 = arith.constant 2 : i32
      %get3A_612 = arith.index_cast %get3A_611 : i32 to index
      %get3A_613 = arith.index_cast %mul3A_610 : i32 to index
      %get3A_614 = tpu.vector_load %arg8[%get3A_612, %get3A_613] {strides = array<i32>} : memref<8x576xf32, #tpu.memory_space<vmem>>, vector<1x16xf32>,
      %get3A_615 = vector.shape_cast %get3A_614 : vector<1x16xf32> to vector<16xf32>
      %gt3A_616 = arith.cmpf ogt, %get3A_615, %select_n3A_514 : vector<16xf32>
      %select_n3A_617 = arith.select %gt3A_616, %get3A_615, %select_n3A_514 : vector<16xi1>, vector<16xf32>
      %select_n3A_618 = arith.select %gt3A_616, %add3A_584, %select_n3A_515 : vector<16xi1>, vector<16xi32>
      %select_n3A_619 = arith.select %gt3A_616, %select_n3A_514, %get3A_615 : vector<16xi1>, vector<16xf32>
      %max3A_620 = arith.maximumf %max3A_517, %select_n3A_619 : vector<16xf32>
      %mul3A_621 = arith.constant 16 : i32
      %mul3A_622 = arith.muli %scan3A_579, %mul3A_621 : i32
      %get3A_623 = arith.constant 3 : i32
      %get3A_624 = arith.index_cast %get3A_623 : i32 to index
      %get3A_625 = arith.index_cast %mul3A_622 : i32 to index
      %get3A_626 = tpu.vector_load %arg8[%get3A_624, %get3A_625] {strides = array<i32>} : memref<8x576xf32, #tpu.memory_space<vmem>>, vector<1x16xf32>,
      %get3A_627 = vector.shape_cast %get3A_626 : vector<1x16xf32> to vector<16xf32>
      %gt3A_628 = arith.cmpf ogt, %get3A_627, %select_n3A_526 : vector<16xf32>
      %select_n3A_629 = arith.select %gt3A_628, %get3A_627, %select_n3A_526 : vector<16xi1>, vector<16xf32>
      %select_n3A_630 = arith.select %gt3A_628, %add3A_584, %select_n3A_527 : vector<16xi1>, vector<16xi32>
      %select_n3A_631 = arith.select %gt3A_628, %select_n3A_526, %get3A_627 : vector<16xi1>, vector<16xf32>
      %max3A_632 = arith.maximumf %max3A_529, %select_n3A_631 : vector<16xf32>
      %mul3A_633 = arith.constant 16 : i32
      %mul3A_634 = arith.muli %scan3A_579, %mul3A_633 : i32
      %get3A_635 = arith.constant 4 : i32
      %get3A_636 = arith.index_cast %get3A_635 : i32 to index
      %get3A_637 = arith.index_cast %mul3A_634 : i32 to index
      %get3A_638 = tpu.vector_load %arg8[%get3A_636, %get3A_637] {strides = array<i32>} : memref<8x576xf32, #tpu.memory_space<vmem>>, vector<1x16xf32>,
      %get3A_639 = vector.shape_cast %get3A_638 : vector<1x16xf32> to vector<16xf32>
      %gt3A_640 = arith.cmpf ogt, %get3A_639, %select_n3A_538 : vector<16xf32>
      %select_n3A_641 = arith.select %gt3A_640, %get3A_639, %select_n3A_538 : vector<16xi1>, vector<16xf32>
      %select_n3A_642 = arith.select %gt3A_640, %add3A_584, %select_n3A_539 : vector<16xi1>, vector<16xi32>
      %select_n3A_643 = arith.select %gt3A_640, %select_n3A_538, %get3A_639 : vector<16xi1>, vector<16xf32>
      %max3A_644 = arith.maximumf %max3A_541, %select_n3A_643 : vector<16xf32>
      %mul3A_645 = arith.constant 16 : i32
      %mul3A_646 = arith.muli %scan3A_579, %mul3A_645 : i32
      %get3A_647 = arith.constant 5 : i32
      %get3A_648 = arith.index_cast %get3A_647 : i32 to index
      %get3A_649 = arith.index_cast %mul3A_646 : i32 to index
      %get3A_650 = tpu.vector_load %arg8[%get3A_648, %get3A_649] {strides = array<i32>} : memref<8x576xf32, #tpu.memory_space<vmem>>, vector<1x16xf32>,
      %get3A_651 = vector.shape_cast %get3A_650 : vector<1x16xf32> to vector<16xf32>
      %gt3A_652 = arith.cmpf ogt, %get3A_651, %select_n3A_550 : vector<16xf32>
      %select_n3A_653 = arith.select %gt3A_652, %get3A_651, %select_n3A_550 : vector<16xi1>, vector<16xf32>
      %select_n3A_654 = arith.select %gt3A_652, %add3A_584, %select_n3A_551 : vector<16xi1>, vector<16xi32>
      %select_n3A_655 = arith.select %gt3A_652, %select_n3A_550, %get3A_651 : vector<16xi1>, vector<16xf32>
      %max3A_656 = arith.maximumf %max3A_553, %select_n3A_655 : vector<16xf32>
      %mul3A_657 = arith.constant 16 : i32
      %mul3A_658 = arith.muli %scan3A_579, %mul3A_657 : i32
      %get3A_659 = arith.constant 6 : i32
      %get3A_660 = arith.index_cast %get3A_659 : i32 to index
      %get3A_661 = arith.index_cast %mul3A_658 : i32 to index
      %get3A_662 = tpu.vector_load %arg8[%get3A_660, %get3A_661] {strides = array<i32>} : memref<8x576xf32, #tpu.memory_space<vmem>>, vector<1x16xf32>,
      %get3A_663 = vector.shape_cast %get3A_662 : vector<1x16xf32> to vector<16xf32>
      %gt3A_664 = arith.cmpf ogt, %get3A_663, %select_n3A_562 : vector<16xf32>
      %select_n3A_665 = arith.select %gt3A_664, %get3A_663, %select_n3A_562 : vector<16xi1>, vector<16xf32>
      %select_n3A_666 = arith.select %gt3A_664, %add3A_584, %select_n3A_563 : vector<16xi1>, vector<16xi32>
      %select_n3A_667 = arith.select %gt3A_664, %select_n3A_562, %get3A_663 : vector<16xi1>, vector<16xf32>
      %max3A_668 = arith.maximumf %max3A_565, %select_n3A_667 : vector<16xf32>
      %mul3A_669 = arith.constant 16 : i32
      %mul3A_670 = arith.muli %scan3A_579, %mul3A_669 : i32
      %get3A_671 = arith.constant 7 : i32
      %get3A_672 = arith.index_cast %get3A_671 : i32 to index
      %get3A_673 = arith.index_cast %mul3A_670 : i32 to index
      %get3A_674 = tpu.vector_load %arg8[%get3A_672, %get3A_673] {strides = array<i32>} : memref<8x576xf32, #tpu.memory_space<vmem>>, vector<1x16xf32>,
      %get3A_675 = vector.shape_cast %get3A_674 : vector<1x16xf32> to vector<16xf32>
      %gt3A_676 = arith.cmpf ogt, %get3A_675, %select_n3A_574 : vector<16xf32>
      %select_n3A_677 = arith.select %gt3A_676, %get3A_675, %select_n3A_574 : vector<16xi1>, vector<16xf32>
      %select_n3A_678 = arith.select %gt3A_676, %add3A_584, %select_n3A_575 : vector<16xi1>, vector<16xi32>
      %select_n3A_679 = arith.select %gt3A_676, %select_n3A_574, %get3A_675 : vector<16xi1>, vector<16xf32>
      %max3A_680 = arith.maximumf %max3A_577, %select_n3A_679 : vector<16xf32>
      scf.yield %select_n3A_593, %select_n3A_594, %max3A_596, %select_n3A_605, %select_n3A_606, %max3A_608, %select_n3A_617, %select_n3A_618, %max3A_620, %select_n3A_629, %select_n3A_630, %max3A_632, %select_n3A_641, %select_n3A_642, %max3A_644, %select_n3A_653, %select_n3A_654, %max3A_656, %select_n3A_665, %select_n3A_666, %max3A_668, %select_n3A_677, %select_n3A_678, %max3A_680 : vector<16xf32>, vector<16xi32>, vector<16xf32>, vector<16xf32>, vector<16xi32>, vector<16xf32>, vector<16xf32>, vector<16xi32>, vector<16xf32>, vector<16xf32>, vector<16xi32>, vector<16xf32>, vector<16xf32>, vector<16xi32>, vector<16xf32>, vector<16xf32>, vector<16xi32>, vector<16xf32>, vector<16xf32>, vector<16xi32>, vector<16xf32>, vector<16xf32>, vector<16xi32>, vector<16xf32>
    }
    %scan3A_100 = arith.constant 32 : i32
    "tpu.region"() ({
      %run_scoped3A = tpu.sem_alloc : memref<!tpu.dma_semaphore, #tpu.memory_space<semaphore_mem>>
      %dma_start3A_250 = arith.constant 24 : i32
      %dma_start3A_251 = arith.constant 999424 : i32
      %dma_start3A_252 = tpu.memref_slice %arg2[%dma_start3A_250, %dma_start3A_251] : memref<32x1000000xf32, #tpu.memory_space<hbm>> -> memref<8x576xf32, #tpu.memory_space<hbm>>
      %dma_start3A_253 = arith.constant 24 : i32
      %dma_start3A_254 = arith.constant 999424 : i32
      %dma_start3A_255 = tpu.memref_slice %arg2[%dma_start3A_253, %dma_start3A_254] : memref<32x1000000xf32, #tpu.memory_space<hbm>> -> memref<8x576xf32, #tpu.memory_space<hbm>>
      tpu.enqueue_dma source(%dma_start3A_255 : memref<8x576xf32, #tpu.memory_space<hbm>>) target(%arg8 : memref<8x576xf32, #tpu.memory_space<vmem>>) target_semaphore(%run_scoped3A : memref<!tpu.dma_semaphore, #tpu.memory_space<semaphore_mem>>)
      %dma_wait3A_256 = arith.constant 24 : i32
      %dma_wait3A_257 = arith.constant 999424 : i32
      %dma_wait3A_258 = tpu.memref_slice %arg2[%dma_wait3A_256, %dma_wait3A_257] : memref<32x1000000xf32, #tpu.memory_space<hbm>> -> memref<8x576xf32, #tpu.memory_space<hbm>>
      %dma_wait3A_259 = arith.constant 24 : i32
      %dma_wait3A_260 = arith.constant 999424 : i32
      %dma_wait3A_261 = tpu.memref_slice %arg2[%dma_wait3A_259, %dma_wait3A_260] : memref<32x1000000xf32, #tpu.memory_space<hbm>> -> memref<8x576xf32, #tpu.memory_space<hbm>>
      tpu.wait_dma2 semaphore(%run_scoped3A : memref<!tpu.dma_semaphore, #tpu.memory_space<semaphore_mem>>) src(%dma_wait3A_261 : memref<8x576xf32, #tpu.memory_space<hbm>>) dst(%arg8 : memref<8x576xf32, #tpu.memory_space<vmem>>)
      tpu.yield
    }) : () -> ()
    %scan3A_101 = arith.constant 0 : i32
    %scan3A_102 = arith.constant 36 : i32
    %scan3A_103 = arith.addi %scan3A_101, %scan3A_102 : i32
    %scan3A_104 = arith.constant 4 : i32
    %scan3A_105:24 = scf.for %scan3A_250 = %scan3A_101 to %scan3A_103 step %scan3A_104 iter_args(%scan3A_251 = %scan3A_99#0, %scan3A_252 = %scan3A_99#1, %scan3A_253 = %scan3A_99#2, %scan3A_254 = %scan3A_99#3, %scan3A_255 = %scan3A_99#4, %scan3A_256 = %scan3A_99#5, %scan3A_257 = %scan3A_99#6, %scan3A_258 = %scan3A_99#7, %scan3A_259 = %scan3A_99#8, %scan3A_260 = %scan3A_99#9, %scan3A_261 = %scan3A_99#10, %scan3A_262 = %scan3A_99#11, %scan3A_263 = %scan3A_99#12, %scan3A_264 = %scan3A_99#13, %scan3A_265 = %scan3A_99#14, %scan3A_266 = %scan3A_99#15, %scan3A_267 = %scan3A_99#16, %scan3A_268 = %scan3A_99#17, %scan3A_269 = %scan3A_99#18, %scan3A_270 = %scan3A_99#19, %scan3A_271 = %scan3A_99#20, %scan3A_272 = %scan3A_99#21, %scan3A_273 = %scan3A_99#22, %scan3A_274 = %scan3A_99#23) -> (vector<16xf32>, vector<16xi32>, vector<16xf32>, vector<16xf32>, vector<16xi32>, vector<16xf32>, vector<16xf32>, vector<16xi32>, vector<16xf32>, vector<16xf32>, vector<16xi32>, vector<16xf32>, vector<16xf32>, vector<16xi32>, vector<16xf32>, vector<16xf32>, vector<16xi32>, vector<16xf32>, vector<16xf32>, vector<16xi32>, vector<16xf32>, vector<16xf32>, vector<16xi32>, vector<16xf32>)  : i32 {
      %mul3A_275 = arith.constant 16 : i32
      %mul3A_276 = arith.muli %scan3A_250, %mul3A_275 : i32
      %add3A_277 = arith.constant 999424 : i32
      %add3A_278 = arith.addi %add3A_277, %mul3A_276 : i32
      %add3A_279 = vector.broadcast %add3A_278 : i32 to vector<16xi32>
      %add3A_280 = arith.addi %add3A_279, %iota3A : vector<16xi32>
      %mul3A_281 = arith.constant 16 : i32
      %mul3A_282 = arith.muli %scan3A_250, %mul3A_281 : i32
      %get3A = arith.constant 0 : i32
      %get3A_283 = arith.index_cast %get3A : i32 to index
      %get3A_284 = arith.index_cast %mul3A_282 : i32 to index
      %get3A_285 = tpu.vector_load %arg8[%get3A_283, %get3A_284] {strides = array<i32>} : memref<8x576xf32, #tpu.memory_space<vmem>>, vector<1x16xf32>,
      %get3A_286 = vector.shape_cast %get3A_285 : vector<1x16xf32> to vector<16xf32>
      %gt3A = arith.cmpf ogt, %get3A_286, %scan3A_251 : vector<16xf32>
      %select_n3A = arith.select %gt3A, %get3A_286, %scan3A_251 : vector<16xi1>, vector<16xf32>
      %select_n3A_287 = arith.select %gt3A, %add3A_280, %scan3A_252 : vector<16xi1>, vector<16xi32>
      %select_n3A_288 = arith.select %gt3A, %scan3A_251, %get3A_286 : vector<16xi1>, vector<16xf32>
      %max3A = arith.maximumf %scan3A_253, %select_n3A_288 : vector<16xf32>
      %mul3A_289 = arith.constant 16 : i32
      %mul3A_290 = arith.muli %scan3A_250, %mul3A_289 : i32
      %get3A_291 = arith.constant 1 : i32
      %get3A_292 = arith.index_cast %get3A_291 : i32 to index
      %get3A_293 = arith.index_cast %mul3A_290 : i32 to index
      %get3A_294 = tpu.vector_load %arg8[%get3A_292, %get3A_293] {strides = array<i32>} : memref<8x576xf32, #tpu.memory_space<vmem>>, vector<1x16xf32>,
      %get3A_295 = vector.shape_cast %get3A_294 : vector<1x16xf32> to vector<16xf32>
      %gt3A_296 = arith.cmpf ogt, %get3A_295, %scan3A_254 : vector<16xf32>
      %select_n3A_297 = arith.select %gt3A_296, %get3A_295, %scan3A_254 : vector<16xi1>, vector<16xf32>
      %select_n3A_298 = arith.select %gt3A_296, %add3A_280, %scan3A_255 : vector<16xi1>, vector<16xi32>
      %select_n3A_299 = arith.select %gt3A_296, %scan3A_254, %get3A_295 : vector<16xi1>, vector<16xf32>
      %max3A_300 = arith.maximumf %scan3A_256, %select_n3A_299 : vector<16xf32>
      %mul3A_301 = arith.constant 16 : i32
      %mul3A_302 = arith.muli %scan3A_250, %mul3A_301 : i32
      %get3A_303 = arith.constant 2 : i32
      %get3A_304 = arith.index_cast %get3A_303 : i32 to index
      %get3A_305 = arith.index_cast %mul3A_302 : i32 to index
      %get3A_306 = tpu.vector_load %arg8[%get3A_304, %get3A_305] {strides = array<i32>} : memref<8x576xf32, #tpu.memory_space<vmem>>, vector<1x16xf32>,
      %get3A_307 = vector.shape_cast %get3A_306 : vector<1x16xf32> to vector<16xf32>
      %gt3A_308 = arith.cmpf ogt, %get3A_307, %scan3A_257 : vector<16xf32>
      %select_n3A_309 = arith.select %gt3A_308, %get3A_307, %scan3A_257 : vector<16xi1>, vector<16xf32>
      %select_n3A_310 = arith.select %gt3A_308, %add3A_280, %scan3A_258 : vector<16xi1>, vector<16xi32>
      %select_n3A_311 = arith.select %gt3A_308, %scan3A_257, %get3A_307 : vector<16xi1>, vector<16xf32>
      %max3A_312 = arith.maximumf %scan3A_259, %select_n3A_311 : vector<16xf32>
      %mul3A_313 = arith.constant 16 : i32
      %mul3A_314 = arith.muli %scan3A_250, %mul3A_313 : i32
      %get3A_315 = arith.constant 3 : i32
      %get3A_316 = arith.index_cast %get3A_315 : i32 to index
      %get3A_317 = arith.index_cast %mul3A_314 : i32 to index
      %get3A_318 = tpu.vector_load %arg8[%get3A_316, %get3A_317] {strides = array<i32>} : memref<8x576xf32, #tpu.memory_space<vmem>>, vector<1x16xf32>,
      %get3A_319 = vector.shape_cast %get3A_318 : vector<1x16xf32> to vector<16xf32>
      %gt3A_320 = arith.cmpf ogt, %get3A_319, %scan3A_260 : vector<16xf32>
      %select_n3A_321 = arith.select %gt3A_320, %get3A_319, %scan3A_260 : vector<16xi1>, vector<16xf32>
      %select_n3A_322 = arith.select %gt3A_320, %add3A_280, %scan3A_261 : vector<16xi1>, vector<16xi32>
      %select_n3A_323 = arith.select %gt3A_320, %scan3A_260, %get3A_319 : vector<16xi1>, vector<16xf32>
      %max3A_324 = arith.maximumf %scan3A_262, %select_n3A_323 : vector<16xf32>
      %mul3A_325 = arith.constant 16 : i32
      %mul3A_326 = arith.muli %scan3A_250, %mul3A_325 : i32
      %get3A_327 = arith.constant 4 : i32
      %get3A_328 = arith.index_cast %get3A_327 : i32 to index
      %get3A_329 = arith.index_cast %mul3A_326 : i32 to index
      %get3A_330 = tpu.vector_load %arg8[%get3A_328, %get3A_329] {strides = array<i32>} : memref<8x576xf32, #tpu.memory_space<vmem>>, vector<1x16xf32>,
      %get3A_331 = vector.shape_cast %get3A_330 : vector<1x16xf32> to vector<16xf32>
      %gt3A_332 = arith.cmpf ogt, %get3A_331, %scan3A_263 : vector<16xf32>
      %select_n3A_333 = arith.select %gt3A_332, %get3A_331, %scan3A_263 : vector<16xi1>, vector<16xf32>
      %select_n3A_334 = arith.select %gt3A_332, %add3A_280, %scan3A_264 : vector<16xi1>, vector<16xi32>
      %select_n3A_335 = arith.select %gt3A_332, %scan3A_263, %get3A_331 : vector<16xi1>, vector<16xf32>
      %max3A_336 = arith.maximumf %scan3A_265, %select_n3A_335 : vector<16xf32>
      %mul3A_337 = arith.constant 16 : i32
      %mul3A_338 = arith.muli %scan3A_250, %mul3A_337 : i32
      %get3A_339 = arith.constant 5 : i32
      %get3A_340 = arith.index_cast %get3A_339 : i32 to index
      %get3A_341 = arith.index_cast %mul3A_338 : i32 to index
      %get3A_342 = tpu.vector_load %arg8[%get3A_340, %get3A_341] {strides = array<i32>} : memref<8x576xf32, #tpu.memory_space<vmem>>, vector<1x16xf32>,
      %get3A_343 = vector.shape_cast %get3A_342 : vector<1x16xf32> to vector<16xf32>
      %gt3A_344 = arith.cmpf ogt, %get3A_343, %scan3A_266 : vector<16xf32>
      %select_n3A_345 = arith.select %gt3A_344, %get3A_343, %scan3A_266 : vector<16xi1>, vector<16xf32>
      %select_n3A_346 = arith.select %gt3A_344, %add3A_280, %scan3A_267 : vector<16xi1>, vector<16xi32>
      %select_n3A_347 = arith.select %gt3A_344, %scan3A_266, %get3A_343 : vector<16xi1>, vector<16xf32>
      %max3A_348 = arith.maximumf %scan3A_268, %select_n3A_347 : vector<16xf32>
      %mul3A_349 = arith.constant 16 : i32
      %mul3A_350 = arith.muli %scan3A_250, %mul3A_349 : i32
      %get3A_351 = arith.constant 6 : i32
      %get3A_352 = arith.index_cast %get3A_351 : i32 to index
      %get3A_353 = arith.index_cast %mul3A_350 : i32 to index
      %get3A_354 = tpu.vector_load %arg8[%get3A_352, %get3A_353] {strides = array<i32>} : memref<8x576xf32, #tpu.memory_space<vmem>>, vector<1x16xf32>,
      %get3A_355 = vector.shape_cast %get3A_354 : vector<1x16xf32> to vector<16xf32>
      %gt3A_356 = arith.cmpf ogt, %get3A_355, %scan3A_269 : vector<16xf32>
      %select_n3A_357 = arith.select %gt3A_356, %get3A_355, %scan3A_269 : vector<16xi1>, vector<16xf32>
      %select_n3A_358 = arith.select %gt3A_356, %add3A_280, %scan3A_270 : vector<16xi1>, vector<16xi32>
      %select_n3A_359 = arith.select %gt3A_356, %scan3A_269, %get3A_355 : vector<16xi1>, vector<16xf32>
      %max3A_360 = arith.maximumf %scan3A_271, %select_n3A_359 : vector<16xf32>
      %mul3A_361 = arith.constant 16 : i32
      %mul3A_362 = arith.muli %scan3A_250, %mul3A_361 : i32
      %get3A_363 = arith.constant 7 : i32
      %get3A_364 = arith.index_cast %get3A_363 : i32 to index
      %get3A_365 = arith.index_cast %mul3A_362 : i32 to index
      %get3A_366 = tpu.vector_load %arg8[%get3A_364, %get3A_365] {strides = array<i32>} : memref<8x576xf32, #tpu.memory_space<vmem>>, vector<1x16xf32>,
      %get3A_367 = vector.shape_cast %get3A_366 : vector<1x16xf32> to vector<16xf32>
      %gt3A_368 = arith.cmpf ogt, %get3A_367, %scan3A_272 : vector<16xf32>
      %select_n3A_369 = arith.select %gt3A_368, %get3A_367, %scan3A_272 : vector<16xi1>, vector<16xf32>
      %select_n3A_370 = arith.select %gt3A_368, %add3A_280, %scan3A_273 : vector<16xi1>, vector<16xi32>
      %select_n3A_371 = arith.select %gt3A_368, %scan3A_272, %get3A_367 : vector<16xi1>, vector<16xf32>
      %max3A_372 = arith.maximumf %scan3A_274, %select_n3A_371 : vector<16xf32>
      %scan3A_373 = arith.constant 1 : i32
      %scan3A_374 = arith.addi %scan3A_250, %scan3A_373 : i32
      %mul3A_375 = arith.constant 16 : i32
      %mul3A_376 = arith.muli %scan3A_374, %mul3A_375 : i32
      %add3A_377 = arith.constant 999424 : i32
      %add3A_378 = arith.addi %add3A_377, %mul3A_376 : i32
      %add3A_379 = vector.broadcast %add3A_378 : i32 to vector<16xi32>
      %add3A_380 = arith.addi %add3A_379, %iota3A : vector<16xi32>
      %mul3A_381 = arith.constant 16 : i32
      %mul3A_382 = arith.muli %scan3A_374, %mul3A_381 : i32
      %get3A_383 = arith.constant 0 : i32
      %get3A_384 = arith.index_cast %get3A_383 : i32 to index
      %get3A_385 = arith.index_cast %mul3A_382 : i32 to index
      %get3A_386 = tpu.vector_load %arg8[%get3A_384, %get3A_385] {strides = array<i32>} : memref<8x576xf32, #tpu.memory_space<vmem>>, vector<1x16xf32>,
      %get3A_387 = vector.shape_cast %get3A_386 : vector<1x16xf32> to vector<16xf32>
      %gt3A_388 = arith.cmpf ogt, %get3A_387, %select_n3A : vector<16xf32>
      %select_n3A_389 = arith.select %gt3A_388, %get3A_387, %select_n3A : vector<16xi1>, vector<16xf32>
      %select_n3A_390 = arith.select %gt3A_388, %add3A_380, %select_n3A_287 : vector<16xi1>, vector<16xi32>
      %select_n3A_391 = arith.select %gt3A_388, %select_n3A, %get3A_387 : vector<16xi1>, vector<16xf32>
      %max3A_392 = arith.maximumf %max3A, %select_n3A_391 : vector<16xf32>
      %mul3A_393 = arith.constant 16 : i32
      %mul3A_394 = arith.muli %scan3A_374, %mul3A_393 : i32
      %get3A_395 = arith.constant 1 : i32
      %get3A_396 = arith.index_cast %get3A_395 : i32 to index
      %get3A_397 = arith.index_cast %mul3A_394 : i32 to index
      %get3A_398 = tpu.vector_load %arg8[%get3A_396, %get3A_397] {strides = array<i32>} : memref<8x576xf32, #tpu.memory_space<vmem>>, vector<1x16xf32>,
      %get3A_399 = vector.shape_cast %get3A_398 : vector<1x16xf32> to vector<16xf32>
      %gt3A_400 = arith.cmpf ogt, %get3A_399, %select_n3A_297 : vector<16xf32>
      %select_n3A_401 = arith.select %gt3A_400, %get3A_399, %select_n3A_297 : vector<16xi1>, vector<16xf32>
      %select_n3A_402 = arith.select %gt3A_400, %add3A_380, %select_n3A_298 : vector<16xi1>, vector<16xi32>
      %select_n3A_403 = arith.select %gt3A_400, %select_n3A_297, %get3A_399 : vector<16xi1>, vector<16xf32>
      %max3A_404 = arith.maximumf %max3A_300, %select_n3A_403 : vector<16xf32>
      %mul3A_405 = arith.constant 16 : i32
      %mul3A_406 = arith.muli %scan3A_374, %mul3A_405 : i32
      %get3A_407 = arith.constant 2 : i32
      %get3A_408 = arith.index_cast %get3A_407 : i32 to index
      %get3A_409 = arith.index_cast %mul3A_406 : i32 to index
      %get3A_410 = tpu.vector_load %arg8[%get3A_408, %get3A_409] {strides = array<i32>} : memref<8x576xf32, #tpu.memory_space<vmem>>, vector<1x16xf32>,
      %get3A_411 = vector.shape_cast %get3A_410 : vector<1x16xf32> to vector<16xf32>
      %gt3A_412 = arith.cmpf ogt, %get3A_411, %select_n3A_309 : vector<16xf32>
      %select_n3A_413 = arith.select %gt3A_412, %get3A_411, %select_n3A_309 : vector<16xi1>, vector<16xf32>
      %select_n3A_414 = arith.select %gt3A_412, %add3A_380, %select_n3A_310 : vector<16xi1>, vector<16xi32>
      %select_n3A_415 = arith.select %gt3A_412, %select_n3A_309, %get3A_411 : vector<16xi1>, vector<16xf32>
      %max3A_416 = arith.maximumf %max3A_312, %select_n3A_415 : vector<16xf32>
      %mul3A_417 = arith.constant 16 : i32
      %mul3A_418 = arith.muli %scan3A_374, %mul3A_417 : i32
      %get3A_419 = arith.constant 3 : i32
      %get3A_420 = arith.index_cast %get3A_419 : i32 to index
      %get3A_421 = arith.index_cast %mul3A_418 : i32 to index
      %get3A_422 = tpu.vector_load %arg8[%get3A_420, %get3A_421] {strides = array<i32>} : memref<8x576xf32, #tpu.memory_space<vmem>>, vector<1x16xf32>,
      %get3A_423 = vector.shape_cast %get3A_422 : vector<1x16xf32> to vector<16xf32>
      %gt3A_424 = arith.cmpf ogt, %get3A_423, %select_n3A_321 : vector<16xf32>
      %select_n3A_425 = arith.select %gt3A_424, %get3A_423, %select_n3A_321 : vector<16xi1>, vector<16xf32>
      %select_n3A_426 = arith.select %gt3A_424, %add3A_380, %select_n3A_322 : vector<16xi1>, vector<16xi32>
      %select_n3A_427 = arith.select %gt3A_424, %select_n3A_321, %get3A_423 : vector<16xi1>, vector<16xf32>
      %max3A_428 = arith.maximumf %max3A_324, %select_n3A_427 : vector<16xf32>
      %mul3A_429 = arith.constant 16 : i32
      %mul3A_430 = arith.muli %scan3A_374, %mul3A_429 : i32
      %get3A_431 = arith.constant 4 : i32
      %get3A_432 = arith.index_cast %get3A_431 : i32 to index
      %get3A_433 = arith.index_cast %mul3A_430 : i32 to index
      %get3A_434 = tpu.vector_load %arg8[%get3A_432, %get3A_433] {strides = array<i32>} : memref<8x576xf32, #tpu.memory_space<vmem>>, vector<1x16xf32>,
      %get3A_435 = vector.shape_cast %get3A_434 : vector<1x16xf32> to vector<16xf32>
      %gt3A_436 = arith.cmpf ogt, %get3A_435, %select_n3A_333 : vector<16xf32>
      %select_n3A_437 = arith.select %gt3A_436, %get3A_435, %select_n3A_333 : vector<16xi1>, vector<16xf32>
      %select_n3A_438 = arith.select %gt3A_436, %add3A_380, %select_n3A_334 : vector<16xi1>, vector<16xi32>
      %select_n3A_439 = arith.select %gt3A_436, %select_n3A_333, %get3A_435 : vector<16xi1>, vector<16xf32>
      %max3A_440 = arith.maximumf %max3A_336, %select_n3A_439 : vector<16xf32>
      %mul3A_441 = arith.constant 16 : i32
      %mul3A_442 = arith.muli %scan3A_374, %mul3A_441 : i32
      %get3A_443 = arith.constant 5 : i32
      %get3A_444 = arith.index_cast %get3A_443 : i32 to index
      %get3A_445 = arith.index_cast %mul3A_442 : i32 to index
      %get3A_446 = tpu.vector_load %arg8[%get3A_444, %get3A_445] {strides = array<i32>} : memref<8x576xf32, #tpu.memory_space<vmem>>, vector<1x16xf32>,
      %get3A_447 = vector.shape_cast %get3A_446 : vector<1x16xf32> to vector<16xf32>
      %gt3A_448 = arith.cmpf ogt, %get3A_447, %select_n3A_345 : vector<16xf32>
      %select_n3A_449 = arith.select %gt3A_448, %get3A_447, %select_n3A_345 : vector<16xi1>, vector<16xf32>
      %select_n3A_450 = arith.select %gt3A_448, %add3A_380, %select_n3A_346 : vector<16xi1>, vector<16xi32>
      %select_n3A_451 = arith.select %gt3A_448, %select_n3A_345, %get3A_447 : vector<16xi1>, vector<16xf32>
      %max3A_452 = arith.maximumf %max3A_348, %select_n3A_451 : vector<16xf32>
      %mul3A_453 = arith.constant 16 : i32
      %mul3A_454 = arith.muli %scan3A_374, %mul3A_453 : i32
      %get3A_455 = arith.constant 6 : i32
      %get3A_456 = arith.index_cast %get3A_455 : i32 to index
      %get3A_457 = arith.index_cast %mul3A_454 : i32 to index
      %get3A_458 = tpu.vector_load %arg8[%get3A_456, %get3A_457] {strides = array<i32>} : memref<8x576xf32, #tpu.memory_space<vmem>>, vector<1x16xf32>,
      %get3A_459 = vector.shape_cast %get3A_458 : vector<1x16xf32> to vector<16xf32>
      %gt3A_460 = arith.cmpf ogt, %get3A_459, %select_n3A_357 : vector<16xf32>
      %select_n3A_461 = arith.select %gt3A_460, %get3A_459, %select_n3A_357 : vector<16xi1>, vector<16xf32>
      %select_n3A_462 = arith.select %gt3A_460, %add3A_380, %select_n3A_358 : vector<16xi1>, vector<16xi32>
      %select_n3A_463 = arith.select %gt3A_460, %select_n3A_357, %get3A_459 : vector<16xi1>, vector<16xf32>
      %max3A_464 = arith.maximumf %max3A_360, %select_n3A_463 : vector<16xf32>
      %mul3A_465 = arith.constant 16 : i32
      %mul3A_466 = arith.muli %scan3A_374, %mul3A_465 : i32
      %get3A_467 = arith.constant 7 : i32
      %get3A_468 = arith.index_cast %get3A_467 : i32 to index
      %get3A_469 = arith.index_cast %mul3A_466 : i32 to index
      %get3A_470 = tpu.vector_load %arg8[%get3A_468, %get3A_469] {strides = array<i32>} : memref<8x576xf32, #tpu.memory_space<vmem>>, vector<1x16xf32>,
      %get3A_471 = vector.shape_cast %get3A_470 : vector<1x16xf32> to vector<16xf32>
      %gt3A_472 = arith.cmpf ogt, %get3A_471, %select_n3A_369 : vector<16xf32>
      %select_n3A_473 = arith.select %gt3A_472, %get3A_471, %select_n3A_369 : vector<16xi1>, vector<16xf32>
      %select_n3A_474 = arith.select %gt3A_472, %add3A_380, %select_n3A_370 : vector<16xi1>, vector<16xi32>
      %select_n3A_475 = arith.select %gt3A_472, %select_n3A_369, %get3A_471 : vector<16xi1>, vector<16xf32>
      %max3A_476 = arith.maximumf %max3A_372, %select_n3A_475 : vector<16xf32>
      %scan3A_477 = arith.constant 2 : i32
      %scan3A_478 = arith.addi %scan3A_250, %scan3A_477 : i32
      %mul3A_479 = arith.constant 16 : i32
      %mul3A_480 = arith.muli %scan3A_478, %mul3A_479 : i32
      %add3A_481 = arith.constant 999424 : i32
      %add3A_482 = arith.addi %add3A_481, %mul3A_480 : i32
      %add3A_483 = vector.broadcast %add3A_482 : i32 to vector<16xi32>
      %add3A_484 = arith.addi %add3A_483, %iota3A : vector<16xi32>
      %mul3A_485 = arith.constant 16 : i32
      %mul3A_486 = arith.muli %scan3A_478, %mul3A_485 : i32
      %get3A_487 = arith.constant 0 : i32
      %get3A_488 = arith.index_cast %get3A_487 : i32 to index
      %get3A_489 = arith.index_cast %mul3A_486 : i32 to index
      %get3A_490 = tpu.vector_load %arg8[%get3A_488, %get3A_489] {strides = array<i32>} : memref<8x576xf32, #tpu.memory_space<vmem>>, vector<1x16xf32>,
      %get3A_491 = vector.shape_cast %get3A_490 : vector<1x16xf32> to vector<16xf32>
      %gt3A_492 = arith.cmpf ogt, %get3A_491, %select_n3A_389 : vector<16xf32>
      %select_n3A_493 = arith.select %gt3A_492, %get3A_491, %select_n3A_389 : vector<16xi1>, vector<16xf32>
      %select_n3A_494 = arith.select %gt3A_492, %add3A_484, %select_n3A_390 : vector<16xi1>, vector<16xi32>
      %select_n3A_495 = arith.select %gt3A_492, %select_n3A_389, %get3A_491 : vector<16xi1>, vector<16xf32>
      %max3A_496 = arith.maximumf %max3A_392, %select_n3A_495 : vector<16xf32>
      %mul3A_497 = arith.constant 16 : i32
      %mul3A_498 = arith.muli %scan3A_478, %mul3A_497 : i32
      %get3A_499 = arith.constant 1 : i32
      %get3A_500 = arith.index_cast %get3A_499 : i32 to index
      %get3A_501 = arith.index_cast %mul3A_498 : i32 to index
      %get3A_502 = tpu.vector_load %arg8[%get3A_500, %get3A_501] {strides = array<i32>} : memref<8x576xf32, #tpu.memory_space<vmem>>, vector<1x16xf32>,
      %get3A_503 = vector.shape_cast %get3A_502 : vector<1x16xf32> to vector<16xf32>
      %gt3A_504 = arith.cmpf ogt, %get3A_503, %select_n3A_401 : vector<16xf32>
      %select_n3A_505 = arith.select %gt3A_504, %get3A_503, %select_n3A_401 : vector<16xi1>, vector<16xf32>
      %select_n3A_506 = arith.select %gt3A_504, %add3A_484, %select_n3A_402 : vector<16xi1>, vector<16xi32>
      %select_n3A_507 = arith.select %gt3A_504, %select_n3A_401, %get3A_503 : vector<16xi1>, vector<16xf32>
      %max3A_508 = arith.maximumf %max3A_404, %select_n3A_507 : vector<16xf32>
      %mul3A_509 = arith.constant 16 : i32
      %mul3A_510 = arith.muli %scan3A_478, %mul3A_509 : i32
      %get3A_511 = arith.constant 2 : i32
      %get3A_512 = arith.index_cast %get3A_511 : i32 to index
      %get3A_513 = arith.index_cast %mul3A_510 : i32 to index
      %get3A_514 = tpu.vector_load %arg8[%get3A_512, %get3A_513] {strides = array<i32>} : memref<8x576xf32, #tpu.memory_space<vmem>>, vector<1x16xf32>,
      %get3A_515 = vector.shape_cast %get3A_514 : vector<1x16xf32> to vector<16xf32>
      %gt3A_516 = arith.cmpf ogt, %get3A_515, %select_n3A_413 : vector<16xf32>
      %select_n3A_517 = arith.select %gt3A_516, %get3A_515, %select_n3A_413 : vector<16xi1>, vector<16xf32>
      %select_n3A_518 = arith.select %gt3A_516, %add3A_484, %select_n3A_414 : vector<16xi1>, vector<16xi32>
      %select_n3A_519 = arith.select %gt3A_516, %select_n3A_413, %get3A_515 : vector<16xi1>, vector<16xf32>
      %max3A_520 = arith.maximumf %max3A_416, %select_n3A_519 : vector<16xf32>
      %mul3A_521 = arith.constant 16 : i32
      %mul3A_522 = arith.muli %scan3A_478, %mul3A_521 : i32
      %get3A_523 = arith.constant 3 : i32
      %get3A_524 = arith.index_cast %get3A_523 : i32 to index
      %get3A_525 = arith.index_cast %mul3A_522 : i32 to index
      %get3A_526 = tpu.vector_load %arg8[%get3A_524, %get3A_525] {strides = array<i32>} : memref<8x576xf32, #tpu.memory_space<vmem>>, vector<1x16xf32>,
      %get3A_527 = vector.shape_cast %get3A_526 : vector<1x16xf32> to vector<16xf32>
      %gt3A_528 = arith.cmpf ogt, %get3A_527, %select_n3A_425 : vector<16xf32>
      %select_n3A_529 = arith.select %gt3A_528, %get3A_527, %select_n3A_425 : vector<16xi1>, vector<16xf32>
      %select_n3A_530 = arith.select %gt3A_528, %add3A_484, %select_n3A_426 : vector<16xi1>, vector<16xi32>
      %select_n3A_531 = arith.select %gt3A_528, %select_n3A_425, %get3A_527 : vector<16xi1>, vector<16xf32>
      %max3A_532 = arith.maximumf %max3A_428, %select_n3A_531 : vector<16xf32>
      %mul3A_533 = arith.constant 16 : i32
      %mul3A_534 = arith.muli %scan3A_478, %mul3A_533 : i32
      %get3A_535 = arith.constant 4 : i32
      %get3A_536 = arith.index_cast %get3A_535 : i32 to index
      %get3A_537 = arith.index_cast %mul3A_534 : i32 to index
      %get3A_538 = tpu.vector_load %arg8[%get3A_536, %get3A_537] {strides = array<i32>} : memref<8x576xf32, #tpu.memory_space<vmem>>, vector<1x16xf32>,
      %get3A_539 = vector.shape_cast %get3A_538 : vector<1x16xf32> to vector<16xf32>
      %gt3A_540 = arith.cmpf ogt, %get3A_539, %select_n3A_437 : vector<16xf32>
      %select_n3A_541 = arith.select %gt3A_540, %get3A_539, %select_n3A_437 : vector<16xi1>, vector<16xf32>
      %select_n3A_542 = arith.select %gt3A_540, %add3A_484, %select_n3A_438 : vector<16xi1>, vector<16xi32>
      %select_n3A_543 = arith.select %gt3A_540, %select_n3A_437, %get3A_539 : vector<16xi1>, vector<16xf32>
      %max3A_544 = arith.maximumf %max3A_440, %select_n3A_543 : vector<16xf32>
      %mul3A_545 = arith.constant 16 : i32
      %mul3A_546 = arith.muli %scan3A_478, %mul3A_545 : i32
      %get3A_547 = arith.constant 5 : i32
      %get3A_548 = arith.index_cast %get3A_547 : i32 to index
      %get3A_549 = arith.index_cast %mul3A_546 : i32 to index
      %get3A_550 = tpu.vector_load %arg8[%get3A_548, %get3A_549] {strides = array<i32>} : memref<8x576xf32, #tpu.memory_space<vmem>>, vector<1x16xf32>,
      %get3A_551 = vector.shape_cast %get3A_550 : vector<1x16xf32> to vector<16xf32>
      %gt3A_552 = arith.cmpf ogt, %get3A_551, %select_n3A_449 : vector<16xf32>
      %select_n3A_553 = arith.select %gt3A_552, %get3A_551, %select_n3A_449 : vector<16xi1>, vector<16xf32>
      %select_n3A_554 = arith.select %gt3A_552, %add3A_484, %select_n3A_450 : vector<16xi1>, vector<16xi32>
      %select_n3A_555 = arith.select %gt3A_552, %select_n3A_449, %get3A_551 : vector<16xi1>, vector<16xf32>
      %max3A_556 = arith.maximumf %max3A_452, %select_n3A_555 : vector<16xf32>
      %mul3A_557 = arith.constant 16 : i32
      %mul3A_558 = arith.muli %scan3A_478, %mul3A_557 : i32
      %get3A_559 = arith.constant 6 : i32
      %get3A_560 = arith.index_cast %get3A_559 : i32 to index
      %get3A_561 = arith.index_cast %mul3A_558 : i32 to index
      %get3A_562 = tpu.vector_load %arg8[%get3A_560, %get3A_561] {strides = array<i32>} : memref<8x576xf32, #tpu.memory_space<vmem>>, vector<1x16xf32>,
      %get3A_563 = vector.shape_cast %get3A_562 : vector<1x16xf32> to vector<16xf32>
      %gt3A_564 = arith.cmpf ogt, %get3A_563, %select_n3A_461 : vector<16xf32>
      %select_n3A_565 = arith.select %gt3A_564, %get3A_563, %select_n3A_461 : vector<16xi1>, vector<16xf32>
      %select_n3A_566 = arith.select %gt3A_564, %add3A_484, %select_n3A_462 : vector<16xi1>, vector<16xi32>
      %select_n3A_567 = arith.select %gt3A_564, %select_n3A_461, %get3A_563 : vector<16xi1>, vector<16xf32>
      %max3A_568 = arith.maximumf %max3A_464, %select_n3A_567 : vector<16xf32>
      %mul3A_569 = arith.constant 16 : i32
      %mul3A_570 = arith.muli %scan3A_478, %mul3A_569 : i32
      %get3A_571 = arith.constant 7 : i32
      %get3A_572 = arith.index_cast %get3A_571 : i32 to index
      %get3A_573 = arith.index_cast %mul3A_570 : i32 to index
      %get3A_574 = tpu.vector_load %arg8[%get3A_572, %get3A_573] {strides = array<i32>} : memref<8x576xf32, #tpu.memory_space<vmem>>, vector<1x16xf32>,
      %get3A_575 = vector.shape_cast %get3A_574 : vector<1x16xf32> to vector<16xf32>
      %gt3A_576 = arith.cmpf ogt, %get3A_575, %select_n3A_473 : vector<16xf32>
      %select_n3A_577 = arith.select %gt3A_576, %get3A_575, %select_n3A_473 : vector<16xi1>, vector<16xf32>
      %select_n3A_578 = arith.select %gt3A_576, %add3A_484, %select_n3A_474 : vector<16xi1>, vector<16xi32>
      %select_n3A_579 = arith.select %gt3A_576, %select_n3A_473, %get3A_575 : vector<16xi1>, vector<16xf32>
      %max3A_580 = arith.maximumf %max3A_476, %select_n3A_579 : vector<16xf32>
      %scan3A_581 = arith.constant 3 : i32
      %scan3A_582 = arith.addi %scan3A_250, %scan3A_581 : i32
      %mul3A_583 = arith.constant 16 : i32
      %mul3A_584 = arith.muli %scan3A_582, %mul3A_583 : i32
      %add3A_585 = arith.constant 999424 : i32
      %add3A_586 = arith.addi %add3A_585, %mul3A_584 : i32
      %add3A_587 = vector.broadcast %add3A_586 : i32 to vector<16xi32>
      %add3A_588 = arith.addi %add3A_587, %iota3A : vector<16xi32>
      %mul3A_589 = arith.constant 16 : i32
      %mul3A_590 = arith.muli %scan3A_582, %mul3A_589 : i32
      %get3A_591 = arith.constant 0 : i32
      %get3A_592 = arith.index_cast %get3A_591 : i32 to index
      %get3A_593 = arith.index_cast %mul3A_590 : i32 to index
      %get3A_594 = tpu.vector_load %arg8[%get3A_592, %get3A_593] {strides = array<i32>} : memref<8x576xf32, #tpu.memory_space<vmem>>, vector<1x16xf32>,
      %get3A_595 = vector.shape_cast %get3A_594 : vector<1x16xf32> to vector<16xf32>
      %gt3A_596 = arith.cmpf ogt, %get3A_595, %select_n3A_493 : vector<16xf32>
      %select_n3A_597 = arith.select %gt3A_596, %get3A_595, %select_n3A_493 : vector<16xi1>, vector<16xf32>
      %select_n3A_598 = arith.select %gt3A_596, %add3A_588, %select_n3A_494 : vector<16xi1>, vector<16xi32>
      %select_n3A_599 = arith.select %gt3A_596, %select_n3A_493, %get3A_595 : vector<16xi1>, vector<16xf32>
      %max3A_600 = arith.maximumf %max3A_496, %select_n3A_599 : vector<16xf32>
      %mul3A_601 = arith.constant 16 : i32
      %mul3A_602 = arith.muli %scan3A_582, %mul3A_601 : i32
      %get3A_603 = arith.constant 1 : i32
      %get3A_604 = arith.index_cast %get3A_603 : i32 to index
      %get3A_605 = arith.index_cast %mul3A_602 : i32 to index
      %get3A_606 = tpu.vector_load %arg8[%get3A_604, %get3A_605] {strides = array<i32>} : memref<8x576xf32, #tpu.memory_space<vmem>>, vector<1x16xf32>,
      %get3A_607 = vector.shape_cast %get3A_606 : vector<1x16xf32> to vector<16xf32>
      %gt3A_608 = arith.cmpf ogt, %get3A_607, %select_n3A_505 : vector<16xf32>
      %select_n3A_609 = arith.select %gt3A_608, %get3A_607, %select_n3A_505 : vector<16xi1>, vector<16xf32>
      %select_n3A_610 = arith.select %gt3A_608, %add3A_588, %select_n3A_506 : vector<16xi1>, vector<16xi32>
      %select_n3A_611 = arith.select %gt3A_608, %select_n3A_505, %get3A_607 : vector<16xi1>, vector<16xf32>
      %max3A_612 = arith.maximumf %max3A_508, %select_n3A_611 : vector<16xf32>
      %mul3A_613 = arith.constant 16 : i32
      %mul3A_614 = arith.muli %scan3A_582, %mul3A_613 : i32
      %get3A_615 = arith.constant 2 : i32
      %get3A_616 = arith.index_cast %get3A_615 : i32 to index
      %get3A_617 = arith.index_cast %mul3A_614 : i32 to index
      %get3A_618 = tpu.vector_load %arg8[%get3A_616, %get3A_617] {strides = array<i32>} : memref<8x576xf32, #tpu.memory_space<vmem>>, vector<1x16xf32>,
      %get3A_619 = vector.shape_cast %get3A_618 : vector<1x16xf32> to vector<16xf32>
      %gt3A_620 = arith.cmpf ogt, %get3A_619, %select_n3A_517 : vector<16xf32>
      %select_n3A_621 = arith.select %gt3A_620, %get3A_619, %select_n3A_517 : vector<16xi1>, vector<16xf32>
      %select_n3A_622 = arith.select %gt3A_620, %add3A_588, %select_n3A_518 : vector<16xi1>, vector<16xi32>
      %select_n3A_623 = arith.select %gt3A_620, %select_n3A_517, %get3A_619 : vector<16xi1>, vector<16xf32>
      %max3A_624 = arith.maximumf %max3A_520, %select_n3A_623 : vector<16xf32>
      %mul3A_625 = arith.constant 16 : i32
      %mul3A_626 = arith.muli %scan3A_582, %mul3A_625 : i32
      %get3A_627 = arith.constant 3 : i32
      %get3A_628 = arith.index_cast %get3A_627 : i32 to index
      %get3A_629 = arith.index_cast %mul3A_626 : i32 to index
      %get3A_630 = tpu.vector_load %arg8[%get3A_628, %get3A_629] {strides = array<i32>} : memref<8x576xf32, #tpu.memory_space<vmem>>, vector<1x16xf32>,
      %get3A_631 = vector.shape_cast %get3A_630 : vector<1x16xf32> to vector<16xf32>
      %gt3A_632 = arith.cmpf ogt, %get3A_631, %select_n3A_529 : vector<16xf32>
      %select_n3A_633 = arith.select %gt3A_632, %get3A_631, %select_n3A_529 : vector<16xi1>, vector<16xf32>
      %select_n3A_634 = arith.select %gt3A_632, %add3A_588, %select_n3A_530 : vector<16xi1>, vector<16xi32>
      %select_n3A_635 = arith.select %gt3A_632, %select_n3A_529, %get3A_631 : vector<16xi1>, vector<16xf32>
      %max3A_636 = arith.maximumf %max3A_532, %select_n3A_635 : vector<16xf32>
      %mul3A_637 = arith.constant 16 : i32
      %mul3A_638 = arith.muli %scan3A_582, %mul3A_637 : i32
      %get3A_639 = arith.constant 4 : i32
      %get3A_640 = arith.index_cast %get3A_639 : i32 to index
      %get3A_641 = arith.index_cast %mul3A_638 : i32 to index
      %get3A_642 = tpu.vector_load %arg8[%get3A_640, %get3A_641] {strides = array<i32>} : memref<8x576xf32, #tpu.memory_space<vmem>>, vector<1x16xf32>,
      %get3A_643 = vector.shape_cast %get3A_642 : vector<1x16xf32> to vector<16xf32>
      %gt3A_644 = arith.cmpf ogt, %get3A_643, %select_n3A_541 : vector<16xf32>
      %select_n3A_645 = arith.select %gt3A_644, %get3A_643, %select_n3A_541 : vector<16xi1>, vector<16xf32>
      %select_n3A_646 = arith.select %gt3A_644, %add3A_588, %select_n3A_542 : vector<16xi1>, vector<16xi32>
      %select_n3A_647 = arith.select %gt3A_644, %select_n3A_541, %get3A_643 : vector<16xi1>, vector<16xf32>
      %max3A_648 = arith.maximumf %max3A_544, %select_n3A_647 : vector<16xf32>
      %mul3A_649 = arith.constant 16 : i32
      %mul3A_650 = arith.muli %scan3A_582, %mul3A_649 : i32
      %get3A_651 = arith.constant 5 : i32
      %get3A_652 = arith.index_cast %get3A_651 : i32 to index
      %get3A_653 = arith.index_cast %mul3A_650 : i32 to index
      %get3A_654 = tpu.vector_load %arg8[%get3A_652, %get3A_653] {strides = array<i32>} : memref<8x576xf32, #tpu.memory_space<vmem>>, vector<1x16xf32>,
      %get3A_655 = vector.shape_cast %get3A_654 : vector<1x16xf32> to vector<16xf32>
      %gt3A_656 = arith.cmpf ogt, %get3A_655, %select_n3A_553 : vector<16xf32>
      %select_n3A_657 = arith.select %gt3A_656, %get3A_655, %select_n3A_553 : vector<16xi1>, vector<16xf32>
      %select_n3A_658 = arith.select %gt3A_656, %add3A_588, %select_n3A_554 : vector<16xi1>, vector<16xi32>
      %select_n3A_659 = arith.select %gt3A_656, %select_n3A_553, %get3A_655 : vector<16xi1>, vector<16xf32>
      %max3A_660 = arith.maximumf %max3A_556, %select_n3A_659 : vector<16xf32>
      %mul3A_661 = arith.constant 16 : i32
      %mul3A_662 = arith.muli %scan3A_582, %mul3A_661 : i32
      %get3A_663 = arith.constant 6 : i32
      %get3A_664 = arith.index_cast %get3A_663 : i32 to index
      %get3A_665 = arith.index_cast %mul3A_662 : i32 to index
      %get3A_666 = tpu.vector_load %arg8[%get3A_664, %get3A_665] {strides = array<i32>} : memref<8x576xf32, #tpu.memory_space<vmem>>, vector<1x16xf32>,
      %get3A_667 = vector.shape_cast %get3A_666 : vector<1x16xf32> to vector<16xf32>
      %gt3A_668 = arith.cmpf ogt, %get3A_667, %select_n3A_565 : vector<16xf32>
      %select_n3A_669 = arith.select %gt3A_668, %get3A_667, %select_n3A_565 : vector<16xi1>, vector<16xf32>
      %select_n3A_670 = arith.select %gt3A_668, %add3A_588, %select_n3A_566 : vector<16xi1>, vector<16xi32>
      %select_n3A_671 = arith.select %gt3A_668, %select_n3A_565, %get3A_667 : vector<16xi1>, vector<16xf32>
      %max3A_672 = arith.maximumf %max3A_568, %select_n3A_671 : vector<16xf32>
      %mul3A_673 = arith.constant 16 : i32
      %mul3A_674 = arith.muli %scan3A_582, %mul3A_673 : i32
      %get3A_675 = arith.constant 7 : i32
      %get3A_676 = arith.index_cast %get3A_675 : i32 to index
      %get3A_677 = arith.index_cast %mul3A_674 : i32 to index
      %get3A_678 = tpu.vector_load %arg8[%get3A_676, %get3A_677] {strides = array<i32>} : memref<8x576xf32, #tpu.memory_space<vmem>>, vector<1x16xf32>,
      %get3A_679 = vector.shape_cast %get3A_678 : vector<1x16xf32> to vector<16xf32>
      %gt3A_680 = arith.cmpf ogt, %get3A_679, %select_n3A_577 : vector<16xf32>
      %select_n3A_681 = arith.select %gt3A_680, %get3A_679, %select_n3A_577 : vector<16xi1>, vector<16xf32>
      %select_n3A_682 = arith.select %gt3A_680, %add3A_588, %select_n3A_578 : vector<16xi1>, vector<16xi32>
      %select_n3A_683 = arith.select %gt3A_680, %select_n3A_577, %get3A_679 : vector<16xi1>, vector<16xf32>
      %max3A_684 = arith.maximumf %max3A_580, %select_n3A_683 : vector<16xf32>
      scf.yield %select_n3A_597, %select_n3A_598, %max3A_600, %select_n3A_609, %select_n3A_610, %max3A_612, %select_n3A_621, %select_n3A_622, %max3A_624, %select_n3A_633, %select_n3A_634, %max3A_636, %select_n3A_645, %select_n3A_646, %max3A_648, %select_n3A_657, %select_n3A_658, %max3A_660, %select_n3A_669, %select_n3A_670, %max3A_672, %select_n3A_681, %select_n3A_682, %max3A_684 : vector<16xf32>, vector<16xi32>, vector<16xf32>, vector<16xf32>, vector<16xi32>, vector<16xf32>, vector<16xf32>, vector<16xi32>, vector<16xf32>, vector<16xf32>, vector<16xi32>, vector<16xf32>, vector<16xf32>, vector<16xi32>, vector<16xf32>, vector<16xf32>, vector<16xi32>, vector<16xf32>, vector<16xf32>, vector<16xi32>, vector<16xf32>, vector<16xf32>, vector<16xi32>, vector<16xf32>
    }
    %scan3A_106 = arith.constant 36 : i32
    %swap3A = arith.constant 0 : i32
    %swap3A_107 = arith.index_cast %swap3A : i32 to index
    %swap3A_108 = arith.constant 0 : index
    %swap3A_109 = tpu.vector_load %arg9[%swap3A_107, %swap3A_108] {strides = array<i32>} : memref<8x16xf32, #tpu.memory_space<vmem>>, vector<1x16xf32>,
    %swap3A_110 = vector.shape_cast %swap3A_109 : vector<1x16xf32> to vector<16xf32>
    %swap3A_111 = vector.shape_cast %scan3A_105#0 : vector<16xf32> to vector<1x16xf32>
    tpu.vector_store %arg9[%swap3A_107, %swap3A_108], %swap3A_111 {strides = array<i32>} : memref<8x16xf32, #tpu.memory_space<vmem>>, vector<1x16xf32>,
    %swap3A_112 = arith.constant 0 : i32
    %swap3A_113 = arith.index_cast %swap3A_112 : i32 to index
    %swap3A_114 = arith.constant 0 : index
    %swap3A_115 = tpu.vector_load %arg10[%swap3A_113, %swap3A_114] {strides = array<i32>} : memref<8x16xi32, #tpu.memory_space<vmem>>, vector<1x16xi32>,
    %swap3A_116 = vector.shape_cast %swap3A_115 : vector<1x16xi32> to vector<16xi32>
    %swap3A_117 = vector.shape_cast %scan3A_105#1 : vector<16xi32> to vector<1x16xi32>
    tpu.vector_store %arg10[%swap3A_113, %swap3A_114], %swap3A_117 {strides = array<i32>} : memref<8x16xi32, #tpu.memory_space<vmem>>, vector<1x16xi32>,
    %swap3A_118 = arith.constant 0 : i32
    %swap3A_119 = arith.index_cast %swap3A_118 : i32 to index
    %swap3A_120 = arith.constant 0 : index
    %swap3A_121 = tpu.vector_load %arg11[%swap3A_119, %swap3A_120] {strides = array<i32>} : memref<8x16xf32, #tpu.memory_space<vmem>>, vector<1x16xf32>,
    %swap3A_122 = vector.shape_cast %swap3A_121 : vector<1x16xf32> to vector<16xf32>
    %swap3A_123 = vector.shape_cast %scan3A_105#2 : vector<16xf32> to vector<1x16xf32>
    tpu.vector_store %arg11[%swap3A_119, %swap3A_120], %swap3A_123 {strides = array<i32>} : memref<8x16xf32, #tpu.memory_space<vmem>>, vector<1x16xf32>,
    %swap3A_124 = arith.constant 1 : i32
    %swap3A_125 = arith.index_cast %swap3A_124 : i32 to index
    %swap3A_126 = arith.constant 0 : index
    %swap3A_127 = tpu.vector_load %arg9[%swap3A_125, %swap3A_126] {strides = array<i32>} : memref<8x16xf32, #tpu.memory_space<vmem>>, vector<1x16xf32>,
    %swap3A_128 = vector.shape_cast %swap3A_127 : vector<1x16xf32> to vector<16xf32>
    %swap3A_129 = vector.shape_cast %scan3A_105#3 : vector<16xf32> to vector<1x16xf32>
    tpu.vector_store %arg9[%swap3A_125, %swap3A_126], %swap3A_129 {strides = array<i32>} : memref<8x16xf32, #tpu.memory_space<vmem>>, vector<1x16xf32>,
    %swap3A_130 = arith.constant 1 : i32
    %swap3A_131 = arith.index_cast %swap3A_130 : i32 to index
    %swap3A_132 = arith.constant 0 : index
    %swap3A_133 = tpu.vector_load %arg10[%swap3A_131, %swap3A_132] {strides = array<i32>} : memref<8x16xi32, #tpu.memory_space<vmem>>, vector<1x16xi32>,
    %swap3A_134 = vector.shape_cast %swap3A_133 : vector<1x16xi32> to vector<16xi32>
    %swap3A_135 = vector.shape_cast %scan3A_105#4 : vector<16xi32> to vector<1x16xi32>
    tpu.vector_store %arg10[%swap3A_131, %swap3A_132], %swap3A_135 {strides = array<i32>} : memref<8x16xi32, #tpu.memory_space<vmem>>, vector<1x16xi32>,
    %swap3A_136 = arith.constant 1 : i32
    %swap3A_137 = arith.index_cast %swap3A_136 : i32 to index
    %swap3A_138 = arith.constant 0 : index
    %swap3A_139 = tpu.vector_load %arg11[%swap3A_137, %swap3A_138] {strides = array<i32>} : memref<8x16xf32, #tpu.memory_space<vmem>>, vector<1x16xf32>,
    %swap3A_140 = vector.shape_cast %swap3A_139 : vector<1x16xf32> to vector<16xf32>
    %swap3A_141 = vector.shape_cast %scan3A_105#5 : vector<16xf32> to vector<1x16xf32>
    tpu.vector_store %arg11[%swap3A_137, %swap3A_138], %swap3A_141 {strides = array<i32>} : memref<8x16xf32, #tpu.memory_space<vmem>>, vector<1x16xf32>,
    %swap3A_142 = arith.constant 2 : i32
    %swap3A_143 = arith.index_cast %swap3A_142 : i32 to index
    %swap3A_144 = arith.constant 0 : index
    %swap3A_145 = tpu.vector_load %arg9[%swap3A_143, %swap3A_144] {strides = array<i32>} : memref<8x16xf32, #tpu.memory_space<vmem>>, vector<1x16xf32>,
    %swap3A_146 = vector.shape_cast %swap3A_145 : vector<1x16xf32> to vector<16xf32>
    %swap3A_147 = vector.shape_cast %scan3A_105#6 : vector<16xf32> to vector<1x16xf32>
    tpu.vector_store %arg9[%swap3A_143, %swap3A_144], %swap3A_147 {strides = array<i32>} : memref<8x16xf32, #tpu.memory_space<vmem>>, vector<1x16xf32>,
    %swap3A_148 = arith.constant 2 : i32
    %swap3A_149 = arith.index_cast %swap3A_148 : i32 to index
    %swap3A_150 = arith.constant 0 : index
    %swap3A_151 = tpu.vector_load %arg10[%swap3A_149, %swap3A_150] {strides = array<i32>} : memref<8x16xi32, #tpu.memory_space<vmem>>, vector<1x16xi32>,
    %swap3A_152 = vector.shape_cast %swap3A_151 : vector<1x16xi32> to vector<16xi32>
    %swap3A_153 = vector.shape_cast %scan3A_105#7 : vector<16xi32> to vector<1x16xi32>
    tpu.vector_store %arg10[%swap3A_149, %swap3A_150], %swap3A_153 {strides = array<i32>} : memref<8x16xi32, #tpu.memory_space<vmem>>, vector<1x16xi32>,
    %swap3A_154 = arith.constant 2 : i32
    %swap3A_155 = arith.index_cast %swap3A_154 : i32 to index
    %swap3A_156 = arith.constant 0 : index
    %swap3A_157 = tpu.vector_load %arg11[%swap3A_155, %swap3A_156] {strides = array<i32>} : memref<8x16xf32, #tpu.memory_space<vmem>>, vector<1x16xf32>,
    %swap3A_158 = vector.shape_cast %swap3A_157 : vector<1x16xf32> to vector<16xf32>
    %swap3A_159 = vector.shape_cast %scan3A_105#8 : vector<16xf32> to vector<1x16xf32>
    tpu.vector_store %arg11[%swap3A_155, %swap3A_156], %swap3A_159 {strides = array<i32>} : memref<8x16xf32, #tpu.memory_space<vmem>>, vector<1x16xf32>,
    %swap3A_160 = arith.constant 3 : i32
    %swap3A_161 = arith.index_cast %swap3A_160 : i32 to index
    %swap3A_162 = arith.constant 0 : index
    %swap3A_163 = tpu.vector_load %arg9[%swap3A_161, %swap3A_162] {strides = array<i32>} : memref<8x16xf32, #tpu.memory_space<vmem>>, vector<1x16xf32>,
    %swap3A_164 = vector.shape_cast %swap3A_163 : vector<1x16xf32> to vector<16xf32>
    %swap3A_165 = vector.shape_cast %scan3A_105#9 : vector<16xf32> to vector<1x16xf32>
    tpu.vector_store %arg9[%swap3A_161, %swap3A_162], %swap3A_165 {strides = array<i32>} : memref<8x16xf32, #tpu.memory_space<vmem>>, vector<1x16xf32>,
    %swap3A_166 = arith.constant 3 : i32
    %swap3A_167 = arith.index_cast %swap3A_166 : i32 to index
    %swap3A_168 = arith.constant 0 : index
    %swap3A_169 = tpu.vector_load %arg10[%swap3A_167, %swap3A_168] {strides = array<i32>} : memref<8x16xi32, #tpu.memory_space<vmem>>, vector<1x16xi32>,
    %swap3A_170 = vector.shape_cast %swap3A_169 : vector<1x16xi32> to vector<16xi32>
    %swap3A_171 = vector.shape_cast %scan3A_105#10 : vector<16xi32> to vector<1x16xi32>
    tpu.vector_store %arg10[%swap3A_167, %swap3A_168], %swap3A_171 {strides = array<i32>} : memref<8x16xi32, #tpu.memory_space<vmem>>, vector<1x16xi32>,
    %swap3A_172 = arith.constant 3 : i32
    %swap3A_173 = arith.index_cast %swap3A_172 : i32 to index
    %swap3A_174 = arith.constant 0 : index
    %swap3A_175 = tpu.vector_load %arg11[%swap3A_173, %swap3A_174] {strides = array<i32>} : memref<8x16xf32, #tpu.memory_space<vmem>>, vector<1x16xf32>,
    %swap3A_176 = vector.shape_cast %swap3A_175 : vector<1x16xf32> to vector<16xf32>
    %swap3A_177 = vector.shape_cast %scan3A_105#11 : vector<16xf32> to vector<1x16xf32>
    tpu.vector_store %arg11[%swap3A_173, %swap3A_174], %swap3A_177 {strides = array<i32>} : memref<8x16xf32, #tpu.memory_space<vmem>>, vector<1x16xf32>,
    %swap3A_178 = arith.constant 4 : i32
    %swap3A_179 = arith.index_cast %swap3A_178 : i32 to index
    %swap3A_180 = arith.constant 0 : index
    %swap3A_181 = tpu.vector_load %arg9[%swap3A_179, %swap3A_180] {strides = array<i32>} : memref<8x16xf32, #tpu.memory_space<vmem>>, vector<1x16xf32>,
    %swap3A_182 = vector.shape_cast %swap3A_181 : vector<1x16xf32> to vector<16xf32>
    %swap3A_183 = vector.shape_cast %scan3A_105#12 : vector<16xf32> to vector<1x16xf32>
    tpu.vector_store %arg9[%swap3A_179, %swap3A_180], %swap3A_183 {strides = array<i32>} : memref<8x16xf32, #tpu.memory_space<vmem>>, vector<1x16xf32>,
    %swap3A_184 = arith.constant 4 : i32
    %swap3A_185 = arith.index_cast %swap3A_184 : i32 to index
    %swap3A_186 = arith.constant 0 : index
    %swap3A_187 = tpu.vector_load %arg10[%swap3A_185, %swap3A_186] {strides = array<i32>} : memref<8x16xi32, #tpu.memory_space<vmem>>, vector<1x16xi32>,
    %swap3A_188 = vector.shape_cast %swap3A_187 : vector<1x16xi32> to vector<16xi32>
    %swap3A_189 = vector.shape_cast %scan3A_105#13 : vector<16xi32> to vector<1x16xi32>
    tpu.vector_store %arg10[%swap3A_185, %swap3A_186], %swap3A_189 {strides = array<i32>} : memref<8x16xi32, #tpu.memory_space<vmem>>, vector<1x16xi32>,
    %swap3A_190 = arith.constant 4 : i32
    %swap3A_191 = arith.index_cast %swap3A_190 : i32 to index
    %swap3A_192 = arith.constant 0 : index
    %swap3A_193 = tpu.vector_load %arg11[%swap3A_191, %swap3A_192] {strides = array<i32>} : memref<8x16xf32, #tpu.memory_space<vmem>>, vector<1x16xf32>,
    %swap3A_194 = vector.shape_cast %swap3A_193 : vector<1x16xf32> to vector<16xf32>
    %swap3A_195 = vector.shape_cast %scan3A_105#14 : vector<16xf32> to vector<1x16xf32>
    tpu.vector_store %arg11[%swap3A_191, %swap3A_192], %swap3A_195 {strides = array<i32>} : memref<8x16xf32, #tpu.memory_space<vmem>>, vector<1x16xf32>,
    %swap3A_196 = arith.constant 5 : i32
    %swap3A_197 = arith.index_cast %swap3A_196 : i32 to index
    %swap3A_198 = arith.constant 0 : index
    %swap3A_199 = tpu.vector_load %arg9[%swap3A_197, %swap3A_198] {strides = array<i32>} : memref<8x16xf32, #tpu.memory_space<vmem>>, vector<1x16xf32>,
    %swap3A_200 = vector.shape_cast %swap3A_199 : vector<1x16xf32> to vector<16xf32>
    %swap3A_201 = vector.shape_cast %scan3A_105#15 : vector<16xf32> to vector<1x16xf32>
    tpu.vector_store %arg9[%swap3A_197, %swap3A_198], %swap3A_201 {strides = array<i32>} : memref<8x16xf32, #tpu.memory_space<vmem>>, vector<1x16xf32>,
    %swap3A_202 = arith.constant 5 : i32
    %swap3A_203 = arith.index_cast %swap3A_202 : i32 to index
    %swap3A_204 = arith.constant 0 : index
    %swap3A_205 = tpu.vector_load %arg10[%swap3A_203, %swap3A_204] {strides = array<i32>} : memref<8x16xi32, #tpu.memory_space<vmem>>, vector<1x16xi32>,
    %swap3A_206 = vector.shape_cast %swap3A_205 : vector<1x16xi32> to vector<16xi32>
    %swap3A_207 = vector.shape_cast %scan3A_105#16 : vector<16xi32> to vector<1x16xi32>
    tpu.vector_store %arg10[%swap3A_203, %swap3A_204], %swap3A_207 {strides = array<i32>} : memref<8x16xi32, #tpu.memory_space<vmem>>, vector<1x16xi32>,
    %swap3A_208 = arith.constant 5 : i32
    %swap3A_209 = arith.index_cast %swap3A_208 : i32 to index
    %swap3A_210 = arith.constant 0 : index
    %swap3A_211 = tpu.vector_load %arg11[%swap3A_209, %swap3A_210] {strides = array<i32>} : memref<8x16xf32, #tpu.memory_space<vmem>>, vector<1x16xf32>,
    %swap3A_212 = vector.shape_cast %swap3A_211 : vector<1x16xf32> to vector<16xf32>
    %swap3A_213 = vector.shape_cast %scan3A_105#17 : vector<16xf32> to vector<1x16xf32>
    tpu.vector_store %arg11[%swap3A_209, %swap3A_210], %swap3A_213 {strides = array<i32>} : memref<8x16xf32, #tpu.memory_space<vmem>>, vector<1x16xf32>,
    %swap3A_214 = arith.constant 6 : i32
    %swap3A_215 = arith.index_cast %swap3A_214 : i32 to index
    %swap3A_216 = arith.constant 0 : index
    %swap3A_217 = tpu.vector_load %arg9[%swap3A_215, %swap3A_216] {strides = array<i32>} : memref<8x16xf32, #tpu.memory_space<vmem>>, vector<1x16xf32>,
    %swap3A_218 = vector.shape_cast %swap3A_217 : vector<1x16xf32> to vector<16xf32>
    %swap3A_219 = vector.shape_cast %scan3A_105#18 : vector<16xf32> to vector<1x16xf32>
    tpu.vector_store %arg9[%swap3A_215, %swap3A_216], %swap3A_219 {strides = array<i32>} : memref<8x16xf32, #tpu.memory_space<vmem>>, vector<1x16xf32>,
    %swap3A_220 = arith.constant 6 : i32
    %swap3A_221 = arith.index_cast %swap3A_220 : i32 to index
    %swap3A_222 = arith.constant 0 : index
    %swap3A_223 = tpu.vector_load %arg10[%swap3A_221, %swap3A_222] {strides = array<i32>} : memref<8x16xi32, #tpu.memory_space<vmem>>, vector<1x16xi32>,
    %swap3A_224 = vector.shape_cast %swap3A_223 : vector<1x16xi32> to vector<16xi32>
    %swap3A_225 = vector.shape_cast %scan3A_105#19 : vector<16xi32> to vector<1x16xi32>
    tpu.vector_store %arg10[%swap3A_221, %swap3A_222], %swap3A_225 {strides = array<i32>} : memref<8x16xi32, #tpu.memory_space<vmem>>, vector<1x16xi32>,
    %swap3A_226 = arith.constant 6 : i32
    %swap3A_227 = arith.index_cast %swap3A_226 : i32 to index
    %swap3A_228 = arith.constant 0 : index
    %swap3A_229 = tpu.vector_load %arg11[%swap3A_227, %swap3A_228] {strides = array<i32>} : memref<8x16xf32, #tpu.memory_space<vmem>>, vector<1x16xf32>,
    %swap3A_230 = vector.shape_cast %swap3A_229 : vector<1x16xf32> to vector<16xf32>
    %swap3A_231 = vector.shape_cast %scan3A_105#20 : vector<16xf32> to vector<1x16xf32>
    tpu.vector_store %arg11[%swap3A_227, %swap3A_228], %swap3A_231 {strides = array<i32>} : memref<8x16xf32, #tpu.memory_space<vmem>>, vector<1x16xf32>,
    %swap3A_232 = arith.constant 7 : i32
    %swap3A_233 = arith.index_cast %swap3A_232 : i32 to index
    %swap3A_234 = arith.constant 0 : index
    %swap3A_235 = tpu.vector_load %arg9[%swap3A_233, %swap3A_234] {strides = array<i32>} : memref<8x16xf32, #tpu.memory_space<vmem>>, vector<1x16xf32>,
    %swap3A_236 = vector.shape_cast %swap3A_235 : vector<1x16xf32> to vector<16xf32>
    %swap3A_237 = vector.shape_cast %scan3A_105#21 : vector<16xf32> to vector<1x16xf32>
    tpu.vector_store %arg9[%swap3A_233, %swap3A_234], %swap3A_237 {strides = array<i32>} : memref<8x16xf32, #tpu.memory_space<vmem>>, vector<1x16xf32>,
    %swap3A_238 = arith.constant 7 : i32
    %swap3A_239 = arith.index_cast %swap3A_238 : i32 to index
    %swap3A_240 = arith.constant 0 : index
    %swap3A_241 = tpu.vector_load %arg10[%swap3A_239, %swap3A_240] {strides = array<i32>} : memref<8x16xi32, #tpu.memory_space<vmem>>, vector<1x16xi32>,
    %swap3A_242 = vector.shape_cast %swap3A_241 : vector<1x16xi32> to vector<16xi32>
    %swap3A_243 = vector.shape_cast %scan3A_105#22 : vector<16xi32> to vector<1x16xi32>
    tpu.vector_store %arg10[%swap3A_239, %swap3A_240], %swap3A_243 {strides = array<i32>} : memref<8x16xi32, #tpu.memory_space<vmem>>, vector<1x16xi32>,
    %swap3A_244 = arith.constant 7 : i32
    %swap3A_245 = arith.index_cast %swap3A_244 : i32 to index
    %swap3A_246 = arith.constant 0 : index
    %swap3A_247 = tpu.vector_load %arg11[%swap3A_245, %swap3A_246] {strides = array<i32>} : memref<8x16xf32, #tpu.memory_space<vmem>>, vector<1x16xf32>,
    %swap3A_248 = vector.shape_cast %swap3A_247 : vector<1x16xf32> to vector<16xf32>
    %swap3A_249 = vector.shape_cast %scan3A_105#23 : vector<16xf32> to vector<1x16xf32>
    tpu.vector_store %arg11[%swap3A_245, %swap3A_246], %swap3A_249 {strides = array<i32>} : memref<8x16xf32, #tpu.memory_space<vmem>>, vector<1x16xf32>,
    "tpu.region"() ({
      %run_scoped3A = tpu.sem_alloc : memref<!tpu.dma_semaphore, #tpu.memory_space<semaphore_mem>>
      %dma_start3A_250 = arith.constant 0 : i32
      %dma_start3A_251 = arith.constant 0 : i32
      %dma_start3A_252 = tpu.memref_slice %arg3[%add3A, %dma_start3A_250, %dma_start3A_251] : memref<32x8x16xf32, #tpu.memory_space<hbm>> -> memref<1x8x16xf32, #tpu.memory_space<hbm>>
      %dma_start3A_253 = tpu.memref_squeeze %dma_start3A_252 : memref<1x8x16xf32, #tpu.memory_space<hbm>> -> memref<8x16xf32, #tpu.memory_space<hbm>>
      %dma_start3A_254 = arith.constant 0 : i32
      %dma_start3A_255 = arith.constant 0 : i32
      %dma_start3A_256 = tpu.memref_slice %arg3[%add3A, %dma_start3A_254, %dma_start3A_255] : memref<32x8x16xf32, #tpu.memory_space<hbm>> -> memref<1x8x16xf32, #tpu.memory_space<hbm>>
      %dma_start3A_257 = tpu.memref_squeeze %dma_start3A_256 : memref<1x8x16xf32, #tpu.memory_space<hbm>> -> memref<8x16xf32, #tpu.memory_space<hbm>>
      tpu.enqueue_dma source(%arg9 : memref<8x16xf32, #tpu.memory_space<vmem>>) target(%dma_start3A_257 : memref<8x16xf32, #tpu.memory_space<hbm>>) target_semaphore(%run_scoped3A : memref<!tpu.dma_semaphore, #tpu.memory_space<semaphore_mem>>)
      %dma_wait3A_258 = arith.constant 0 : i32
      %dma_wait3A_259 = arith.constant 0 : i32
      %dma_wait3A_260 = tpu.memref_slice %arg3[%add3A, %dma_wait3A_258, %dma_wait3A_259] : memref<32x8x16xf32, #tpu.memory_space<hbm>> -> memref<1x8x16xf32, #tpu.memory_space<hbm>>
      %dma_wait3A_261 = tpu.memref_squeeze %dma_wait3A_260 : memref<1x8x16xf32, #tpu.memory_space<hbm>> -> memref<8x16xf32, #tpu.memory_space<hbm>>
      %dma_wait3A_262 = arith.constant 0 : i32
      %dma_wait3A_263 = arith.constant 0 : i32
      %dma_wait3A_264 = tpu.memref_slice %arg3[%add3A, %dma_wait3A_262, %dma_wait3A_263] : memref<32x8x16xf32, #tpu.memory_space<hbm>> -> memref<1x8x16xf32, #tpu.memory_space<hbm>>
      %dma_wait3A_265 = tpu.memref_squeeze %dma_wait3A_264 : memref<1x8x16xf32, #tpu.memory_space<hbm>> -> memref<8x16xf32, #tpu.memory_space<hbm>>
      tpu.wait_dma2 semaphore(%run_scoped3A : memref<!tpu.dma_semaphore, #tpu.memory_space<semaphore_mem>>) src(%arg9 : memref<8x16xf32, #tpu.memory_space<vmem>>) dst(%dma_wait3A_265 : memref<8x16xf32, #tpu.memory_space<hbm>>)
      tpu.yield
    }) : () -> ()
    "tpu.region"() ({
      %run_scoped3A = tpu.sem_alloc : memref<!tpu.dma_semaphore, #tpu.memory_space<semaphore_mem>>
      %dma_start3A_250 = arith.constant 0 : i32
      %dma_start3A_251 = arith.constant 0 : i32
      %dma_start3A_252 = tpu.memref_slice %arg4[%add3A, %dma_start3A_250, %dma_start3A_251] : memref<32x8x16xi32, #tpu.memory_space<hbm>> -> memref<1x8x16xi32, #tpu.memory_space<hbm>>
      %dma_start3A_253 = tpu.memref_squeeze %dma_start3A_252 : memref<1x8x16xi32, #tpu.memory_space<hbm>> -> memref<8x16xi32, #tpu.memory_space<hbm>>
      %dma_start3A_254 = arith.constant 0 : i32
      %dma_start3A_255 = arith.constant 0 : i32
      %dma_start3A_256 = tpu.memref_slice %arg4[%add3A, %dma_start3A_254, %dma_start3A_255] : memref<32x8x16xi32, #tpu.memory_space<hbm>> -> memref<1x8x16xi32, #tpu.memory_space<hbm>>
      %dma_start3A_257 = tpu.memref_squeeze %dma_start3A_256 : memref<1x8x16xi32, #tpu.memory_space<hbm>> -> memref<8x16xi32, #tpu.memory_space<hbm>>
      tpu.enqueue_dma source(%arg10 : memref<8x16xi32, #tpu.memory_space<vmem>>) target(%dma_start3A_257 : memref<8x16xi32, #tpu.memory_space<hbm>>) target_semaphore(%run_scoped3A : memref<!tpu.dma_semaphore, #tpu.memory_space<semaphore_mem>>)
      %dma_wait3A_258 = arith.constant 0 : i32
      %dma_wait3A_259 = arith.constant 0 : i32
      %dma_wait3A_260 = tpu.memref_slice %arg4[%add3A, %dma_wait3A_258, %dma_wait3A_259] : memref<32x8x16xi32, #tpu.memory_space<hbm>> -> memref<1x8x16xi32, #tpu.memory_space<hbm>>
      %dma_wait3A_261 = tpu.memref_squeeze %dma_wait3A_260 : memref<1x8x16xi32, #tpu.memory_space<hbm>> -> memref<8x16xi32, #tpu.memory_space<hbm>>
      %dma_wait3A_262 = arith.constant 0 : i32
      %dma_wait3A_263 = arith.constant 0 : i32
      %dma_wait3A_264 = tpu.memref_slice %arg4[%add3A, %dma_wait3A_262, %dma_wait3A_263] : memref<32x8x16xi32, #tpu.memory_space<hbm>> -> memref<1x8x16xi32, #tpu.memory_space<hbm>>
      %dma_wait3A_265 = tpu.memref_squeeze %dma_wait3A_264 : memref<1x8x16xi32, #tpu.memory_space<hbm>> -> memref<8x16xi32, #tpu.memory_space<hbm>>
      tpu.wait_dma2 semaphore(%run_scoped3A : memref<!tpu.dma_semaphore, #tpu.memory_space<semaphore_mem>>) src(%arg10 : memref<8x16xi32, #tpu.memory_space<vmem>>) dst(%dma_wait3A_265 : memref<8x16xi32, #tpu.memory_space<hbm>>)
      tpu.yield
    }) : () -> ()
    "tpu.region"() ({
      %run_scoped3A = tpu.sem_alloc : memref<!tpu.dma_semaphore, #tpu.memory_space<semaphore_mem>>
      %dma_start3A_250 = arith.constant 0 : i32
      %dma_start3A_251 = arith.constant 0 : i32
      %dma_start3A_252 = tpu.memref_slice %arg5[%add3A, %dma_start3A_250, %dma_start3A_251] : memref<32x8x16xf32, #tpu.memory_space<hbm>> -> memref<1x8x16xf32, #tpu.memory_space<hbm>>
      %dma_start3A_253 = tpu.memref_squeeze %dma_start3A_252 : memref<1x8x16xf32, #tpu.memory_space<hbm>> -> memref<8x16xf32, #tpu.memory_space<hbm>>
      %dma_start3A_254 = arith.constant 0 : i32
      %dma_start3A_255 = arith.constant 0 : i32
      %dma_start3A_256 = tpu.memref_slice %arg5[%add3A, %dma_start3A_254, %dma_start3A_255] : memref<32x8x16xf32, #tpu.memory_space<hbm>> -> memref<1x8x16xf32, #tpu.memory_space<hbm>>
      %dma_start3A_257 = tpu.memref_squeeze %dma_start3A_256 : memref<1x8x16xf32, #tpu.memory_space<hbm>> -> memref<8x16xf32, #tpu.memory_space<hbm>>
      tpu.enqueue_dma source(%arg11 : memref<8x16xf32, #tpu.memory_space<vmem>>) target(%dma_start3A_257 : memref<8x16xf32, #tpu.memory_space<hbm>>) target_semaphore(%run_scoped3A : memref<!tpu.dma_semaphore, #tpu.memory_space<semaphore_mem>>)
      %dma_wait3A_258 = arith.constant 0 : i32
      %dma_wait3A_259 = arith.constant 0 : i32
      %dma_wait3A_260 = tpu.memref_slice %arg5[%add3A, %dma_wait3A_258, %dma_wait3A_259] : memref<32x8x16xf32, #tpu.memory_space<hbm>> -> memref<1x8x16xf32, #tpu.memory_space<hbm>>
      %dma_wait3A_261 = tpu.memref_squeeze %dma_wait3A_260 : memref<1x8x16xf32, #tpu.memory_space<hbm>> -> memref<8x16xf32, #tpu.memory_space<hbm>>
      %dma_wait3A_262 = arith.constant 0 : i32
      %dma_wait3A_263 = arith.constant 0 : i32
      %dma_wait3A_264 = tpu.memref_slice %arg5[%add3A, %dma_wait3A_262, %dma_wait3A_263] : memref<32x8x16xf32, #tpu.memory_space<hbm>> -> memref<1x8x16xf32, #tpu.memory_space<hbm>>
      %dma_wait3A_265 = tpu.memref_squeeze %dma_wait3A_264 : memref<1x8x16xf32, #tpu.memory_space<hbm>> -> memref<8x16xf32, #tpu.memory_space<hbm>>
      tpu.wait_dma2 semaphore(%run_scoped3A : memref<!tpu.dma_semaphore, #tpu.memory_space<semaphore_mem>>) src(%arg11 : memref<8x16xf32, #tpu.memory_space<vmem>>) dst(%dma_wait3A_265 : memref<8x16xf32, #tpu.memory_space<hbm>>)
      tpu.yield
    }) : () -> ()
    return
  }
}

module attributes {stable_mosaic.version = 14 : i64} {
  func.func @_brute_body(%arg0: i32, %arg1: memref<24x32768xf32, #tpu.memory_space<vmem>>, %arg2: memref<1x32768xf32, #tpu.memory_space<vmem>>, %arg3: memref<24x1xi32, #tpu.memory_space<vmem>>, %arg4: memref<24x1xi32, #tpu.memory_space<vmem>>, %arg5: memref<1x1xf32, #tpu.memory_space<smem>>, %arg6: memref<24x32768xf32, #tpu.memory_space<vmem>>, %arg7: memref<24x32768xi32, #tpu.memory_space<vmem>>, %arg8: memref<1x1xf32, #tpu.memory_space<smem>>) attributes {dimension_semantics = [#tpu.dimension_semantics<arbitrary>], iteration_bounds = array<i64: 31>, scalar_prefetch = 0 : i64, scratch_operands = 3 : i64, tpu.core_type = #tpu.core_type<tc>, window_params = [{transform_indices = @transform_0, window_bounds = array<i64: 24, 32768>}, {transform_indices = @transform_1, window_bounds = array<i64: 1, 32768>}, {pipeline_mode = #tpu.pipeline_mode<synchronous>, transform_indices = @transform_2, window_bounds = array<i64: 24, 1>}, {pipeline_mode = #tpu.pipeline_mode<synchronous>, transform_indices = @transform_3, window_bounds = array<i64: 24, 1>}, {transform_indices = @transform_4, window_bounds = array<i64: 1, 1>}]} {
    %get3A = arith.constant 0 : index
    %get3A_0 = arith.constant 0 : index
    %get3A_1 = vector.load %arg1[%get3A, %get3A_0] : memref<24x32768xf32, #tpu.memory_space<vmem>>, vector<24x32768xf32>
    %get3A_2 = arith.constant 0 : index
    %get3A_3 = arith.constant 0 : index
    %get3A_4 = vector.load %arg2[%get3A_2, %get3A_3] : memref<1x32768xf32, #tpu.memory_space<vmem>>, vector<1x32768xf32>
    %eq3A = arith.constant 0 : i32
    %eq3A_5 = arith.cmpi eq, %arg0, %eq3A : i32
    %convert_element_type3A = arith.extui %eq3A_5 : i1 to i32
    %cond3A = arith.constant 0 : i32
    %cond3A_6 = arith.cmpi ne, %convert_element_type3A, %cond3A : i32
    scf.if %cond3A_6 {
      %jit3A = arith.constant 9.99999997E-7 : f32
      %jit3A_17 = arith.constant 0.999998986 : f32
      %max3A = vector.broadcast %jit3A : f32 to vector<24x32768xf32>
      %max3A_18 = arith.maximumf %max3A, %get3A_1 : vector<24x32768xf32>
      %min3A = vector.broadcast %jit3A_17 : f32 to vector<24x32768xf32>
      %min3A_19 = arith.minimumf %min3A, %max3A_18 : vector<24x32768xf32>
      %log3A = math.log %min3A_19 : vector<24x32768xf32>
      %neg3A = arith.constant 0.000000e+00 : f32
      %neg3A_20 = vector.broadcast %neg3A : f32 to vector<24x32768xf32>
      %neg3A_21 = arith.subf %neg3A_20, %log3A : vector<24x32768xf32>
      %log3A_22 = math.log %neg3A_21 : vector<24x32768xf32>
      %sub3A = vector.broadcast %get3A_4 : vector<1x32768xf32> to vector<24x32768xf32>
      %sub3A_23 = arith.subf %sub3A, %log3A_22 : vector<24x32768xf32>
      %swap3A = arith.constant 0 : index
      %swap3A_24 = arith.constant 0 : index
      %swap3A_25 = vector.load %arg6[%swap3A, %swap3A_24] : memref<24x32768xf32, #tpu.memory_space<vmem>>, vector<24x32768xf32>
      tpu.vector_store %arg6[%swap3A, %swap3A_24], %sub3A_23 {strides = array<i32>} : memref<24x32768xf32, #tpu.memory_space<vmem>>, vector<24x32768xf32>,
      %broadcast_in_dim3A = arith.constant 0 : i32
      %broadcast_in_dim3A_26 = vector.broadcast %broadcast_in_dim3A : i32 to vector<24x32768xi32>
      %swap3A_27 = arith.constant 0 : index
      %swap3A_28 = arith.constant 0 : index
      %swap3A_29 = vector.load %arg7[%swap3A_27, %swap3A_28] : memref<24x32768xi32, #tpu.memory_space<vmem>>, vector<24x32768xi32>
      tpu.vector_store %arg7[%swap3A_27, %swap3A_28], %broadcast_in_dim3A_26 {strides = array<i32>} : memref<24x32768xi32, #tpu.memory_space<vmem>>, vector<24x32768xi32>,
      %reduce_max3A = vector.shape_cast %get3A_4 : vector<1x32768xf32> to vector<1x1x32768xf32>
      %reduce_max3A_30 = arith.constant dense<0xFF800000> : vector<1xf32>
      %reduce_max3A_31 = vector.multi_reduction <maximumf>, %reduce_max3A, %reduce_max3A_30 [1, 2] : vector<1x1x32768xf32> to vector<1xf32>
      %reduce_max3A_32 = vector.shape_cast %reduce_max3A_31 : vector<1xf32> to vector<1x1x1xf32>
      %reduce_max3A_33 = vector.extract %reduce_max3A_32[0, 0, 0] : f32 from vector<1x1x1xf32>
      %swap3A_34 = arith.constant 0 : index
      %swap3A_35 = arith.constant 0 : index
      %swap3A_36 = memref.load %arg8[%swap3A_34, %swap3A_35] : memref<1x1xf32, #tpu.memory_space<smem>>
      memref.store %reduce_max3A_33, %arg8[%swap3A_34, %swap3A_35] : memref<1x1xf32, #tpu.memory_space<smem>>
    } else {
    }
    %gt3A = arith.constant 0 : i32
    %gt3A_7 = arith.cmpi sgt, %arg0, %gt3A : i32
    %lt3A = arith.constant 30 : i32
    %lt3A_8 = arith.cmpi slt, %arg0, %lt3A : i32
    %and3A = arith.andi %gt3A_7, %lt3A_8 : i1
    %convert_element_type3A_9 = arith.extui %and3A : i1 to i32
    %cond3A_10 = arith.constant 0 : i32
    %cond3A_11 = arith.cmpi ne, %convert_element_type3A_9, %cond3A_10 : i32
    scf.if %cond3A_11 {
      %jit3A = arith.constant 9.99999997E-7 : f32
      %jit3A_17 = arith.constant 0.999998986 : f32
      %max3A = vector.broadcast %jit3A : f32 to vector<24x32768xf32>
      %max3A_18 = arith.maximumf %max3A, %get3A_1 : vector<24x32768xf32>
      %min3A = vector.broadcast %jit3A_17 : f32 to vector<24x32768xf32>
      %min3A_19 = arith.minimumf %min3A, %max3A_18 : vector<24x32768xf32>
      %log3A = math.log %min3A_19 : vector<24x32768xf32>
      %neg3A = arith.constant 0.000000e+00 : f32
      %neg3A_20 = vector.broadcast %neg3A : f32 to vector<24x32768xf32>
      %neg3A_21 = arith.subf %neg3A_20, %log3A : vector<24x32768xf32>
      %log3A_22 = math.log %neg3A_21 : vector<24x32768xf32>
      %sub3A = vector.broadcast %get3A_4 : vector<1x32768xf32> to vector<24x32768xf32>
      %sub3A_23 = arith.subf %sub3A, %log3A_22 : vector<24x32768xf32>
      %get3A_24 = arith.constant 0 : index
      %get3A_25 = arith.constant 0 : index
      %get3A_26 = vector.load %arg6[%get3A_24, %get3A_25] : memref<24x32768xf32, #tpu.memory_space<vmem>>, vector<24x32768xf32>
      %gt3A_27 = arith.cmpf ogt, %sub3A_23, %get3A_26 : vector<24x32768xf32>
      %get3A_28 = arith.constant 0 : index
      %get3A_29 = arith.constant 0 : index
      %get3A_30 = vector.load %arg6[%get3A_28, %get3A_29] : memref<24x32768xf32, #tpu.memory_space<vmem>>, vector<24x32768xf32>
      %select_n3A = arith.select %gt3A_27, %sub3A_23, %get3A_30 : vector<24x32768xi1>, vector<24x32768xf32>
      %swap3A = arith.constant 0 : index
      %swap3A_31 = arith.constant 0 : index
      %swap3A_32 = vector.load %arg6[%swap3A, %swap3A_31] : memref<24x32768xf32, #tpu.memory_space<vmem>>, vector<24x32768xf32>
      tpu.vector_store %arg6[%swap3A, %swap3A_31], %select_n3A {strides = array<i32>} : memref<24x32768xf32, #tpu.memory_space<vmem>>, vector<24x32768xf32>,
      %get3A_33 = arith.constant 0 : index
      %get3A_34 = arith.constant 0 : index
      %get3A_35 = vector.load %arg7[%get3A_33, %get3A_34] : memref<24x32768xi32, #tpu.memory_space<vmem>>, vector<24x32768xi32>
      %broadcast_in_dim3A = vector.broadcast %arg0 : i32 to vector<24x32768xi32>
      %select_n3A_36 = arith.select %gt3A_27, %broadcast_in_dim3A, %get3A_35 : vector<24x32768xi1>, vector<24x32768xi32>
      %swap3A_37 = arith.constant 0 : index
      %swap3A_38 = arith.constant 0 : index
      %swap3A_39 = vector.load %arg7[%swap3A_37, %swap3A_38] : memref<24x32768xi32, #tpu.memory_space<vmem>>, vector<24x32768xi32>
      tpu.vector_store %arg7[%swap3A_37, %swap3A_38], %select_n3A_36 {strides = array<i32>} : memref<24x32768xi32, #tpu.memory_space<vmem>>, vector<24x32768xi32>,
      %get3A_40 = arith.constant 0 : index
      %get3A_41 = arith.constant 0 : index
      %get3A_42 = memref.load %arg8[%get3A_40, %get3A_41] : memref<1x1xf32, #tpu.memory_space<smem>>
      %reduce_max3A = vector.shape_cast %get3A_4 : vector<1x32768xf32> to vector<1x1x32768xf32>
      %reduce_max3A_43 = arith.constant dense<0xFF800000> : vector<1xf32>
      %reduce_max3A_44 = vector.multi_reduction <maximumf>, %reduce_max3A, %reduce_max3A_43 [1, 2] : vector<1x1x32768xf32> to vector<1xf32>
      %reduce_max3A_45 = vector.shape_cast %reduce_max3A_44 : vector<1xf32> to vector<1x1x1xf32>
      %reduce_max3A_46 = vector.extract %reduce_max3A_45[0, 0, 0] : f32 from vector<1x1x1xf32>
      %max3A_47 = arith.maximumf %get3A_42, %reduce_max3A_46 : f32
      %swap3A_48 = arith.constant 0 : index
      %swap3A_49 = arith.constant 0 : index
      %swap3A_50 = memref.load %arg8[%swap3A_48, %swap3A_49] : memref<1x1xf32, #tpu.memory_space<smem>>
      memref.store %max3A_47, %arg8[%swap3A_48, %swap3A_49] : memref<1x1xf32, #tpu.memory_space<smem>>
    } else {
    }
    %eq3A_12 = arith.constant 30 : i32
    %eq3A_13 = arith.cmpi eq, %arg0, %eq3A_12 : i32
    %convert_element_type3A_14 = arith.extui %eq3A_13 : i1 to i32
    %cond3A_15 = arith.constant 0 : i32
    %cond3A_16 = arith.cmpi ne, %convert_element_type3A_14, %cond3A_15 : i32
    scf.if %cond3A_16 {
      %iota3A = tpu.iota {dimensions = array<i32: 1>} : vector<24x32768xi32>
      %lt3A_17 = arith.constant 16960 : i32
      %lt3A_18 = vector.broadcast %lt3A_17 : i32 to vector<24x32768xi32>
      %lt3A_19 = arith.cmpi slt, %iota3A, %lt3A_18 : vector<24x32768xi32>
      %jit3A = arith.constant 9.99999997E-7 : f32
      %jit3A_20 = arith.constant 0.999998986 : f32
      %max3A = vector.broadcast %jit3A : f32 to vector<24x32768xf32>
      %max3A_21 = arith.maximumf %max3A, %get3A_1 : vector<24x32768xf32>
      %min3A = vector.broadcast %jit3A_20 : f32 to vector<24x32768xf32>
      %min3A_22 = arith.minimumf %min3A, %max3A_21 : vector<24x32768xf32>
      %log3A = math.log %min3A_22 : vector<24x32768xf32>
      %neg3A = arith.constant 0.000000e+00 : f32
      %neg3A_23 = vector.broadcast %neg3A : f32 to vector<24x32768xf32>
      %neg3A_24 = arith.subf %neg3A_23, %log3A : vector<24x32768xf32>
      %log3A_25 = math.log %neg3A_24 : vector<24x32768xf32>
      %sub3A = vector.broadcast %get3A_4 : vector<1x32768xf32> to vector<24x32768xf32>
      %sub3A_26 = arith.subf %sub3A, %log3A_25 : vector<24x32768xf32>
      %jit3A_27 = arith.constant 0xFF800000 : f32
      %broadcast_in_dim3A = vector.broadcast %jit3A_27 : f32 to vector<24x32768xf32>
      %select_n3A = arith.select %lt3A_19, %sub3A_26, %broadcast_in_dim3A : vector<24x32768xi1>, vector<24x32768xf32>
      %get3A_28 = arith.constant 0 : index
      %get3A_29 = arith.constant 0 : index
      %get3A_30 = vector.load %arg6[%get3A_28, %get3A_29] : memref<24x32768xf32, #tpu.memory_space<vmem>>, vector<24x32768xf32>
      %gt3A_31 = arith.cmpf ogt, %select_n3A, %get3A_30 : vector<24x32768xf32>
      %get3A_32 = arith.constant 0 : index
      %get3A_33 = arith.constant 0 : index
      %get3A_34 = vector.load %arg6[%get3A_32, %get3A_33] : memref<24x32768xf32, #tpu.memory_space<vmem>>, vector<24x32768xf32>
      %select_n3A_35 = arith.select %gt3A_31, %select_n3A, %get3A_34 : vector<24x32768xi1>, vector<24x32768xf32>
      %get3A_36 = arith.constant 0 : index
      %get3A_37 = arith.constant 0 : index
      %get3A_38 = vector.load %arg7[%get3A_36, %get3A_37] : memref<24x32768xi32, #tpu.memory_space<vmem>>, vector<24x32768xi32>
      %broadcast_in_dim3A_39 = vector.broadcast %arg0 : i32 to vector<24x32768xi32>
      %select_n3A_40 = arith.select %gt3A_31, %broadcast_in_dim3A_39, %get3A_38 : vector<24x32768xi1>, vector<24x32768xi32>
      %reduce_max3A = arith.constant dense<0xFF800000> : vector<24xf32>
      %reduce_max3A_41 = vector.multi_reduction <maximumf>, %select_n3A_35, %reduce_max3A [1] : vector<24x32768xf32> to vector<24xf32>
      %broadcast_in_dim3A_42 = vector.shape_cast %reduce_max3A_41 : vector<24xf32> to vector<24x1xf32>
      %mul3A = arith.constant 32768 : i32
      %mul3A_43 = vector.broadcast %mul3A : i32 to vector<24x32768xi32>
      %mul3A_44 = arith.muli %select_n3A_40, %mul3A_43 : vector<24x32768xi32>
      %add3A = arith.addi %mul3A_44, %iota3A : vector<24x32768xi32>
      %eq3A_45 = vector.broadcast %broadcast_in_dim3A_42 : vector<24x1xf32> to vector<24x32768xf32>
      %eq3A_46 = arith.cmpf oeq, %select_n3A_35, %eq3A_45 : vector<24x32768xf32>
      %jit3A_47 = arith.constant 1073741824 : i32
      %broadcast_in_dim3A_48 = vector.broadcast %jit3A_47 : i32 to vector<24x32768xi32>
      %select_n3A_49 = arith.select %eq3A_46, %add3A, %broadcast_in_dim3A_48 : vector<24x32768xi1>, vector<24x32768xi32>
      %reduce_min3A = arith.constant dense<2147483647> : vector<24xi32>
      %reduce_min3A_50 = vector.multi_reduction <minsi>, %select_n3A_49, %reduce_min3A [1] : vector<24x32768xi32> to vector<24xi32>
      %broadcast_in_dim3A_51 = vector.shape_cast %reduce_min3A_50 : vector<24xi32> to vector<24x1xi32>
      %jit3A_52 = arith.constant 1000 : i32
      %div3A = vector.broadcast %jit3A_52 : i32 to vector<24x1xi32>
      %div3A_53 = arith.divsi %broadcast_in_dim3A_51, %div3A : vector<24x1xi32>
      %sign3A = arith.constant 0 : i32
      %sign3A_54 = vector.broadcast %sign3A : i32 to vector<24x1xi32>
      %sign3A_55 = arith.cmpi sgt, %broadcast_in_dim3A_51, %sign3A_54 : vector<24x1xi32>
      %sign3A_56 = arith.extui %sign3A_55 : vector<24x1xi1> to vector<24x1xi32>
      %sign3A_57 = arith.constant 0 : i32
      %sign3A_58 = vector.broadcast %sign3A_57 : i32 to vector<24x1xi32>
      %sign3A_59 = arith.cmpi slt, %broadcast_in_dim3A_51, %sign3A_58 : vector<24x1xi32>
      %sign3A_60 = arith.extui %sign3A_59 : vector<24x1xi1> to vector<24x1xi32>
      %sign3A_61 = arith.subi %sign3A_56, %sign3A_60 : vector<24x1xi32>
      %sign3A_62 = arith.constant 0 : i32
      %sign3A_63 = arith.cmpi sgt, %jit3A_52, %sign3A_62 : i32
      %sign3A_64 = arith.extui %sign3A_63 : i1 to i32
      %sign3A_65 = arith.constant 0 : i32
      %sign3A_66 = arith.cmpi slt, %jit3A_52, %sign3A_65 : i32
      %sign3A_67 = arith.extui %sign3A_66 : i1 to i32
      %sign3A_68 = arith.subi %sign3A_64, %sign3A_67 : i32
      %ne3A = vector.broadcast %sign3A_68 : i32 to vector<24x1xi32>
      %ne3A_69 = arith.cmpi ne, %sign3A_61, %ne3A : vector<24x1xi32>
      %rem3A = vector.broadcast %jit3A_52 : i32 to vector<24x1xi32>
      %rem3A_70 = arith.remsi %broadcast_in_dim3A_51, %rem3A : vector<24x1xi32>
      %ne3A_71 = arith.constant 0 : i32
      %ne3A_72 = vector.broadcast %ne3A_71 : i32 to vector<24x1xi32>
      %ne3A_73 = arith.cmpi ne, %rem3A_70, %ne3A_72 : vector<24x1xi32>
      %and3A_74 = arith.andi %ne3A_69, %ne3A_73 : vector<24x1xi1>
      %sub3A_75 = arith.constant 1 : i32
      %sub3A_76 = vector.broadcast %sub3A_75 : i32 to vector<24x1xi32>
      %sub3A_77 = arith.subi %div3A_53, %sub3A_76 : vector<24x1xi32>
      %select_n3A_78 = arith.select %and3A_74, %sub3A_77, %div3A_53 : vector<24x1xi1>, vector<24x1xi32>
      %swap3A = arith.constant 0 : index
      %swap3A_79 = arith.constant 0 : index
      %swap3A_80 = vector.load %arg3[%swap3A, %swap3A_79] : memref<24x1xi32, #tpu.memory_space<vmem>>, vector<24x1xi32>
      tpu.vector_store %arg3[%swap3A, %swap3A_79], %select_n3A_78 {strides = array<i32>} : memref<24x1xi32, #tpu.memory_space<vmem>>, vector<24x1xi32>,
      %jit3A_81 = arith.constant 1000 : i32
      %div3A_82 = vector.broadcast %jit3A_81 : i32 to vector<24x1xi32>
      %div3A_83 = arith.divsi %broadcast_in_dim3A_51, %div3A_82 : vector<24x1xi32>
      %sign3A_84 = arith.constant 0 : i32
      %sign3A_85 = vector.broadcast %sign3A_84 : i32 to vector<24x1xi32>
      %sign3A_86 = arith.cmpi sgt, %broadcast_in_dim3A_51, %sign3A_85 : vector<24x1xi32>
      %sign3A_87 = arith.extui %sign3A_86 : vector<24x1xi1> to vector<24x1xi32>
      %sign3A_88 = arith.constant 0 : i32
      %sign3A_89 = vector.broadcast %sign3A_88 : i32 to vector<24x1xi32>
      %sign3A_90 = arith.cmpi slt, %broadcast_in_dim3A_51, %sign3A_89 : vector<24x1xi32>
      %sign3A_91 = arith.extui %sign3A_90 : vector<24x1xi1> to vector<24x1xi32>
      %sign3A_92 = arith.subi %sign3A_87, %sign3A_91 : vector<24x1xi32>
      %sign3A_93 = arith.constant 0 : i32
      %sign3A_94 = arith.cmpi sgt, %jit3A_81, %sign3A_93 : i32
      %sign3A_95 = arith.extui %sign3A_94 : i1 to i32
      %sign3A_96 = arith.constant 0 : i32
      %sign3A_97 = arith.cmpi slt, %jit3A_81, %sign3A_96 : i32
      %sign3A_98 = arith.extui %sign3A_97 : i1 to i32
      %sign3A_99 = arith.subi %sign3A_95, %sign3A_98 : i32
      %ne3A_100 = vector.broadcast %sign3A_99 : i32 to vector<24x1xi32>
      %ne3A_101 = arith.cmpi ne, %sign3A_92, %ne3A_100 : vector<24x1xi32>
      %rem3A_102 = vector.broadcast %jit3A_81 : i32 to vector<24x1xi32>
      %rem3A_103 = arith.remsi %broadcast_in_dim3A_51, %rem3A_102 : vector<24x1xi32>
      %ne3A_104 = arith.constant 0 : i32
      %ne3A_105 = vector.broadcast %ne3A_104 : i32 to vector<24x1xi32>
      %ne3A_106 = arith.cmpi ne, %rem3A_103, %ne3A_105 : vector<24x1xi32>
      %and3A_107 = arith.andi %ne3A_101, %ne3A_106 : vector<24x1xi1>
      %sub3A_108 = arith.constant 1 : i32
      %sub3A_109 = vector.broadcast %sub3A_108 : i32 to vector<24x1xi32>
      %sub3A_110 = arith.subi %div3A_83, %sub3A_109 : vector<24x1xi32>
      %select_n3A_111 = arith.select %and3A_107, %sub3A_110, %div3A_83 : vector<24x1xi1>, vector<24x1xi32>
      %mul3A_112 = arith.constant 1000 : i32
      %mul3A_113 = vector.broadcast %mul3A_112 : i32 to vector<24x1xi32>
      %mul3A_114 = arith.muli %select_n3A_111, %mul3A_113 : vector<24x1xi32>
      %sub3A_115 = arith.subi %broadcast_in_dim3A_51, %mul3A_114 : vector<24x1xi32>
      %swap3A_116 = arith.constant 0 : index
      %swap3A_117 = arith.constant 0 : index
      %swap3A_118 = vector.load %arg4[%swap3A_116, %swap3A_117] : memref<24x1xi32, #tpu.memory_space<vmem>>, vector<24x1xi32>
      tpu.vector_store %arg4[%swap3A_116, %swap3A_117], %sub3A_115 {strides = array<i32>} : memref<24x1xi32, #tpu.memory_space<vmem>>, vector<24x1xi32>,
      %iota3A_119 = tpu.iota {dimensions = array<i32: 1>} : vector<1x32768xi32>
      %lt3A_120 = arith.constant 16960 : i32
      %lt3A_121 = vector.broadcast %lt3A_120 : i32 to vector<1x32768xi32>
      %lt3A_122 = arith.cmpi slt, %iota3A_119, %lt3A_121 : vector<1x32768xi32>
      %jit3A_123 = arith.constant 0xFF800000 : f32
      %broadcast_in_dim3A_124 = vector.broadcast %jit3A_123 : f32 to vector<1x32768xf32>
      %select_n3A_125 = arith.select %lt3A_122, %get3A_4, %broadcast_in_dim3A_124 : vector<1x32768xi1>, vector<1x32768xf32>
      %get3A_126 = arith.constant 0 : index
      %get3A_127 = arith.constant 0 : index
      %get3A_128 = memref.load %arg8[%get3A_126, %get3A_127] : memref<1x1xf32, #tpu.memory_space<smem>>
      %reduce_max3A_129 = vector.shape_cast %select_n3A_125 : vector<1x32768xf32> to vector<1x1x32768xf32>
      %reduce_max3A_130 = arith.constant dense<0xFF800000> : vector<1xf32>
      %reduce_max3A_131 = vector.multi_reduction <maximumf>, %reduce_max3A_129, %reduce_max3A_130 [1, 2] : vector<1x1x32768xf32> to vector<1xf32>
      %reduce_max3A_132 = vector.shape_cast %reduce_max3A_131 : vector<1xf32> to vector<1x1x1xf32>
      %reduce_max3A_133 = vector.extract %reduce_max3A_132[0, 0, 0] : f32 from vector<1x1x1xf32>
      %max3A_134 = arith.maximumf %get3A_128, %reduce_max3A_133 : f32
      %swap3A_135 = arith.constant 0 : index
      %swap3A_136 = arith.constant 0 : index
      %swap3A_137 = memref.load %arg5[%swap3A_135, %swap3A_136] : memref<1x1xf32, #tpu.memory_space<smem>>
      memref.store %max3A_134, %arg5[%swap3A_135, %swap3A_136] : memref<1x1xf32, #tpu.memory_space<smem>>
    } else {
    }
    return
  }
  func.func @transform_0(%arg0: i32) -> (i32, i32) {
    %c0_i32 = arith.constant 0 : i32
    %c0_i32_0 = arith.constant 0 : i32
    return %c0_i32, %arg0 : i32, i32
  }
  func.func @transform_1(%arg0: i32) -> (i32, i32) {
    %c0_i32 = arith.constant 0 : i32
    %c0_i32_0 = arith.constant 0 : i32
    return %c0_i32, %arg0 : i32, i32
  }
  func.func @transform_2(%arg0: i32) -> (i32, i32) {
    %c0_i32 = arith.constant 0 : i32
    %c0_i32_0 = arith.constant 0 : i32
    %c0_i32_1 = arith.constant 0 : i32
    return %c0_i32, %c0_i32_0 : i32, i32
  }
  func.func @transform_3(%arg0: i32) -> (i32, i32) {
    %c0_i32 = arith.constant 0 : i32
    %c0_i32_0 = arith.constant 0 : i32
    %c0_i32_1 = arith.constant 0 : i32
    return %c0_i32, %c0_i32_0 : i32, i32
  }
  func.func @transform_4(%arg0: i32) -> (i32, i32) {
    %c0_i32 = arith.constant 0 : i32
    %c0_i32_0 = arith.constant 0 : i32
    %c0_i32_1 = arith.constant 0 : i32
    return %c0_i32, %c0_i32_0 : i32, i32
  }
}

module attributes {stable_mosaic.version = 14 : i64} {
  func.func @_cert_body(%arg0: memref<8x512xf32, #tpu.memory_space<vmem>>, %arg1: memref<8x512xi32, #tpu.memory_space<vmem>>, %arg2: memref<8x512xf32, #tpu.memory_space<vmem>>, %arg3: memref<8x512xf32, #tpu.memory_space<vmem>>, %arg4: memref<1x1xf32, #tpu.memory_space<smem>>, %arg5: memref<8x1xi32, #tpu.memory_space<vmem>>, %arg6: memref<8x1xi32, #tpu.memory_space<vmem>>, %arg7: memref<8x1xi32, #tpu.memory_space<vmem>>) attributes {dimension_semantics = [], scalar_prefetch = 0 : i64, scratch_operands = 0 : i64, tpu.core_type = #tpu.core_type<tc>} {
    %get3A = arith.constant 0 : index
    %get3A_0 = arith.constant 0 : index
    %get3A_1 = vector.load %arg0[%get3A, %get3A_0] : memref<8x512xf32, #tpu.memory_space<vmem>>, vector<8x512xf32>
    %get3A_2 = arith.constant 0 : index
    %get3A_3 = arith.constant 0 : index
    %get3A_4 = vector.load %arg2[%get3A_2, %get3A_3] : memref<8x512xf32, #tpu.memory_space<vmem>>, vector<8x512xf32>
    %jit3A = arith.constant 9.99999997E-7 : f32
    %jit3A_5 = arith.constant 0.999998986 : f32
    %max3A = vector.broadcast %jit3A : f32 to vector<8x512xf32>
    %max3A_6 = arith.maximumf %max3A, %get3A_1 : vector<8x512xf32>
    %min3A = vector.broadcast %jit3A_5 : f32 to vector<8x512xf32>
    %min3A_7 = arith.minimumf %min3A, %max3A_6 : vector<8x512xf32>
    %log3A = math.log %min3A_7 : vector<8x512xf32>
    %neg3A = arith.constant 0.000000e+00 : f32
    %neg3A_8 = vector.broadcast %neg3A : f32 to vector<8x512xf32>
    %neg3A_9 = arith.subf %neg3A_8, %log3A : vector<8x512xf32>
    %log3A_10 = math.log %neg3A_9 : vector<8x512xf32>
    %sub3A = arith.subf %get3A_4, %log3A_10 : vector<8x512xf32>
    %reduce_max3A = arith.constant dense<0xFF800000> : vector<8xf32>
    %reduce_max3A_11 = vector.multi_reduction <maximumf>, %sub3A, %reduce_max3A [1] : vector<8x512xf32> to vector<8xf32>
    %broadcast_in_dim3A = vector.shape_cast %reduce_max3A_11 : vector<8xf32> to vector<8x1xf32>
    %eq3A = vector.broadcast %broadcast_in_dim3A : vector<8x1xf32> to vector<8x512xf32>
    %eq3A_12 = arith.cmpf oeq, %sub3A, %eq3A : vector<8x512xf32>
    %get3A_13 = arith.constant 0 : index
    %get3A_14 = arith.constant 0 : index
    %get3A_15 = vector.load %arg1[%get3A_13, %get3A_14] : memref<8x512xi32, #tpu.memory_space<vmem>>, vector<8x512xi32>
    %jit3A_16 = arith.constant 1073741824 : i32
    %broadcast_in_dim3A_17 = vector.broadcast %jit3A_16 : i32 to vector<8x512xi32>
    %select_n3A = arith.select %eq3A_12, %get3A_15, %broadcast_in_dim3A_17 : vector<8x512xi1>, vector<8x512xi32>
    %reduce_min3A = arith.constant dense<2147483647> : vector<8xi32>
    %reduce_min3A_18 = vector.multi_reduction <minsi>, %select_n3A, %reduce_min3A [1] : vector<8x512xi32> to vector<8xi32>
    %broadcast_in_dim3A_19 = vector.shape_cast %reduce_min3A_18 : vector<8xi32> to vector<8x1xi32>
    %get3A_20 = arith.constant 0 : index
    %get3A_21 = arith.constant 0 : index
    %get3A_22 = vector.load %arg3[%get3A_20, %get3A_21] : memref<8x512xf32, #tpu.memory_space<vmem>>, vector<8x512xf32>
    %reduce_max3A_23 = arith.constant dense<0xFF800000> : vector<8xf32>
    %reduce_max3A_24 = vector.multi_reduction <maximumf>, %get3A_22, %reduce_max3A_23 [1] : vector<8x512xf32> to vector<8xf32>
    %broadcast_in_dim3A_25 = vector.shape_cast %reduce_max3A_24 : vector<8xf32> to vector<8x1xf32>
    %jit3A_26 = arith.constant 9.99999997E-7 : f32
    %jit3A_27 = arith.constant 0.999998986 : f32
    %max3A_28 = vector.broadcast %jit3A_26 : f32 to vector<8x1xf32>
    %max3A_29 = arith.maximumf %max3A_28, %broadcast_in_dim3A_25 : vector<8x1xf32>
    %min3A_30 = vector.broadcast %jit3A_27 : f32 to vector<8x1xf32>
    %min3A_31 = arith.minimumf %min3A_30, %max3A_29 : vector<8x1xf32>
    %get3A_32 = arith.constant 0 : index
    %get3A_33 = arith.constant 0 : index
    %get3A_34 = memref.load %arg4[%get3A_32, %get3A_33] : memref<1x1xf32, #tpu.memory_space<smem>>
    %log3A_35 = math.log %min3A_31 : vector<8x1xf32>
    %neg3A_36 = arith.constant 0.000000e+00 : f32
    %neg3A_37 = vector.broadcast %neg3A_36 : f32 to vector<8x1xf32>
    %neg3A_38 = arith.subf %neg3A_37, %log3A_35 : vector<8x1xf32>
    %log3A_39 = math.log %neg3A_38 : vector<8x1xf32>
    %sub3A_40 = vector.broadcast %get3A_34 : f32 to vector<8x1xf32>
    %sub3A_41 = arith.subf %sub3A_40, %log3A_39 : vector<8x1xf32>
    %add3A = arith.constant 1.000000e-03 : f32
    %add3A_42 = vector.broadcast %add3A : f32 to vector<8x1xf32>
    %add3A_43 = arith.addf %sub3A_41, %add3A_42 : vector<8x1xf32>
    %ge3A = arith.cmpf oge, %broadcast_in_dim3A, %add3A_43 : vector<8x1xf32>
    %convert_element_type3A = arith.extui %ge3A : vector<8x1xi1> to vector<8x1xi32>
    %swap3A = arith.constant 0 : index
    %swap3A_44 = arith.constant 0 : index
    %swap3A_45 = vector.load %arg7[%swap3A, %swap3A_44] : memref<8x1xi32, #tpu.memory_space<vmem>>, vector<8x1xi32>
    tpu.vector_store %arg7[%swap3A, %swap3A_44], %convert_element_type3A {strides = array<i32>} : memref<8x1xi32, #tpu.memory_space<vmem>>, vector<8x1xi32>,
    %jit3A_46 = arith.constant 1000 : i32
    %div3A = vector.broadcast %jit3A_46 : i32 to vector<8x1xi32>
    %div3A_47 = arith.divsi %broadcast_in_dim3A_19, %div3A : vector<8x1xi32>
    %sign3A = arith.constant 0 : i32
    %sign3A_48 = vector.broadcast %sign3A : i32 to vector<8x1xi32>
    %sign3A_49 = arith.cmpi sgt, %broadcast_in_dim3A_19, %sign3A_48 : vector<8x1xi32>
    %sign3A_50 = arith.extui %sign3A_49 : vector<8x1xi1> to vector<8x1xi32>
    %sign3A_51 = arith.constant 0 : i32
    %sign3A_52 = vector.broadcast %sign3A_51 : i32 to vector<8x1xi32>
    %sign3A_53 = arith.cmpi slt, %broadcast_in_dim3A_19, %sign3A_52 : vector<8x1xi32>
    %sign3A_54 = arith.extui %sign3A_53 : vector<8x1xi1> to vector<8x1xi32>
    %sign3A_55 = arith.subi %sign3A_50, %sign3A_54 : vector<8x1xi32>
    %sign3A_56 = arith.constant 0 : i32
    %sign3A_57 = arith.cmpi sgt, %jit3A_46, %sign3A_56 : i32
    %sign3A_58 = arith.extui %sign3A_57 : i1 to i32
    %sign3A_59 = arith.constant 0 : i32
    %sign3A_60 = arith.cmpi slt, %jit3A_46, %sign3A_59 : i32
    %sign3A_61 = arith.extui %sign3A_60 : i1 to i32
    %sign3A_62 = arith.subi %sign3A_58, %sign3A_61 : i32
    %ne3A = vector.broadcast %sign3A_62 : i32 to vector<8x1xi32>
    %ne3A_63 = arith.cmpi ne, %sign3A_55, %ne3A : vector<8x1xi32>
    %rem3A = vector.broadcast %jit3A_46 : i32 to vector<8x1xi32>
    %rem3A_64 = arith.remsi %broadcast_in_dim3A_19, %rem3A : vector<8x1xi32>
    %ne3A_65 = arith.constant 0 : i32
    %ne3A_66 = vector.broadcast %ne3A_65 : i32 to vector<8x1xi32>
    %ne3A_67 = arith.cmpi ne, %rem3A_64, %ne3A_66 : vector<8x1xi32>
    %and3A = arith.andi %ne3A_63, %ne3A_67 : vector<8x1xi1>
    %sub3A_68 = arith.constant 1 : i32
    %sub3A_69 = vector.broadcast %sub3A_68 : i32 to vector<8x1xi32>
    %sub3A_70 = arith.subi %div3A_47, %sub3A_69 : vector<8x1xi32>
    %select_n3A_71 = arith.select %and3A, %sub3A_70, %div3A_47 : vector<8x1xi1>, vector<8x1xi32>
    %swap3A_72 = arith.constant 0 : index
    %swap3A_73 = arith.constant 0 : index
    %swap3A_74 = vector.load %arg5[%swap3A_72, %swap3A_73] : memref<8x1xi32, #tpu.memory_space<vmem>>, vector<8x1xi32>
    tpu.vector_store %arg5[%swap3A_72, %swap3A_73], %select_n3A_71 {strides = array<i32>} : memref<8x1xi32, #tpu.memory_space<vmem>>, vector<8x1xi32>,
    %jit3A_75 = arith.constant 1000 : i32
    %div3A_76 = vector.broadcast %jit3A_75 : i32 to vector<8x1xi32>
    %div3A_77 = arith.divsi %broadcast_in_dim3A_19, %div3A_76 : vector<8x1xi32>
    %sign3A_78 = arith.constant 0 : i32
    %sign3A_79 = vector.broadcast %sign3A_78 : i32 to vector<8x1xi32>
    %sign3A_80 = arith.cmpi sgt, %broadcast_in_dim3A_19, %sign3A_79 : vector<8x1xi32>
    %sign3A_81 = arith.extui %sign3A_80 : vector<8x1xi1> to vector<8x1xi32>
    %sign3A_82 = arith.constant 0 : i32
    %sign3A_83 = vector.broadcast %sign3A_82 : i32 to vector<8x1xi32>
    %sign3A_84 = arith.cmpi slt, %broadcast_in_dim3A_19, %sign3A_83 : vector<8x1xi32>
    %sign3A_85 = arith.extui %sign3A_84 : vector<8x1xi1> to vector<8x1xi32>
    %sign3A_86 = arith.subi %sign3A_81, %sign3A_85 : vector<8x1xi32>
    %sign3A_87 = arith.constant 0 : i32
    %sign3A_88 = arith.cmpi sgt, %jit3A_75, %sign3A_87 : i32
    %sign3A_89 = arith.extui %sign3A_88 : i1 to i32
    %sign3A_90 = arith.constant 0 : i32
    %sign3A_91 = arith.cmpi slt, %jit3A_75, %sign3A_90 : i32
    %sign3A_92 = arith.extui %sign3A_91 : i1 to i32
    %sign3A_93 = arith.subi %sign3A_89, %sign3A_92 : i32
    %ne3A_94 = vector.broadcast %sign3A_93 : i32 to vector<8x1xi32>
    %ne3A_95 = arith.cmpi ne, %sign3A_86, %ne3A_94 : vector<8x1xi32>
    %rem3A_96 = vector.broadcast %jit3A_75 : i32 to vector<8x1xi32>
    %rem3A_97 = arith.remsi %broadcast_in_dim3A_19, %rem3A_96 : vector<8x1xi32>
    %ne3A_98 = arith.constant 0 : i32
    %ne3A_99 = vector.broadcast %ne3A_98 : i32 to vector<8x1xi32>
    %ne3A_100 = arith.cmpi ne, %rem3A_97, %ne3A_99 : vector<8x1xi32>
    %and3A_101 = arith.andi %ne3A_95, %ne3A_100 : vector<8x1xi1>
    %sub3A_102 = arith.constant 1 : i32
    %sub3A_103 = vector.broadcast %sub3A_102 : i32 to vector<8x1xi32>
    %sub3A_104 = arith.subi %div3A_77, %sub3A_103 : vector<8x1xi32>
    %select_n3A_105 = arith.select %and3A_101, %sub3A_104, %div3A_77 : vector<8x1xi1>, vector<8x1xi32>
    %mul3A = arith.constant 1000 : i32
    %mul3A_106 = vector.broadcast %mul3A : i32 to vector<8x1xi32>
    %mul3A_107 = arith.muli %select_n3A_105, %mul3A_106 : vector<8x1xi32>
    %sub3A_108 = arith.subi %broadcast_in_dim3A_19, %mul3A_107 : vector<8x1xi32>
    %swap3A_109 = arith.constant 0 : index
    %swap3A_110 = arith.constant 0 : index
    %swap3A_111 = vector.load %arg6[%swap3A_109, %swap3A_110] : memref<8x1xi32, #tpu.memory_space<vmem>>, vector<8x1xi32>
    tpu.vector_store %arg6[%swap3A_109, %swap3A_110], %sub3A_108 {strides = array<i32>} : memref<8x1xi32, #tpu.memory_space<vmem>>, vector<8x1xi32>,
    return
  }
}

module attributes {stable_mosaic.version = 14 : i64} {
  func.func @_brute_body(%arg0: i32, %arg1: memref<8x32768xf32, #tpu.memory_space<vmem>>, %arg2: memref<1x32768xf32, #tpu.memory_space<vmem>>, %arg3: memref<8x1xi32, #tpu.memory_space<vmem>>, %arg4: memref<8x1xi32, #tpu.memory_space<vmem>>, %arg5: memref<1x1xf32, #tpu.memory_space<smem>>, %arg6: memref<8x32768xf32, #tpu.memory_space<vmem>>, %arg7: memref<8x32768xi32, #tpu.memory_space<vmem>>, %arg8: memref<1x1xf32, #tpu.memory_space<smem>>) attributes {dimension_semantics = [#tpu.dimension_semantics<arbitrary>], iteration_bounds = array<i64: 31>, scalar_prefetch = 0 : i64, scratch_operands = 3 : i64, tpu.core_type = #tpu.core_type<tc>, window_params = [{transform_indices = @transform_0, window_bounds = array<i64: 8, 32768>}, {transform_indices = @transform_1, window_bounds = array<i64: 1, 32768>}, {pipeline_mode = #tpu.pipeline_mode<synchronous>, transform_indices = @transform_2, window_bounds = array<i64: 8, 1>}, {pipeline_mode = #tpu.pipeline_mode<synchronous>, transform_indices = @transform_3, window_bounds = array<i64: 8, 1>}, {transform_indices = @transform_4, window_bounds = array<i64: 1, 1>}]} {
    %get3A = arith.constant 0 : index
    %get3A_0 = arith.constant 0 : index
    %get3A_1 = vector.load %arg1[%get3A, %get3A_0] : memref<8x32768xf32, #tpu.memory_space<vmem>>, vector<8x32768xf32>
    %get3A_2 = arith.constant 0 : index
    %get3A_3 = arith.constant 0 : index
    %get3A_4 = vector.load %arg2[%get3A_2, %get3A_3] : memref<1x32768xf32, #tpu.memory_space<vmem>>, vector<1x32768xf32>
    %eq3A = arith.constant 0 : i32
    %eq3A_5 = arith.cmpi eq, %arg0, %eq3A : i32
    %convert_element_type3A = arith.extui %eq3A_5 : i1 to i32
    %cond3A = arith.constant 0 : i32
    %cond3A_6 = arith.cmpi ne, %convert_element_type3A, %cond3A : i32
    scf.if %cond3A_6 {
      %jit3A = arith.constant 9.99999997E-7 : f32
      %jit3A_17 = arith.constant 0.999998986 : f32
      %max3A = vector.broadcast %jit3A : f32 to vector<8x32768xf32>
      %max3A_18 = arith.maximumf %max3A, %get3A_1 : vector<8x32768xf32>
      %min3A = vector.broadcast %jit3A_17 : f32 to vector<8x32768xf32>
      %min3A_19 = arith.minimumf %min3A, %max3A_18 : vector<8x32768xf32>
      %log3A = math.log %min3A_19 : vector<8x32768xf32>
      %neg3A = arith.constant 0.000000e+00 : f32
      %neg3A_20 = vector.broadcast %neg3A : f32 to vector<8x32768xf32>
      %neg3A_21 = arith.subf %neg3A_20, %log3A : vector<8x32768xf32>
      %log3A_22 = math.log %neg3A_21 : vector<8x32768xf32>
      %sub3A = vector.broadcast %get3A_4 : vector<1x32768xf32> to vector<8x32768xf32>
      %sub3A_23 = arith.subf %sub3A, %log3A_22 : vector<8x32768xf32>
      %swap3A = arith.constant 0 : index
      %swap3A_24 = arith.constant 0 : index
      %swap3A_25 = vector.load %arg6[%swap3A, %swap3A_24] : memref<8x32768xf32, #tpu.memory_space<vmem>>, vector<8x32768xf32>
      tpu.vector_store %arg6[%swap3A, %swap3A_24], %sub3A_23 {strides = array<i32>} : memref<8x32768xf32, #tpu.memory_space<vmem>>, vector<8x32768xf32>,
      %broadcast_in_dim3A = arith.constant 0 : i32
      %broadcast_in_dim3A_26 = vector.broadcast %broadcast_in_dim3A : i32 to vector<8x32768xi32>
      %swap3A_27 = arith.constant 0 : index
      %swap3A_28 = arith.constant 0 : index
      %swap3A_29 = vector.load %arg7[%swap3A_27, %swap3A_28] : memref<8x32768xi32, #tpu.memory_space<vmem>>, vector<8x32768xi32>
      tpu.vector_store %arg7[%swap3A_27, %swap3A_28], %broadcast_in_dim3A_26 {strides = array<i32>} : memref<8x32768xi32, #tpu.memory_space<vmem>>, vector<8x32768xi32>,
    } else {
    }
    %gt3A = arith.constant 0 : i32
    %gt3A_7 = arith.cmpi sgt, %arg0, %gt3A : i32
    %lt3A = arith.constant 30 : i32
    %lt3A_8 = arith.cmpi slt, %arg0, %lt3A : i32
    %and3A = arith.andi %gt3A_7, %lt3A_8 : i1
    %convert_element_type3A_9 = arith.extui %and3A : i1 to i32
    %cond3A_10 = arith.constant 0 : i32
    %cond3A_11 = arith.cmpi ne, %convert_element_type3A_9, %cond3A_10 : i32
    scf.if %cond3A_11 {
      %jit3A = arith.constant 9.99999997E-7 : f32
      %jit3A_17 = arith.constant 0.999998986 : f32
      %max3A = vector.broadcast %jit3A : f32 to vector<8x32768xf32>
      %max3A_18 = arith.maximumf %max3A, %get3A_1 : vector<8x32768xf32>
      %min3A = vector.broadcast %jit3A_17 : f32 to vector<8x32768xf32>
      %min3A_19 = arith.minimumf %min3A, %max3A_18 : vector<8x32768xf32>
      %log3A = math.log %min3A_19 : vector<8x32768xf32>
      %neg3A = arith.constant 0.000000e+00 : f32
      %neg3A_20 = vector.broadcast %neg3A : f32 to vector<8x32768xf32>
      %neg3A_21 = arith.subf %neg3A_20, %log3A : vector<8x32768xf32>
      %log3A_22 = math.log %neg3A_21 : vector<8x32768xf32>
      %sub3A = vector.broadcast %get3A_4 : vector<1x32768xf32> to vector<8x32768xf32>
      %sub3A_23 = arith.subf %sub3A, %log3A_22 : vector<8x32768xf32>
      %get3A_24 = arith.constant 0 : index
      %get3A_25 = arith.constant 0 : index
      %get3A_26 = vector.load %arg6[%get3A_24, %get3A_25] : memref<8x32768xf32, #tpu.memory_space<vmem>>, vector<8x32768xf32>
      %gt3A_27 = arith.cmpf ogt, %sub3A_23, %get3A_26 : vector<8x32768xf32>
      %get3A_28 = arith.constant 0 : index
      %get3A_29 = arith.constant 0 : index
      %get3A_30 = vector.load %arg6[%get3A_28, %get3A_29] : memref<8x32768xf32, #tpu.memory_space<vmem>>, vector<8x32768xf32>
      %select_n3A = arith.select %gt3A_27, %sub3A_23, %get3A_30 : vector<8x32768xi1>, vector<8x32768xf32>
      %swap3A = arith.constant 0 : index
      %swap3A_31 = arith.constant 0 : index
      %swap3A_32 = vector.load %arg6[%swap3A, %swap3A_31] : memref<8x32768xf32, #tpu.memory_space<vmem>>, vector<8x32768xf32>
      tpu.vector_store %arg6[%swap3A, %swap3A_31], %select_n3A {strides = array<i32>} : memref<8x32768xf32, #tpu.memory_space<vmem>>, vector<8x32768xf32>,
      %get3A_33 = arith.constant 0 : index
      %get3A_34 = arith.constant 0 : index
      %get3A_35 = vector.load %arg7[%get3A_33, %get3A_34] : memref<8x32768xi32, #tpu.memory_space<vmem>>, vector<8x32768xi32>
      %broadcast_in_dim3A = vector.broadcast %arg0 : i32 to vector<8x32768xi32>
      %select_n3A_36 = arith.select %gt3A_27, %broadcast_in_dim3A, %get3A_35 : vector<8x32768xi1>, vector<8x32768xi32>
      %swap3A_37 = arith.constant 0 : index
      %swap3A_38 = arith.constant 0 : index
      %swap3A_39 = vector.load %arg7[%swap3A_37, %swap3A_38] : memref<8x32768xi32, #tpu.memory_space<vmem>>, vector<8x32768xi32>
      tpu.vector_store %arg7[%swap3A_37, %swap3A_38], %select_n3A_36 {strides = array<i32>} : memref<8x32768xi32, #tpu.memory_space<vmem>>, vector<8x32768xi32>,
    } else {
    }
    %eq3A_12 = arith.constant 30 : i32
    %eq3A_13 = arith.cmpi eq, %arg0, %eq3A_12 : i32
    %convert_element_type3A_14 = arith.extui %eq3A_13 : i1 to i32
    %cond3A_15 = arith.constant 0 : i32
    %cond3A_16 = arith.cmpi ne, %convert_element_type3A_14, %cond3A_15 : i32
    scf.if %cond3A_16 {
      %iota3A = tpu.iota {dimensions = array<i32: 1>} : vector<8x32768xi32>
      %lt3A_17 = arith.constant 16960 : i32
      %lt3A_18 = vector.broadcast %lt3A_17 : i32 to vector<8x32768xi32>
      %lt3A_19 = arith.cmpi slt, %iota3A, %lt3A_18 : vector<8x32768xi32>
      %jit3A = arith.constant 9.99999997E-7 : f32
      %jit3A_20 = arith.constant 0.999998986 : f32
      %max3A = vector.broadcast %jit3A : f32 to vector<8x32768xf32>
      %max3A_21 = arith.maximumf %max3A, %get3A_1 : vector<8x32768xf32>
      %min3A = vector.broadcast %jit3A_20 : f32 to vector<8x32768xf32>
      %min3A_22 = arith.minimumf %min3A, %max3A_21 : vector<8x32768xf32>
      %log3A = math.log %min3A_22 : vector<8x32768xf32>
      %neg3A = arith.constant 0.000000e+00 : f32
      %neg3A_23 = vector.broadcast %neg3A : f32 to vector<8x32768xf32>
      %neg3A_24 = arith.subf %neg3A_23, %log3A : vector<8x32768xf32>
      %log3A_25 = math.log %neg3A_24 : vector<8x32768xf32>
      %sub3A = vector.broadcast %get3A_4 : vector<1x32768xf32> to vector<8x32768xf32>
      %sub3A_26 = arith.subf %sub3A, %log3A_25 : vector<8x32768xf32>
      %jit3A_27 = arith.constant 0xFF800000 : f32
      %broadcast_in_dim3A = vector.broadcast %jit3A_27 : f32 to vector<8x32768xf32>
      %select_n3A = arith.select %lt3A_19, %sub3A_26, %broadcast_in_dim3A : vector<8x32768xi1>, vector<8x32768xf32>
      %get3A_28 = arith.constant 0 : index
      %get3A_29 = arith.constant 0 : index
      %get3A_30 = vector.load %arg6[%get3A_28, %get3A_29] : memref<8x32768xf32, #tpu.memory_space<vmem>>, vector<8x32768xf32>
      %gt3A_31 = arith.cmpf ogt, %select_n3A, %get3A_30 : vector<8x32768xf32>
      %get3A_32 = arith.constant 0 : index
      %get3A_33 = arith.constant 0 : index
      %get3A_34 = vector.load %arg6[%get3A_32, %get3A_33] : memref<8x32768xf32, #tpu.memory_space<vmem>>, vector<8x32768xf32>
      %select_n3A_35 = arith.select %gt3A_31, %select_n3A, %get3A_34 : vector<8x32768xi1>, vector<8x32768xf32>
      %get3A_36 = arith.constant 0 : index
      %get3A_37 = arith.constant 0 : index
      %get3A_38 = vector.load %arg7[%get3A_36, %get3A_37] : memref<8x32768xi32, #tpu.memory_space<vmem>>, vector<8x32768xi32>
      %broadcast_in_dim3A_39 = vector.broadcast %arg0 : i32 to vector<8x32768xi32>
      %select_n3A_40 = arith.select %gt3A_31, %broadcast_in_dim3A_39, %get3A_38 : vector<8x32768xi1>, vector<8x32768xi32>
      %reduce_max3A = arith.constant dense<0xFF800000> : vector<8xf32>
      %reduce_max3A_41 = vector.multi_reduction <maximumf>, %select_n3A_35, %reduce_max3A [1] : vector<8x32768xf32> to vector<8xf32>
      %broadcast_in_dim3A_42 = vector.shape_cast %reduce_max3A_41 : vector<8xf32> to vector<8x1xf32>
      %mul3A = arith.constant 32768 : i32
      %mul3A_43 = vector.broadcast %mul3A : i32 to vector<8x32768xi32>
      %mul3A_44 = arith.muli %select_n3A_40, %mul3A_43 : vector<8x32768xi32>
      %add3A = arith.addi %mul3A_44, %iota3A : vector<8x32768xi32>
      %eq3A_45 = vector.broadcast %broadcast_in_dim3A_42 : vector<8x1xf32> to vector<8x32768xf32>
      %eq3A_46 = arith.cmpf oeq, %select_n3A_35, %eq3A_45 : vector<8x32768xf32>
      %jit3A_47 = arith.constant 1073741824 : i32
      %broadcast_in_dim3A_48 = vector.broadcast %jit3A_47 : i32 to vector<8x32768xi32>
      %select_n3A_49 = arith.select %eq3A_46, %add3A, %broadcast_in_dim3A_48 : vector<8x32768xi1>, vector<8x32768xi32>
      %reduce_min3A = arith.constant dense<2147483647> : vector<8xi32>
      %reduce_min3A_50 = vector.multi_reduction <minsi>, %select_n3A_49, %reduce_min3A [1] : vector<8x32768xi32> to vector<8xi32>
      %broadcast_in_dim3A_51 = vector.shape_cast %reduce_min3A_50 : vector<8xi32> to vector<8x1xi32>
      %jit3A_52 = arith.constant 1000 : i32
      %div3A = vector.broadcast %jit3A_52 : i32 to vector<8x1xi32>
      %div3A_53 = arith.divsi %broadcast_in_dim3A_51, %div3A : vector<8x1xi32>
      %sign3A = arith.constant 0 : i32
      %sign3A_54 = vector.broadcast %sign3A : i32 to vector<8x1xi32>
      %sign3A_55 = arith.cmpi sgt, %broadcast_in_dim3A_51, %sign3A_54 : vector<8x1xi32>
      %sign3A_56 = arith.extui %sign3A_55 : vector<8x1xi1> to vector<8x1xi32>
      %sign3A_57 = arith.constant 0 : i32
      %sign3A_58 = vector.broadcast %sign3A_57 : i32 to vector<8x1xi32>
      %sign3A_59 = arith.cmpi slt, %broadcast_in_dim3A_51, %sign3A_58 : vector<8x1xi32>
      %sign3A_60 = arith.extui %sign3A_59 : vector<8x1xi1> to vector<8x1xi32>
      %sign3A_61 = arith.subi %sign3A_56, %sign3A_60 : vector<8x1xi32>
      %sign3A_62 = arith.constant 0 : i32
      %sign3A_63 = arith.cmpi sgt, %jit3A_52, %sign3A_62 : i32
      %sign3A_64 = arith.extui %sign3A_63 : i1 to i32
      %sign3A_65 = arith.constant 0 : i32
      %sign3A_66 = arith.cmpi slt, %jit3A_52, %sign3A_65 : i32
      %sign3A_67 = arith.extui %sign3A_66 : i1 to i32
      %sign3A_68 = arith.subi %sign3A_64, %sign3A_67 : i32
      %ne3A = vector.broadcast %sign3A_68 : i32 to vector<8x1xi32>
      %ne3A_69 = arith.cmpi ne, %sign3A_61, %ne3A : vector<8x1xi32>
      %rem3A = vector.broadcast %jit3A_52 : i32 to vector<8x1xi32>
      %rem3A_70 = arith.remsi %broadcast_in_dim3A_51, %rem3A : vector<8x1xi32>
      %ne3A_71 = arith.constant 0 : i32
      %ne3A_72 = vector.broadcast %ne3A_71 : i32 to vector<8x1xi32>
      %ne3A_73 = arith.cmpi ne, %rem3A_70, %ne3A_72 : vector<8x1xi32>
      %and3A_74 = arith.andi %ne3A_69, %ne3A_73 : vector<8x1xi1>
      %sub3A_75 = arith.constant 1 : i32
      %sub3A_76 = vector.broadcast %sub3A_75 : i32 to vector<8x1xi32>
      %sub3A_77 = arith.subi %div3A_53, %sub3A_76 : vector<8x1xi32>
      %select_n3A_78 = arith.select %and3A_74, %sub3A_77, %div3A_53 : vector<8x1xi1>, vector<8x1xi32>
      %swap3A = arith.constant 0 : index
      %swap3A_79 = arith.constant 0 : index
      %swap3A_80 = vector.load %arg3[%swap3A, %swap3A_79] : memref<8x1xi32, #tpu.memory_space<vmem>>, vector<8x1xi32>
      tpu.vector_store %arg3[%swap3A, %swap3A_79], %select_n3A_78 {strides = array<i32>} : memref<8x1xi32, #tpu.memory_space<vmem>>, vector<8x1xi32>,
      %jit3A_81 = arith.constant 1000 : i32
      %div3A_82 = vector.broadcast %jit3A_81 : i32 to vector<8x1xi32>
      %div3A_83 = arith.divsi %broadcast_in_dim3A_51, %div3A_82 : vector<8x1xi32>
      %sign3A_84 = arith.constant 0 : i32
      %sign3A_85 = vector.broadcast %sign3A_84 : i32 to vector<8x1xi32>
      %sign3A_86 = arith.cmpi sgt, %broadcast_in_dim3A_51, %sign3A_85 : vector<8x1xi32>
      %sign3A_87 = arith.extui %sign3A_86 : vector<8x1xi1> to vector<8x1xi32>
      %sign3A_88 = arith.constant 0 : i32
      %sign3A_89 = vector.broadcast %sign3A_88 : i32 to vector<8x1xi32>
      %sign3A_90 = arith.cmpi slt, %broadcast_in_dim3A_51, %sign3A_89 : vector<8x1xi32>
      %sign3A_91 = arith.extui %sign3A_90 : vector<8x1xi1> to vector<8x1xi32>
      %sign3A_92 = arith.subi %sign3A_87, %sign3A_91 : vector<8x1xi32>
      %sign3A_93 = arith.constant 0 : i32
      %sign3A_94 = arith.cmpi sgt, %jit3A_81, %sign3A_93 : i32
      %sign3A_95 = arith.extui %sign3A_94 : i1 to i32
      %sign3A_96 = arith.constant 0 : i32
      %sign3A_97 = arith.cmpi slt, %jit3A_81, %sign3A_96 : i32
      %sign3A_98 = arith.extui %sign3A_97 : i1 to i32
      %sign3A_99 = arith.subi %sign3A_95, %sign3A_98 : i32
      %ne3A_100 = vector.broadcast %sign3A_99 : i32 to vector<8x1xi32>
      %ne3A_101 = arith.cmpi ne, %sign3A_92, %ne3A_100 : vector<8x1xi32>
      %rem3A_102 = vector.broadcast %jit3A_81 : i32 to vector<8x1xi32>
      %rem3A_103 = arith.remsi %broadcast_in_dim3A_51, %rem3A_102 : vector<8x1xi32>
      %ne3A_104 = arith.constant 0 : i32
      %ne3A_105 = vector.broadcast %ne3A_104 : i32 to vector<8x1xi32>
      %ne3A_106 = arith.cmpi ne, %rem3A_103, %ne3A_105 : vector<8x1xi32>
      %and3A_107 = arith.andi %ne3A_101, %ne3A_106 : vector<8x1xi1>
      %sub3A_108 = arith.constant 1 : i32
      %sub3A_109 = vector.broadcast %sub3A_108 : i32 to vector<8x1xi32>
      %sub3A_110 = arith.subi %div3A_83, %sub3A_109 : vector<8x1xi32>
      %select_n3A_111 = arith.select %and3A_107, %sub3A_110, %div3A_83 : vector<8x1xi1>, vector<8x1xi32>
      %mul3A_112 = arith.constant 1000 : i32
      %mul3A_113 = vector.broadcast %mul3A_112 : i32 to vector<8x1xi32>
      %mul3A_114 = arith.muli %select_n3A_111, %mul3A_113 : vector<8x1xi32>
      %sub3A_115 = arith.subi %broadcast_in_dim3A_51, %mul3A_114 : vector<8x1xi32>
      %swap3A_116 = arith.constant 0 : index
      %swap3A_117 = arith.constant 0 : index
      %swap3A_118 = vector.load %arg4[%swap3A_116, %swap3A_117] : memref<8x1xi32, #tpu.memory_space<vmem>>, vector<8x1xi32>
      tpu.vector_store %arg4[%swap3A_116, %swap3A_117], %sub3A_115 {strides = array<i32>} : memref<8x1xi32, #tpu.memory_space<vmem>>, vector<8x1xi32>,
    } else {
    }
    return
  }
  func.func @transform_0(%arg0: i32) -> (i32, i32) {
    %c3_i32 = arith.constant 3 : i32
    %c0_i32 = arith.constant 0 : i32
    return %c3_i32, %arg0 : i32, i32
  }
  func.func @transform_1(%arg0: i32) -> (i32, i32) {
    %c0_i32 = arith.constant 0 : i32
    %c0_i32_0 = arith.constant 0 : i32
    return %c0_i32, %arg0 : i32, i32
  }
  func.func @transform_2(%arg0: i32) -> (i32, i32) {
    %c0_i32 = arith.constant 0 : i32
    %c0_i32_0 = arith.constant 0 : i32
    %c0_i32_1 = arith.constant 0 : i32
    return %c0_i32, %c0_i32_0 : i32, i32
  }
  func.func @transform_3(%arg0: i32) -> (i32, i32) {
    %c0_i32 = arith.constant 0 : i32
    %c0_i32_0 = arith.constant 0 : i32
    %c0_i32_1 = arith.constant 0 : i32
    return %c0_i32, %c0_i32_0 : i32, i32
  }
  func.func @transform_4(%arg0: i32) -> (i32, i32) {
    %c0_i32 = arith.constant 0 : i32
    %c0_i32_0 = arith.constant 0 : i32
    %c0_i32_1 = arith.constant 0 : i32
    return %c0_i32, %c0_i32_0 : i32, i32
  }
}

</mosaic_0001>

<sc_bundles>
// kernel: gather_offload_async_start
scs
__scs_entry_jumppad:
0x0: {  	(pc) =	sbr.rel $0x88, $3  }
0x1: {  	(tag) =	ssettag $0x0;
	lr =	simm.s32 $0x1  }
0x2: {  	[smem:$0x3F9F] =	sst lr;
	_ =	strace $0xD0000000  }
0x3: {  	_ = 	snop  }
0x4: {  	_ = 	snop  }
0x5: {  	_ = 	snop  }
0x6: {  	_ = 	snop  }
0x7: {  	_ = 	snop  }
__scs_overlays_trampoline_lowered:
0x8: {  	[smem:$0x3FAE] =	sst s0  }
0x9: {  	[smem:$0x3FAF] =	sst s1  }
0xa: {  	[smem:$0x3FB0] =	sst s2  }
0xb: {  	[smem:$0x3FB1] =	sst s3  }
0xc: {  	[smem:$0x3FB2] =	sst s4  }
0xd: {  	[smem:$0x3FB3] =	sst s5  }
0xe: {  	[smem:$0x3FB4] =	sst s6  }
0xf: {  	[smem:$0x3FB5] =	sst s7  }
0x10: {  	[smem:$0x3FB6] =	sst s8  }
0x11: {  	[smem:$0x3FB7] =	sst s9;
	s0 =	simm.s32 @!p0 $0x0  }
0x12: {  	s1 =	sld [smem:$0x3F9D];
	s0 =	simm.s32 @p0 $0x1  }
0x13: {  	[smem:$0x3FB8] =	sst s0;
	s0 =	simm.s32 @!p1 $0x0  }
0x14: {  	s2 =	sld [smem:$0x3F9C];
	s0 =	simm.s32 @p1 $0x1  }
0x15: {  	[smem:$0x3FB9] =	sst s0;
	s0 =	simm.s32 @!p2 $0x0  }
0x16: {  	s3 =	sld [smem:$0x3FDB];
	s0 =	simm.s32 @p2 $0x1  }
0x17: {  	s4 =	simm.s32 $0x1BF5;
	[smem:$0x3FBB] =	sst s0  }
0x18: {  	s0 =	sld [smem:$0x3F9E];
	_ =	swait.ge [sflag:s4], $0x0  }
0x19: {  	s7 =	sld [smem:$0x3F9F]  }
0x1a: {  	s8 =	sadd.s32 $0xFFFFE003, lr  }
0x1b: {  	s9 =	sadd.s32 $0xFFFFFEF7, lr;
	s5 =	simm.s32 $0xFFFFFFFF;
	p2 =	slt.u32 s8, $0xFFFFF086  }
0x1c: {  	p1 =	slt.u32 s9, $0xF7A;
	s5 =	simm.s32 @!p2 $0x0  }
0x1d: {  	s5 =	simm.s32 @p1 $0x1;
	p0 =	seq.s32 s7, s2  }
0x1e: {  	s7 =	smul.u32 @!p0 $0xF7A, s2;
	p2 =	seq.s32 @!p0 s5, $0x0  }
0x1f: {  	s9 =	smul.u32 $0xF7A, s1;
	s8 =	simm.s32 @!p0 $0x1BF5;
	p2 =	por !p2, p0  }
0x20: {  	[sflag:s8] =	ssyncset.s32 @!p0 $0xFFFFF086;
	s6 =	sadd.s32 @!p0 s3, s7;
	s7 =	simm.s32 @!p0 $0x108  }
0x21: {  	s3 =	sadd.s32 s3, s9;
	s6 =	sadd.s32 @!p0 $0x88, s6;
	s7 =	simm.s32 @p2 $0x1082  }
0x22: {  	[simem:s7], [sflag:s8] =	dma.local @!p0 [hbm:s6], $0xF7A  }
0x23: {  	s9 =	sor.u32 $0xD0000000, s2;
	s6 =	simm.s32 $0x108;
	_ =	swait.ge @!p0 [sflag:s8], $0x0  }
0x24: {  	s3 =	sadd.s32 $0x88, s3;
	s6 =	simm.s32 @!p1 $0x1082;
	[sflag:s4] =	ssyncset.s32 $0xFFFFF086  }
0x25: {  	[simem:s6], [sflag:s4] =	dma.local [hbm:s3], $0xF7A  }
0x26: {  	[smem:$0x3F9F] =	sst s1;
	(tag) =	ssettag s2;
	_ =	strace s9  }
0x27: {  	s1 =	sld [smem:$0x3FAF]  }
0x28: {  	s2 =	sld [smem:$0x3FB0]  }
0x29: {  	s4 =	sld [smem:$0x3FB2]  }
0x2a: {  	p0 =	seq.s32 s5, $0x0;
	s5 =	sld [smem:$0x3FB3]  }
0x2b: {  	s6 =	sld [smem:$0x3FB4]  }
0x2c: {  	s7 =	sld [smem:$0x3FB5]  }
0x2d: {  	s3 =	simm.s32 $0x108;
	s8 =	sld [smem:$0x3FB6]  }
0x2e: {  	s3 =	simm.s32 @!p0 $0x1082;
	s9 =	sld [smem:$0x3FB7]  }
0x2f: {  	lr =	sadd.s32 s0, s3;
	s0 =	sld [smem:$0x3FAE]  }
0x30: {  	s3 =	sld [smem:$0x3FB1]  }
0x31: {  	[smem:$0x3FBA] =	sst s10  }
0x32: {  	s10 =	sld [smem:$0x3FB8];
	_ =	sdelay $0x3  }
0x33: {  	p0 =	seq.s32 s10, $0x1;
	s10 =	sld [smem:$0x3FBA];
	_ =	sdelay $0x3  }
0x34: {  	[smem:$0x3FBA] =	sst s10  }
0x35: {  	s10 =	sld [smem:$0x3FB9];
	_ =	sdelay $0x3  }
0x36: {  	p1 =	seq.s32 s10, $0x1;
	s10 =	sld [smem:$0x3FBA];
	_ =	sdelay $0x3  }
0x37: {  	[smem:$0x3FBA] =	sst s10  }
0x38: {  	s10 =	sld [smem:$0x3FBB]  }
0x39: {  	_ = 	snop;
	(pc) =	sbr.ind lr, $3  }
0x3a: {  	_ = 	snop  }
0x3b: {  	_ = 	snop  }
0x3c: {  	p2 =	seq.s32 s10, $0x1;
	s10 =	sld [smem:$0x3FBA]  }
0x3d: {  	_ =	shalt  }
0x3e: {  	_ =	shalt  }
0x3f: {  	_ =	shalt  }
0x40: {  	_ =	shalt  }
0x41: {  	_ =	shalt  }
0x42: {  	_ =	shalt  }
0x43: {  	_ =	shalt  }
0x44: {  	_ =	shalt  }
0x45: {  	_ =	shalt  }
0x46: {  	_ =	shalt  }
0x47: {  	_ =	shalt  }
0x48: {  	_ =	shalt  }
0x49: {  	_ =	shalt  }
0x4a: {  	_ =	shalt  }
0x4b: {  	_ =	shalt  }
0x4c: {  	_ =	shalt  }
0x4d: {  	_ =	shalt  }
0x4e: {  	_ =	shalt  }
0x4f: {  	_ =	shalt  }
0x50: {  	_ =	shalt  }
0x51: {  	_ =	shalt  }
0x52: {  	_ =	shalt  }
0x53: {  	_ =	shalt  }
0x54: {  	_ =	shalt  }
0x55: {  	_ =	shalt  }
0x56: {  	_ =	shalt  }
0x57: {  	_ =	shalt  }
0x58: {  	_ =	shalt  }
0x59: {  	_ =	shalt  }
0x5a: {  	_ =	shalt  }
0x5b: {  	_ =	shalt  }
0x5c: {  	_ =	shalt  }
0x5d: {  	_ =	shalt  }
0x5e: {  	_ =	shalt  }
0x5f: {  	_ =	shalt  }
0x60: {  	_ =	shalt  }
0x61: {  	_ =	shalt  }
0x62: {  	_ =	shalt  }
0x63: {  	_ =	shalt  }
0x64: {  	_ =	shalt  }
0x65: {  	_ =	shalt  }
0x66: {  	_ =	shalt  }
0x67: {  	_ =	shalt  }
0x68: {  	_ =	shalt  }
0x69: {  	_ =	shalt  }
0x6a: {  	_ =	shalt  }
0x6b: {  	_ =	shalt  }
0x6c: {  	_ =	shalt  }
0x6d: {  	_ =	shalt  }
0x6e: {  	_ =	shalt  }
0x6f: {  	_ =	shalt  }
0x70: {  	_ =	shalt  }
0x71: {  	_ =	shalt  }
0x72: {  	_ =	shalt  }
0x73: {  	_ =	shalt  }
0x74: {  	_ =	shalt  }
0x75: {  	_ =	shalt  }
0x76: {  	_ =	shalt  }
0x77: {  	_ =	shalt  }
0x78: {  	_ =	shalt  }
0x79: {  	_ =	shalt  }
0x7a: {  	_ =	shalt  }
0x7b: {  	_ =	shalt  }
0x7c: {  	_ =	shalt  }
0x7d: {  	_ =	shalt  }
0x7e: {  	_ =	shalt  }
0x7f: {  	_ =	shalt  }
0x80: {  	_ =	shalt  }
0x81: {  	_ =	shalt  }
0x82: {  	_ =	shalt  }
0x83: {  	_ =	shalt  }
0x84: {  	_ =	shalt  }
0x85: {  	_ =	shalt  }
0x86: {  	_ =	shalt  }
0x87: {  	_ =	shalt  }
.Lfunc_end0:
.L_simem_size_0:
called_computation_lowered:
.L_overlay_start_0:
0x88: {  	s2 =	sld [smem:$0x3FD9]  }
0x89: {  	s3 =	sld [smem:$0x3FFE];
	_ =	sdelay $0x1  }
0x8a: {  	s1 =	srdreg.scid  }
0x8b: {  	s0 =	sand.u32 $0x1, s1  }
0x8c: {  	s16 =	sshll.u32 s0, $0xA;
	s2 =	sadd.s32 s3, s2  }
0x8d: {  	s2 =	sadd.s32 s2, s16  }
0x8e: {  	[smem:$0x3FC6] =	sst s2  }
0x8f: {  	_ = 	snop  }
0x90: {  	(tm) =	ssettm $0x1  }
0x91: {  	s17 =	sld [smem:$0x3FFB];
	_ =	sdelay $0x3  }
0x92: {  	_ =	strace s17  }
0x93: {  	s2 =	sld [smem:$0x3FFC];
	_ =	sdelay $0x3  }
0x94: {  	_ =	strace s2  }
0x95: {  	s2 =	sld [smem:$0x3FFD];
	_ =	sdelay $0x3  }
0x96: {  	_ =	strace s2  }
0x97: {  	_ =	strace $0x8FFFFFFF  }
0x98: {  	s18 =	sld [smem:$0x3FDB];
	_ =	sdelay $0x1  }
0x99: {  	s19 =	simm.s32 $_scs_section_size  }
0x9a: {  	s4 =	simm.s32 $_size__tile_overlayer_lowered;
	s5 =	simm.s32 $_tile_overlayer_lowered  }
0x9b: {  	s22 =	simm.s32 $0x1BFF;
	s21 =	sshll.u32 s5, $0x1;
	s2 =	sadd.s32 s19, s18  }
0x9c: {  	s6 =	simm.s32 $0x0;
	s20 =	sshll.u32 s4, $0x1;
	s4 =	sadd.s32 s21, s2  }
0x9d: {  	[timem:s6], [sflag:s22] =	dma.local [hbm:s4], s20  }
0x9e: {  	_ =	swait.ge [sflag:s22], s20  }
0x9f: {  	s3 =	ssub.s32 $0x0, s20;
	[sflag:s22] =	ssyncset.done $0x0  }
0xa0: {  	[sflag:s22] =	ssyncadd.s32 s3;
	_ =	sdelay $0x1  }
0xa1: {  	s23 =	simm.s32 $0x1B8B  }
0xa2: {  	_ =	swait.ge [sflag:s23], $0x1  }
0xa3: {  	[sflag:s23] =	ssyncset.done $0x0  }
0xa4: {  	s25 =	simm.s32 $0x1B8E;
	s24 =	sld [smem:$0x3FFE];
	[sflag:s23] =	ssyncadd.s32 $0xFFFFFFFF  }
0xa5: {  	s26 =	simm.s32 $execute0_lowered;
	[smem:$0x3FD2] =	sst s25  }
0xa6: {  	s4 =	sshll.u32 s26, $0x1;
	_ =	strace $0x80000049;
	[dreg:$0x1] =	wrdreg $0xFFFFFFFF  }
0xa7: {  	s28 =	simm.s32 $_size_execute0_lowered;
	s2 =	sadd.s32 s2, s4;
	[dreg:$0x0] =	wrdreg $0x0  }
0xa8: {  	s4 =	sshll.u32 s28, $0x1;
	[dreg:$0x2] =	wrdreg s2  }
0xa9: {  	[dreg:$0x3] =	wrdreg s4  }
0xaa: {  	[dreg:$0x4] =	wrdreg $0xC0  }
0xab: {  	_ =	task [dreg:s6], $0x5FFFF  }
0xac: {  	[dreg:$0x1] =	wrdreg $0xFFFFFFFF  }
0xad: {  	[dreg:$0x0] =	wrdreg $0x60  }
0xae: {  	[dreg:$0x2] =	wrdreg s24  }
0xaf: {  	[dreg:$0x3] =	wrdreg $0x9  }
0xb0: {  	_ =	task.clear_ibuf [dreg:s6], $0x4FFFF;
	_ =	strace $0x90000049  }
0xb1: {  	s29 =	simm.s32 $0x9;
	_ =	strace $0x8000004B  }
0xb2: {  	_ =	swait.ge [sflag:s29], $0x1  }
0xb3: {  	[sflag:s29] =	ssyncadd.s32 $0xFFFFFFFF  }
0xb4: {  	_ =	strace $0x9000004B  }
0xb5: {  	_ =	sfence  }
0xb6: {  	s30 =	sld [smem:$0x0];
	_ =	sdelay $0x2  }
0xb7: {  	s31 =	sshll.u32 s1, $0xD;
	s1 =	sshrl.u32 s1, $0x2  }
0xb8: {  	s3 =	sand.u32 $0x4000, s31;
	s1 =	sadd.s32 s1, s30  }
0xb9: {  	s0 =	sor.u32 s3, s0;
	s1 =	sshll.u32 s1, $0x11  }
0xba: {  	s0 =	sor.u32 s1, s0  }
0xbb: {  	s0 =	sadd.s32 $0x8F2B, s0  }
0xbc: {  	[sflag:s0] =	ssyncadd.remote.s32 $0x1  }
0xbd: {  	_ =	sfence.sel $0xFFFF  }
0xbe: {  	[dreg:$0x0] =	wrdreg $0xFFFFFFFF;
	(pc) =	sbr.abs _section_cstart, $3  }
0xbf: {  	[dreg:$0x1] =	wrdreg $0xFFFFFFFF  }
0xc0: {  	_ =	task.clear_ibuf [dreg:s6], $0x2FFFF;
	_ =	strace $0x9FFFFFFF  }
0xc1: {  	(tm) =	ssettm $0x7FFFFFFF  }
tec
execute0_lowered:
.L_overlay_start_1:
0x0: {  	(tag) =	ssettag $0x1  }
0x1: {  	s1 =	srdreg.scid  }
0x2: {  	s0 =	stileid.u32;
	s2 =	rddreg [dreg:$0x0];
	s6 =	simm.s32 $0x1  }
0x3: {  	s9 =	simm.s32 $0x1;
	s10 =	simm.s32 $0x3;
	s1 =	sshll.u32 s1, $0x6  }
0x4: {  	s13 =	simm.s32 $0x0;
	s3 =	sshll.u32 s0, $0x7;
	s4 =	sand.u32 $0x40, s1  }
0x5: {  	s12 =	simm.s32 $0x0;
	s5 =	sadd.s32 $0x200, s2;
	s3 =	sor.u32 s3, s4  }
0x6: {  	s1 =	rddreg [dreg:$0x1];
	_ =	strace $0x8000004A;
	s8 =	ssub.s32 $0x1000, s3  }
.Ltmp0:
0x7: {  	s4 =	sadd.s32 $0x3000, s2;
	s7 =	sand.u32 $0x7C0, s8;
	(pc) =	sbr.rel .LBB2_1-.Ltmp0, $4  }
0x8: {  	[sflag:s6] =	ssyncpa.u1 $0x0;
	s11 =	smov.u32 s3;
	p0 =	sne.s32 s7, $0x0  }
0x9: {  	s8 =	sshrl.u32 s8, $0xB;
	s7 =	simm.s32 $0x2;
	s9 =	simm.s32 @!p0 $0x0  }
0xa: {  	[sflag:s7] =	ssyncpa.u1 $0x0;
	p0 =	por $0x0, $0x0;
	s8 =	sadd.s32 s9, s8  }
0xb: {  	vm0 =	vmmov $0xffff;
	[sflag:s10] =	ssyncpa.u1 $0x0;
	s10 =	simm.s32 $0x0;
	s9 =	sadd.s32 $0x1, s8  }
.LBB2_4:
0xc: {  	v2 =	vnsel vm1, $0x0, v2  }
0xd: {  	vm1 =	vgt.s32 v0, $0x0;
	v2 =	vmin.u32 v2, $0xF423F  }
0xe: {  	v0 =	vnsel vm1, $0x0, v0  }
0xf: {  	v0 =	vmin.u32 v0, $0xF423F  }
0x10: {  	[tilespmem:s15], [sflag:$0x1] =	stream.indirect_vreg.gather [hbm4b:s4+s10], $0x1, v1, vm0, $0x4038;
	[tilespmem:$0x100] =	vst v63  }
0x11: {  	(ifvalue) =	ssetifvalue $0x7FFFFFFF  }
0x12: {  	[tilespmem:s16], [sflag:$0x1] =	stream.indirect_vreg.gather [hbm4b:s4+s10], $0x1, v2, vm0, $0x4038;
	[tilespmem:$0x100] =	vst v63  }
0x13: {  	s29 =	sadd.s32 $0x10, s16;
	(ifvalue) =	ssetifvalue $0x7FFFFFFF  }
0x14: {  	[tilespmem:s29], [sflag:$0x1] =	stream.indirect_vreg.gather [hbm4b:s4+s10], $0x1, v0, vm0, $0x4038;
	[tilespmem:$0x100] =	vst v63  }
0x15: {  	_ =	swait.ge [sflag:s6], $0x40  }
0x16: {  	s30 =	sshrl.u32 s13, $0x3;
	[sflag:s6] =	ssyncset.done $0x0  }
0x17: {  	s31 =	sand.u32 $0x7, s13;
	s15 =	sadd.s32 s5, s30;
	[sflag:s6] =	ssyncadd.s32 $0xFFFFFFC0  }
0x18: {  	[hbm4b:s15+s31] =	stream.linear.scatter [tilespmem:s14], [sflag:$0x3], $0x40, $0x38;
	[tilespmem:$0x100] =	vst v63  }
.LBB2_5:
0x19: {  	s15 =	sadd.s32 $0x800, s11  }
0x1a: {  	p2 =	sgt.s32 s15, $0xFFF  }
0x1b: {  	s15 =	smov.u32 @p2 s3;
	p2 =	sne.s32 s12, s9  }
.Ltmp1:
0x1c: {  	p1 =	slt.u32 s12, $0x2;
	(pc) =	sbr.rel @!p2 .LBB2_6-.Ltmp1, $4  }
0x1d: {  	s14 =	simm.s32 @!p1 $0x3  }
0x1e: {  	s16 =	sadd.s32 $0x1, s12;
	_ =	swait.ge @!p1 [sflag:s14], $0x40  }
0x1f: {  	s13 =	smov.u32 s11;
	p0 =	por !p0, !p0;
	[sflag:s14] =	ssyncset.done @!p1 $0x0  }
0x20: {  	s12 =	smov.u32 s16;
	s11 =	smov.u32 s15;
	[sflag:s14] =	ssyncadd.s32 @!p1 $0xFFFFFFC0  }
.LBB2_1:
0x21: {  	p1 =	sge.u32 s12, s8  }
0x22: {  	s14 =	sxor.u32 @!p1 $0xFFFFFFFF, s12  }
0x23: {  	s31 =	sadd.s32 $0xFFFFFFFF, s12;
	s15 =	sshrl.u32 @!p1 s11, $0x3;
	s14 =	sshll.u32 @!p1 s14, $0x6  }
0x24: {  	s16 =	sand.u32 @!p1 $0x7, s11;
	s15 =	sadd.s32 @!p1 s2, s15;
	s14 =	sand.u32 @!p1 $0x40, s14  }
0x25: {  	[tilespmem:s14], [sflag:$0x2] =	stream.linear.gather @!p1 [hbm4b:s15+s16], $0x40, $0x38;
	[tilespmem:$0x100] =	vst v63  }
0x26: {  	p1 =	sge.u32 s31, s8  }
.Ltmp2:
0x27: {  	_ = 	snop;
	(pc) =	sbr.rel @p1 .LBB2_5-.Ltmp2, $1  }
0x28: {  	_ =	sdelay $0x3  }
0x29: {  	s14 =	simm.s32 $0x1  }
0x2a: {  	_ =	swait.ge [sflag:s7], $0x40;
	s14 =	simm.s32 @!p0 $0x0  }
0x2b: {  	[sflag:s7] =	ssyncset.done $0x0;
	s14 =	sshll.u32 s14, $0x6  }
0x2c: {  	[sflag:s7] =	ssyncadd.s32 $0xFFFFFFC0;
	(ifvalue) =	ssetifvalue $0x7FFFFFFF;
	v0 =	vld.msk [tilespmem:s14+$0x0 ss:$0x1], $0xffff;
	_ =	sdelay $0x4  }
0x2d: {  	s15 =	sadd.s32 $0x10, s14;
	vm1 =	vgt.s32 v0, $0x0  }
0x2e: {  	v2 =	vld.msk [tilespmem:s15+$0x0 ss:$0x1], $0xffff;
	v1 =	vnsel vm1, $0x0, v0  }
0x2f: {  	v1 =	vmin.u32 v1, $0xF423F;
	_ =	sdelay $0x1  }
0x30: {  	s16 =	sshll.u32 s12, $0x6;
	s18 =	simm.s32 $0x20  }
0x31: {  	s16 =	sand.u32 $0x40, s16;
	s17 =	sadd.s32 $0x10, s15;
	s15 =	sor.u32 $0x80, s14  }
0x32: {  	s14 =	sor.u32 $0x80, s16;
	s16 =	sadd.s32 $0x10, s15;
	v0 =	vld.msk [tilespmem:s17+$0x0 ss:$0x1], $0xffff;
	vm1 =	vgt.s32 v2, $0x0;
	(ifvalue) =	ssetifvalue $0x7FFFFFFF  }
.LBB2_3:
0x33: {  	[tilespmem:s15], [sflag:$0x1] =	stream.indirect_vreg.gather [hbm4b:s4+s10], $0x1, v1, vm0, $0x4038;
	[tilespmem:$0x100] =	vst v63  }
0x34: {  	s18 =	sadd.s32 $0x10, s18  }
0x35: {  	v2 =	vnsel vm1, $0x0, v2;
	p1 =	slt.u32 s18, $0x30  }
.Ltmp3:
0x36: {  	s15 =	smov.u32 s16;
	v1 =	vmin.u32 v2, $0xF423F;
	(pc) =	sbr.rel @p1 .LBB2_3-.Ltmp3, $3  }
0x37: {  	_ =	sdelay $0x1  }
0x38: {  	s17 =	sadd.s32 $0x10, s17  }
0x39: {  	vm1 =	vgt.s32 v0, $0x0;
	s16 =	sadd.s32 $0x10, s16;
	v2 =	vmov v0;
	(ifvalue) =	ssetifvalue $0x7FFFFFFF;
	v0 =	vld.msk [tilespmem:s17+$0x0 ss:$0x1], $0xffff  }
.Ltmp4:
0x3a: {  	_ = 	snop;
	(pc) =	sbr.rel .LBB2_4-.Ltmp4, $1  }
0x3b: {  	_ =	sdelay $0x3  }
.LBB2_6:
0x3c: {  	_ =	sfence.sel $0x180000  }
0x3d: {  	s2 =	simm.s32 $0x2;
	[bflag:$0x0] =	sbarrier.arrive $0xFFFF  }
0x3e: {  	s30 =	simm.s32 $0x3;
	[sflag:s2] =	ssyncpa.u1 $0x1  }
0x3f: {  	s31 =	simm.s32 $0x1;
	[sflag:s30] =	ssyncpa.u1 $0x1  }
0x40: {  	[sflag:s31] =	ssyncpa.u1 $0x1  }
0x41: {  	p0 =	sne.s32 s0, $0x0;
	_ =	strace $0x9000004A  }
0x42: {  	s0 =	sadd.s32 @!p0 $0x100000, s1;
	[bflag:$0x2] =	sbarrier.arrive $0xFFFF  }
0x43: {  	[sflag:s0] =	ssyncadd.tile.s32 @!p0 $0x1;
	_ =	shalt  }
.Lfunc_end2:
_tile_overlayer_lowered:
.L_overlay_start_2:
0x44: {  	(tag) =	ssettag $0x2  }
0x45: {  	s0 =	rddreg [dreg:$0x0];
	s2 =	stileid.u32  }
0x46: {  	s1 =	rddreg [dreg:$0x1];
	p0 =	sne.s32 s2, $0x0  }
0x47: {  	s3 =	rddreg [dreg:$0x2];
	[bflag:$0x3] =	sbarrier.arrive $0xFFFF;
	s2 =	simm.s32 @!p0 $0x1C01  }
0x48: {  	[timem:s3], [sflag:s2] =	dma.local @!p0 [hbm:s0], s1  }
0x49: {  	s0 =	simm.s32 @!p0 $0x1  }
0x4a: {  	_ =	swait.ge @!p0 [sflag:s0], s1  }
0x4b: {  	s1 =	ssub.s32 @!p0 $0x0, s1;
	[sflag:s0] =	ssyncset.done @!p0 $0x0  }
0x4c: {  	[sflag:s0] =	ssyncadd.s32 @!p0 s1  }
0x4d: {  	[bflag:$0x3] =	sbarrier.arrive $0xFFFF  }
0x4e: {  	_ =	shalt  }

// kernel: kernel.5.cloned.1.call-start
scs
__scs_entry_jumppad:
0x0: {  	(pc) =	sbr.rel $0x88, $3  }
0x1: {  	(tag) =	ssettag $0x0;
	lr =	simm.s32 $0x1  }
0x2: {  	[smem:$0x3F9F] =	sst lr;
	_ =	strace $0xD0000000  }
0x3: {  	_ = 	snop  }
0x4: {  	_ = 	snop  }
0x5: {  	_ = 	snop  }
0x6: {  	_ = 	snop  }
0x7: {  	_ = 	snop  }
__scs_overlays_trampoline_lowered:
0x8: {  	[smem:$0x3FAE] =	sst s0  }
0x9: {  	[smem:$0x3FAF] =	sst s1  }
0xa: {  	[smem:$0x3FB0] =	sst s2  }
0xb: {  	[smem:$0x3FB1] =	sst s3  }
0xc: {  	[smem:$0x3FB2] =	sst s4  }
0xd: {  	[smem:$0x3FB3] =	sst s5  }
0xe: {  	[smem:$0x3FB4] =	sst s6  }
0xf: {  	[smem:$0x3FB5] =	sst s7  }
0x10: {  	[smem:$0x3FB6] =	sst s8  }
0x11: {  	[smem:$0x3FB7] =	sst s9;
	s0 =	simm.s32 @!p0 $0x0  }
0x12: {  	s1 =	sld [smem:$0x3F9D];
	s0 =	simm.s32 @p0 $0x1  }
0x13: {  	[smem:$0x3FB8] =	sst s0;
	s0 =	simm.s32 @!p1 $0x0  }
0x14: {  	s2 =	sld [smem:$0x3F9C];
	s0 =	simm.s32 @p1 $0x1  }
0x15: {  	[smem:$0x3FB9] =	sst s0;
	s0 =	simm.s32 @!p2 $0x0  }
0x16: {  	s3 =	sld [smem:$0x3FDB];
	s0 =	simm.s32 @p2 $0x1  }
0x17: {  	s4 =	simm.s32 $0x1BF5;
	[smem:$0x3FBB] =	sst s0  }
0x18: {  	s0 =	sld [smem:$0x3F9E];
	_ =	swait.ge [sflag:s4], $0x0  }
0x19: {  	s7 =	sld [smem:$0x3F9F]  }
0x1a: {  	s8 =	sadd.s32 $0xFFFFE003, lr  }
0x1b: {  	s9 =	sadd.s32 $0xFFFFFEF7, lr;
	s5 =	simm.s32 $0xFFFFFFFF;
	p2 =	slt.u32 s8, $0xFFFFF086  }
0x1c: {  	p1 =	slt.u32 s9, $0xF7A;
	s5 =	simm.s32 @!p2 $0x0  }
0x1d: {  	s5 =	simm.s32 @p1 $0x1;
	p0 =	seq.s32 s7, s2  }
0x1e: {  	s7 =	smul.u32 @!p0 $0xF7A, s2;
	p2 =	seq.s32 @!p0 s5, $0x0  }
0x1f: {  	s9 =	smul.u32 $0xF7A, s1;
	s8 =	simm.s32 @!p0 $0x1BF5;
	p2 =	por !p2, p0  }
0x20: {  	[sflag:s8] =	ssyncset.s32 @!p0 $0xFFFFF086;
	s6 =	sadd.s32 @!p0 s3, s7;
	s7 =	simm.s32 @!p0 $0x108  }
0x21: {  	s3 =	sadd.s32 s3, s9;
	s6 =	sadd.s32 @!p0 $0x88, s6;
	s7 =	simm.s32 @p2 $0x1082  }
0x22: {  	[simem:s7], [sflag:s8] =	dma.local @!p0 [hbm:s6], $0xF7A  }
0x23: {  	s9 =	sor.u32 $0xD0000000, s2;
	s6 =	simm.s32 $0x108;
	_ =	swait.ge @!p0 [sflag:s8], $0x0  }
0x24: {  	s3 =	sadd.s32 $0x88, s3;
	s6 =	simm.s32 @!p1 $0x1082;
	[sflag:s4] =	ssyncset.s32 $0xFFFFF086  }
0x25: {  	[simem:s6], [sflag:s4] =	dma.local [hbm:s3], $0xF7A  }
0x26: {  	[smem:$0x3F9F] =	sst s1;
	(tag) =	ssettag s2;
	_ =	strace s9  }
0x27: {  	s1 =	sld [smem:$0x3FAF]  }
0x28: {  	s2 =	sld [smem:$0x3FB0]  }
0x29: {  	s4 =	sld [smem:$0x3FB2]  }
0x2a: {  	p0 =	seq.s32 s5, $0x0;
	s5 =	sld [smem:$0x3FB3]  }
0x2b: {  	s6 =	sld [smem:$0x3FB4]  }
0x2c: {  	s7 =	sld [smem:$0x3FB5]  }
0x2d: {  	s3 =	simm.s32 $0x108;
	s8 =	sld [smem:$0x3FB6]  }
0x2e: {  	s3 =	simm.s32 @!p0 $0x1082;
	s9 =	sld [smem:$0x3FB7]  }
0x2f: {  	lr =	sadd.s32 s0, s3;
	s0 =	sld [smem:$0x3FAE]  }
0x30: {  	s3 =	sld [smem:$0x3FB1]  }
0x31: {  	[smem:$0x3FBA] =	sst s10  }
0x32: {  	s10 =	sld [smem:$0x3FB8];
	_ =	sdelay $0x3  }
0x33: {  	p0 =	seq.s32 s10, $0x1;
	s10 =	sld [smem:$0x3FBA];
	_ =	sdelay $0x3  }
0x34: {  	[smem:$0x3FBA] =	sst s10  }
0x35: {  	s10 =	sld [smem:$0x3FB9];
	_ =	sdelay $0x3  }
0x36: {  	p1 =	seq.s32 s10, $0x1;
	s10 =	sld [smem:$0x3FBA];
	_ =	sdelay $0x3  }
0x37: {  	[smem:$0x3FBA] =	sst s10  }
0x38: {  	s10 =	sld [smem:$0x3FBB]  }
0x39: {  	_ = 	snop;
	(pc) =	sbr.ind lr, $3  }
0x3a: {  	_ = 	snop  }
0x3b: {  	_ = 	snop  }
0x3c: {  	p2 =	seq.s32 s10, $0x1;
	s10 =	sld [smem:$0x3FBA]  }
0x3d: {  	_ =	shalt  }
0x3e: {  	_ =	shalt  }
0x3f: {  	_ =	shalt  }
0x40: {  	_ =	shalt  }
0x41: {  	_ =	shalt  }
0x42: {  	_ =	shalt  }
0x43: {  	_ =	shalt  }
0x44: {  	_ =	shalt  }
0x45: {  	_ =	shalt  }
0x46: {  	_ =	shalt  }
0x47: {  	_ =	shalt  }
0x48: {  	_ =	shalt  }
0x49: {  	_ =	shalt  }
0x4a: {  	_ =	shalt  }
0x4b: {  	_ =	shalt  }
0x4c: {  	_ =	shalt  }
0x4d: {  	_ =	shalt  }
0x4e: {  	_ =	shalt  }
0x4f: {  	_ =	shalt  }
0x50: {  	_ =	shalt  }
0x51: {  	_ =	shalt  }
0x52: {  	_ =	shalt  }
0x53: {  	_ =	shalt  }
0x54: {  	_ =	shalt  }
0x55: {  	_ =	shalt  }
0x56: {  	_ =	shalt  }
0x57: {  	_ =	shalt  }
0x58: {  	_ =	shalt  }
0x59: {  	_ =	shalt  }
0x5a: {  	_ =	shalt  }
0x5b: {  	_ =	shalt  }
0x5c: {  	_ =	shalt  }
0x5d: {  	_ =	shalt  }
0x5e: {  	_ =	shalt  }
0x5f: {  	_ =	shalt  }
0x60: {  	_ =	shalt  }
0x61: {  	_ =	shalt  }
0x62: {  	_ =	shalt  }
0x63: {  	_ =	shalt  }
0x64: {  	_ =	shalt  }
0x65: {  	_ =	shalt  }
0x66: {  	_ =	shalt  }
0x67: {  	_ =	shalt  }
0x68: {  	_ =	shalt  }
0x69: {  	_ =	shalt  }
0x6a: {  	_ =	shalt  }
0x6b: {  	_ =	shalt  }
0x6c: {  	_ =	shalt  }
0x6d: {  	_ =	shalt  }
0x6e: {  	_ =	shalt  }
0x6f: {  	_ =	shalt  }
0x70: {  	_ =	shalt  }
0x71: {  	_ =	shalt  }
0x72: {  	_ =	shalt  }
0x73: {  	_ =	shalt  }
0x74: {  	_ =	shalt  }
0x75: {  	_ =	shalt  }
0x76: {  	_ =	shalt  }
0x77: {  	_ =	shalt  }
0x78: {  	_ =	shalt  }
0x79: {  	_ =	shalt  }
0x7a: {  	_ =	shalt  }
0x7b: {  	_ =	shalt  }
0x7c: {  	_ =	shalt  }
0x7d: {  	_ =	shalt  }
0x7e: {  	_ =	shalt  }
0x7f: {  	_ =	shalt  }
0x80: {  	_ =	shalt  }
0x81: {  	_ =	shalt  }
0x82: {  	_ =	shalt  }
0x83: {  	_ =	shalt  }
0x84: {  	_ =	shalt  }
0x85: {  	_ =	shalt  }
0x86: {  	_ =	shalt  }
0x87: {  	_ =	shalt  }
.Lfunc_end0:
.L_simem_size_0:
called_computation.1_lowered:
.L_overlay_start_0:
0x88: {  	s2 =	sld [smem:$0x3FD9]  }
0x89: {  	s3 =	sld [smem:$0x3FFE];
	_ =	sdelay $0x1  }
0x8a: {  	s1 =	srdreg.scid  }
0x8b: {  	s0 =	sand.u32 $0x1, s1  }
0x8c: {  	s17 =	sshll.u32 s0, $0xA;
	s2 =	sadd.s32 s3, s2  }
0x8d: {  	s2 =	sadd.s32 s2, s17  }
0x8e: {  	[smem:$0x3FC6] =	sst s2  }
0x8f: {  	_ = 	snop  }
0x90: {  	s2 =	sld [smem:$0x3FC9];
	(tm) =	ssettm $0x1  }
0x91: {  	s18 =	sld [smem:$0x3FFB];
	_ =	sdelay $0x3  }
0x92: {  	_ =	strace s18  }
0x93: {  	s3 =	sld [smem:$0x3FFC];
	_ =	sdelay $0x3  }
0x94: {  	_ =	strace s3  }
0x95: {  	s3 =	sld [smem:$0x3FFD];
	_ =	sdelay $0x3  }
0x96: {  	_ =	strace s3  }
0x97: {  	_ =	strace $0x8FFFFFFF  }
0x98: {  	s19 =	sld [smem:$0x3FDB];
	_ =	sdelay $0x1  }
0x99: {  	s4 =	simm.s32 $_scs_section_size  }
0x9a: {  	s5 =	simm.s32 $_size__tile_overlayer_lowered;
	s6 =	simm.s32 $_tile_overlayer_lowered  }
0x9b: {  	s22 =	simm.s32 $0x1BFF;
	s21 =	sshll.u32 s6, $0x1;
	s3 =	sadd.s32 s4, s19  }
0x9c: {  	s7 =	simm.s32 $0x0;
	s20 =	sshll.u32 s5, $0x1;
	s5 =	sadd.s32 s21, s3  }
0x9d: {  	[timem:s7], [sflag:s22] =	dma.local [hbm:s5], s20  }
0x9e: {  	_ =	swait.ge [sflag:s22], s20  }
0x9f: {  	s4 =	ssub.s32 $0x0, s20;
	[sflag:s22] =	ssyncset.done $0x0  }
0xa0: {  	[sflag:s22] =	ssyncadd.s32 s4;
	_ =	sdelay $0x1  }
0xa1: {  	s23 =	simm.s32 $0x1B8B  }
0xa2: {  	_ =	swait.ge [sflag:s23], $0x1  }
0xa3: {  	[sflag:s23] =	ssyncset.done $0x0  }
0xa4: {  	s25 =	simm.s32 $0x1B8E;
	s24 =	sld [smem:$0x3FFE];
	[sflag:s23] =	ssyncadd.s32 $0xFFFFFFFF  }
0xa5: {  	s26 =	simm.s32 $execute0_lowered;
	[smem:$0x3FD2] =	sst s25  }
0xa6: {  	s5 =	sshll.u32 s26, $0x1;
	_ =	strace $0x80000046;
	[dreg:$0x1] =	wrdreg $0xFFFFFFFF  }
0xa7: {  	s28 =	simm.s32 $_size_execute0_lowered;
	s3 =	sadd.s32 s3, s5;
	[dreg:$0x0] =	wrdreg $0x0  }
0xa8: {  	s5 =	sshll.u32 s28, $0x1;
	[dreg:$0x2] =	wrdreg s3  }
0xa9: {  	[dreg:$0x3] =	wrdreg s5  }
0xaa: {  	[dreg:$0x4] =	wrdreg $0xC0  }
0xab: {  	_ =	task [dreg:s7], $0x5FFFF  }
0xac: {  	[dreg:$0x1] =	wrdreg $0xFFFFFFFF  }
0xad: {  	[dreg:$0x0] =	wrdreg $0x60  }
0xae: {  	[dreg:$0x2] =	wrdreg s2  }
0xaf: {  	[dreg:$0x3] =	wrdreg s24  }
0xb0: {  	[dreg:$0x4] =	wrdreg $0x9  }
0xb1: {  	_ =	task.clear_ibuf [dreg:s7], $0x5FFFF;
	_ =	strace $0x90000046  }
0xb2: {  	s29 =	simm.s32 $0x9;
	_ =	strace $0x80000048  }
0xb3: {  	_ =	swait.ge [sflag:s29], $0x1  }
0xb4: {  	[sflag:s29] =	ssyncadd.s32 $0xFFFFFFFF  }
0xb5: {  	_ =	strace $0x90000048  }
0xb6: {  	_ =	sfence  }
0xb7: {  	s30 =	sld [smem:$0x0];
	_ =	sdelay $0x2  }
0xb8: {  	s31 =	sshll.u32 s1, $0xD;
	s1 =	sshrl.u32 s1, $0x2  }
0xb9: {  	s3 =	sand.u32 $0x4000, s31;
	s1 =	sadd.s32 s1, s30  }
0xba: {  	s0 =	sor.u32 s3, s0;
	s1 =	sshll.u32 s1, $0x11  }
0xbb: {  	s0 =	sor.u32 s1, s0  }
0xbc: {  	s0 =	sadd.s32 $0x8F2B, s0  }
0xbd: {  	[sflag:s0] =	ssyncadd.remote.s32 $0x1  }
0xbe: {  	_ =	sfence.sel $0xFFFF  }
0xbf: {  	[dreg:$0x0] =	wrdreg $0xFFFFFFFF;
	(pc) =	sbr.abs _section_cstart, $3  }
0xc0: {  	[dreg:$0x1] =	wrdreg $0xFFFFFFFF  }
0xc1: {  	_ =	task.clear_ibuf [dreg:s7], $0x2FFFF;
	_ =	strace $0x9FFFFFFF  }
0xc2: {  	(tm) =	ssettm $0x7FFFFFFF  }
0xc3: {  	_ =	shalt  }
tec
execute0_lowered:
.L_overlay_start_1:
0x0: {  	(tag) =	ssettag $0x1  }
0x1: {  	s0 =	srdreg.scid;
	s9 =	rddreg [dreg:$0x0]  }
0x2: {  	s12 =	stileid.u32;
	s8 =	rddreg [dreg:$0x1];
	s2 =	simm.s32 $0x0  }
0x3: {  	s14 =	simm.s32 $0x2000;
	s15 =	simm.s32 $0x1;
	s16 =	simm.s32 $0x2  }
0x4: {  	s18 =	simm.s32 $0x3;
	s0 =	sand.u32 $0x1, s0;
	s1 =	sshll.u32 s12, $0x1  }
0x5: {  	[smem:$0x7FF] =	sst s2;
	s13 =	smul.u32 $0xF400, s12;
	s31 =	sadd.s32 $0x3D0780, s9  }
0x6: {  	s1 =	sor.u32 s0, s1;
	s10 =	ssub.s32 $0x2, s0;
	s0 =	smul.u32 $0x7A00, s0  }
0x7: {  	s22 =	simm.s32 $0x0;
	_ =	strace $0x80000047;
	s3 =	smul.u32 $0x3D000, s1  }
0x8: {  	s4 =	smul.u32 $0x7A00, s1;
	s11 =	sshrl.u32 s10, $0x1;
	s1 =	sshll.u32 s1, $0x7  }
0x9: {  	[dreg:$0x6] =	wrdreg s31;
	s8 =	sadd.s32 s8, s1;
	s30 =	ssub.s32 s10, s11  }
0xa: {  	s13 =	sadd.s32 s0, s13;
	s3 =	sshrl.u32 s3, $0x3;
	s7 =	sadd.s32 s4, s9  }
0xb: {  	s10 =	sadd.s32 $0x1000, s8;
	s5 =	sadd.s32 s9, s3;
	s29 =	sadd.s32 $0x2E3F80, s7  }
0xc: {  	s11 =	sadd.s32 $0x2000, s8;
	s3 =	sadd.s32 $0x2DC780, s5;
	[dreg:$0x5] =	wrdreg s29  }
0xd: {  	s12 =	smax.u32 s30, $0x1;
	s28 =	sadd.s32 $0x2DCB80, s5;
	[dreg:$0x3] =	wrdreg s3  }
0xe: {  	v62 =	vlaneseq.u32;
	s6 =	sadd.s32 $0x2DD380, s7;
	s5 =	sadd.s32 $0x2DCF80, s7;
	[dreg:$0x4] =	wrdreg s28  }
.LBB2_1:
0xf: {  	v22 =	vimm.s32 $0x0;
	v5 =	vimm.f32 $-Inf;
	v57 =	vimm.f32 $-Inf  }
0x10: {  	v11 =	vimm.s32 $0x0;
	v19 =	vimm.f32 $-Inf;
	v18 =	vimm.f32 $-Inf  }
0x11: {  	v55 =	vimm.s32 $0x0;
	v16 =	vimm.f32 $-Inf;
	v15 =	vimm.f32 $-Inf  }
0x12: {  	s0 =	rddreg [dreg:$0x3];
	v17 =	vimm.s32 $0x0;
	v56 =	vimm.f32 $-Inf;
	v13 =	vimm.f32 $-Inf  }
0x13: {  	v52 =	vimm.f32 $-Inf;
	v63 =	vimm.s32 $0x0;
	v1 =	vimm.f32 $-Inf;
	[tilespmem:s2], [sflag:$0x1] =	stream.linear.gather [hbm4b:s0+s2], $0x2000, $0x38;
	[tilespmem:$0x6000] =	vst v63  }
0x14: {  	v53 =	vimm.f32 $-Inf;
	v6 =	vimm.f32 $-Inf;
	[tilespmem:$0x1FFE0] =	vst v1;
	v1 =	vimm.f32 $-Inf  }
0x15: {  	s31 =	rddreg [dreg:$0x4];
	v61 =	vimm.s32 $0x0;
	v20 =	vimm.f32 $-Inf;
	v0 =	vimm.f32 $-Inf;
	s23 =	smov.u32 s13;
	s24 =	simm.s32 $0x0;
	[tilespmem:$0x1FFF0] =	vst v1  }
0x16: {  	v54 =	vimm.s32 $0x0;
	v29 =	vimm.f32 $-Inf;
	v59 =	vimm.s32 $0x0;
	[tilespmem:s14], [sflag:$0x2] =	stream.linear.gather [hbm4b:s31+s2], $0x2000, $0x38;
	[tilespmem:$0x6000] =	vst v63  }
.LBB2_2:
0x17: {  	_ =	swait.ge [sflag:s15], $0x2000;
	s19 =	simm.s32 $0x0;
	s20 =	simm.s32 $0x30  }
0x18: {  	s21 =	simm.s32 $0x20;
	s26 =	simm.s32 $0x0;
	[sflag:s15] =	ssyncset.done $0x0  }
0x19: {  	s17 =	sand.u32 $0x1C00, s19;
	s0 =	sand.u32 $0x70, s20;
	s25 =	sand.u32 $0x60, s21  }
0x1a: {  	s1 =	sor.u32 s0, s17;
	s0 =	sor.u32 s25, s17;
	s25 =	sand.u32 $0x40, s26  }
0x1b: {  	s29 =	simm.s32 $0x10;
	v2 =	vld [tilespmem:$0x1FFF0];
	[sflag:s15] =	ssyncadd.s32 $0xFFFFE000;
	s28 =	sor.u32 s25, s17  }
0x1c: {  	p0 =	por $0x0, $0x0;
	s30 =	simm.s32 $0x1;
	s3 =	sand.u32 $0x50, s29;
	v31 =	vld [tilespmem:s28+$0x0]  }
0x1d: {  	s4 =	sadd.s32 $0x0, s23;
	s30 =	simm.s32 @!p0 $0x0;
	s17 =	sor.u32 s3, s17;
	v12 =	vld [tilespmem:s28+$0x80]  }
0x1e: {  	s7 =	sadd.s32 $0x10, s4;
	s9 =	sshll.u32 s30, $0x6;
	v32 =	vld [tilespmem:s17+$0x0]  }
0x1f: {  	v34 =	vor.u32 s7, v62;
	s7 =	sor.u32 s26, s19;
	s3 =	sadd.s32 $0x30, s4;
	s25 =	sadd.s32 $0x0, s9;
	v43 =	vld [tilespmem:s28+$0x180]  }
0x20: {  	v37 =	vld [tilespmem:s17+$0x80];
	v26 =	vor.u32 s3, v62;
	s3 =	sor.u32 $0x380, s7;
	s7 =	sor.u32 $0x300, s25  }
0x21: {  	v44 =	vld [tilespmem:s7+$0x0]  }
0x22: {  	s31 =	sadd.s32 $0x20, s4;
	v45 =	vld [tilespmem:s17+$0x180]  }
0x23: {  	v30 =	vor.u32 s4, v62;
	v27 =	vor.u32 s31, v62;
	v28 =	vld [tilespmem:s0+$0x0];
	vm4 =	vgt.f32 v31, v2  }
0x24: {  	v39 =	vld [tilespmem:s0+$0x80];
	vm8 =	vgt.f32 v12, v29;
	vm14 =	vgt.f32 v43, v53;
	v35 =	vsel vm4, v31, v2  }
0x25: {  	v1 =	vld [tilespmem:s1+$0x0];
	v40 =	vsel vm8, v12, v29;
	v12 =	vsel vm8, v29, v12;
	v51 =	vsel vm14, v43, v53  }
0x26: {  	v14 =	vld [tilespmem:s1+$0x80];
	vm1 =	vgt.f32 v44, v16;
	v12 =	vmax.f32 v0, v12;
	vm5 =	vgt.f32 v32, v35  }
0x27: {  	vm9 =	vgt.f32 v37, v40;
	vm15 =	vgt.f32 v45, v51;
	v2 =	vsel vm1, v44, v16  }
0x28: {  	v38 =	vld [tilespmem:s28+$0x100];
	s4 =	sor.u32 $0x200, s25;
	v44 =	vsel vm1, v16, v44;
	v36 =	vsel vm5, v32, v35;
	v29 =	vsel vm9, v37, v40  }
0x29: {  	s28 =	sand.u32 $0x7, s26;
	v0 =	vld [tilespmem:s4+$0x0];
	v37 =	vsel vm9, v40, v37;
	vm6 =	vgt.f32 v28, v36;
	vm11 =	vgt.f32 v39, v29  }
0x2a: {  	s4 =	sshll.u32 s28, $0x4;
	v12 =	vmax.f32 v12, v37;
	v37 =	vsel vm6, v28, v36;
	v58 =	vsel vm11, v39, v29  }
0x2b: {  	s21 =	sor.u32 s21, s19;
	s9 =	sor.u32 s29, s19;
	v41 =	vld [tilespmem:s3+$0x0];
	s3 =	sadd.s32 $0x0, s4;
	v29 =	vsel vm11, v29, v39;
	vm7 =	vgt.f32 v1, v37;
	vm0 =	vgt.f32 v14, v58  }
0x2c: {  	v33 =	vld [tilespmem:s17+$0x100];
	s17 =	sor.u32 $0x380, s9;
	s9 =	sor.u32 $0x380, s21;
	[tilespmem:$0x1FF50] =	vst v1;
	s21 =	sadd.s32 $0x10, s3;
	v25 =	vmax.f32 v12, v29;
	v29 =	vsel vm7, v1, v37;
	v1 =	vsel vm0, v14, v58  }
0x2d: {  	v42 =	vld [tilespmem:s17+$0x0];
	v21 =	vsel vm1, v30, v55;
	v16 =	vmax.f32 v18, v44;
	s4 =	sor.u32 $0x200, s21;
	[tilespmem:$0x1FF60] =	vst v1;
	v1 =	vimm.s32 $0x0  }
0x2e: {  	v47 =	vld [tilespmem:s4+$0x0];
	v39 =	vsel vm0, v58, v14;
	vm3 =	vgt.f32 v0, v52;
	v1 =	vsel vm0, $0xFFFFFFFF, v1  }
0x2f: {  	s19 =	sor.u32 s20, s19;
	s7 =	sand.u32 $0x3, s26;
	v14 =	vld [tilespmem:s9+$0x0];
	s9 =	sor.u32 $0x300, s21;
	v49 =	vsel vm3, v0, v52;
	vm0 =	vgt.f32 v38, v20;
	[tilespmem:$0x1FF70] =	vst v1;
	v1 =	vimm.s32 $0x0  }
0x30: {  	v4 =	vmovc v52;
	s19 =	sor.u32 $0x380, s19;
	s20 =	sshll.u32 s7, $0x5;
	v48 =	vld [tilespmem:s9+$0x0];
	v46 =	vsel vm0, v38, v20;
	v1 =	vsel vm0, $0xFFFFFFFF, v1;
	vm0 =	vgt.f32 v41, v19  }
0x31: {  	v52 =	vld [tilespmem:s19+$0x0];
	s19 =	sadd.s32 $0x0, s20;
	v0 =	vsel vm3, v4, v0;
	vm13 =	vgt.f32 v33, v46;
	v50 =	vsel vm0, v41, v19  }
0x32: {  	v7 =	vmovc v20;
	s17 =	sadd.s32 $0x20, s19;
	v24 =	vsel vm0, v19, v41;
	v23 =	vsel vm0, v30, v11;
	vm2 =	vgt.f32 v42, v50  }
0x33: {  	s20 =	sor.u32 $0x300, s17;
	[tilespmem:$0x1FF80] =	vst v1;
	v20 =	vmax.f32 v57, v24;
	v1 =	vsel vm2, v42, v50;
	v60 =	vsel vm2, v50, v42  }
0x34: {  	s3 =	sadd.s32 $0x30, s3;
	v23 =	vsel vm2, v34, v23;
	vm2 =	vgt.f32 v47, v49;
	v42 =	vld [tilespmem:s20+$0x0];
	vm0 =	vgt.f32 v14, v1  }
0x35: {  	s4 =	sor.u32 $0x300, s3;
	v50 =	vsel vm13, v33, v46;
	v20 =	vmax.f32 v20, v60;
	v40 =	vsel vm0, v14, v1  }
0x36: {  	s25 =	sor.u32 $0x280, s25;
	v58 =	vld [tilespmem:s4+$0x0];
	v14 =	vsel vm0, v1, v14;
	v23 =	vsel vm0, v27, v23;
	vm0 =	vgt.f32 v48, v2  }
0x37: {  	v1 =	vld [tilespmem:s25+$0x0];
	vm1 =	vgt.f32 v52, v40;
	v60 =	vsel vm0, v48, v2;
	v48 =	vsel vm0, v2, v48  }
0x38: {  	s7 =	sor.u32 $0x280, s21;
	v21 =	vsel vm0, v34, v21;
	v14 =	vmax.f32 v20, v14;
	v24 =	vsel vm1, v52, v40  }
0x39: {  	v10 =	vsel vm1, v40, v52;
	v52 =	vld [tilespmem:s7+$0x0];
	v3 =	vsel vm1, v26, v23;
	vm0 =	vgt.f32 v42, v60  }
0x3a: {  	s9 =	sor.u32 $0x280, s17;
	v16 =	vmax.f32 v16, v48;
	[tilespmem:$0x1FF90] =	vst v3;
	v3 =	vmax.f32 v14, v10;
	v2 =	vsel vm0, v42, v60  }
0x3b: {  	v8 =	vld [tilespmem:s9+$0x0];
	v41 =	vsel vm0, v60, v42;
	v21 =	vsel vm0, v27, v21;
	vm0 =	vgt.f32 v58, v2  }
0x3c: {  	v42 =	vld [tilespmem:s0+$0x100];
	vm1 =	vgt.f32 v1, v56;
	v16 =	vmax.f32 v16, v41;
	v18 =	vsel vm0, v58, v2  }
0x3d: {  	s20 =	sor.u32 $0x280, s3;
	v48 =	vld [tilespmem:s0+$0x180];
	v57 =	vsel vm0, v2, v58;
	v2 =	vsel vm1, v1, v56;
	v60 =	vsel vm0, v26, v21  }
0x3e: {  	v14 =	vld [tilespmem:s20+$0x0];
	v19 =	vsel vm1, v56, v1;
	v17 =	vsel vm1, v30, v17;
	vm0 =	vgt.f32 v52, v2  }
0x3f: {  	v10 =	vmax.f32 v16, v57;
	v15 =	vmax.f32 v15, v19;
	v57 =	vsel vm15, v45, v51  }
0x40: {  	v58 =	vsel vm0, v52, v2;
	v1 =	vsel vm0, v2, v52;
	v17 =	vsel vm0, v34, v17  }
0x41: {  	s21 =	sor.u32 $0x200, s17;
	vm1 =	vgt.f32 v8, v58;
	v15 =	vmax.f32 v15, v1;
	vm12 =	vgt.f32 v42, v50  }
0x42: {  	v40 =	vld [tilespmem:s21+$0x0];
	[tilespmem:$0x1FFA0] =	vst v3;
	v2 =	vsel vm1, v8, v58;
	v3 =	vsel vm1, v58, v8;
	v17 =	vsel vm1, v27, v17  }
0x43: {  	v41 =	vld [tilespmem:s1+$0x100];
	vm1 =	vgt.f32 v48, v57;
	v56 =	vsel vm12, v42, v50;
	vm0 =	vgt.f32 v14, v2  }
0x44: {  	v15 =	vmax.f32 v15, v3;
	v3 =	vsel vm2, v47, v49;
	v47 =	vsel vm2, v49, v47  }
0x45: {  	v9 =	vmovc v22;
	v58 =	vsel vm1, v48, v57;
	v22 =	vsel vm0, v14, v2;
	v14 =	vsel vm0, v2, v14  }
0x46: {  	v44 =	vld [tilespmem:s1+$0x180];
	v11 =	vsel vm0, v26, v17;
	vm0 =	vmmov vm3;
	vm3 =	vmmov vm2  }
0x47: {  	s25 =	sor.u32 $0x200, s3;
	v2 =	vimm.s32 $0x0;
	vm2 =	vgt.f32 v40, v3;
	v52 =	vmax.f32 v15, v14  }
0x48: {  	v1 =	vld [tilespmem:s25+$0x0];
	v2 =	vsel vm1, $0xFFFFFFFF, v2;
	v14 =	vmax.f32 v13, v0;
	vm1 =	vgt.f32 v41, v56  }
0x49: {  	v0 =	vsel vm2, v3, v40;
	[tilespmem:$0x1FFB0] =	vst v2;
	v2 =	vsel vm2, v40, v3;
	v3 =	vimm.s32 $0x0  }
0x4a: {  	v3 =	vsel vm1, $0xFFFFFFFF, v3  }
0x4b: {  	v13 =	vsel vm1, v41, v56;
	vm1 =	vgt.f32 v44, v58;
	[tilespmem:$0x1FFC0] =	vst v3;
	v3 =	vimm.s32 $0x0  }
0x4c: {  	v3 =	vsel vm1, $0xFFFFFFFF, v3  }
0x4d: {  	vm1 =	vgt.f32 v1, v2;
	[tilespmem:$0x1FFD0] =	vst v3  }
0x4e: {  	v49 =	vmax.f32 v14, v47;
	v12 =	vsel vm1, v1, v2;
	v47 =	vsel vm1, v2, v1;
	v1 =	vld [tilespmem:$0x1FFD0];
	_ =	sdelay $0x4  }
0x4f: {  	s30 =	simm.s32 $0x40;
	s31 =	simm.s32 $0x0;
	s29 =	simm.s32 $0x230;
	vm10 =	vnez.u8 v1  }
0x50: {  	s28 =	simm.s32 $0x0;
	s1 =	simm.s32 $0x0;
	s25 =	sshll.u32 s24, $0xB;
	v14 =	vsel vm10, v44, v58  }
.LBB2_3:
0x51: {  	v3 =	vmax.f32 v49, v0;
	v1 =	vmov v14  }
0x52: {  	[tilespmem:$0x1FE90] =	vst v1;
	v1 =	vmax.f32 v3, v47  }
0x53: {  	[tilespmem:$0x1FF10] =	vst v1;
	v1 =	vld [tilespmem:$0x1FFB0];
	_ =	sdelay $0x4  }
0x54: {  	v9 =	vsel vm0, v30, v9;
	vm0 =	vnez.u8 v1;
	v1 =	vmov v22  }
0x55: {  	[tilespmem:$0x1FE10] =	vst v1;
	v1 =	vld [tilespmem:$0x1FFD0];
	_ =	sdelay $0x3  }
0x56: {  	v9 =	vsel vm3, v34, v9  }
0x57: {  	v9 =	vsel vm2, v27, v9;
	vm2 =	vnez.u8 v1;
	v1 =	vmov v18  }
0x58: {  	[tilespmem:$0x1FDB0] =	vst v1;
	v1 =	vld [tilespmem:$0x1FF80];
	_ =	sdelay $0x3  }
0x59: {  	v0 =	vmov v12  }
0x5a: {  	[tilespmem:$0x1FE70] =	vst v0;
	v43 =	vsel vm14, v53, v43;
	v3 =	vsel vm1, v26, v9;
	vm1 =	vnez.u8 v1;
	v1 =	vmovc v13  }
0x5b: {  	v45 =	vsel vm15, v51, v45;
	v0 =	vmax.f32 v5, v43;
	[tilespmem:$0x1FE50] =	vst v1;
	v1 =	vld [tilespmem:$0x1FFC0]  }
0x5c: {  	[tilespmem:$0x1FEA0] =	vst v11;
	v33 =	vsel vm13, v46, v33;
	v0 =	vmax.f32 v0, v45;
	v11 =	vsel vm0, v57, v48  }
0x5d: {  	v8 =	vsel vm14, v30, v63;
	v0 =	vmax.f32 v0, v11;
	v44 =	vsel vm2, v58, v44  }
0x5e: {  	[tilespmem:$0x1FDD0] =	vst v10;
	v8 =	vsel vm15, v34, v8;
	v0 =	vmax.f32 v0, v44;
	v38 =	vsel vm1, v7, v38  }
0x5f: {  	v10 =	vsel vm12, v50, v42;
	v8 =	vsel vm0, v27, v8;
	[tilespmem:$0x1FF30] =	vst v0;
	v0 =	vmax.f32 v6, v38  }
0x60: {  	v0 =	vmax.f32 v0, v33;
	vm0 =	vnez.u8 v1;
	v1 =	vsel vm2, v26, v8  }
0x61: {  	v0 =	vmax.f32 v0, v10;
	v49 =	vsel vm0, v56, v41  }
0x62: {  	[tilespmem:$0x1FDA0] =	vst v1;
	v0 =	vmax.f32 v0, v49  }
0x63: {  	[tilespmem:$0x1FF00] =	vst v0;
	v0 =	vld [tilespmem:$0x1FFF0];
	v1 =	vmov v29  }
0x64: {  	[tilespmem:$0x1FFF0] =	vst v1;
	v1 =	vld [tilespmem:$0x1FFE0];
	_ =	sdelay $0x3  }
0x65: {  	v0 =	vsel vm4, v0, v31  }
0x66: {  	v0 =	vmax.f32 v1, v0;
	v1 =	vld [tilespmem:$0x1FF70]  }
0x67: {  	s0 =	sadd.s32 $0xFFFFFFD0, s29;
	s3 =	sadd.s32 $0x30, s30  }
0x68: {  	s20 =	sand.u32 $0x1C00, s0;
	s17 =	sand.u32 $0x70, s3;
	v7 =	vsel vm1, v30, v61  }
0x69: {  	s17 =	sor.u32 s17, s20;
	v6 =	vsel vm8, v30, v54;
	v7 =	vsel vm13, v34, v7  }
0x6a: {  	v51 =	vld [tilespmem:s17+$0x80];
	v4 =	vsel vm9, v34, v6;
	v6 =	vsel vm12, v27, v7  }
0x6b: {  	v43 =	vld [tilespmem:s17+$0x0];
	[tilespmem:$0x1FE30] =	vst v3;
	v57 =	vsel vm11, v27, v4;
	v3 =	vsel vm0, v26, v6;
	vm0 =	vnez.u8 v1  }
0x6c: {  	s7 =	sand.u32 $0x40, s30;
	v48 =	vld [tilespmem:s17+$0x100];
	v1 =	vsel vm0, v26, v57  }
0x6d: {  	s21 =	sor.u32 s7, s20;
	[tilespmem:$0x1FE00] =	vst v1;
	v1 =	vld [tilespmem:$0x1FF50]  }
0x6e: {  	v58 =	vld [tilespmem:s21+$0x80]  }
0x6f: {  	s4 =	sadd.s32 $0x20, s30;
	v44 =	vld [tilespmem:s17+$0x180]  }
0x70: {  	s19 =	sand.u32 $0x60, s4;
	v56 =	vsel vm5, v35, v32;
	v31 =	vld [tilespmem:s21+$0x0]  }
0x71: {  	s3 =	sor.u32 s3, s0;
	v5 =	vsel vm6, v36, v28;
	s17 =	sor.u32 s19, s20;
	s19 =	sadd.s32 $0x10, s30;
	v4 =	vsel vm4, v30, v59;
	[tilespmem:$0x1FEE0] =	vst v3;
	v3 =	vld [tilespmem:$0x1FF60];
	v0 =	vmax.f32 v0, v56  }
0x72: {  	s3 =	sor.u32 $0x380, s3;
	s9 =	sand.u32 $0x50, s19;
	v4 =	vsel vm5, v34, v4;
	v0 =	vmax.f32 v0, v5;
	v53 =	vsel vm7, v37, v1  }
0x73: {  	v55 =	vld [tilespmem:s3+$0x0];
	s20 =	sor.u32 s9, s20;
	v4 =	vsel vm6, v27, v4;
	v0 =	vmax.f32 v0, v53  }
0x74: {  	v32 =	vld [tilespmem:s20+$0x0];
	[tilespmem:$0x1FFE0] =	vst v0;
	v0 =	vsel vm7, v26, v4  }
0x75: {  	s3 =	sadd.s32 s30, s23;
	v50 =	vld [tilespmem:s17+$0x0];
	vm0 =	vgt.f32 v31, v29;
	[tilespmem:$0x1FE80] =	vst v0;
	v0 =	vimm.s32 $0x0  }
0x76: {  	v39 =	vmax.f32 v25, v39;
	s7 =	sadd.s32 $0x20, s3;
	v54 =	vld [tilespmem:s20+$0x80];
	vm1 =	vgt.f32 v58, v3;
	v0 =	vsel vm0, $0xFFFFFFFF, v0  }
0x77: {  	v2 =	vmovc v12;
	v40 =	vld [tilespmem:s17+$0x80];
	v27 =	vor.u32 s7, v62;
	v12 =	vsel vm1, v3, v58;
	[tilespmem:$0x1FEB0] =	vst v0;
	v0 =	vimm.s32 $0x0  }
0x78: {  	v42 =	vld [tilespmem:s17+$0x100];
	v12 =	vmax.f32 v39, v12;
	v35 =	vsel vm0, v31, v29;
	v0 =	vsel vm1, $0xFFFFFFFF, v0  }
0x79: {  	v41 =	vmovc v48;
	v48 =	vld [tilespmem:s17+$0x180];
	s17 =	sadd.s32 $0x30, s3;
	vm0 =	vgt.f32 v32, v35;
	[tilespmem:$0x1FE20] =	vst v0;
	v0 =	vsel vm1, v58, v3;
	v3 =	vimm.s32 $0x0  }
0x7a: {  	v28 =	vmovc v50;
	v26 =	vor.u32 s17, v62;
	v36 =	vsel vm0, v32, v35;
	v3 =	vsel vm0, $0xFFFFFFFF, v3  }
0x7b: {  	vm1 =	vgt.f32 v54, v0;
	vm0 =	vgt.f32 v28, v36;
	[tilespmem:$0x1FEF0] =	vst v3;
	v3 =	vimm.s32 $0x0  }
0x7c: {  	v29 =	vsel vm1, v54, v0;
	v0 =	vsel vm1, v0, v54;
	v3 =	vsel vm1, $0xFFFFFFFF, v3  }
0x7d: {  	p0 =	por !p0, !p0;
	s9 =	simm.s32 $0x1;
	v37 =	vsel vm0, v28, v36;
	vm1 =	vgt.f32 v40, v29;
	[tilespmem:$0x1FE40] =	vst v3;
	v3 =	vimm.s32 $0x0  }
0x7e: {  	s26 =	sadd.s32 $0x4, s26;
	s4 =	sor.u32 s4, s0;
	s9 =	simm.s32 @!p0 $0x0;
	v1 =	vmovc v43;
	v0 =	vmax.f32 v12, v0;
	v12 =	vsel vm1, v29, v40;
	v3 =	vsel vm0, $0xFFFFFFFF, v3  }
0x7f: {  	s1 =	sadd.s32 $0x200, s1;
	s4 =	sor.u32 $0x380, s4;
	v38 =	vld [tilespmem:s21+$0x100];
	s17 =	sshll.u32 s9, $0x6;
	v25 =	vmax.f32 v0, v12;
	vm0 =	vgt.f32 v1, v37;
	v0 =	vimm.s32 $0x0  }
0x80: {  	s7 =	sand.u32 $0x7, s26;
	v49 =	vmovc v60;
	v60 =	vld [tilespmem:s4+$0x0];
	s17 =	sadd.s32 s17, s1;
	v58 =	vsel vm1, v40, v29;
	[tilespmem:$0x1FF20] =	vst v3;
	v3 =	vimm.s32 $0x0;
	v0 =	vsel vm0, $0xFFFFFFFF, v0  }
0x81: {  	s4 =	sshll.u32 s7, $0x4;
	v43 =	vld [tilespmem:s21+$0x180];
	s7 =	sor.u32 $0x200, s17;
	v3 =	vsel vm1, $0xFFFFFFFF, v3;
	[tilespmem:$0x1FF40] =	vst v0;
	vm1 =	vgt.f32 v51, v58;
	v0 =	vimm.s32 $0x0  }
0x82: {  	v59 =	vld [tilespmem:s7+$0x0];
	v0 =	vsel vm1, $0xFFFFFFFF, v0  }
0x83: {  	[tilespmem:$0x1FF70] =	vst v0;
	v0 =	vsel vm1, v51, v58  }
0x84: {  	v33 =	vld [tilespmem:s20+$0x100];
	v30 =	vor.u32 s3, v62;
	s3 =	sadd.s32 $0x10, s3;
	vm2 =	vgt.f32 v38, v13;
	[tilespmem:$0x1FF60] =	vst v0;
	v0 =	vimm.s32 $0x0  }
0x85: {  	v45 =	vld [tilespmem:s20+$0x180];
	v34 =	vor.u32 s3, v62;
	v0 =	vsel vm2, $0xFFFFFFFF, v0  }
0x86: {  	s31 =	sadd.s32 $0x2, s31;
	v19 =	vsel vm1, v58, v51;
	vm1 =	vgt.f32 v43, v14;
	[tilespmem:$0x1FF80] =	vst v0;
	v0 =	vimm.s32 $0x0  }
0x87: {  	s9 =	sand.u32 $0x3, s31;
	v29 =	vsel vm0, v1, v37;
	vm0 =	vgt.f32 v59, v2;
	v0 =	vsel vm1, $0xFFFFFFFF, v0  }
0x88: {  	v46 =	vsel vm2, v38, v13;
	s3 =	sadd.s32 s0, s4;
	s4 =	sshll.u32 s9, $0x5;
	v4 =	vsel vm0, v59, v2;
	[tilespmem:$0x1FDC0] =	vst v0;
	v0 =	vimm.s32 $0x0  }
0x89: {  	s19 =	sor.u32 s19, s0;
	s4 =	sadd.s32 s0, s4;
	s0 =	sor.u32 s30, s0;
	v51 =	vsel vm1, v43, v14;
	v0 =	vsel vm0, $0xFFFFFFFF, v0;
	vm0 =	vgt.f32 v33, v46  }
0x8a: {  	[tilespmem:$0x1FF50] =	vst v1;
	s0 =	sor.u32 $0x380, s0;
	v1 =	vimm.s32 $0x0;
	vm2 =	vgt.f32 v45, v51;
	v50 =	vsel vm0, v33, v46  }
0x8b: {  	v1 =	vsel vm2, $0xFFFFFFFF, v1;
	v57 =	vsel vm2, v45, v51;
	[tilespmem:$0x1FDF0] =	vst v0;
	v0 =	vld [tilespmem:s0+$0x0];
	vm2 =	vgt.f32 v42, v50  }
0x8c: {  	s20 =	sor.u32 $0x380, s19;
	v56 =	vsel vm2, v42, v50  }
0x8d: {  	v63 =	vld [tilespmem:s20+$0x0];
	[tilespmem:$0x1FE60] =	vst v3;
	v3 =	vimm.s32 $0x0;
	vm3 =	vgt.f32 v48, v57;
	vm4 =	vgt.f32 v41, v56  }
0x8e: {  	v58 =	vsel vm3, v48, v57;
	v3 =	vsel vm4, $0xFFFFFFFF, v3  }
0x8f: {  	vm5 =	vgt.f32 v44, v58;
	[tilespmem:$0x1FFC0] =	vst v3;
	v3 =	vimm.s32 $0x0  }
0x90: {  	vm12 =	vgt.f32 v0, v24;
	v3 =	vsel vm5, $0xFFFFFFFF, v3  }
0x91: {  	[tilespmem:$0x1FFD0] =	vst v3;
	v3 =	vsel vm12, v0, v24  }
0x92: {  	vm13 =	vgt.f32 v63, v3  }
0x93: {  	v23 =	vsel vm13, v63, v3  }
0x94: {  	vm14 =	vgt.f32 v60, v23  }
0x95: {  	v54 =	vsel vm14, v60, v23;
	v23 =	vsel vm14, v23, v60;
	v60 =	vld [tilespmem:$0x1FF90]  }
0x96: {  	s20 =	sor.u32 $0x300, s17;
	s7 =	sadd.s32 $0x10, s3;
	s3 =	sadd.s32 $0x30, s3  }
0x97: {  	v7 =	vld [tilespmem:s20+$0x0];
	s9 =	sor.u32 $0x200, s3  }
0x98: {  	v5 =	vld [tilespmem:s9+$0x0];
	s9 =	sor.u32 $0x300, s7  }
0x99: {  	v47 =	vmov v24;
	v10 =	vld [tilespmem:s9+$0x0]  }
0x9a: {  	v0 =	vsel vm12, v47, v0;
	v47 =	vsel vm12, v30, v60;
	v60 =	vld [tilespmem:$0x1FFA0];
	_ =	sdelay $0x2  }
0x9b: {  	vm8 =	vgt.f32 v7, v18  }
0x9c: {  	v15 =	vsel vm8, v7, v18  }
0x9d: {  	vm9 =	vgt.f32 v10, v15;
	v3 =	vsel vm13, v3, v63;
	v0 =	vmax.f32 v60, v0  }
0x9e: {  	s21 =	sor.u32 $0x200, s7;
	v21 =	vsel vm9, v10, v15;
	v0 =	vmax.f32 v0, v3;
	v3 =	vsel vm9, v15, v10;
	v15 =	vld [tilespmem:$0x1FDC0]  }
0x9f: {  	s4 =	sadd.s32 $0x20, s4;
	v61 =	vld [tilespmem:s21+$0x0]  }
0xa0: {  	s21 =	sor.u32 $0x200, s4  }
0xa1: {  	v62 =	vld [tilespmem:s21+$0x0]  }
0xa2: {  	v47 =	vsel vm13, v34, v47;
	v60 =	vld [tilespmem:$0x1FDB0]  }
0xa3: {  	v10 =	vsel vm14, v27, v47;
	vm14 =	vnez.u8 v15;
	v15 =	vld [tilespmem:$0x1FDD0]  }
0xa4: {  	[tilespmem:$0x1FDE0] =	vst v1;
	vm1 =	vgt.f32 v61, v4;
	v1 =	vimm.s32 $0x0  }
0xa5: {  	s19 =	sor.u32 $0x280, s17;
	v1 =	vsel vm1, $0xFFFFFFFF, v1;
	v8 =	vsel vm1, v61, v4;
	vm15 =	vgt.f32 v55, v54  }
0xa6: {  	v6 =	vld [tilespmem:s19+$0x0];
	s21 =	sor.u32 $0x280, s7;
	vm1 =	vgt.f32 v62, v8;
	v24 =	vsel vm15, v55, v54;
	v54 =	vsel vm15, v54, v55  }
0xa7: {  	v9 =	vld [tilespmem:s21+$0x0];
	[tilespmem:$0x1FEC0] =	vst v1;
	v0 =	vmax.f32 v0, v23;
	v10 =	vsel vm15, v26, v10;
	v7 =	vsel vm8, v60, v7  }
0xa8: {  	v1 =	vimm.s32 $0x0;
	[tilespmem:$0x1FF90] =	vst v10;
	v0 =	vmax.f32 v0, v54;
	v10 =	vld [tilespmem:$0x1FE20];
	v7 =	vmax.f32 v15, v7  }
0xa9: {  	s19 =	sor.u32 $0x300, s4;
	v1 =	vsel vm1, $0xFFFFFFFF, v1;
	[tilespmem:$0x1FFA0] =	vst v0;
	v0 =	vmax.f32 v7, v3;
	v7 =	vld [tilespmem:$0x1FE10]  }
0xaa: {  	s21 =	sor.u32 $0x300, s3;
	v2 =	vld [tilespmem:s19+$0x0];
	[tilespmem:$0x1FED0] =	vst v1;
	v1 =	vimm.s32 $0x0  }
0xab: {  	s17 =	sor.u32 $0x280, s4;
	v20 =	vld [tilespmem:s21+$0x0];
	v1 =	vsel vm3, $0xFFFFFFFF, v1  }
0xac: {  	[tilespmem:$0x1FFB0] =	vst v1;
	v1 =	vld [tilespmem:s17+$0x0];
	v13 =	vsel vm4, v41, v56;
	vm4 =	vgt.f32 v6, v22  }
0xad: {  	v40 =	vmov v52;
	v52 =	vsel vm4, v6, v22  }
0xae: {  	v6 =	vsel vm4, v7, v6;
	v7 =	vsel vm8, v30, v49;
	vm8 =	vnez.u8 v10;
	v10 =	vld [tilespmem:$0x1FE40]  }
0xaf: {  	vm10 =	vgt.f32 v2, v21;
	v14 =	vsel vm5, v44, v58;
	vm5 =	vgt.f32 v9, v52  }
0xb0: {  	v53 =	vsel vm10, v2, v21;
	v17 =	vsel vm5, v9, v52  }
0xb1: {  	s20 =	sor.u32 $0x280, s3;
	v2 =	vsel vm10, v21, v2;
	vm11 =	vgt.f32 v20, v53;
	vm6 =	vgt.f32 v1, v17  }
0xb2: {  	v16 =	vld [tilespmem:s20+$0x0];
	v39 =	vsel vm6, v1, v17;
	v3 =	vsel vm11, v53, v20;
	v0 =	vmax.f32 v0, v2  }
0xb3: {  	v15 =	vld [tilespmem:$0x1FDE0];
	v2 =	vsel vm5, v52, v9;
	v7 =	vsel vm9, v34, v7;
	vm9 =	vnez.u8 v10  }
0xb4: {  	v10 =	vmax.f32 v0, v3;
	v0 =	vmax.f32 v40, v6;
	v3 =	vsel vm10, v27, v7  }
0xb5: {  	v1 =	vsel vm6, v17, v1;
	v0 =	vmax.f32 v0, v2;
	v60 =	vsel vm11, v26, v3;
	v3 =	vld [tilespmem:$0x1FE60]  }
0xb6: {  	v0 =	vmax.f32 v0, v1;
	v1 =	vld [tilespmem:$0x1FEC0]  }
0xb7: {  	v63 =	vld [tilespmem:$0x1FDA0]  }
0xb8: {  	vm7 =	vgt.f32 v16, v39;
	vm15 =	vnez.u8 v15;
	v15 =	vld [tilespmem:$0x1FDF0]  }
0xb9: {  	v6 =	vld [tilespmem:$0x1FEA0];
	v2 =	vsel vm7, v39, v16  }
0xba: {  	v18 =	vsel vm11, v20, v53;
	v11 =	vsel vm1, v62, v8;
	v52 =	vmax.f32 v0, v2;
	v0 =	vld [tilespmem:$0x1FF10]  }
0xbb: {  	vm12 =	vmmov vm2;
	vm11 =	vnez.u8 v3;
	v3 =	vld [tilespmem:$0x1FE70];
	vm2 =	vnez.u8 v1  }
0xbc: {  	vm1 =	vgt.f32 v5, v11;
	v1 =	vsel vm2, v4, v61;
	v4 =	vld [tilespmem:$0x1FED0]  }
0xbd: {  	v12 =	vsel vm1, v5, v11;
	v47 =	vsel vm1, v11, v5;
	v5 =	vld [tilespmem:$0x1FF30]  }
0xbe: {  	v54 =	vld [tilespmem:$0x1FE00]  }
0xbf: {  	vm13 =	vmmov vm0;
	v53 =	vld [tilespmem:$0x1FE90];
	vm0 =	vnez.u8 v15  }
0xc0: {  	v15 =	vld [tilespmem:$0x1FEB0];
	v6 =	vsel vm4, v30, v6;
	vm3 =	vmmov vm2;
	v3 =	vsel vm0, v3, v59  }
0xc1: {  	v2 =	vmax.f32 v0, v3;
	vm2 =	vnez.u8 v4;
	v4 =	vsel vm5, v34, v6;
	v6 =	vld [tilespmem:$0x1FEF0]  }
0xc2: {  	s28 =	sadd.s32 $0x4, s28;
	v49 =	vmax.f32 v2, v1;
	v1 =	vld [tilespmem:$0x1FF40]  }
0xc3: {  	p1 =	slt.u32 s28, $0x3C;
	v3 =	vsel vm6, v27, v4;
	v4 =	vld [tilespmem:$0x1FF20]  }
.Ltmp0:
0xc4: {  	v9 =	vld [tilespmem:$0x1FE30];
	(pc) =	sbr.rel @p1 .LBB2_3-.Ltmp0, $4  }
0xc5: {  	v7 =	vld [tilespmem:$0x1FE50]  }
0xc6: {  	v22 =	vsel vm7, v16, v39;
	vm4 =	vnez.u8 v15;
	v61 =	vld [tilespmem:$0x1FEE0]  }
0xc7: {  	v59 =	vld [tilespmem:$0x1FE80];
	v0 =	vsel vm2, v8, v62;
	v62 =	vlaneseq.u32;
	v11 =	vsel vm7, v26, v3  }
0xc8: {  	s29 =	sadd.s32 $0x200, s29;
	s30 =	sadd.s32 $0x40, s30;
	v39 =	vmovc v19;
	vm5 =	vnez.u8 v6;
	v6 =	vld [tilespmem:$0x1FF00];
	vm7 =	vnez.u8 v1;
	vm6 =	vnez.u8 v4  }
0xc9: {  	v1 =	vsel vm0, v30, v9  }
0xca: {  	v1 =	vsel vm3, v34, v1  }
0xcb: {  	v1 =	vsel vm2, v27, v1  }
0xcc: {  	v0 =	vmax.f32 v49, v0;
	v4 =	vld [tilespmem:$0x1FF80];
	v8 =	vsel vm1, v26, v1;
	v1 =	vsel vm14, v53, v43  }
0xcd: {  	v2 =	vsel vm15, v51, v45;
	v3 =	vmax.f32 v0, v47;
	v0 =	vld [tilespmem:$0x1FFB0];
	v1 =	vmax.f32 v5, v1  }
0xce: {  	v1 =	vmax.f32 v1, v2;
	v2 =	vld [tilespmem:$0x1FFD0];
	_ =	sdelay $0x3  }
0xcf: {  	vm0 =	vnez.u8 v0  }
0xd0: {  	s0 =	sadd.s32 s25, s5;
	s26 =	simm.s32 $0x0;
	vm1 =	vnez.u8 v4;
	v0 =	vsel vm0, v57, v48;
	vm2 =	vnez.u8 v2  }
0xd1: {  	[tilespmem:s26], [sflag:$0x1] =	stream.linear.gather [hbm4b:s0+s26], $0x2000, $0x38;
	v4 =	vsel vm1, v7, v38;
	v0 =	vmax.f32 v1, v0;
	v2 =	vsel vm2, v58, v44;
	[tilespmem:$0x6000] =	vst v63  }
0xd2: {  	_ =	swait.ge [sflag:s16], $0x2000;
	v1 =	vsel vm13, v46, v33;
	v33 =	vmax.f32 v0, v2;
	v0 =	vmax.f32 v6, v4  }
0xd3: {  	s19 =	simm.s32 $0x0;
	v0 =	vmax.f32 v0, v1;
	v1 =	vld [tilespmem:$0x1FFC0]  }
0xd4: {  	s3 =	sand.u32 $0x1C00, s19;
	v5 =	vsel vm14, v30, v63;
	v6 =	vld [tilespmem:$0x1FF50]  }
0xd5: {  	s4 =	sor.u32 s26, s19;
	s17 =	sand.u32 $0x40, s26;
	v5 =	vsel vm15, v34, v5;
	[sflag:s16] =	ssyncset.done $0x0  }
0xd6: {  	s3 =	sor.u32 $0x2000, s3;
	s4 =	sor.u32 $0x380, s4;
	[sflag:s16] =	ssyncadd.s32 $0xFFFFE000;
	v4 =	vsel vm0, v27, v5  }
0xd7: {  	v15 =	vmax.f32 v25, v39;
	v16 =	vld [tilespmem:s4+$0x2000];
	s4 =	sor.u32 s17, s3;
	v2 =	vsel vm12, v50, v42;
	v4 =	vsel vm2, v26, v4  }
0xd8: {  	v39 =	vld [tilespmem:s4+$0x100];
	[tilespmem:$0x1FCE0] =	vst v4;
	v4 =	vsel vm1, v30, v61;
	v0 =	vmax.f32 v0, v2;
	vm0 =	vnez.u8 v1  }
0xd9: {  	v4 =	vsel vm13, v34, v4;
	v21 =	vsel vm7, v37, v6;
	v6 =	vld [tilespmem:$0x1FF70];
	v1 =	vsel vm0, v56, v41  }
0xda: {  	v4 =	vsel vm12, v27, v4;
	v50 =	vmax.f32 v0, v1;
	v0 =	vld [tilespmem:$0x1FFF0]  }
0xdb: {  	s21 =	simm.s32 $0x10;
	v25 =	vsel vm0, v26, v4;
	v4 =	vld [tilespmem:$0x1FFE0]  }
0xdc: {  	s28 =	simm.s32 $0x30;
	s7 =	sadd.s32 $0x0, s23;
	s1 =	sor.u32 s21, s19;
	v20 =	vsel vm4, v30, v59;
	v9 =	vld [tilespmem:s4+$0x0]  }
0xdd: {  	s9 =	sand.u32 $0x70, s28;
	s1 =	sor.u32 $0x380, s1;
	v20 =	vsel vm5, v34, v20;
	v7 =	vsel vm5, v35, v32;
	s17 =	sadd.s32 $0x410, s7;
	v17 =	vld [tilespmem:s4+$0x80]  }
0xde: {  	s0 =	sand.u32 $0x50, s21;
	v35 =	vor.u32 s17, v62;
	v5 =	vsel vm8, v30, v54;
	v2 =	vld [tilespmem:s1+$0x2000];
	s1 =	sor.u32 s9, s3;
	s9 =	sadd.s32 $0x430, s7;
	vm12 =	vgt.f32 v39, v13  }
0xdf: {  	s21 =	sor.u32 s0, s3;
	vm0 =	vnez.u8 v6;
	v6 =	vld [tilespmem:$0x1FF60];
	v0 =	vsel vm4, v0, v31;
	v31 =	vor.u32 s9, v62;
	s9 =	simm.s32 $0x20  }
0xe0: {  	s20 =	sadd.s32 $0x420, s7;
	v1 =	vsel vm9, v34, v5;
	v0 =	vmax.f32 v4, v0;
	v4 =	vsel vm6, v36, v28;
	s17 =	sand.u32 $0x60, s9;
	v28 =	vld [tilespmem:s21+$0x0]  }
0xe1: {  	v23 =	vld [tilespmem:s21+$0x80];
	v5 =	vor.u32 s20, v62;
	s20 =	sadd.s32 $0x400, s7;
	v1 =	vsel vm11, v27, v1;
	s0 =	sor.u32 s17, s3;
	v0 =	vmax.f32 v0, v7  }
0xe2: {  	v30 =	vor.u32 s20, v62;
	v37 =	vsel vm0, v26, v1;
	v0 =	vmax.f32 v0, v4;
	v4 =	vld [tilespmem:s0+$0x0]  }
0xe3: {  	v40 =	vld [tilespmem:s1+$0x0];
	v1 =	vsel vm6, v27, v20;
	vm4 =	vgt.f32 v9, v29;
	v0 =	vmax.f32 v0, v21  }
0xe4: {  	v1 =	vsel vm7, v26, v1;
	v32 =	vsel vm4, v9, v29;
	vm7 =	vgt.f32 v17, v6;
	[tilespmem:$0x1FCF0] =	vst v0;
	v0 =	vld [tilespmem:s0+$0x80]  }
0xe5: {  	p0 =	por $0x0, $0x0;
	v42 =	vld [tilespmem:s4+$0x180];
	s3 =	simm.s32 $0x1;
	v20 =	vsel vm7, v17, v6;
	v17 =	vsel vm7, v6, v17;
	vm5 =	vgt.f32 v28, v32  }
0xe6: {  	[tilespmem:$0x1FD00] =	vst v1;
	v1 =	vld [tilespmem:s1+$0x80];
	s3 =	simm.s32 @!p0 $0x0;
	v6 =	vimm.s32 $0x0;
	vm0 =	vgt.f32 v23, v20;
	v34 =	vsel vm5, v28, v32  }
0xe7: {  	s3 =	sshll.u32 s3, $0x6;
	v15 =	vmax.f32 v15, v17;
	v6 =	vsel vm0, $0xFFFFFFFF, v6;
	vm6 =	vgt.f32 v4, v34  }
0xe8: {  	v38 =	vld [tilespmem:s21+$0x100];
	s20 =	sadd.s32 $0x0, s3;
	v21 =	vsel vm0, v23, v20;
	v20 =	vsel vm0, v20, v23;
	[tilespmem:$0x1FD20] =	vst v6;
	v6 =	vsel vm6, v4, v34  }
0xe9: {  	[tilespmem:$0x1FD10] =	vst v29;
	v43 =	vld [tilespmem:s21+$0x180];
	s4 =	sand.u32 $0x7, s26;
	s3 =	sor.u32 $0x200, s20;
	v15 =	vmax.f32 v15, v20;
	vm10 =	vgt.f32 v0, v21;
	vm8 =	vgt.f32 v40, v6  }
0xea: {  	v17 =	vld [tilespmem:s3+$0x2000];
	s3 =	sshll.u32 s4, $0x4;
	[tilespmem:$0x1FD40] =	vst v6;
	v20 =	vsel vm10, v0, v21;
	v0 =	vsel vm10, v21, v0;
	v6 =	vsel vm8, v40, v6  }
0xeb: {  	vm14 =	vgt.f32 v42, v14;
	s17 =	sor.u32 s9, s19;
	s7 =	sor.u32 $0x300, s20;
	s3 =	sadd.s32 $0x0, s3;
	v0 =	vmax.f32 v15, v0;
	vm11 =	vgt.f32 v1, v20;
	[tilespmem:$0x1FFF0] =	vst v6;
	v6 =	vld [tilespmem:$0x1FF90]  }
0xec: {  	v45 =	vsel vm12, v39, v13;
	s21 =	sor.u32 $0x380, s17;
	[tilespmem:$0x1FD30] =	vst v0;
	v0 =	vld [tilespmem:s7+$0x2000];
	s7 =	sadd.s32 $0x10, s3;
	v29 =	vsel vm11, v1, v20;
	v1 =	vsel vm11, v20, v1  }
0xed: {  	v49 =	vsel vm14, v42, v14;
	vm13 =	vgt.f32 v38, v45;
	vm0 =	vgt.f32 v16, v24;
	[tilespmem:$0x1FD50] =	vst v1;
	v1 =	vld [tilespmem:s21+$0x2000];
	s9 =	sor.u32 $0x200, s7  }
0xee: {  	vm15 =	vgt.f32 v43, v49;
	v48 =	vsel vm13, v38, v45;
	s17 =	sor.u32 s28, s19;
	v21 =	vsel vm0, v16, v24;
	s21 =	sor.u32 $0x300, s7;
	v15 =	vld [tilespmem:s9+$0x2000]  }
0xef: {  	s19 =	sand.u32 $0x3, s26;
	v16 =	vsel vm0, v24, v16;
	vm3 =	vgt.f32 v17, v12;
	vm2 =	vgt.f32 v2, v21;
	s9 =	sor.u32 $0x380, s17;
	v20 =	vld [tilespmem:s21+$0x2000]  }
0xf0: {  	v46 =	vsel vm3, v17, v12;
	v58 =	vsel vm2, v2, v21;
	s17 =	sshll.u32 s19, $0x5;
	v23 =	vld [tilespmem:s9+$0x2000];
	v6 =	vsel vm0, v30, v6  }
0xf1: {  	v2 =	vsel vm2, v21, v2;
	s19 =	sadd.s32 $0x0, s17;
	vm1 =	vgt.f32 v0, v18;
	v21 =	vsel vm2, v35, v6  }
0xf2: {  	s20 =	sor.u32 $0x280, s20;
	s17 =	sadd.s32 $0x20, s19;
	v6 =	vld [tilespmem:$0x1FFA0];
	vm0 =	vgt.f32 v1, v58;
	v59 =	vsel vm1, v0, v18;
	v0 =	vsel vm1, v18, v0  }
0xf3: {  	v26 =	vmovc v9;
	v63 =	vld [tilespmem:s20+$0x2000];
	s4 =	sor.u32 $0x300, s17;
	v9 =	vsel vm1, v30, v60;
	v18 =	vsel vm3, v12, v17;
	vm9 =	vgt.f32 v15, v46  }
0xf4: {  	s20 =	sor.u32 $0x200, s17;
	v7 =	vld [tilespmem:s4+$0x2000];
	v61 =	vsel vm0, v1, v58;
	v1 =	vsel vm0, v58, v1;
	v21 =	vsel vm0, v5, v21  }
0xf5: {  	s3 =	sadd.s32 $0x30, s3;
	v51 =	vld [tilespmem:s20+$0x2000];
	vm0 =	vgt.f32 v20, v59;
	v0 =	vmax.f32 v10, v0;
	vm1 =	vgt.f32 v23, v61  }
0xf6: {  	s21 =	sor.u32 $0x300, s3;
	v44 =	vsel vm0, v59, v20;
	v53 =	vsel vm9, v15, v46;
	vm2 =	vmmov vm9  }
0xf7: {  	v55 =	vld [tilespmem:s21+$0x2000];
	v46 =	vsel vm9, v46, v15;
	v27 =	vsel vm1, v23, v61;
	v16 =	vmax.f32 v6, v16  }
0xf8: {  	s7 =	sor.u32 $0x280, s7;
	v47 =	vsel vm1, v61, v23;
	v2 =	vmax.f32 v16, v2;
	v16 =	vsel vm0, v20, v59  }
0xf9: {  	v0 =	vmax.f32 v0, v44;
	v6 =	vld [tilespmem:s7+$0x2000];
	v20 =	vsel vm0, v35, v9;
	vm0 =	vgt.f32 v7, v16  }
0xfa: {  	vm9 =	vgt.f32 v51, v53;
	v1 =	vmax.f32 v2, v1;
	v2 =	vsel vm0, v7, v16  }
0xfb: {  	s9 =	sor.u32 $0x280, s17;
	v16 =	vsel vm0, v16, v7;
	v7 =	vsel vm1, v31, v21;
	vm1 =	vgt.f32 v63, v22  }
0xfc: {  	v9 =	vld [tilespmem:s9+$0x2000];
	v21 =	vsel vm0, v5, v20;
	v57 =	vmax.f32 v1, v47;
	vm0 =	vgt.f32 v55, v2  }
0xfd: {  	s19 =	sor.u32 $0x280, s3;
	v44 =	vld [tilespmem:s0+$0x100];
	v60 =	vsel vm1, v63, v22;
	v19 =	vsel vm1, v22, v63;
	v36 =	vsel vm0, v55, v2  }
0xfe: {  	v1 =	vld [tilespmem:s19+$0x2000];
	v2 =	vsel vm0, v2, v55;
	v55 =	vsel vm0, v31, v21;
	vm0 =	vgt.f32 v6, v60  }
0xff: {  	v63 =	vsel vm1, v30, v11;
	v0 =	vmax.f32 v0, v16;
	v61 =	vsel vm0, v6, v60  }
0x100: {  	v47 =	vsel vm0, v60, v6;
	v24 =	vmax.f32 v0, v2;
	v0 =	vsel vm0, v35, v63  }
0x101: {  	v54 =	vld [tilespmem:s0+$0x180];
	v2 =	vmax.f32 v52, v19;
	v60 =	vsel vm15, v43, v49;
	vm1 =	vgt.f32 v9, v61  }
0x102: {  	v2 =	vmax.f32 v2, v47;
	v6 =	vsel vm1, v9, v61;
	v9 =	vsel vm1, v61, v9  }
0x103: {  	v41 =	vld [tilespmem:s1+$0x100];
	v0 =	vsel vm1, v5, v0;
	vm1 =	vgt.f32 v44, v48;
	vm0 =	vgt.f32 v1, v6  }
0x104: {  	v2 =	vmax.f32 v2, v9;
	v58 =	vsel vm1, v44, v48;
	v56 =	vsel vm0, v1, v6  }
0x105: {  	s21 =	sor.u32 $0x200, s3;
	v59 =	vld [tilespmem:s1+$0x180];
	v1 =	vsel vm0, v6, v1;
	v17 =	vsel vm0, v31, v0;
	v0 =	vimm.s32 $0x0  }
0x106: {  	v9 =	vld [tilespmem:s21+$0x2000];
	vm0 =	vmmov vm3;
	vm3 =	vgt.f32 v54, v60;
	v0 =	vsel vm1, $0xFFFFFFFF, v0  }
0x107: {  	v15 =	vmax.f32 v2, v1;
	v61 =	vsel vm3, v54, v60;
	v1 =	vmax.f32 v3, v18  }
0x108: {  	vm1 =	vgt.f32 v41, v58;
	v2 =	vsel vm9, v51, v53;
	v3 =	vimm.s32 $0x0  }
0x109: {  	[tilespmem:$0x1FD70] =	vst v0;
	v0 =	vimm.s32 $0x0;
	v3 =	vsel vm1, $0xFFFFFFFF, v3;
	v20 =	vsel vm1, v41, v58  }
0x10a: {  	[tilespmem:$0x1FD60] =	vst v7;
	v47 =	vmax.f32 v1, v46;
	v0 =	vsel vm3, $0xFFFFFFFF, v0;
	vm3 =	vmmov vm9  }
0x10b: {  	s29 =	simm.s32 $0x230;
	s30 =	simm.s32 $0x40;
	[tilespmem:$0x1FD80] =	vst v0;
	v0 =	vsel vm9, v53, v51;
	vm9 =	vgt.f32 v59, v61;
	vm1 =	vgt.f32 v9, v2  }
0x10c: {  	s31 =	simm.s32 $0x0;
	s28 =	simm.s32 $0x0;
	s1 =	simm.s32 $0x0;
	[tilespmem:$0x1FD90] =	vst v3;
	v52 =	vsel vm1, v9, v2;
	v46 =	vsel vm1, v2, v9;
	v12 =	vsel vm9, v59, v61  }
.LBB2_5:
0x10d: {  	_ = 	snop  }
0x10e: {  	v7 =	vmax.f32 v47, v0;
	v0 =	vmov v52;
	v1 =	vsel vm14, v14, v42  }
0x10f: {  	[tilespmem:$0x1FC40] =	vst v0;
	v0 =	vmax.f32 v33, v1;
	v1 =	vld [tilespmem:$0x1FD80];
	_ =	sdelay $0x2  }
0x110: {  	v3 =	vmov v12;
	v2 =	vsel vm0, v30, v8  }
0x111: {  	[tilespmem:$0x1FBB0] =	vst v3;
	v3 =	vsel vm15, v49, v43;
	v9 =	vsel vm2, v35, v2  }
0x112: {  	v6 =	vmovc v56;
	v8 =	vmax.f32 v7, v46;
	v9 =	vsel vm3, v5, v9;
	vm2 =	vnez.u8 v1  }
0x113: {  	[tilespmem:$0x1FBC0] =	vst v6;
	v0 =	vmax.f32 v0, v3;
	v6 =	vsel vm1, v31, v9;
	v7 =	vsel vm2, v60, v54  }
0x114: {  	v3 =	vsel vm9, v61, v59;
	v2 =	vmov v36;
	[tilespmem:$0x1FCA0] =	vst v6;
	v0 =	vmax.f32 v0, v7  }
0x115: {  	[tilespmem:$0x1FB60] =	vst v2;
	v2 =	vsel vm12, v13, v39;
	v6 =	vld [tilespmem:$0x1FCE0];
	v0 =	vmax.f32 v0, v3  }
0x116: {  	v1 =	vmov v20;
	[tilespmem:$0x1FBF0] =	vst v0;
	v0 =	vmax.f32 v50, v2;
	v2 =	vld [tilespmem:$0x1FD70]  }
0x117: {  	[tilespmem:$0x1FB90] =	vst v1;
	v1 =	vsel vm13, v45, v38  }
0x118: {  	v0 =	vmax.f32 v0, v1;
	v1 =	vld [tilespmem:$0x1FD90];
	_ =	sdelay $0x1  }
0x119: {  	[tilespmem:$0x1FC90] =	vst v8;
	v8 =	vsel vm14, v30, v6  }
0x11a: {  	v7 =	vld [tilespmem:$0x1FD50];
	v8 =	vsel vm15, v35, v8;
	vm0 =	vnez.u8 v2  }
0x11b: {  	v6 =	vsel vm12, v30, v25;
	v3 =	vsel vm2, v5, v8;
	v8 =	vld [tilespmem:$0x1FD20];
	v2 =	vsel vm0, v48, v44  }
0x11c: {  	v6 =	vsel vm13, v35, v6;
	vm2 =	vnez.u8 v1;
	v0 =	vmax.f32 v0, v2;
	v2 =	vld [tilespmem:$0x1FD30]  }
0x11d: {  	v6 =	vsel vm0, v5, v6;
	v1 =	vsel vm2, v58, v41  }
0x11e: {  	v6 =	vsel vm2, v31, v6;
	v47 =	vmax.f32 v0, v1;
	v1 =	vld [tilespmem:$0x1FD10]  }
0x11f: {  	[tilespmem:$0x1FC10] =	vst v6;
	v6 =	vld [tilespmem:$0x1FCF0]  }
0x120: {  	s0 =	sadd.s32 $0xFFFFFFD0, s29;
	s3 =	sadd.s32 $0x30, s30  }
0x121: {  	s7 =	sor.u32 s3, s0;
	vm1 =	vnez.u8 v8;
	v2 =	vmax.f32 v2, v7;
	v7 =	vsel vm7, v30, v37  }
0x122: {  	s21 =	sand.u32 $0x1C00, s0;
	s20 =	sor.u32 s30, s0;
	s7 =	sor.u32 $0x380, s7;
	v7 =	vsel vm1, v35, v7  }
0x123: {  	v51 =	vld [tilespmem:s7+$0x2000];
	s7 =	sor.u32 $0x2000, s21;
	s21 =	sor.u32 $0x380, s20;
	v1 =	vsel vm4, v1, v26;
	v7 =	vsel vm10, v5, v7  }
0x124: {  	[tilespmem:$0x1FB50] =	vst v57;
	v57 =	vld [tilespmem:s21+$0x2000];
	v1 =	vmax.f32 v6, v1;
	v6 =	vsel vm11, v31, v7  }
0x125: {  	s4 =	sadd.s32 $0x20, s30;
	s21 =	sand.u32 $0x40, s30;
	[tilespmem:$0x1FC60] =	vst v6;
	v6 =	vld [tilespmem:$0x1FD00]  }
0x126: {  	s20 =	sand.u32 $0x60, s4;
	s21 =	sor.u32 s21, s7  }
0x127: {  	s20 =	sor.u32 s20, s7;
	v14 =	vld [tilespmem:s21+$0x0]  }
0x128: {  	v0 =	vld [tilespmem:s20+$0x0]  }
0x129: {  	v9 =	vld [tilespmem:$0x1FFF0]  }
0x12a: {  	v25 =	vsel vm4, v30, v6;
	v6 =	vld [tilespmem:$0x1FD40]  }
0x12b: {  	s17 =	sadd.s32 $0x10, s30;
	v54 =	vld [tilespmem:s21+$0x80];
	v25 =	vsel vm5, v35, v25  }
0x12c: {  	v4 =	vsel vm6, v34, v4;
	s9 =	sor.u32 s4, s0;
	s4 =	sand.u32 $0x50, s17;
	v30 =	vsel vm6, v5, v25  }
0x12d: {  	v18 =	vmovc v27;
	s19 =	sor.u32 s17, s0;
	v46 =	vmovc v27;
	v27 =	vsel vm5, v32, v28;
	s17 =	sor.u32 s4, s7;
	v10 =	vmov v0;
	v0 =	vsel vm8, v31, v30  }
0x12e: {  	v28 =	vld [tilespmem:s17+$0x0];
	vm1 =	vgt.f32 v14, v9;
	v1 =	vmax.f32 v1, v27;
	[tilespmem:$0x1FD00] =	vst v0;
	v0 =	vimm.s32 $0x0  }
0x12f: {  	v1 =	vmax.f32 v1, v4;
	v26 =	vsel vm8, v6, v40;
	v0 =	vsel vm1, $0xFFFFFFFF, v0  }
0x130: {  	vm0 =	vgt.f32 v54, v29;
	v58 =	vld [tilespmem:s17+$0x80];
	v1 =	vmax.f32 v1, v26;
	[tilespmem:$0x1FC50] =	vst v0;
	v0 =	vimm.s32 $0x0  }
0x131: {  	[tilespmem:$0x1FCF0] =	vst v1;
	v0 =	vsel vm0, $0xFFFFFFFF, v0  }
0x132: {  	v32 =	vsel vm1, v14, v9;
	v1 =	vsel vm0, v29, v54;
	[tilespmem:$0x1FCD0] =	vst v0;
	v0 =	vsel vm0, v54, v29  }
0x133: {  	s19 =	sor.u32 $0x380, s19;
	v1 =	vmax.f32 v2, v1;
	vm0 =	vgt.f32 v28, v32;
	v2 =	vimm.s32 $0x0  }
0x134: {  	[tilespmem:$0x1FBD0] =	vst v55;
	s3 =	sand.u32 $0x70, s3;
	v55 =	vld [tilespmem:s19+$0x2000];
	v2 =	vsel vm0, $0xFFFFFFFF, v2  }
0x135: {  	s19 =	sor.u32 s3, s7;
	v59 =	vld [tilespmem:s20+$0x80];
	vm1 =	vgt.f32 v58, v0;
	[tilespmem:$0x1FC80] =	vst v2;
	v2 =	vimm.s32 $0x0  }
0x136: {  	v50 =	vld [tilespmem:s19+$0x0];
	v3 =	vsel vm9, v31, v3;
	v2 =	vsel vm1, $0xFFFFFFFF, v2  }
0x137: {  	s3 =	sadd.s32 s30, s23;
	v34 =	vsel vm0, v28, v32;
	[tilespmem:$0x1FD20] =	vst v2;
	v2 =	vsel vm1, v58, v0;
	v0 =	vsel vm1, v0, v58  }
0x138: {  	s9 =	sor.u32 $0x380, s9;
	s4 =	sadd.s32 $0x430, s3;
	[tilespmem:$0x1FCE0] =	vst v3;
	v3 =	vld [tilespmem:s19+$0x80];
	vm0 =	vgt.f32 v10, v34;
	v0 =	vmax.f32 v1, v0;
	v1 =	vimm.s32 $0x0  }
0x139: {  	p0 =	por !p0, !p0;
	v53 =	vld [tilespmem:s9+$0x2000];
	s7 =	sadd.s32 $0x410, s3;
	vm12 =	vgt.f32 v57, v18;
	v27 =	vor.u32 s4, v62;
	s4 =	simm.s32 $0x1;
	v1 =	vsel vm0, $0xFFFFFFFF, v1  }
0x13a: {  	s9 =	sadd.s32 $0x420, s3;
	s3 =	sadd.s32 $0x400, s3;
	v39 =	vld [tilespmem:s21+$0x100];
	s4 =	simm.s32 @!p0 $0x0;
	v35 =	vor.u32 s7, v62;
	vm1 =	vgt.f32 v59, v2;
	[tilespmem:$0x1FCC0] =	vst v1;
	v1 =	vimm.s32 $0x0  }
0x13b: {  	s26 =	sadd.s32 $0x4, s26;
	s31 =	sadd.s32 $0x200, s31;
	v13 =	vmovc v50;
	s4 =	sshll.u32 s4, $0x6;
	v5 =	vor.u32 s9, v62;
	v30 =	vor.u32 s3, v62;
	v1 =	vsel vm1, $0xFFFFFFFF, v1  }
0x13c: {  	v42 =	vld [tilespmem:s21+$0x180];
	s4 =	sadd.s32 s4, s31;
	s9 =	sand.u32 $0x7, s26;
	v4 =	vsel vm0, v10, v34;
	[tilespmem:$0x1FC20] =	vst v1;
	v1 =	vsel vm1, v59, v2;
	v2 =	vsel vm1, v2, v59  }
0x13d: {  	[tilespmem:$0x1FC00] =	vst v15;
	s1 =	sadd.s32 $0x2, s1;
	s21 =	sor.u32 $0x200, s4;
	s7 =	sshll.u32 s9, $0x4;
	vm1 =	vgt.f32 v13, v4;
	v0 =	vmax.f32 v0, v2;
	vm0 =	vgt.f32 v3, v1  }
0x13e: {  	s9 =	sand.u32 $0x3, s1;
	v62 =	vld [tilespmem:s21+$0x2000];
	s3 =	sadd.s32 s0, s7;
	[tilespmem:$0x1FD30] =	vst v0;
	v0 =	vimm.s32 $0x0;
	v22 =	vsel vm0, v3, v1;
	v1 =	vsel vm0, v1, v3  }
0x13f: {  	v43 =	vld [tilespmem:s17+$0x180];
	vm2 =	vgt.f32 v39, v20;
	s7 =	sshll.u32 s9, $0x5;
	s9 =	sadd.s32 $0x10, s3;
	v0 =	vsel vm1, $0xFFFFFFFF, v0;
	[tilespmem:$0x1FD50] =	vst v1;
	v1 =	vimm.s32 $0x0  }
0x140: {  	v38 =	vld [tilespmem:s17+$0x100];
	v45 =	vsel vm2, v39, v20;
	s21 =	sor.u32 $0x200, s9;
	[tilespmem:$0x1FBE0] =	vst v0;
	v0 =	vimm.s32 $0x0;
	v1 =	vsel vm2, $0xFFFFFFFF, v1  }
0x141: {  	v8 =	vmovc v9;
	v63 =	vld [tilespmem:s21+$0x2000];
	v0 =	vsel vm0, $0xFFFFFFFF, v0;
	[tilespmem:$0x1FB40] =	vst v1;
	vm0 =	vgt.f32 v42, v12;
	v1 =	vimm.s32 $0x0  }
0x142: {  	v44 =	vld [tilespmem:s20+$0x100];
	[tilespmem:$0x1FD10] =	vst v8;
	v8 =	vsel vm12, v57, v18;
	v2 =	vsel vm1, v13, v4;
	v1 =	vsel vm0, $0xFFFFFFFF, v1  }
0x143: {  	s21 =	sor.u32 $0x280, s4;
	s4 =	sor.u32 $0x300, s4;
	v54 =	vld [tilespmem:s20+$0x180];
	vm1 =	vgt.f32 v62, v52;
	v49 =	vsel vm0, v42, v12;
	[tilespmem:$0x1FB80] =	vst v1;
	v1 =	vimm.s32 $0x0  }
0x144: {  	v15 =	vld [tilespmem:s4+$0x2000];
	[tilespmem:$0x1FD40] =	vst v4;
	v4 =	vimm.s32 $0x0;
	vm2 =	vgt.f32 v43, v49;
	v1 =	vsel vm1, $0xFFFFFFFF, v1  }
0x145: {  	vm13 =	vgt.f32 v55, v8;
	v4 =	vsel vm2, $0xFFFFFFFF, v4;
	[tilespmem:$0x1FB70] =	vst v1;
	v1 =	vsel vm1, v62, v52  }
0x146: {  	v59 =	vld [tilespmem:s19+$0x180];
	vm0 =	vgt.f32 v38, v45;
	[tilespmem:$0x1FBA0] =	vst v4;
	v4 =	vimm.s32 $0x0;
	vm1 =	vgt.f32 v63, v1  }
0x147: {  	v41 =	vld [tilespmem:s19+$0x100];
	s0 =	sadd.s32 s0, s7;
	v48 =	vsel vm0, v38, v45;
	v60 =	vsel vm2, v43, v49;
	v4 =	vsel vm1, $0xFFFFFFFF, v4  }
0x148: {  	v19 =	vmovc v36;
	s0 =	sadd.s32 $0x20, s0;
	v3 =	vld [tilespmem:s21+$0x2000];
	v16 =	vsel vm1, v63, v1;
	vm1 =	vgt.f32 v44, v48;
	[tilespmem:$0x1FC70] =	vst v4;
	v4 =	vimm.s32 $0x0  }
0x149: {  	s17 =	sor.u32 $0x200, s0;
	vm8 =	vgt.f32 v15, v19;
	[tilespmem:$0x1FC30] =	vst v0;
	vm2 =	vgt.f32 v54, v60;
	v4 =	vsel vm1, $0xFFFFFFFF, v4  }
0x14a: {  	v0 =	vld [tilespmem:s17+$0x2000];
	s17 =	sor.u32 $0x300, s9;
	v52 =	vsel vm13, v55, v8;
	v61 =	vsel vm2, v54, v60;
	[tilespmem:$0x1FD70] =	vst v4;
	v4 =	vimm.s32 $0x0  }
0x14b: {  	v20 =	vld [tilespmem:s17+$0x2000];
	v8 =	vsel vm13, v8, v55;
	vm4 =	vgt.f32 v59, v61;
	v4 =	vsel vm2, $0xFFFFFFFF, v4  }
0x14c: {  	v55 =	vld [tilespmem:$0x1FB50];
	v58 =	vsel vm1, v44, v48;
	v12 =	vsel vm4, v59, v61;
	[tilespmem:$0x1FD80] =	vst v4;
	v4 =	vimm.s32 $0x0  }
0x14d: {  	vm2 =	vgt.f32 v41, v58;
	v4 =	vsel vm4, $0xFFFFFFFF, v4;
	vm4 =	vgt.f32 v3, v56  }
0x14e: {  	[tilespmem:$0x1FCB0] =	vst v4;
	v4 =	vimm.s32 $0x0;
	v33 =	vsel vm4, v3, v56;
	v56 =	vsel vm12, v46, v57;
	v46 =	vld [tilespmem:$0x1FD60]  }
0x14f: {  	v50 =	vsel vm8, v15, v19;
	vm14 =	vgt.f32 v53, v52;
	v57 =	vld [tilespmem:$0x1FB40];
	v4 =	vsel vm2, $0xFFFFFFFF, v4  }
0x150: {  	v19 =	vsel vm14, v53, v52;
	v52 =	vsel vm14, v52, v53;
	[tilespmem:$0x1FD90] =	vst v4;
	v4 =	vsel vm2, v41, v58  }
0x151: {  	s19 =	sor.u32 $0x280, s0;
	s0 =	sor.u32 $0x300, s0;
	vm9 =	vgt.f32 v20, v50;
	vm15 =	vgt.f32 v51, v19;
	v55 =	vmax.f32 v55, v56;
	v56 =	vld [tilespmem:$0x1FB60]  }
0x152: {  	v31 =	vmovc v27;
	s3 =	sadd.s32 $0x30, s3;
	v11 =	vld [tilespmem:s0+$0x2000];
	v26 =	vsel vm9, v20, v50;
	v27 =	vsel vm15, v51, v19;
	v19 =	vsel vm15, v19, v51  }
0x153: {  	s21 =	sor.u32 $0x300, s3;
	v51 =	vsel vm9, v50, v20;
	v20 =	vmovc v4;
	v53 =	vsel vm12, v30, v46;
	v4 =	vmov v10;
	v10 =	vld [tilespmem:$0x1FBC0]  }
0x154: {  	v6 =	vld [tilespmem:s21+$0x2000];
	vm12 =	vnez.u8 v57;
	v57 =	vsel vm13, v35, v53  }
0x155: {  	s7 =	sor.u32 $0x280, s9;
	v46 =	vsel vm14, v5, v57;
	v57 =	vld [tilespmem:$0x1FB80]  }
0x156: {  	v37 =	vmov v17;
	v17 =	vld [tilespmem:s7+$0x2000];
	v15 =	vsel vm8, v56, v15  }
0x157: {  	vm10 =	vgt.f32 v11, v26;
	v15 =	vmax.f32 v24, v15;
	v24 =	vld [tilespmem:$0x1FBA0]  }
0x158: {  	v18 =	vsel vm10, v11, v26;
	v8 =	vmax.f32 v55, v8;
	v3 =	vsel vm4, v10, v3;
	v10 =	vld [tilespmem:$0x1FBD0]  }
0x159: {  	s20 =	sor.u32 $0x200, s3;
	v23 =	vld [tilespmem:s19+$0x2000];
	v11 =	vsel vm10, v26, v11;
	vm11 =	vgt.f32 v6, v18;
	v8 =	vmax.f32 v8, v52  }
0x15a: {  	[tilespmem:$0x1FFF0] =	vst v2;
	v2 =	vld [tilespmem:s20+$0x2000];
	s20 =	sor.u32 $0x280, s3;
	vm14 =	vnez.u8 v57;
	v57 =	vmax.f32 v8, v19;
	v8 =	vmax.f32 v15, v51  }
0x15b: {  	v9 =	vld [tilespmem:s20+$0x2000];
	v36 =	vsel vm11, v6, v18;
	v6 =	vsel vm11, v18, v6;
	v8 =	vmax.f32 v8, v11  }
0x15c: {  	v46 =	vsel vm15, v31, v46;
	vm15 =	vnez.u8 v24;
	v24 =	vmax.f32 v8, v6;
	v6 =	vld [tilespmem:$0x1FC00]  }
0x15d: {  	vm5 =	vgt.f32 v17, v33;
	v15 =	vsel vm8, v30, v10;
	v10 =	vld [tilespmem:$0x1FBE0]  }
0x15e: {  	v25 =	vsel vm5, v17, v33;
	v15 =	vsel vm9, v35, v15  }
0x15f: {  	vm6 =	vgt.f32 v23, v25;
	v8 =	vsel vm10, v5, v15  }
0x160: {  	v7 =	vsel vm6, v23, v25;
	v55 =	vsel vm11, v31, v8;
	v8 =	vld [tilespmem:$0x1FC30]  }
0x161: {  	vm7 =	vgt.f32 v9, v7;
	v56 =	vld [tilespmem:$0x1FB70];
	v11 =	vsel vm5, v33, v17;
	v3 =	vmax.f32 v6, v3  }
0x162: {  	v6 =	vsel vm6, v25, v23;
	vm8 =	vnez.u8 v10;
	v10 =	vld [tilespmem:$0x1FC20];
	v3 =	vmax.f32 v3, v11  }
0x163: {  	v29 =	vsel vm7, v9, v7;
	v7 =	vsel vm7, v7, v9;
	v3 =	vmax.f32 v3, v6;
	v6 =	vld [tilespmem:$0x1FC70]  }
0x164: {  	v15 =	vmax.f32 v3, v7;
	v3 =	vld [tilespmem:$0x1FC90]  }
0x165: {  	vm3 =	vgt.f32 v0, v16;
	vm11 =	vnez.u8 v8;
	v8 =	vld [tilespmem:$0x1FC40]  }
0x166: {  	v21 =	vsel vm3, v0, v16;
	v7 =	vld [tilespmem:$0x1FCB0]  }
0x167: {  	vm1 =	vgt.f32 v2, v21  }
0x168: {  	v40 =	vsel vm1, v2, v21;
	v26 =	vmovc v14;
	v14 =	vld [tilespmem:$0x1FBB0];
	vm13 =	vmmov vm0;
	v9 =	vsel vm4, v30, v37  }
0x169: {  	vm0 =	vnez.u8 v56;
	vm10 =	vnez.u8 v10;
	v10 =	vld [tilespmem:$0x1FC50];
	vm9 =	vnez.u8 v6  }
0x16a: {  	v6 =	vsel vm5, v35, v9;
	v9 =	vld [tilespmem:$0x1FC80];
	vm2 =	vmmov vm9;
	v8 =	vsel vm0, v8, v62  }
0x16b: {  	s28 =	sadd.s32 $0x4, s28;
	v1 =	vsel vm9, v1, v63;
	vm9 =	vnez.u8 v7;
	v7 =	vld [tilespmem:$0x1FCC0];
	v3 =	vmax.f32 v3, v8  }
0x16c: {  	p1 =	slt.u32 s28, $0x3C;
	v50 =	vmov v47;
	v47 =	vmax.f32 v3, v1;
	v1 =	vld [tilespmem:$0x1FCD0]  }
.Ltmp1:
0x16d: {  	v52 =	vmov v40;
	v40 =	vmov v13;
	v13 =	vld [tilespmem:$0x1FB90];
	(pc) =	sbr.rel @p1 .LBB2_5-.Ltmp1, $4  }
0x16e: {  	v37 =	vld [tilespmem:$0x1FC60]  }
0x16f: {  	v0 =	vsel vm3, v16, v0;
	[tilespmem:$0x1FD60] =	vst v46;
	v46 =	vsel vm1, v21, v2;
	v33 =	vld [tilespmem:$0x1FBF0];
	v6 =	vsel vm6, v5, v6  }
0x170: {  	v25 =	vld [tilespmem:$0x1FC10];
	v62 =	vlaneseq.u32;
	v17 =	vsel vm7, v31, v6;
	vm4 =	vnez.u8 v10  }
0x171: {  	s29 =	sadd.s32 $0x200, s29;
	s30 =	sadd.s32 $0x40, s30;
	v56 =	vmovc v29;
	v29 =	vmovc v22;
	v8 =	vld [tilespmem:$0x1FCA0];
	vm5 =	vnez.u8 v9;
	vm6 =	vnez.u8 v7;
	vm7 =	vnez.u8 v1  }
0x172: {  	v10 =	vld [tilespmem:$0x1FD20];
	_ =	sdelay $0x2  }
0x173: {  	v3 =	vld [tilespmem:$0x1FCE0]  }
0x174: {  	v1 =	vsel vm0, v30, v8;
	v8 =	vsel vm12, v30, v25  }
0x175: {  	v11 =	vsel vm13, v45, v38;
	v8 =	vsel vm13, v35, v8;
	vm13 =	vnez.u8 v10;
	v10 =	vld [tilespmem:$0x1FD70]  }
0x176: {  	v6 =	vld [tilespmem:$0x1FD80];
	_ =	sdelay $0x1  }
0x177: {  	v2 =	vsel vm14, v14, v42;
	v1 =	vsel vm2, v35, v1;
	v3 =	vsel vm14, v30, v3  }
0x178: {  	v9 =	vsel vm7, v30, v37;
	v1 =	vsel vm3, v5, v1;
	v3 =	vsel vm15, v35, v3  }
0x179: {  	v9 =	vsel vm13, v35, v9;
	v22 =	vsel vm1, v31, v1;
	vm14 =	vnez.u8 v10;
	v10 =	vld [tilespmem:$0x1FD90]  }
0x17a: {  	v1 =	vsel vm15, v49, v43;
	vm15 =	vnez.u8 v6;
	v9 =	vsel vm10, v5, v9  }
0x17b: {  	v6 =	vsel vm15, v60, v54;
	v54 =	vsel vm11, v31, v9;
	v9 =	vld [tilespmem:$0x1FD00];
	_ =	sdelay $0x1  }
0x17c: {  	v7 =	vsel vm9, v61, v59;
	v0 =	vmax.f32 v47, v0  }
0x17d: {  	v3 =	vsel vm15, v5, v3;
	v8 =	vsel vm14, v5, v8;
	vm15 =	vnez.u8 v10  }
0x17e: {  	v63 =	vsel vm9, v31, v3;
	v3 =	vsel vm12, v13, v39;
	v61 =	vsel vm15, v31, v8;
	v8 =	vld [tilespmem:$0x1FD10]  }
0x17f: {  	v13 =	vmax.f32 v0, v46;
	v0 =	vmax.f32 v33, v2;
	v2 =	vld [tilespmem:$0x1FCF0];
	v9 =	vsel vm4, v30, v9  }
0x180: {  	v9 =	vsel vm5, v35, v9  }
0x181: {  	v0 =	vmax.f32 v0, v1;
	v5 =	vsel vm6, v5, v9;
	v9 =	vld [tilespmem:$0x1FD40]  }
0x182: {  	v16 =	vsel vm5, v32, v28;
	s24 =	sadd.s32 $0x1, s24;
	v1 =	vmax.f32 v50, v3;
	v3 =	vld [tilespmem:$0x1FD50];
	v0 =	vmax.f32 v0, v6  }
0x183: {  	p0 =	sne.s32 s24, $0xE;
	v59 =	vsel vm8, v31, v5;
	v5 =	vmax.f32 v0, v7;
	v0 =	vld [tilespmem:$0x1FD30];
	v8 =	vsel vm4, v8, v26  }
.Ltmp2:
0x184: {  	v14 =	vsel vm14, v48, v44;
	v1 =	vmax.f32 v1, v11;
	v2 =	vmax.f32 v2, v8;
	(pc) =	sbr.rel @p0 .LBB2_2-.Ltmp2, $4  }
0x185: {  	v4 =	vsel vm6, v34, v4;
	v1 =	vmax.f32 v1, v14;
	v2 =	vmax.f32 v2, v16  }
0x186: {  	s0 =	sadd.s32 s25, s6;
	v10 =	vsel vm15, v58, v41;
	v9 =	vsel vm8, v9, v40;
	v2 =	vmax.f32 v2, v4  }
0x187: {  	[tilespmem:s14], [sflag:$0x2] =	stream.linear.gather [hbm4b:s0+s2], $0x2000, $0x38;
	v6 =	vmax.f32 v1, v10;
	v1 =	vmax.f32 v2, v9;
	[tilespmem:$0x6000] =	vst v63  }
0x188: {  	s23 =	sadd.s32 $0x800, s23;
	v53 =	vmovc v12;
	v18 =	vmovc v24;
	v19 =	vmov v27;
	v11 =	vld [tilespmem:$0x1FD60];
	v0 =	vmax.f32 v0, v3;
	v16 =	vmov v36;
	[tilespmem:$0x1FFE0] =	vst v1  }
0x189: {  	_ =	swait.ge [sflag:s15], $0x2000;
	s19 =	simm.s32 $0x0  }
0x18a: {  	s20 =	simm.s32 $0x30;
	s17 =	simm.s32 $0x20;
	s23 =	simm.s32 $0x0  }
0x18b: {  	[sflag:s15] =	ssyncset.done $0x0;
	s3 =	sand.u32 $0x1C00, s19;
	s4 =	sand.u32 $0x40, s23  }
0x18c: {  	s7 =	simm.s32 $0x10;
	v7 =	vld [tilespmem:$0x1FFF0];
	[sflag:s15] =	ssyncadd.s32 $0xFFFFE000;
	s4 =	sor.u32 s4, s3  }
0x18d: {  	s0 =	sand.u32 $0x70, s20;
	s30 =	sand.u32 $0x60, s17;
	s9 =	sand.u32 $0x50, s7;
	v31 =	vld [tilespmem:s4+$0x0]  }
0x18e: {  	s1 =	sor.u32 s0, s3;
	s0 =	sor.u32 s30, s3;
	s3 =	sor.u32 s9, s3;
	v2 =	vld [tilespmem:s4+$0x80]  }
0x18f: {  	v32 =	vld [tilespmem:s3+$0x0]  }
0x190: {  	v46 =	vld [tilespmem:s4+$0x180]  }
0x191: {  	s31 =	sadd.s32 $0x0, s13;
	v3 =	vld [tilespmem:s3+$0x80]  }
0x192: {  	v50 =	vimm.s32 $0x0;
	v51 =	vimm.s32 $0x0;
	s21 =	sadd.s32 $0x7030, s31;
	s25 =	sadd.s32 $0x7010, s31;
	s26 =	sadd.s32 $0x7020, s31;
	v28 =	vld [tilespmem:s0+$0x0]  }
0x193: {  	p0 =	por $0x0, $0x0;
	s24 =	simm.s32 $0x1;
	v26 =	vor.u32 s21, v62;
	v30 =	vor.u32 s25, v62;
	v27 =	vor.u32 s26, v62;
	s9 =	sadd.s32 $0x7000, s31;
	v4 =	vld [tilespmem:s0+$0x80]  }
0x194: {  	s24 =	simm.s32 @!p0 $0x0;
	v25 =	vld [tilespmem:s1+$0x0];
	v35 =	vor.u32 s9, v62;
	vm4 =	vgt.f32 v31, v7;
	vm8 =	vgt.f32 v2, v29  }
0x195: {  	s25 =	sshll.u32 s24, $0x6;
	v1 =	vld [tilespmem:s1+$0x80];
	vm14 =	vgt.f32 v46, v53;
	v41 =	vsel vm4, v31, v7;
	v9 =	vsel vm8, v2, v29  }
0x196: {  	v33 =	vld [tilespmem:s3+$0x100];
	s24 =	sadd.s32 $0x0, s25;
	v2 =	vsel vm8, v29, v2;
	vm5 =	vgt.f32 v32, v41;
	vm9 =	vgt.f32 v3, v9  }
0x197: {  	s29 =	sor.u32 s23, s19;
	v34 =	vld [tilespmem:s4+$0x100];
	s26 =	sor.u32 $0x200, s24;
	v2 =	vmax.f32 v0, v2;
	v42 =	vsel vm5, v32, v41;
	v10 =	vsel vm9, v3, v9  }
0x198: {  	s4 =	sor.u32 $0x380, s29;
	v0 =	vld [tilespmem:s26+$0x0];
	v3 =	vsel vm9, v9, v3;
	vm6 =	vgt.f32 v28, v42;
	vm11 =	vgt.f32 v4, v10  }
0x199: {  	v2 =	vmax.f32 v2, v3;
	v3 =	vld [tilespmem:s4+$0x0];
	v43 =	vsel vm6, v28, v42;
	v36 =	vsel vm11, v4, v10  }
0x19a: {  	v47 =	vld [tilespmem:s3+$0x180];
	v4 =	vsel vm11, v10, v4;
	vm7 =	vgt.f32 v25, v43;
	vm0 =	vgt.f32 v1, v36  }
0x19b: {  	s30 =	sor.u32 s7, s19;
	s31 =	sand.u32 $0x7, s23;
	v21 =	vld [tilespmem:s0+$0x100];
	s9 =	sor.u32 $0x300, s24;
	v24 =	vmax.f32 v2, v4;
	v49 =	vsel vm7, v25, v43;
	v45 =	vsel vm0, v1, v36  }
0x19c: {  	s3 =	sor.u32 $0x380, s30;
	s7 =	sshll.u32 s31, $0x4;
	v2 =	vld [tilespmem:s9+$0x0];
	v4 =	vsel vm0, $0xFFFFFFFF, v50;
	v40 =	vsel vm0, v36, v1;
	vm0 =	vgt.f32 v34, v20  }
0x19d: {  	v37 =	vmovc v5;
	s17 =	sor.u32 s17, s19;
	v38 =	vld [tilespmem:s3+$0x0];
	s4 =	sadd.s32 $0x0, s7;
	vm3 =	vgt.f32 v0, v52;
	v5 =	vsel vm0, $0xFFFFFFFF, v51;
	v48 =	vsel vm0, v34, v20  }
0x19e: {  	s21 =	sor.u32 $0x380, s17;
	s25 =	sadd.s32 $0x10, s4;
	v51 =	vsel vm14, v46, v53;
	[tilespmem:$0x1FAB0] =	vst v5;
	vm0 =	vgt.f32 v3, v19;
	v5 =	vsel vm3, v0, v52  }
0x19f: {  	s30 =	sand.u32 $0x3, s23;
	s26 =	sor.u32 $0x200, s25;
	v1 =	vld [tilespmem:s21+$0x0];
	vm13 =	vgt.f32 v33, v48;
	vm15 =	vgt.f32 v47, v51;
	v0 =	vsel vm3, v52, v0  }
0x1a0: {  	s29 =	sor.u32 s20, s19;
	s17 =	sshll.u32 s30, $0x5;
	s31 =	sor.u32 $0x300, s25;
	[tilespmem:$0x1FAA0] =	vst v4;
	v4 =	vld [tilespmem:s26+$0x0];
	v52 =	vimm.s32 $0x0;
	v8 =	vsel vm0, v3, v19;
	v3 =	vsel vm0, v19, v3  }
0x1a1: {  	s19 =	sadd.s32 $0x0, s17;
	s9 =	sor.u32 $0x380, s29;
	v7 =	vld [tilespmem:s31+$0x0];
	v11 =	vsel vm0, v35, v11;
	v50 =	vsel vm13, v33, v48;
	vm1 =	vgt.f32 v2, v16  }
0x1a2: {  	s17 =	sadd.s32 $0x20, s19;
	v9 =	vld [tilespmem:s9+$0x0];
	vm2 =	vgt.f32 v38, v8;
	v3 =	vmax.f32 v57, v3;
	vm12 =	vgt.f32 v21, v50  }
0x1a3: {  	s3 =	sor.u32 $0x300, s17;
	v29 =	vmovc v6;
	v10 =	vsel vm2, v38, v8;
	v6 =	vsel vm2, v8, v38;
	v58 =	vsel vm2, v30, v11  }
0x1a4: {  	v60 =	vld [tilespmem:s3+$0x0];
	s21 =	sor.u32 $0x280, s24;
	v14 =	vsel vm1, v2, v16;
	v2 =	vsel vm1, v16, v2;
	v16 =	vsel vm1, v35, v55  }
0x1a5: {  	v44 =	vld [tilespmem:s21+$0x0];
	vm0 =	vgt.f32 v1, v10;
	vm2 =	vgt.f32 v4, v5;
	v3 =	vmax.f32 v3, v6  }
0x1a6: {  	s20 =	sadd.s32 $0x30, s4;
	v2 =	vmax.f32 v18, v2;
	v19 =	vsel vm0, v1, v10;
	v1 =	vsel vm0, v10, v1  }
0x1a7: {  	s24 =	sor.u32 $0x300, s20;
	v8 =	vsel vm0, v27, v58;
	vm0 =	vgt.f32 v7, v14;
	vm1 =	vgt.f32 v9, v19  }
0x1a8: {  	v12 =	vmovc v17;
	v17 =	vld [tilespmem:s24+$0x0];
	v55 =	vsel vm0, v7, v14;
	v7 =	vsel vm0, v14, v7;
	v16 =	vsel vm0, v30, v16  }
0x1a9: {  	s25 =	sor.u32 $0x280, s25;
	v1 =	vmax.f32 v3, v1;
	v38 =	vsel vm1, v9, v19;
	v9 =	vsel vm1, v19, v9  }
0x1aa: {  	v19 =	vld [tilespmem:s25+$0x0];
	vm0 =	vgt.f32 v60, v55;
	v8 =	vsel vm1, v26, v8;
	vm1 =	vgt.f32 v44, v56  }
0x1ab: {  	s26 =	sor.u32 $0x280, s17;
	v2 =	vmax.f32 v2, v7;
	v3 =	vsel vm0, v60, v55;
	v6 =	vsel vm0, v55, v60  }
0x1ac: {  	v11 =	vld [tilespmem:s26+$0x0];
	v57 =	vsel vm0, v27, v16;
	v60 =	vmax.f32 v1, v9;
	v58 =	vsel vm1, v44, v56  }
0x1ad: {  	s29 =	sor.u32 $0x280, s20;
	v39 =	vsel vm1, v56, v44;
	v44 =	vsel vm1, v35, v12;
	vm0 =	vgt.f32 v17, v3  }
0x1ae: {  	v1 =	vld [tilespmem:s29+$0x0];
	v56 =	vsel vm12, v21, v50;
	v2 =	vmax.f32 v2, v6;
	v14 =	vsel vm0, v17, v3  }
0x1af: {  	[tilespmem:$0x1FAC0] =	vst v8;
	v3 =	vsel vm0, v3, v17;
	v8 =	vsel vm0, v26, v57;
	vm0 =	vgt.f32 v19, v58  }
0x1b0: {  	[tilespmem:$0x1FA90] =	vst v49;
	v49 =	vld [tilespmem:s0+$0x180];
	v55 =	vmax.f32 v2, v3;
	v3 =	vmax.f32 v15, v39;
	v36 =	vsel vm0, v19, v58  }
0x1b1: {  	v57 =	vsel vm0, v58, v19;
	v2 =	vsel vm0, v30, v44;
	vm1 =	vgt.f32 v11, v36  }
0x1b2: {  	v19 =	vld [tilespmem:s1+$0x100];
	v44 =	vsel vm2, v4, v5;
	v3 =	vmax.f32 v3, v57;
	v58 =	vsel vm1, v11, v36  }
0x1b3: {  	v57 =	vsel vm15, v47, v51;
	v7 =	vsel vm1, v36, v11;
	vm0 =	vgt.f32 v1, v58  }
0x1b4: {  	v23 =	vld [tilespmem:s1+$0x180];
	v3 =	vmax.f32 v3, v7;
	v36 =	vsel vm0, v1, v58;
	v1 =	vsel vm0, v58, v1  }
0x1b5: {  	v2 =	vsel vm1, v27, v2;
	vm1 =	vgt.f32 v49, v57;
	v1 =	vmax.f32 v3, v1  }
0x1b6: {  	v2 =	vsel vm0, v26, v2;
	v58 =	vsel vm1, v49, v57;
	[tilespmem:$0x1FAF0] =	vst v1;
	v1 =	vimm.s32 $0x0  }
0x1b7: {  	[tilespmem:$0x1FAE0] =	vst v2;
	v2 =	vsel vm2, v5, v4;
	v1 =	vsel vm1, $0xFFFFFFFF, v1;
	vm1 =	vgt.f32 v19, v56  }
0x1b8: {  	[tilespmem:$0x1FB00] =	vst v1;
	v1 =	vmax.f32 v13, v0;
	v4 =	vsel vm1, $0xFFFFFFFF, v52;
	v13 =	vsel vm1, v19, v56  }
0x1b9: {  	vm1 =	vgt.f32 v23, v58;
	v52 =	vmax.f32 v1, v2;
	v1 =	vimm.s32 $0x0  }
0x1ba: {  	s30 =	sor.u32 $0x200, s17;
	[tilespmem:$0x1FAD0] =	vst v8;
	v1 =	vsel vm1, $0xFFFFFFFF, v1  }
0x1bb: {  	v8 =	vld [tilespmem:s30+$0x0];
	[tilespmem:$0x1FB20] =	vst v1  }
0x1bc: {  	s31 =	sor.u32 $0x200, s20;
	v1 =	vld [tilespmem:$0x1FB20]  }
0x1bd: {  	v11 =	vld [tilespmem:s31+$0x0];
	_ =	sdelay $0x2  }
0x1be: {  	vm0 =	vmmov vm3;
	vm3 =	vmmov vm2;
	vm2 =	vgt.f32 v8, v44  }
0x1bf: {  	v3 =	vsel vm2, v8, v44;
	vm10 =	vnez.u8 v1  }
0x1c0: {  	s28 =	simm.s32 $0x0;
	s24 =	simm.s32 $0x0;
	[tilespmem:$0x1FB10] =	vst v4;
	vm1 =	vgt.f32 v11, v3;
	v1 =	vsel vm10, v23, v58  }
0x1c1: {  	s26 =	simm.s32 $0x40;
	s25 =	simm.s32 $0x230;
	s1 =	simm.s32 $0x0;
	v0 =	vsel vm2, v44, v8;
	v39 =	vsel vm1, v11, v3;
	v18 =	vsel vm1, v3, v11;
	[tilespmem:$0x1FB30] =	vst v1  }
.LBB2_8:
0x1c2: {  	v10 =	vld [tilespmem:$0x1FB30];
	_ =	sdelay $0x3  }
0x1c3: {  	v5 =	vmax.f32 v52, v0;
	v0 =	vmovc v39;
	v1 =	vsel vm14, v53, v46;
	v2 =	vsel vm0, v35, v22  }
0x1c4: {  	[tilespmem:$0x1FA10] =	vst v0;
	v3 =	vmov v10;
	v0 =	vmax.f32 v37, v1;
	v1 =	vld [tilespmem:$0x1FB00]  }
0x1c5: {  	[tilespmem:$0x1FE90] =	vst v3;
	v3 =	vsel vm15, v51, v47  }
0x1c6: {  	v7 =	vsel vm3, v30, v2;
	v9 =	vmax.f32 v0, v3;
	v3 =	vld [tilespmem:$0x1FB20];
	v2 =	vmov v14  }
0x1c7: {  	[tilespmem:$0x1F980] =	vst v2;
	v2 =	vld [tilespmem:$0x1FAB0];
	_ =	sdelay $0x1  }
0x1c8: {  	vm0 =	vnez.u8 v1  }
0x1c9: {  	v5 =	vmax.f32 v5, v18;
	v46 =	vsel vm14, v35, v63;
	v6 =	vsel vm0, v57, v49;
	v49 =	vld [tilespmem:$0x1FB10]  }
0x1ca: {  	v48 =	vsel vm13, v48, v33;
	[tilespmem:$0x1FA60] =	vst v5;
	v5 =	vsel vm15, v30, v46;
	v8 =	vsel vm2, v27, v7  }
0x1cb: {  	v44 =	vsel vm1, v26, v8;
	vm2 =	vnez.u8 v3;
	vm1 =	vnez.u8 v2  }
0x1cc: {  	s29 =	sadd.s32 $0xFFFFFFD0, s25;
	s0 =	sadd.s32 $0x30, s26;
	v0 =	vmovc v38;
	v47 =	vmax.f32 v9, v6;
	v3 =	vsel vm2, v58, v23;
	v2 =	vsel vm1, v20, v34  }
0x1cd: {  	s19 =	sand.u32 $0x1C00, s29;
	s3 =	sand.u32 $0x70, s0;
	[tilespmem:$0x1F970] =	vst v0;
	v3 =	vmax.f32 v47, v3;
	v0 =	vmax.f32 v29, v2;
	v2 =	vsel vm12, v50, v21  }
0x1ce: {  	s3 =	sor.u32 s3, s19;
	v1 =	vmovc v13;
	[tilespmem:$0x1FF30] =	vst v3;
	v3 =	vsel vm0, v27, v5;
	v0 =	vmax.f32 v0, v48;
	vm0 =	vnez.u8 v49  }
0x1cf: {  	[tilespmem:$0x1FE50] =	vst v1;
	v1 =	vld [tilespmem:s3+$0x100];
	v5 =	vsel vm0, v56, v19;
	v0 =	vmax.f32 v0, v2  }
0x1d0: {  	v34 =	vld [tilespmem:$0x1FAA0];
	v0 =	vmax.f32 v0, v5  }
0x1d1: {  	s0 =	sor.u32 s0, s29;
	[tilespmem:$0x1FF00] =	vst v0;
	v0 =	vld [tilespmem:$0x1FFF0]  }
0x1d2: {  	s0 =	sor.u32 $0x380, s0;
	v50 =	vsel vm1, v35, v61;
	v61 =	vld [tilespmem:$0x1FFE0]  }
0x1d3: {  	[tilespmem:$0x1F9A0] =	vst v55;
	s21 =	sand.u32 $0x40, s26;
	v55 =	vld [tilespmem:s0+$0x0]  }
0x1d4: {  	v52 =	vsel vm8, v35, v54;
	s20 =	sor.u32 s21, s19;
	v37 =	vld [tilespmem:s3+$0x0];
	v12 =	vsel vm13, v30, v50  }
0x1d5: {  	v53 =	vsel vm9, v30, v52;
	v63 =	vsel vm6, v42, v28;
	v58 =	vld [tilespmem:s20+$0x80];
	v11 =	vsel vm12, v27, v12  }
0x1d6: {  	v19 =	vmovc v1;
	v1 =	vsel vm5, v41, v32;
	v56 =	vld [tilespmem:$0x1FA90];
	v5 =	vsel vm11, v27, v53;
	v0 =	vsel vm4, v0, v31  }
0x1d7: {  	s4 =	sadd.s32 $0x20, s26;
	s0 =	sadd.s32 $0x10, s26;
	v54 =	vsel vm0, v26, v11;
	vm0 =	vnez.u8 v34;
	v31 =	vld [tilespmem:s20+$0x0];
	v0 =	vmax.f32 v61, v0  }
0x1d8: {  	s7 =	sand.u32 $0x60, s4;
	s30 =	sand.u32 $0x50, s0;
	v51 =	vld [tilespmem:s3+$0x80];
	v35 =	vsel vm4, v35, v59;
	v18 =	vsel vm0, v26, v5;
	v0 =	vmax.f32 v0, v1  }
0x1d9: {  	v23 =	vld [tilespmem:s3+$0x180];
	s3 =	sor.u32 s7, s19;
	s19 =	sor.u32 s30, s19;
	v5 =	vsel vm5, v30, v35;
	v1 =	vsel vm7, v43, v25;
	v0 =	vmax.f32 v0, v63  }
0x1da: {  	v32 =	vld [tilespmem:s19+$0x0];
	v5 =	vsel vm6, v27, v5;
	v0 =	vmax.f32 v0, v1  }
0x1db: {  	v3 =	vsel vm2, v26, v3;
	[tilespmem:$0x1FFE0] =	vst v0;
	v0 =	vsel vm7, v26, v5  }
0x1dc: {  	vm1 =	vgt.f32 v58, v45;
	v25 =	vmovc v37;
	v37 =	vld [tilespmem:s19+$0x80];
	vm0 =	vgt.f32 v31, v56;
	[tilespmem:$0x1FE80] =	vst v0;
	v0 =	vimm.s32 $0x0  }
0x1dd: {  	[tilespmem:$0x1FDA0] =	vst v3;
	v3 =	vld [tilespmem:s3+$0x0];
	v2 =	vmax.f32 v24, v40;
	v1 =	vsel vm1, v45, v58;
	v0 =	vsel vm0, $0xFFFFFFFF, v0  }
0x1de: {  	v1 =	vmax.f32 v2, v1;
	v41 =	vsel vm0, v31, v56;
	[tilespmem:$0x1FA20] =	vst v0;
	v0 =	vimm.s32 $0x0  }
0x1df: {  	v2 =	vimm.s32 $0x0;
	vm0 =	vgt.f32 v32, v41;
	v0 =	vsel vm1, $0xFFFFFFFF, v0  }
0x1e0: {  	s31 =	sadd.s32 s26, s13;
	v2 =	vsel vm0, $0xFFFFFFFF, v2;
	[tilespmem:$0x1F9E0] =	vst v0;
	v0 =	vsel vm1, v58, v45  }
0x1e1: {  	s17 =	sadd.s32 $0x7010, s31;
	v7 =	vld [tilespmem:s3+$0x80];
	[tilespmem:$0x1FA50] =	vst v2;
	v2 =	vimm.s32 $0x0;
	vm1 =	vgt.f32 v37, v0  }
0x1e2: {  	v53 =	vimm.s32 $0x0;
	v34 =	vld [tilespmem:s20+$0x100];
	v30 =	vor.u32 s17, v62;
	v28 =	vmovc v3;
	v2 =	vsel vm1, $0xFFFFFFFF, v2  }
0x1e3: {  	p0 =	por !p0, !p0;
	s4 =	sor.u32 s4, s29;
	s21 =	sadd.s32 $0x7020, s31;
	v42 =	vsel vm0, v32, v41;
	[tilespmem:$0x1F9F0] =	vst v2;
	v2 =	vsel vm1, v37, v0;
	v0 =	vsel vm1, v0, v37  }
0x1e4: {  	s30 =	sor.u32 $0x380, s4;
	s4 =	simm.s32 $0x1;
	s7 =	sadd.s32 $0x7000, s31;
	vm0 =	vgt.f32 v28, v42;
	v0 =	vmax.f32 v1, v0;
	v1 =	vimm.s32 $0x0  }
0x1e5: {  	s23 =	sadd.s32 $0x4, s23;
	s9 =	sadd.s32 $0x7030, s31;
	v46 =	vld [tilespmem:s20+$0x180];
	s4 =	simm.s32 @!p0 $0x0;
	v35 =	vor.u32 s7, v62;
	v27 =	vor.u32 s21, v62;
	v1 =	vsel vm0, $0xFFFFFFFF, v1  }
0x1e6: {  	s28 =	sadd.s32 $0x200, s28;
	s31 =	sand.u32 $0x7, s23;
	v21 =	vld [tilespmem:s3+$0x100];
	s4 =	sshll.u32 s4, $0x6;
	v3 =	vor.u32 s9, v62;
	vm1 =	vgt.f32 v7, v2;
	[tilespmem:$0x1FA70] =	vst v1;
	v1 =	vimm.s32 $0x0  }
0x1e7: {  	s1 =	sadd.s32 $0x2, s1;
	v49 =	vld [tilespmem:s3+$0x180];
	s3 =	sshll.u32 s31, $0x4;
	s17 =	sadd.s32 s4, s28;
	vm2 =	vgt.f32 v34, v13;
	v43 =	vsel vm0, v28, v42;
	v1 =	vsel vm1, $0xFFFFFFFF, v1  }
0x1e8: {  	v47 =	vld [tilespmem:s19+$0x180];
	s3 =	sadd.s32 s29, s3;
	s9 =	sand.u32 $0x3, s1;
	s20 =	sor.u32 $0x200, s17;
	vm0 =	vgt.f32 v25, v43;
	[tilespmem:$0x1FA00] =	vst v1;
	v1 =	vsel vm1, v7, v2;
	v2 =	vsel vm1, v2, v7  }
0x1e9: {  	s7 =	sadd.s32 $0x10, s3;
	s4 =	sshll.u32 s9, $0x5;
	v59 =	vld [tilespmem:s20+$0x0];
	v24 =	vmax.f32 v0, v2;
	v0 =	vimm.s32 $0x0;
	v2 =	vsel vm0, v25, v43  }
0x1ea: {  	s21 =	sor.u32 $0x200, s7;
	s4 =	sadd.s32 s29, s4;
	vm1 =	vgt.f32 v51, v1;
	v0 =	vsel vm0, $0xFFFFFFFF, v0;
	[tilespmem:$0x1FA90] =	vst v2;
	v2 =	vimm.s32 $0x0  }
0x1eb: {  	[tilespmem:$0x1FEE0] =	vst v54;
	v61 =	vld [tilespmem:s21+$0x0];
	s4 =	sadd.s32 $0x20, s4;
	v45 =	vsel vm1, v51, v1;
	v40 =	vsel vm1, v1, v51;
	v1 =	vimm.s32 $0x0  }
0x1ec: {  	v52 =	vmovc v60;
	v60 =	vld [tilespmem:s30+$0x0];
	s30 =	sor.u32 $0x200, s4;
	[tilespmem:$0x1FA80] =	vst v0;
	v2 =	vsel vm1, $0xFFFFFFFF, v2;
	v1 =	vsel vm2, $0xFFFFFFFF, v1;
	vm1 =	vgt.f32 v46, v10  }
0x1ed: {  	v48 =	vsel vm2, v34, v13;
	v0 =	vld [tilespmem:s30+$0x0];
	[tilespmem:$0x1FAB0] =	vst v1;
	v1 =	vimm.s32 $0x0;
	v51 =	vsel vm1, v46, v10  }
0x1ee: {  	s0 =	sor.u32 s0, s29;
	vm0 =	vgt.f32 v59, v39;
	[tilespmem:$0x1FAA0] =	vst v2;
	v1 =	vsel vm1, $0xFFFFFFFF, v1;
	vm2 =	vgt.f32 v47, v51  }
0x1ef: {  	s0 =	sor.u32 $0x380, s0;
	v33 =	vld [tilespmem:s19+$0x100];
	s29 =	sor.u32 s26, s29;
	v2 =	vsel vm0, v59, v39;
	[tilespmem:$0x1F990] =	vst v1;
	v1 =	vimm.s32 $0x0;
	v6 =	vsel vm2, $0xFFFFFFFF, v53  }
0x1f0: {  	v54 =	vimm.s32 $0x0;
	s9 =	sor.u32 $0x380, s29;
	v26 =	vmovc v3;
	v3 =	vld [tilespmem:s0+$0x0];
	vm1 =	vgt.f32 v61, v2;
	v1 =	vsel vm0, $0xFFFFFFFF, v1;
	[tilespmem:$0x1F9B0] =	vst v6  }
0x1f1: {  	s19 =	sor.u32 $0x300, s17;
	v7 =	vsel vm1, v61, v2;
	v6 =	vsel vm1, $0xFFFFFFFF, v54;
	[tilespmem:$0x1F9C0] =	vst v1;
	v1 =	vld [tilespmem:s9+$0x0]  }
0x1f2: {  	v57 =	vmov v56;
	v56 =	vimm.s32 $0x0;
	[tilespmem:$0x1FA30] =	vst v6;
	v6 =	vld [tilespmem:s19+$0x0];
	vm1 =	vgt.f32 v0, v7  }
0x1f3: {  	s21 =	sor.u32 $0x300, s7;
	v54 =	vld [tilespmem:$0x1F970];
	v9 =	vsel vm1, $0xFFFFFFFF, v56  }
0x1f4: {  	[tilespmem:$0x1FA40] =	vst v9;
	v9 =	vld [tilespmem:s21+$0x0];
	_ =	sdelay $0x1  }
0x1f5: {  	[tilespmem:$0x1FFF0] =	vst v57;
	v57 =	vsel vm2, v47, v51  }
0x1f6: {  	vm0 =	vgt.f32 v33, v48;
	vm8 =	vgt.f32 v6, v14;
	vm12 =	vgt.f32 v1, v38  }
0x1f7: {  	s31 =	sor.u32 $0x280, s17;
	v15 =	vsel vm8, v6, v14;
	v17 =	vsel vm12, v1, v38;
	v1 =	vsel vm12, v54, v1  }
0x1f8: {  	v5 =	vld [tilespmem:s31+$0x0];
	vm9 =	vgt.f32 v9, v15;
	vm13 =	vgt.f32 v3, v17;
	v1 =	vmax.f32 v52, v1  }
0x1f9: {  	v54 =	vmovc v18;
	v18 =	vld [tilespmem:$0x1FAC0];
	v29 =	vsel vm9, v9, v15;
	v37 =	vsel vm13, v3, v17;
	v3 =	vsel vm13, v17, v3  }
0x1fa: {  	vm14 =	vgt.f32 v60, v37;
	v1 =	vmax.f32 v1, v3;
	v3 =	vsel vm9, v15, v9;
	v15 =	vld [tilespmem:$0x1F990]  }
0x1fb: {  	s30 =	sor.u32 $0x300, s4;
	v50 =	vsel vm0, v33, v48;
	v53 =	vsel vm14, v60, v37;
	v17 =	vsel vm14, v37, v60;
	v60 =	vld [tilespmem:$0x1F980]  }
0x1fc: {  	s0 =	sadd.s32 $0x30, s3;
	v58 =	vimm.s32 $0x0;
	v62 =	vld [tilespmem:s30+$0x0];
	vm3 =	vgt.f32 v49, v57;
	vm2 =	vgt.f32 v21, v50  }
0x1fd: {  	v12 =	vimm.s32 $0x0;
	s3 =	sor.u32 $0x200, s0;
	s31 =	sor.u32 $0x280, s0;
	s0 =	sor.u32 $0x300, s0;
	v10 =	vsel vm3, $0xFFFFFFFF, v58;
	v56 =	vsel vm2, v21, v50  }
0x1fe: {  	v20 =	vld [tilespmem:s0+$0x0];
	v58 =	vsel vm3, v49, v57;
	vm4 =	vgt.f32 v19, v56;
	v18 =	vsel vm12, v35, v18  }
0x1ff: {  	vm5 =	vgt.f32 v23, v58;
	v12 =	vsel vm4, $0xFFFFFFFF, v12;
	v18 =	vsel vm13, v30, v18  }
0x200: {  	v6 =	vsel vm8, v60, v6;
	v60 =	vsel vm14, v27, v18;
	vm14 =	vnez.u8 v15;
	v15 =	vld [tilespmem:$0x1F9A0]  }
0x201: {  	[tilespmem:$0x1FE30] =	vst v44;
	s20 =	sor.u32 $0x280, s7;
	v13 =	vsel vm4, v19, v56;
	vm4 =	vgt.f32 v5, v36;
	vm10 =	vgt.f32 v62, v29  }
0x202: {  	v8 =	vld [tilespmem:s20+$0x0];
	[tilespmem:$0x1FB10] =	vst v12;
	v12 =	vimm.s32 $0x0;
	v44 =	vsel vm10, v62, v29;
	vm15 =	vgt.f32 v55, v53  }
0x203: {  	v4 =	vmovc v36;
	s29 =	sor.u32 $0x280, s4;
	vm11 =	vgt.f32 v20, v44;
	v38 =	vsel vm15, v55, v53;
	v37 =	vsel vm15, v53, v55;
	v55 =	vld [tilespmem:$0x1FAD0]  }
0x204: {  	[tilespmem:$0x1F9D0] =	vst v4;
	v11 =	vld [tilespmem:s29+$0x0];
	v12 =	vsel vm5, $0xFFFFFFFF, v12;
	v1 =	vmax.f32 v1, v17;
	v14 =	vsel vm11, v20, v44  }
0x205: {  	v52 =	vsel vm11, v44, v20;
	v53 =	vld [tilespmem:$0x1F9D0];
	v9 =	vsel vm15, v26, v60;
	v6 =	vmax.f32 v15, v6  }
0x206: {  	v44 =	vld [tilespmem:$0x1F9F0];
	v60 =	vmax.f32 v1, v37;
	v1 =	vmax.f32 v6, v3;
	v3 =	vsel vm10, v29, v62  }
0x207: {  	v16 =	vsel vm4, v5, v36;
	[tilespmem:$0x1FB20] =	vst v12;
	v12 =	vsel vm5, v23, v58;
	v15 =	vld [tilespmem:$0x1F9B0];
	v1 =	vmax.f32 v1, v3  }
0x208: {  	vm5 =	vgt.f32 v8, v16;
	[tilespmem:$0x1FAC0] =	vst v9;
	v9 =	vsel vm8, v35, v55;
	v55 =	vmax.f32 v1, v52;
	v1 =	vld [tilespmem:$0x1FAF0]  }
0x209: {  	v63 =	vld [tilespmem:s31+$0x0];
	v22 =	vsel vm5, v8, v16  }
0x20a: {  	v4 =	vld [tilespmem:s3+$0x0];
	vm6 =	vgt.f32 v11, v22  }
0x20b: {  	v3 =	vsel vm5, v16, v8;
	v8 =	vsel vm9, v30, v9;
	vm9 =	vnez.u8 v44;
	v44 =	vld [tilespmem:$0x1FAE0]  }
0x20c: {  	[tilespmem:$0x1FB30] =	vst v12;
	v12 =	vsel vm6, v11, v22;
	v5 =	vsel vm4, v53, v5;
	vm15 =	vnez.u8 v15;
	v15 =	vld [tilespmem:$0x1F9C0]  }
0x20d: {  	v52 =	vsel vm10, v27, v8;
	v1 =	vmax.f32 v1, v5;
	v5 =	vsel vm6, v22, v11;
	v11 =	vld [tilespmem:$0x1FA10]  }
0x20e: {  	vm7 =	vgt.f32 v63, v12;
	v6 =	vsel vm11, v26, v52;
	v52 =	vld [tilespmem:$0x1FA20];
	v1 =	vmax.f32 v1, v3  }
0x20f: {  	v20 =	vld [tilespmem:$0x1FE50];
	v3 =	vsel vm7, v12, v63;
	v1 =	vmax.f32 v1, v5  }
0x210: {  	v37 =	vld [tilespmem:$0x1FF30];
	v1 =	vmax.f32 v1, v3  }
0x211: {  	vm13 =	vmmov vm0;
	vm0 =	vnez.u8 v15;
	[tilespmem:$0x1FAF0] =	vst v1;
	v1 =	vld [tilespmem:$0x1FA60]  }
0x212: {  	[tilespmem:$0x1FAD0] =	vst v6;
	v8 =	vsel vm4, v35, v44;
	v6 =	vsel vm0, v11, v59;
	v11 =	vld [tilespmem:$0x1FA30]  }
0x213: {  	v44 =	vld [tilespmem:$0x1FA40];
	vm4 =	vnez.u8 v52;
	v52 =	vsel vm5, v30, v8  }
0x214: {  	v3 =	vsel vm6, v27, v52;
	v52 =	vld [tilespmem:$0x1FA70]  }
0x215: {  	v53 =	vld [tilespmem:$0x1FA00]  }
0x216: {  	v29 =	vld [tilespmem:$0x1FF00]  }
0x217: {  	vm12 =	vmmov vm2;
	v15 =	vld [tilespmem:$0x1F9E0];
	v1 =	vmax.f32 v1, v6;
	vm2 =	vnez.u8 v11  }
0x218: {  	s24 =	sadd.s32 $0x4, s24;
	vm3 =	vmmov vm2;
	v2 =	vsel vm2, v2, v61;
	vm2 =	vnez.u8 v44;
	v44 =	vld [tilespmem:$0x1FA50]  }
0x219: {  	p1 =	slt.u32 s24, $0x3C;
	vm6 =	vnez.u8 v52;
	v52 =	vmax.f32 v1, v2;
	v2 =	vld [tilespmem:$0x1FA80]  }
.Ltmp3:
0x21a: {  	[tilespmem:$0x1FB00] =	vst v10;
	v10 =	vsel vm1, v0, v7;
	vm11 =	vnez.u8 v53;
	v53 =	vld [tilespmem:$0x1FE90];
	(pc) =	sbr.rel @p1 .LBB2_8-.Ltmp3, $4  }
0x21b: {  	vm1 =	vgt.f32 v4, v10;
	v22 =	vld [tilespmem:$0x1FE30]  }
0x21c: {  	v39 =	vsel vm1, v4, v10;
	v36 =	vsel vm7, v63, v12;
	v18 =	vsel vm1, v10, v4;
	v63 =	vld [tilespmem:$0x1FDA0]  }
0x21d: {  	v62 =	vlaneseq.u32;
	v59 =	vld [tilespmem:$0x1FE80];
	vm8 =	vnez.u8 v15;
	v1 =	vsel vm7, v26, v3  }
0x21e: {  	s25 =	sadd.s32 $0x200, s25;
	s26 =	sadd.s32 $0x40, s26;
	v61 =	vld [tilespmem:$0x1FEE0];
	v0 =	vsel vm2, v7, v0;
	[tilespmem:$0x1FAE0] =	vst v1;
	vm5 =	vnez.u8 v44;
	vm7 =	vnez.u8 v2  }
0x21f: {  	_ = 	snop  }
0x220: {  	v1 =	vsel vm0, v35, v22  }
0x221: {  	v1 =	vsel vm3, v30, v1  }
0x222: {  	v0 =	vmax.f32 v52, v0;
	v1 =	vsel vm2, v27, v1  }
0x223: {  	v3 =	vmax.f32 v0, v18;
	v0 =	vld [tilespmem:$0x1FB00];
	_ =	swait.ge [sflag:s16], $0x2000;
	v6 =	vsel vm1, v26, v1;
	v1 =	vsel vm14, v53, v46  }
0x224: {  	v2 =	vsel vm15, v51, v47;
	v4 =	vld [tilespmem:$0x1FAB0];
	v1 =	vmax.f32 v37, v1  }
0x225: {  	v1 =	vmax.f32 v1, v2;
	v2 =	vld [tilespmem:$0x1FB20];
	_ =	sdelay $0x3  }
0x226: {  	vm0 =	vnez.u8 v0  }
0x227: {  	v0 =	vsel vm0, v57, v49;
	vm1 =	vnez.u8 v4;
	vm2 =	vnez.u8 v2  }
0x228: {  	v4 =	vsel vm1, v20, v34;
	v0 =	vmax.f32 v1, v0;
	v2 =	vsel vm2, v58, v23  }
0x229: {  	v1 =	vsel vm13, v48, v33;
	v33 =	vmax.f32 v0, v2;
	v0 =	vmax.f32 v29, v4  }
0x22a: {  	v0 =	vmax.f32 v0, v1;
	v1 =	vld [tilespmem:$0x1FB10];
	_ =	sdelay $0x2  }
0x22b: {  	v5 =	vsel vm14, v35, v63  }
0x22c: {  	v5 =	vsel vm15, v30, v5  }
0x22d: {  	v2 =	vsel vm12, v50, v21;
	v4 =	vsel vm0, v27, v5;
	vm0 =	vnez.u8 v1  }
0x22e: {  	v0 =	vmax.f32 v0, v2;
	v1 =	vsel vm0, v56, v19  }
0x22f: {  	v0 =	vmax.f32 v0, v1  }
0x230: {  	[tilespmem:$0x1F8E0] =	vst v0;
	v0 =	vld [tilespmem:$0x1FFF0]  }
0x231: {  	v5 =	vld [tilespmem:$0x1FFE0];
	_ =	sdelay $0x2  }
0x232: {  	s19 =	simm.s32 $0x0;
	s23 =	simm.s32 $0x0;
	v23 =	vsel vm2, v26, v4;
	v4 =	vsel vm1, v35, v61;
	v2 =	vsel vm8, v35, v54  }
0x233: {  	s4 =	sor.u32 s23, s19;
	[sflag:s16] =	ssyncset.done $0x0;
	v4 =	vsel vm13, v30, v4;
	v1 =	vsel vm9, v30, v2;
	v0 =	vsel vm4, v0, v31  }
0x234: {  	s3 =	sand.u32 $0x1C00, s19;
	s4 =	sor.u32 $0x380, s4;
	[sflag:s16] =	ssyncadd.s32 $0xFFFFE000;
	v2 =	vsel vm12, v27, v4;
	v4 =	vsel vm5, v41, v32;
	v0 =	vmax.f32 v5, v0  }
0x235: {  	s0 =	simm.s32 $0x10;
	v10 =	vsel vm6, v42, v28;
	s25 =	sand.u32 $0x40, s23;
	s3 =	sor.u32 $0x2000, s3;
	v16 =	vld [tilespmem:s4+$0x2000];
	v0 =	vmax.f32 v0, v4  }
0x236: {  	s24 =	simm.s32 $0x30;
	s1 =	sor.u32 s0, s19;
	s4 =	sor.u32 s25, s3;
	v0 =	vmax.f32 v0, v10;
	v10 =	vld [tilespmem:$0x1FAA0]  }
0x237: {  	s21 =	sand.u32 $0x70, s24;
	s0 =	sand.u32 $0x50, s0;
	s1 =	sor.u32 $0x380, s1;
	v17 =	vld [tilespmem:s4+$0x80]  }
0x238: {  	s26 =	simm.s32 $0x20;
	v12 =	vld [tilespmem:s1+$0x2000];
	s1 =	sor.u32 s21, s3;
	s21 =	sor.u32 s0, s3  }
0x239: {  	s30 =	sand.u32 $0x60, s26;
	v18 =	vsel vm4, v35, v59;
	v20 =	vld [tilespmem:s21+$0x80]  }
0x23a: {  	s0 =	sor.u32 s30, s3;
	v18 =	vsel vm5, v30, v18;
	v1 =	vsel vm11, v27, v1;
	v4 =	vsel vm7, v43, v25  }
0x23b: {  	v2 =	vsel vm0, v26, v2;
	vm0 =	vnez.u8 v10;
	v10 =	vmax.f32 v0, v4;
	v0 =	vld [tilespmem:s0+$0x80]  }
0x23c: {  	v8 =	vld [tilespmem:s4+$0x0];
	vm8 =	vgt.f32 v17, v45;
	v43 =	vsel vm0, v26, v1;
	v1 =	vsel vm6, v27, v18  }
0x23d: {  	v4 =	vld [tilespmem:s1+$0x80];
	v63 =	vsel vm7, v26, v1;
	v1 =	vsel vm8, v17, v45  }
0x23e: {  	v21 =	vld [tilespmem:$0x1FA90];
	vm10 =	vgt.f32 v20, v1  }
0x23f: {  	v15 =	vmax.f32 v24, v40;
	v17 =	vsel vm8, v45, v17;
	v18 =	vsel vm10, v20, v1  }
0x240: {  	p0 =	por $0x0, $0x0;
	s3 =	simm.s32 $0x1;
	v34 =	vld [tilespmem:s21+$0x0];
	v15 =	vmax.f32 v15, v17;
	v1 =	vsel vm10, v1, v20;
	vm11 =	vgt.f32 v0, v18  }
0x241: {  	v22 =	vld [tilespmem:s0+$0x0];
	s3 =	simm.s32 @!p0 $0x0;
	v1 =	vmax.f32 v15, v1;
	v15 =	vsel vm11, v0, v18;
	v0 =	vsel vm11, v18, v0  }
0x242: {  	v44 =	vld [tilespmem:s4+$0x100];
	s3 =	sshll.u32 s3, $0x6;
	v0 =	vmax.f32 v1, v0;
	vm0 =	vgt.f32 v4, v15;
	v1 =	vimm.s32 $0x0  }
0x243: {  	v46 =	vld [tilespmem:s4+$0x180];
	s20 =	sadd.s32 $0x0, s3;
	vm4 =	vgt.f32 v8, v21;
	v1 =	vsel vm0, $0xFFFFFFFF, v1  }
0x244: {  	s7 =	sadd.s32 $0x0, s13;
	s3 =	sor.u32 $0x200, s20;
	v41 =	vsel vm4, v8, v21;
	[tilespmem:$0x1F910] =	vst v1;
	v1 =	vld [tilespmem:$0x1FB30]  }
0x245: {  	s17 =	sadd.s32 $0x7410, s7;
	vm5 =	vgt.f32 v34, v41;
	v17 =	vld [tilespmem:s3+$0x2000]  }
0x246: {  	v11 =	vimm.s32 $0x0;
	s9 =	sadd.s32 $0x7430, s7;
	s31 =	sadd.s32 $0x7400, s7;
	v9 =	vor.u32 s17, v62;
	v40 =	vsel vm5, v34, v41  }
0x247: {  	s29 =	sadd.s32 $0x7420, s7;
	v19 =	vor.u32 s31, v62;
	[tilespmem:$0x1F8F0] =	vst v2;
	v2 =	vor.u32 s9, v62;
	v27 =	vld [tilespmem:s21+$0x100];
	vm6 =	vgt.f32 v22, v40  }
0x248: {  	s4 =	sand.u32 $0x7, s23;
	v47 =	vld [tilespmem:s21+$0x180];
	s7 =	sor.u32 $0x300, s20;
	v5 =	vor.u32 s29, v62;
	v42 =	vsel vm6, v22, v40;
	v35 =	vsel vm0, v4, v15  }
0x249: {  	s17 =	sor.u32 s26, s19;
	s3 =	sshll.u32 s4, $0x4;
	[tilespmem:$0x1F900] =	vst v0;
	v0 =	vld [tilespmem:s7+$0x2000];
	v45 =	vsel vm0, v15, v4;
	vm0 =	vgt.f32 v44, v13;
	vm14 =	vgt.f32 v46, v1  }
0x24a: {  	s29 =	sor.u32 s24, s19;
	s21 =	sor.u32 $0x380, s17;
	s3 =	sadd.s32 $0x0, s3;
	vm3 =	vgt.f32 v17, v39;
	v11 =	vsel vm0, $0xFFFFFFFF, v11;
	v50 =	vsel vm14, v46, v1;
	v1 =	vld [tilespmem:$0x1FAC0]  }
0x24b: {  	s30 =	sand.u32 $0x3, s23;
	s9 =	sor.u32 $0x380, s29;
	s25 =	sadd.s32 $0x10, s3;
	v4 =	vld [tilespmem:s21+$0x2000];
	v48 =	vsel vm0, v44, v13;
	vm0 =	vgt.f32 v16, v38;
	v32 =	vsel vm3, v17, v39  }
0x24c: {  	v29 =	vmovc v22;
	s17 =	sshll.u32 s30, $0x5;
	v22 =	vld [tilespmem:s9+$0x2000];
	s31 =	sor.u32 $0x300, s25;
	vm13 =	vgt.f32 v27, v48;
	v20 =	vsel vm0, v16, v38;
	v16 =	vsel vm0, v38, v16  }
0x24d: {  	s19 =	sadd.s32 $0x0, s17;
	s26 =	sor.u32 $0x200, s25;
	v18 =	vld [tilespmem:s31+$0x2000];
	vm2 =	vgt.f32 v12, v20;
	v16 =	vmax.f32 v60, v16;
	v49 =	vsel vm13, v27, v48  }
0x24e: {  	s17 =	sadd.s32 $0x20, s19;
	v15 =	vld [tilespmem:s26+$0x2000];
	v25 =	vsel vm2, v12, v20;
	v12 =	vsel vm2, v20, v12;
	vm1 =	vgt.f32 v0, v14  }
0x24f: {  	s4 =	sor.u32 $0x300, s17;
	v24 =	vsel vm1, v0, v14;
	v0 =	vsel vm1, v14, v0;
	v26 =	vsel vm0, v19, v1;
	v1 =	vld [tilespmem:$0x1FAD0]  }
0x250: {  	v28 =	vld [tilespmem:s4+$0x2000];
	s21 =	sor.u32 $0x280, s20;
	v12 =	vmax.f32 v16, v12;
	v0 =	vmax.f32 v55, v0;
	vm0 =	vgt.f32 v4, v25  }
0x251: {  	v37 =	vld [tilespmem:s21+$0x2000];
	[tilespmem:$0x1F930] =	vst v11;
	vm15 =	vgt.f32 v47, v50;
	v20 =	vsel vm2, v9, v26;
	v11 =	vsel vm0, v4, v25  }
0x252: {  	s3 =	sadd.s32 $0x30, s3;
	v4 =	vsel vm0, v25, v4;
	v20 =	vsel vm0, v5, v20;
	vm0 =	vgt.f32 v18, v24  }
0x253: {  	s24 =	sor.u32 $0x300, s3;
	vm2 =	vgt.f32 v15, v32;
	v4 =	vmax.f32 v12, v4;
	v16 =	vsel vm0, v18, v24  }
0x254: {  	v38 =	vld [tilespmem:s24+$0x2000];
	v25 =	vsel vm1, v19, v1;
	vm1 =	vgt.f32 v22, v11;
	v1 =	vsel vm0, v24, v18  }
0x255: {  	[tilespmem:$0x1F920] =	vst v13;
	s25 =	sor.u32 $0x280, s25;
	v13 =	vsel vm1, v22, v11;
	v22 =	vsel vm1, v11, v22;
	v18 =	vsel vm0, v9, v25  }
0x256: {  	v61 =	vld [tilespmem:s25+$0x2000];
	vm0 =	vgt.f32 v28, v16;
	v58 =	vsel vm1, v2, v20;
	vm1 =	vgt.f32 v37, v36  }
0x257: {  	s26 =	sor.u32 $0x280, s17;
	v0 =	vmax.f32 v0, v1;
	v1 =	vld [tilespmem:$0x1FAE0];
	v12 =	vsel vm0, v28, v16;
	v16 =	vsel vm0, v16, v28  }
0x258: {  	s29 =	sor.u32 $0x280, s3;
	v11 =	vld [tilespmem:s26+$0x2000];
	v20 =	vsel vm0, v5, v18;
	v53 =	vmax.f32 v4, v22;
	v22 =	vsel vm1, v37, v36  }
0x259: {  	v4 =	vld [tilespmem:s29+$0x2000];
	v37 =	vsel vm1, v36, v37;
	vm0 =	vgt.f32 v38, v12;
	v0 =	vmax.f32 v0, v16  }
0x25a: {  	v36 =	vld [tilespmem:s0+$0x100];
	v28 =	vsel vm0, v38, v12;
	v12 =	vsel vm0, v12, v38;
	v14 =	vsel vm0, v2, v20  }
0x25b: {  	vm0 =	vgt.f32 v61, v22;
	v38 =	vsel vm3, v39, v17;
	v39 =	vsel vm2, v15, v32  }
0x25c: {  	v15 =	vsel vm2, v32, v15;
	v20 =	vsel vm0, v61, v22;
	v24 =	vsel vm1, v19, v1;
	v1 =	vld [tilespmem:$0x1FAF0]  }
0x25d: {  	v60 =	vsel vm0, v22, v61;
	v22 =	vmax.f32 v0, v12;
	vm1 =	vgt.f32 v11, v20  }
0x25e: {  	v54 =	vld [tilespmem:s0+$0x180];
	v61 =	vsel vm1, v11, v20;
	v0 =	vsel vm0, v9, v24;
	v20 =	vsel vm1, v20, v11  }
0x25f: {  	vm12 =	vgt.f32 v36, v49;
	vm0 =	vgt.f32 v4, v61;
	v0 =	vsel vm1, v5, v0  }
0x260: {  	v24 =	vld [tilespmem:s1+$0x100];
	v56 =	vsel vm12, v36, v49;
	v57 =	vsel vm0, v4, v61;
	v4 =	vsel vm0, v61, v4  }
0x261: {  	v59 =	vld [tilespmem:s1+$0x180];
	s30 =	sor.u32 $0x200, s17;
	v55 =	vsel vm0, v2, v0;
	vm0 =	vmmov vm3;
	v12 =	vmax.f32 v1, v37  }
0x262: {  	vm3 =	vmmov vm2;
	v37 =	vld [tilespmem:s30+$0x2000];
	v12 =	vmax.f32 v12, v60;
	v60 =	vsel vm15, v47, v50  }
0x263: {  	s31 =	sor.u32 $0x200, s3;
	v0 =	vimm.s32 $0x0;
	v12 =	vmax.f32 v12, v20;
	vm1 =	vgt.f32 v54, v60  }
0x264: {  	v1 =	vld [tilespmem:s31+$0x2000];
	v31 =	vmax.f32 v12, v4;
	v0 =	vsel vm1, $0xFFFFFFFF, v0;
	v61 =	vsel vm1, v54, v60  }
0x265: {  	v4 =	vmax.f32 v3, v38;
	vm1 =	vgt.f32 v24, v56;
	v3 =	vimm.s32 $0x0  }
0x266: {  	v3 =	vsel vm1, $0xFFFFFFFF, v3;
	v38 =	vmax.f32 v4, v15;
	v4 =	vimm.s32 $0x0  }
0x267: {  	vm2 =	vgt.f32 v37, v39;
	[tilespmem:$0x1F950] =	vst v3;
	v3 =	vsel vm1, v24, v56;
	vm1 =	vgt.f32 v59, v61  }
0x268: {  	v12 =	vsel vm2, v37, v39;
	v4 =	vsel vm1, $0xFFFFFFFF, v4  }
0x269: {  	v7 =	vld [tilespmem:s1+$0x0];
	[tilespmem:$0x1F960] =	vst v4;
	vm1 =	vgt.f32 v1, v12  }
0x26a: {  	[tilespmem:$0x1F940] =	vst v0;
	v0 =	vsel vm2, v39, v37;
	v32 =	vsel vm1, v1, v12;
	v37 =	vsel vm1, v12, v1;
	v1 =	vld [tilespmem:$0x1F960];
	_ =	sdelay $0x4  }
0x26b: {  	s28 =	simm.s32 $0x0;
	vm7 =	vgt.f32 v7, v42;
	s25 =	simm.s32 $0x230;
	vm9 =	vnez.u8 v1  }
0x26c: {  	v52 =	vsel vm7, v7, v42;
	s24 =	simm.s32 $0x0;
	s26 =	simm.s32 $0x40;
	s1 =	simm.s32 $0x0;
	v4 =	vsel vm9, v59, v61  }
.LBB2_10:
0x26d: {  	v1 =	vld [tilespmem:$0x1FB30];
	_ =	sdelay $0x4  }
0x26e: {  	v15 =	vsel vm0, v19, v6;
	v6 =	vmax.f32 v38, v0;
	v12 =	vsel vm14, v1, v46;
	v1 =	vmovc v4  }
0x26f: {  	[tilespmem:$0x1FB30] =	vst v1;
	v1 =	vmax.f32 v6, v37  }
0x270: {  	[tilespmem:$0x1F890] =	vst v1;
	v1 =	vld [tilespmem:$0x1F940];
	_ =	sdelay $0x4  }
0x271: {  	vm0 =	vnez.u8 v1;
	v1 =	vmov v57  }
0x272: {  	[tilespmem:$0x1F7A0] =	vst v1;
	v1 =	vld [tilespmem:$0x1F960];
	_ =	sdelay $0x1  }
0x273: {  	v15 =	vsel vm3, v9, v15  }
0x274: {  	v15 =	vsel vm2, v5, v15  }
0x275: {  	v6 =	vsel vm1, v2, v15  }
0x276: {  	[tilespmem:$0x1F8D0] =	vst v6;
	v6 =	vld [tilespmem:$0x1F930];
	vm2 =	vnez.u8 v1;
	v1 =	vmov v28  }
0x277: {  	[tilespmem:$0x1F740] =	vst v1;
	v1 =	vld [tilespmem:$0x1F920];
	_ =	sdelay $0x3  }
0x278: {  	vm1 =	vnez.u8 v6  }
0x279: {  	v15 =	vsel vm1, v1, v44;
	v1 =	vmov v3  }
0x27a: {  	[tilespmem:$0x1F920] =	vst v1;
	v1 =	vld [tilespmem:$0x1F950]  }
0x27b: {  	[tilespmem:$0x1F830] =	vst v55;
	v0 =	vmov v32  }
0x27c: {  	v55 =	vsel vm15, v50, v47;
	v11 =	vsel vm14, v19, v23;
	[tilespmem:$0x1F820] =	vst v0;
	v0 =	vmax.f32 v33, v12  }
0x27d: {  	v11 =	vsel vm15, v9, v11;
	v0 =	vmax.f32 v0, v55;
	v12 =	vsel vm0, v60, v54  }
0x27e: {  	v11 =	vsel vm0, v5, v11;
	v0 =	vmax.f32 v0, v12  }
0x27f: {  	v61 =	vsel vm2, v61, v59;
	vm0 =	vnez.u8 v1;
	v1 =	vsel vm2, v2, v11  }
0x280: {  	v0 =	vmax.f32 v0, v61;
	[tilespmem:$0x1F8B0] =	vst v1;
	v1 =	vld [tilespmem:$0x1F8F0]  }
0x281: {  	[tilespmem:$0x1F800] =	vst v0;
	v0 =	vld [tilespmem:$0x1F8E0];
	_ =	sdelay $0x3  }
0x282: {  	[tilespmem:$0x1F7D0] =	vst v31;
	v31 =	vsel vm1, v19, v1;
	v1 =	vld [tilespmem:$0x1F900]  }
0x283: {  	s0 =	sadd.s32 $0xFFFFFFD0, s25;
	s3 =	sadd.s32 $0x30, s26;
	v12 =	vsel vm13, v48, v27;
	v0 =	vmax.f32 v0, v15  }
0x284: {  	s4 =	sadd.s32 $0x20, s26;
	s21 =	sadd.s32 $0x10, s26;
	s7 =	sor.u32 s3, s0;
	v15 =	vsel vm12, v49, v36;
	v0 =	vmax.f32 v0, v12  }
0x285: {  	s17 =	sor.u32 s21, s0;
	s20 =	sand.u32 $0x1C00, s0;
	s7 =	sor.u32 $0x380, s7;
	v0 =	vmax.f32 v0, v15;
	v12 =	vsel vm0, v56, v24  }
0x286: {  	s30 =	sand.u32 $0x60, s4;
	s17 =	sor.u32 $0x380, s17;
	v51 =	vld [tilespmem:s7+$0x2000];
	s7 =	sor.u32 $0x2000, s20;
	v0 =	vmax.f32 v0, v12;
	v31 =	vsel vm13, v9, v31  }
0x287: {  	s20 =	sor.u32 s30, s7;
	v55 =	vld [tilespmem:s17+$0x2000];
	[tilespmem:$0x1F8E0] =	vst v0;
	v31 =	vsel vm12, v5, v31;
	v15 =	vmax.f32 v1, v45;
	v1 =	vmov v52  }
0x288: {  	s31 =	sand.u32 $0x40, s26;
	v0 =	vld [tilespmem:s20+$0x0];
	[tilespmem:$0x1FA90] =	vst v1;
	v1 =	vsel vm0, v2, v31  }
0x289: {  	s17 =	sor.u32 s31, s7;
	[tilespmem:$0x1F8F0] =	vst v1;
	v1 =	vld [tilespmem:$0x1F910]  }
0x28a: {  	[tilespmem:$0x1F770] =	vst v22;
	v30 =	vsel vm8, v19, v43;
	v22 =	vld [tilespmem:s17+$0x0]  }
0x28b: {  	v30 =	vsel vm10, v9, v30;
	v46 =	vsel vm5, v41, v34;
	v19 =	vsel vm4, v19, v63  }
0x28c: {  	s9 =	sor.u32 s4, s0;
	s4 =	sand.u32 $0x50, s21;
	v47 =	vld [tilespmem:s17+$0x80];
	v12 =	vsel vm4, v21, v8;
	v8 =	vsel vm11, v5, v30;
	v9 =	vsel vm5, v9, v19  }
0x28d: {  	s21 =	sor.u32 s4, s7;
	v12 =	vmax.f32 v10, v12;
	v10 =	vsel vm6, v40, v29;
	v23 =	vsel vm6, v5, v9  }
0x28e: {  	v26 =	vld [tilespmem:s21+$0x0];
	v12 =	vmax.f32 v12, v46;
	v29 =	vmovc v0;
	v0 =	vsel vm7, v2, v23;
	vm0 =	vnez.u8 v1  }
0x28f: {  	v49 =	vld [tilespmem:s21+$0x80];
	[tilespmem:$0x1F870] =	vst v0;
	v0 =	vimm.s32 $0x0;
	v1 =	vsel vm0, v2, v8;
	vm0 =	vgt.f32 v22, v52  }
0x290: {  	v21 =	vsel vm7, v42, v7;
	v10 =	vmax.f32 v12, v10;
	[tilespmem:$0x1F7E0] =	vst v1;
	v0 =	vsel vm0, $0xFFFFFFFF, v0  }
0x291: {  	vm1 =	vgt.f32 v47, v35;
	v1 =	vmax.f32 v10, v21;
	[tilespmem:$0x1F840] =	vst v0;
	v0 =	vimm.s32 $0x0  }
0x292: {  	v6 =	vimm.s32 $0x0;
	v41 =	vsel vm0, v22, v52;
	[tilespmem:$0x1F790] =	vst v1;
	v0 =	vsel vm1, $0xFFFFFFFF, v0  }
0x293: {  	s19 =	sor.u32 s26, s0;
	s9 =	sor.u32 $0x380, s9;
	v12 =	vld [tilespmem:s20+$0x80];
	v1 =	vsel vm1, v35, v47;
	vm0 =	vgt.f32 v26, v41;
	[tilespmem:$0x1F7C0] =	vst v0;
	v0 =	vsel vm1, v47, v35  }
0x294: {  	[tilespmem:$0x1F730] =	vst v53;
	s3 =	sand.u32 $0x70, s3;
	s29 =	sor.u32 $0x380, s19;
	v53 =	vld [tilespmem:s9+$0x2000];
	v1 =	vmax.f32 v15, v1;
	v6 =	vsel vm0, $0xFFFFFFFF, v6;
	vm1 =	vgt.f32 v49, v0  }
0x295: {  	v38 =	vmovc v58;
	v58 =	vld [tilespmem:s29+$0x2000];
	s19 =	sor.u32 s3, s7;
	v40 =	vsel vm0, v26, v41;
	v15 =	vsel vm1, v49, v0;
	v0 =	vsel vm1, v0, v49  }
0x296: {  	v33 =	vld [tilespmem:s19+$0x80];
	vm0 =	vgt.f32 v29, v40;
	v0 =	vmax.f32 v1, v0;
	v1 =	vimm.s32 $0x0  }
0x297: {  	p0 =	por !p0, !p0;
	s4 =	simm.s32 $0x1;
	s7 =	sadd.s32 s26, s13;
	v27 =	vld [tilespmem:s19+$0x0];
	[tilespmem:$0x1F880] =	vst v6;
	v6 =	vimm.s32 $0x0;
	v1 =	vsel vm0, $0xFFFFFFFF, v1  }
0x298: {  	s4 =	simm.s32 @!p0 $0x0;
	s9 =	sadd.s32 $0x7430, s7;
	s29 =	sadd.s32 $0x7410, s7;
	v44 =	vld [tilespmem:s17+$0x100];
	v6 =	vsel vm1, $0xFFFFFFFF, v6;
	vm1 =	vgt.f32 v12, v15;
	[tilespmem:$0x1F8A0] =	vst v1;
	v1 =	vimm.s32 $0x0  }
0x299: {  	s28 =	sadd.s32 $0x200, s28;
	s4 =	sshll.u32 s4, $0x6;
	s30 =	sadd.s32 $0x7420, s7;
	v19 =	vor.u32 s9, v62;
	v9 =	vor.u32 s29, v62;
	v1 =	vsel vm1, $0xFFFFFFFF, v1  }
0x29a: {  	s23 =	sadd.s32 $0x4, s23;
	s4 =	sadd.s32 s4, s28;
	v46 =	vld [tilespmem:s17+$0x180];
	v5 =	vor.u32 s30, v62;
	v50 =	vsel vm1, v12, v15;
	[tilespmem:$0x1F810] =	vst v1;
	v1 =	vsel vm1, v15, v12  }
0x29b: {  	s31 =	sand.u32 $0x7, s23;
	s3 =	sadd.s32 $0x7400, s7;
	s17 =	sor.u32 $0x200, s4;
	vm1 =	vgt.f32 v33, v50;
	v0 =	vmax.f32 v0, v1;
	v1 =	vimm.s32 $0x0  }
0x29c: {  	s1 =	sadd.s32 $0x2, s1;
	s7 =	sshll.u32 s31, $0x4;
	v7 =	vmovc v27;
	v2 =	vmovc v19;
	v19 =	vor.u32 s3, v62;
	v62 =	vld [tilespmem:s17+$0x2000];
	v42 =	vsel vm0, v29, v40;
	v1 =	vsel vm1, $0xFFFFFFFF, v1  }
0x29d: {  	v54 =	vld [tilespmem:s20+$0x180];
	vm2 =	vgt.f32 v44, v3;
	s9 =	sand.u32 $0x3, s1;
	s3 =	sadd.s32 s0, s7;
	vm0 =	vgt.f32 v7, v42;
	[tilespmem:$0x1F910] =	vst v1;
	v1 =	vimm.s32 $0x0  }
0x29e: {  	s7 =	sshll.u32 s9, $0x5;
	s29 =	sadd.s32 $0x10, s3;
	v47 =	vld [tilespmem:s21+$0x180];
	v8 =	vsel vm0, v7, v42;
	[tilespmem:$0x1F900] =	vst v0;
	v0 =	vimm.s32 $0x0;
	v1 =	vsel vm2, $0xFFFFFFFF, v1  }
0x29f: {  	v59 =	vld [tilespmem:s19+$0x180];
	s0 =	sadd.s32 s0, s7;
	s30 =	sor.u32 $0x200, s29;
	v0 =	vsel vm0, $0xFFFFFFFF, v0;
	vm0 =	vgt.f32 v46, v4;
	[tilespmem:$0x1F930] =	vst v1;
	v1 =	vimm.s32 $0x0  }
0x2a0: {  	s0 =	sadd.s32 $0x20, s0;
	v63 =	vld [tilespmem:s30+$0x2000];
	v39 =	vsel vm1, v33, v50;
	v1 =	vsel vm0, $0xFFFFFFFF, v1  }
0x2a1: {  	v27 =	vld [tilespmem:s21+$0x100];
	s31 =	sor.u32 $0x200, s0;
	v35 =	vsel vm1, v50, v33;
	vm1 =	vgt.f32 v62, v32;
	[tilespmem:$0x1F760] =	vst v1;
	v1 =	vimm.s32 $0x0  }
0x2a2: {  	[tilespmem:$0x1F8C0] =	vst v0;
	v0 =	vld [tilespmem:s31+$0x2000];
	v50 =	vsel vm0, v46, v4;
	v1 =	vsel vm1, $0xFFFFFFFF, v1  }
0x2a3: {  	v36 =	vld [tilespmem:s20+$0x100];
	v48 =	vsel vm2, v44, v3;
	vm2 =	vgt.f32 v47, v50;
	[tilespmem:$0x1F750] =	vst v1;
	v1 =	vimm.s32 $0x0  }
0x2a4: {  	v24 =	vld [tilespmem:s19+$0x100];
	s19 =	sor.u32 $0x280, s4;
	s4 =	sor.u32 $0x300, s4;
	v12 =	vsel vm1, v62, v32;
	v1 =	vsel vm2, $0xFFFFFFFF, v1  }
0x2a5: {  	v17 =	vld [tilespmem:s4+$0x2000];
	vm1 =	vgt.f32 v63, v12;
	[tilespmem:$0x1F780] =	vst v1;
	v1 =	vimm.s32 $0x0  }
0x2a6: {  	vm12 =	vgt.f32 v58, v13;
	v18 =	vsel vm1, v63, v12;
	v1 =	vsel vm1, $0xFFFFFFFF, v1  }
0x2a7: {  	v16 =	vld [tilespmem:s19+$0x2000];
	vm0 =	vgt.f32 v27, v48;
	vm1 =	vgt.f32 v0, v18;
	[tilespmem:$0x1F850] =	vst v1;
	v1 =	vimm.s32 $0x0  }
0x2a8: {  	s20 =	sor.u32 $0x280, s29;
	v60 =	vsel vm2, v47, v50;
	v49 =	vsel vm0, v27, v48;
	v1 =	vsel vm1, $0xFFFFFFFF, v1  }
0x2a9: {  	v20 =	vld [tilespmem:s20+$0x2000];
	vm3 =	vgt.f32 v54, v60;
	vm2 =	vgt.f32 v36, v49;
	[tilespmem:$0x1F860] =	vst v1;
	v1 =	vimm.s32 $0x0  }
0x2aa: {  	vm8 =	vgt.f32 v17, v28;
	s21 =	sor.u32 $0x300, s29;
	s29 =	sor.u32 $0x280, s0;
	v56 =	vsel vm2, v36, v49;
	v1 =	vsel vm3, $0xFFFFFFFF, v1  }
0x2ab: {  	s3 =	sadd.s32 $0x30, s3;
	v11 =	vld [tilespmem:s29+$0x2000];
	v61 =	vsel vm3, v54, v60;
	vm4 =	vgt.f32 v24, v56;
	[tilespmem:$0x1F940] =	vst v1;
	v1 =	vimm.s32 $0x0  }
0x2ac: {  	s30 =	sor.u32 $0x280, s3;
	v3 =	vsel vm4, v24, v56;
	v1 =	vsel vm4, $0xFFFFFFFF, v1;
	vm4 =	vgt.f32 v16, v57  }
0x2ad: {  	v33 =	vld [tilespmem:s30+$0x2000];
	vm5 =	vgt.f32 v59, v61;
	[tilespmem:$0x1F950] =	vst v1;
	v1 =	vimm.s32 $0x0;
	v34 =	vsel vm4, v16, v57  }
0x2ae: {  	[tilespmem:$0x1F7B0] =	vst v14;
	v14 =	vsel vm5, v59, v61;
	v1 =	vsel vm5, $0xFFFFFFFF, v1;
	vm5 =	vgt.f32 v20, v34  }
0x2af: {  	v31 =	vsel vm8, v17, v28;
	v28 =	vsel vm12, v58, v13;
	v43 =	vsel vm5, v20, v34  }
0x2b0: {  	vm13 =	vgt.f32 v55, v28;
	vm6 =	vgt.f32 v11, v43  }
0x2b1: {  	v57 =	vsel vm13, v55, v28;
	[tilespmem:$0x1F960] =	vst v1;
	v1 =	vsel vm6, v11, v43  }
0x2b2: {  	vm7 =	vgt.f32 v33, v1  }
0x2b3: {  	vm14 =	vgt.f32 v53, v57;
	v10 =	vsel vm7, v33, v1  }
0x2b4: {  	v45 =	vsel vm14, v53, v57;
	v53 =	vsel vm14, v57, v53;
	v57 =	vmov v10;
	v10 =	vld [tilespmem:$0x1F730];
	_ =	sdelay $0x2  }
0x2b5: {  	v37 =	vmov v13;
	s0 =	sor.u32 $0x300, s0;
	v21 =	vld [tilespmem:s21+$0x2000]  }
0x2b6: {  	v37 =	vsel vm12, v37, v58;
	v25 =	vld [tilespmem:s0+$0x2000]  }
0x2b7: {  	s17 =	sor.u32 $0x200, s3;
	v37 =	vmax.f32 v10, v37;
	v10 =	vld [tilespmem:$0x1F740]  }
0x2b8: {  	v15 =	vld [tilespmem:s17+$0x2000];
	s31 =	sor.u32 $0x300, s3  }
0x2b9: {  	v30 =	vld [tilespmem:s31+$0x2000]  }
0x2ba: {  	vm9 =	vgt.f32 v21, v31  }
0x2bb: {  	v52 =	vsel vm9, v21, v31  }
0x2bc: {  	vm10 =	vgt.f32 v25, v52;
	v17 =	vsel vm8, v10, v17;
	v10 =	vld [tilespmem:$0x1F750]  }
0x2bd: {  	[tilespmem:$0x1F7F0] =	vst v6;
	v6 =	vsel vm10, v25, v52;
	v23 =	vsel vm1, v0, v18  }
0x2be: {  	vm11 =	vgt.f32 v30, v6;
	vm1 =	vgt.f32 v15, v23  }
0x2bf: {  	v32 =	vsel vm11, v30, v6;
	v4 =	vsel vm1, v15, v23;
	v28 =	vsel vm13, v28, v55  }
0x2c0: {  	v58 =	vsel vm12, v19, v38  }
0x2c1: {  	v38 =	vsel vm13, v9, v58;
	vm13 =	vmmov vm0;
	vm0 =	vnez.u8 v10;
	v10 =	vld [tilespmem:$0x1F760]  }
0x2c2: {  	v58 =	vmax.f32 v37, v28;
	v28 =	vmovc v32;
	v32 =	vmov v4;
	v4 =	vmov v14;
	v14 =	vld [tilespmem:$0x1F7A0];
	_ =	sdelay $0x3  }
0x2c3: {  	v21 =	vsel vm9, v31, v21;
	v31 =	vsel vm14, v5, v38;
	vm14 =	vnez.u8 v10;
	v10 =	vld [tilespmem:$0x1F770]  }
0x2c4: {  	v16 =	vsel vm4, v14, v16;
	v14 =	vld [tilespmem:$0x1F7B0];
	_ =	sdelay $0x3  }
0x2c5: {  	v17 =	vmax.f32 v10, v17  }
0x2c6: {  	v17 =	vmax.f32 v17, v21;
	v21 =	vsel vm10, v52, v25;
	v25 =	vsel vm8, v19, v14;
	v14 =	vld [tilespmem:$0x1F7C0]  }
0x2c7: {  	v6 =	vsel vm11, v6, v30;
	v17 =	vmax.f32 v17, v21  }
0x2c8: {  	v52 =	vmov v8;
	v8 =	vmov v22;
	v22 =	vmax.f32 v17, v6;
	v6 =	vld [tilespmem:$0x1F7D0];
	_ =	sdelay $0x2  }
0x2c9: {  	vm8 =	vnez.u8 v14;
	v14 =	vld [tilespmem:$0x1F7F0];
	_ =	sdelay $0x1  }
0x2ca: {  	v20 =	vsel vm5, v34, v20;
	v6 =	vmax.f32 v6, v16  }
0x2cb: {  	v11 =	vsel vm6, v43, v11;
	v21 =	vsel vm9, v9, v25;
	v6 =	vmax.f32 v6, v20  }
0x2cc: {  	v16 =	vsel vm10, v5, v21;
	v6 =	vmax.f32 v6, v11;
	v11 =	vld [tilespmem:$0x1F850]  }
0x2cd: {  	vm10 =	vnez.u8 v14;
	v14 =	vsel vm11, v2, v16;
	v16 =	vld [tilespmem:$0x1F810];
	_ =	sdelay $0x2  }
0x2ce: {  	v43 =	vld [tilespmem:$0x1F7E0]  }
0x2cf: {  	v17 =	vld [tilespmem:$0x1F830]  }
0x2d0: {  	vm12 =	vmmov vm2;
	vm2 =	vnez.u8 v11;
	vm11 =	vnez.u8 v16;
	v16 =	vld [tilespmem:$0x1F820]  }
0x2d1: {  	vm15 =	vgt.f32 v51, v45;
	v1 =	vsel vm7, v1, v33;
	v11 =	vsel vm2, v12, v63;
	v12 =	vld [tilespmem:$0x1F860]  }
0x2d2: {  	v37 =	vmax.f32 v58, v53;
	v58 =	vsel vm15, v2, v31;
	v31 =	vmax.f32 v6, v1;
	v1 =	vld [tilespmem:$0x1F890]  }
0x2d3: {  	v33 =	vld [tilespmem:$0x1F800]  }
0x2d4: {  	v10 =	vld [tilespmem:$0x1F780]  }
0x2d5: {  	v17 =	vsel vm4, v19, v17;
	v20 =	vld [tilespmem:$0x1F840];
	vm3 =	vmmov vm2  }
0x2d6: {  	v16 =	vsel vm0, v16, v62;
	vm2 =	vnez.u8 v12;
	v12 =	vsel vm5, v9, v17;
	v17 =	vld [tilespmem:$0x1F880]  }
0x2d7: {  	s24 =	sadd.s32 $0x4, s24;
	v1 =	vmax.f32 v1, v16;
	v6 =	vsel vm6, v5, v12;
	v12 =	vld [tilespmem:$0x1F8A0]  }
0x2d8: {  	p1 =	slt.u32 s24, $0x3C;
	v13 =	vsel vm15, v51, v45;
	v45 =	vsel vm15, v45, v51;
	v38 =	vmax.f32 v1, v11;
	v1 =	vld [tilespmem:$0x1F8C0]  }
.Ltmp4:
0x2d9: {  	v53 =	vmax.f32 v37, v45;
	v37 =	vsel vm1, v23, v15;
	v23 =	vld [tilespmem:$0x1F8B0];
	(pc) =	sbr.rel @p1 .LBB2_10-.Ltmp4, $4  }
0x2da: {  	vm15 =	vnez.u8 v10;
	v10 =	vld [tilespmem:$0x1F790]  }
0x2db: {  	v21 =	vld [tilespmem:$0x1FA90];
	vm4 =	vnez.u8 v20  }
0x2dc: {  	v34 =	vmovc v26;
	v63 =	vld [tilespmem:$0x1F870];
	v62 =	vlaneseq.u32;
	v0 =	vsel vm2, v18, v0;
	v55 =	vsel vm7, v2, v6  }
0x2dd: {  	s25 =	sadd.s32 $0x200, s25;
	s26 =	sadd.s32 $0x40, s26;
	v45 =	vmovc v35;
	v35 =	vmovc v39;
	v6 =	vld [tilespmem:$0x1F8D0];
	vm5 =	vnez.u8 v17;
	vm6 =	vnez.u8 v12;
	vm7 =	vnez.u8 v1  }
0x2de: {  	_ =	sdelay $0x3  }
0x2df: {  	v1 =	vsel vm0, v19, v6  }
0x2e0: {  	v1 =	vsel vm3, v9, v1  }
0x2e1: {  	v1 =	vsel vm2, v5, v1  }
0x2e2: {  	v30 =	vsel vm1, v2, v1;
	v1 =	vld [tilespmem:$0x1FB30];
	_ =	sdelay $0x4  }
0x2e3: {  	v0 =	vmax.f32 v38, v0;
	v1 =	vsel vm14, v1, v46  }
0x2e4: {  	v6 =	vsel vm15, v50, v47;
	v46 =	vmax.f32 v0, v37;
	v0 =	vld [tilespmem:$0x1F940];
	v1 =	vmax.f32 v33, v1  }
0x2e5: {  	v1 =	vmax.f32 v1, v6;
	v6 =	vld [tilespmem:$0x1F960];
	_ =	sdelay $0x3  }
0x2e6: {  	s23 =	simm.s32 $0x0;
	s0 =	rddreg [dreg:$0x5];
	s29 =	simm.s32 $0x4000;
	vm0 =	vnez.u8 v0  }
0x2e7: {  	v12 =	vld [tilespmem:$0x1F930];
	[tilespmem:s29], [sflag:$0x3] =	stream.linear.gather [hbm4b:s0+s23], $0x1000, $0x38;
	v0 =	vsel vm0, v60, v54;
	vm2 =	vnez.u8 v6  }
0x2e8: {  	v11 =	vld [tilespmem:$0x1F920];
	_ =	swait.ge [sflag:s18], $0x1000;
	v0 =	vmax.f32 v1, v0;
	v6 =	vsel vm2, v61, v59  }
0x2e9: {  	v1 =	vsel vm13, v48, v27;
	v27 =	vmax.f32 v0, v6;
	v0 =	vld [tilespmem:$0x1F8E0];
	_ =	sdelay $0x2  }
0x2ea: {  	vm1 =	vnez.u8 v12  }
0x2eb: {  	v11 =	vsel vm1, v11, v44  }
0x2ec: {  	v0 =	vmax.f32 v0, v11  }
0x2ed: {  	v12 =	vsel vm14, v19, v23;
	v0 =	vmax.f32 v0, v1;
	v1 =	vld [tilespmem:$0x1F950]  }
0x2ee: {  	v12 =	vsel vm15, v9, v12  }
0x2ef: {  	v11 =	vsel vm0, v5, v12;
	v12 =	vld [tilespmem:$0x1F900];
	_ =	sdelay $0x1  }
0x2f0: {  	s19 =	simm.s32 $0x0  }
0x2f1: {  	s3 =	sand.u32 $0xC00, s19;
	vm0 =	vnez.u8 v1  }
0x2f2: {  	s4 =	sor.u32 s23, s19;
	s21 =	sand.u32 $0x40, s23;
	[sflag:s18] =	ssyncset.done $0x0;
	v6 =	vsel vm12, v49, v36;
	v1 =	vsel vm0, v56, v24;
	v24 =	vsel vm2, v2, v11;
	v11 =	vld [tilespmem:$0x1F8F0]  }
0x2f3: {  	s3 =	sor.u32 $0x4000, s3;
	s4 =	sor.u32 $0x380, s4;
	[sflag:s18] =	ssyncadd.s32 $0xFFFFF000;
	v0 =	vmax.f32 v0, v6;
	v16 =	vmax.f32 v12, v45  }
0x2f4: {  	s7 =	sadd.s32 $0x0, s13;
	v17 =	vld [tilespmem:s4+$0x4000];
	s4 =	sor.u32 s21, s3;
	v12 =	vsel vm8, v19, v43;
	v39 =	vmax.f32 v0, v1;
	v0 =	vsel vm4, v21, v8  }
0x2f5: {  	s17 =	simm.s32 $0x10;
	v18 =	vsel vm5, v41, v34;
	s9 =	sadd.s32 $0x7830, s7;
	v20 =	vld [tilespmem:s4+$0x80];
	v1 =	vsel vm10, v9, v12;
	v0 =	vmax.f32 v10, v0  }
0x2f6: {  	s24 =	simm.s32 $0x30;
	s25 =	simm.s32 $0x20;
	s0 =	sand.u32 $0x50, s17;
	v8 =	vor.u32 s9, v62;
	v0 =	vmax.f32 v0, v18;
	v18 =	vsel vm7, v42, v7;
	v7 =	vld [tilespmem:$0x1F910]  }
0x2f7: {  	s1 =	sor.u32 s17, s19;
	s26 =	sadd.s32 $0x7820, s7;
	s21 =	sor.u32 s0, s3;
	v21 =	vsel vm6, v40, v29;
	v1 =	vsel vm11, v5, v1;
	v42 =	vld [tilespmem:s4+$0x180];
	v11 =	vsel vm1, v19, v11  }
0x2f8: {  	p0 =	por $0x0, $0x0;
	s31 =	sadd.s32 $0x7800, s7;
	s1 =	sor.u32 $0x380, s1;
	v25 =	vld [tilespmem:s21+$0x80];
	v10 =	vor.u32 s26, v62;
	v0 =	vmax.f32 v0, v21;
	v11 =	vsel vm13, v9, v11  }
0x2f9: {  	s20 =	sand.u32 $0x70, s24;
	s17 =	sadd.s32 $0x7810, s7;
	s30 =	sand.u32 $0x60, s25;
	v6 =	vld [tilespmem:s1+$0x4000];
	v21 =	vor.u32 s31, v62;
	v19 =	vsel vm4, v19, v63;
	v12 =	vsel vm12, v5, v11  }
0x2fa: {  	s0 =	sor.u32 s30, s3;
	s1 =	sor.u32 s20, s3;
	s3 =	simm.s32 $0x1;
	v56 =	vmax.f32 v0, v18;
	v19 =	vsel vm5, v9, v19;
	v11 =	vld [tilespmem:s4+$0x0];
	v41 =	vsel vm0, v2, v12  }
0x2fb: {  	s3 =	simm.s32 @!p0 $0x0;
	v43 =	vld [tilespmem:s21+$0x180];
	v12 =	vor.u32 s17, v62;
	vm0 =	vnez.u8 v7;
	v7 =	vimm.s32 $0x0  }
0x2fc: {  	s3 =	sshll.u32 s3, $0x6;
	v0 =	vld [tilespmem:s0+$0x80];
	vm14 =	vgt.f32 v42, v4;
	v1 =	vsel vm0, v2, v1;
	vm0 =	vgt.f32 v20, v35  }
0x2fd: {  	v15 =	vld [tilespmem:s21+$0x0];
	s20 =	sadd.s32 $0x0, s3;
	v49 =	vsel vm14, v42, v4;
	[tilespmem:$0x1F690] =	vst v1;
	v1 =	vsel vm6, v5, v19;
	vm8 =	vmmov vm0  }
0x2fe: {  	s3 =	sor.u32 $0x200, s20;
	v5 =	vsel vm0, v35, v20;
	v63 =	vsel vm7, v2, v1;
	v1 =	vld [tilespmem:s1+$0x80];
	v2 =	vsel vm0, v20, v35  }
0x2ff: {  	v5 =	vmax.f32 v16, v5;
	v16 =	vld [tilespmem:s3+$0x4000];
	vm4 =	vgt.f32 v11, v52;
	vm0 =	vgt.f32 v25, v2  }
0x300: {  	v38 =	vld [tilespmem:s4+$0x100];
	vm15 =	vgt.f32 v43, v49;
	v34 =	vsel vm4, v11, v52;
	v18 =	vsel vm0, v25, v2  }
0x301: {  	vm9 =	vmmov vm0;
	v2 =	vsel vm0, v2, v25;
	vm10 =	vgt.f32 v0, v18  }
0x302: {  	vm5 =	vgt.f32 v15, v34;
	v2 =	vmax.f32 v5, v2;
	v5 =	vsel vm10, v0, v18  }
0x303: {  	v37 =	vld [tilespmem:s21+$0x100];
	s4 =	sand.u32 $0x7, s23;
	v35 =	vsel vm5, v15, v34;
	v0 =	vsel vm10, v18, v0;
	vm0 =	vgt.f32 v1, v5  }
0x304: {  	v44 =	vld [tilespmem:s0+$0x100];
	s7 =	sor.u32 $0x300, s20;
	s3 =	sshll.u32 s4, $0x4;
	v0 =	vmax.f32 v2, v0;
	vm3 =	vgt.f32 v16, v32;
	v33 =	vsel vm0, v1, v5  }
0x305: {  	s17 =	sor.u32 s25, s19;
	s3 =	sadd.s32 $0x0, s3;
	[tilespmem:$0x1F6A0] =	vst v0;
	v0 =	vld [tilespmem:s7+$0x4000];
	v7 =	vsel vm0, $0xFFFFFFFF, v7;
	v1 =	vsel vm0, v5, v1;
	vm0 =	vgt.f32 v38, v3  }
0x306: {  	s21 =	sor.u32 $0x380, s17;
	s7 =	sadd.s32 $0x10, s3;
	v47 =	vsel vm3, v16, v32;
	v32 =	vsel vm3, v32, v16;
	[tilespmem:$0x1F6B0] =	vst v7;
	v7 =	vimm.s32 $0x0  }
0x307: {  	[tilespmem:$0x1F6C0] =	vst v1;
	v1 =	vld [tilespmem:s21+$0x4000];
	s25 =	sor.u32 $0x200, s7;
	v45 =	vsel vm0, v38, v3;
	v7 =	vsel vm0, $0xFFFFFFFF, v7;
	vm0 =	vgt.f32 v17, v13  }
0x308: {  	s30 =	sand.u32 $0x3, s23;
	s26 =	sor.u32 s24, s19;
	s31 =	sor.u32 $0x300, s7;
	v5 =	vld [tilespmem:s25+$0x4000];
	vm13 =	vgt.f32 v37, v45;
	v20 =	vsel vm0, v17, v13;
	v17 =	vsel vm0, v13, v17  }
0x309: {  	s9 =	sor.u32 $0x380, s26;
	s17 =	sshll.u32 s30, $0x5;
	v18 =	vld [tilespmem:s31+$0x4000];
	v26 =	vsel vm0, v21, v58;
	v48 =	vsel vm13, v37, v45;
	vm2 =	vgt.f32 v6, v20  }
0x30a: {  	s19 =	sadd.s32 $0x0, s17;
	v25 =	vld [tilespmem:s9+$0x4000];
	[tilespmem:$0x1F6D0] =	vst v7;
	v17 =	vmax.f32 v53, v17;
	vm12 =	vgt.f32 v44, v48;
	vm1 =	vgt.f32 v0, v28  }
0x30b: {  	s17 =	sadd.s32 $0x20, s19;
	v7 =	vmovc v28;
	v28 =	vsel vm2, v6, v20;
	v6 =	vsel vm2, v20, v6;
	v20 =	vsel vm2, v12, v26  }
0x30c: {  	s4 =	sor.u32 $0x300, s17;
	vm0 =	vgt.f32 v1, v28;
	v61 =	vsel vm1, v0, v7;
	v0 =	vsel vm1, v7, v0  }
0x30d: {  	s20 =	sor.u32 $0x280, s20;
	v60 =	vld [tilespmem:s4+$0x4000];
	v6 =	vmax.f32 v17, v6;
	vm2 =	vgt.f32 v5, v47;
	v54 =	vsel vm0, v1, v28  }
0x30e: {  	v58 =	vld [tilespmem:s20+$0x4000];
	v1 =	vsel vm0, v28, v1;
	v20 =	vsel vm0, v10, v20;
	vm0 =	vgt.f32 v18, v61  }
0x30f: {  	s3 =	sadd.s32 $0x30, s3;
	v28 =	vsel vm1, v21, v14;
	v0 =	vmax.f32 v22, v0;
	vm1 =	vgt.f32 v25, v54  }
0x310: {  	s21 =	sor.u32 $0x300, s3;
	v17 =	vsel vm0, v18, v61;
	v18 =	vsel vm0, v61, v18;
	v29 =	vsel vm0, v12, v28  }
0x311: {  	v51 =	vld [tilespmem:s21+$0x4000];
	v1 =	vmax.f32 v6, v1;
	v50 =	vsel vm2, v5, v47;
	v47 =	vsel vm2, v47, v5  }
0x312: {  	s24 =	sor.u32 $0x280, s7;
	v5 =	vimm.s32 $0x0;
	v26 =	vsel vm1, v25, v54;
	v25 =	vsel vm1, v54, v25  }
0x313: {  	v13 =	vmovc v15;
	v15 =	vld [tilespmem:s24+$0x4000];
	vm0 =	vgt.f32 v60, v17;
	v7 =	vsel vm1, v8, v20;
	vm1 =	vgt.f32 v58, v57  }
0x314: {  	s25 =	sor.u32 $0x280, s17;
	v0 =	vmax.f32 v0, v18;
	v6 =	vsel vm0, v60, v17;
	v17 =	vsel vm0, v17, v60  }
0x315: {  	v53 =	vld [tilespmem:s25+$0x4000];
	v20 =	vsel vm0, v10, v29;
	v1 =	vmax.f32 v1, v25;
	v60 =	vsel vm1, v58, v57  }
0x316: {  	s26 =	sor.u32 $0x280, s3;
	v22 =	vsel vm1, v57, v58;
	v61 =	vsel vm1, v21, v55;
	vm0 =	vgt.f32 v51, v6  }
0x317: {  	v58 =	vsel vm12, v44, v48;
	[tilespmem:$0x1F6F0] =	vst v1;
	v1 =	vld [tilespmem:s26+$0x4000];
	v0 =	vmax.f32 v0, v17;
	v29 =	vsel vm0, v51, v6  }
0x318: {  	v59 =	vsel vm0, v6, v51;
	v19 =	vsel vm0, v8, v20;
	vm0 =	vgt.f32 v15, v60  }
0x319: {  	s30 =	sor.u32 $0x200, s17;
	v54 =	vld [tilespmem:s0+$0x180];
	v20 =	vsel vm0, v15, v60;
	v17 =	vsel vm0, v60, v15;
	v57 =	vmax.f32 v0, v59  }
0x31a: {  	v6 =	vld [tilespmem:s30+$0x4000];
	v0 =	vsel vm0, v12, v61;
	v61 =	vmax.f32 v31, v22;
	vm1 =	vgt.f32 v53, v20  }
0x31b: {  	v17 =	vmax.f32 v61, v17;
	v60 =	vsel vm1, v53, v20;
	v20 =	vsel vm1, v20, v53  }
0x31c: {  	v40 =	vld [tilespmem:s1+$0x100];
	v0 =	vsel vm1, v10, v0;
	vm0 =	vgt.f32 v1, v60;
	v16 =	vmax.f32 v17, v20  }
0x31d: {  	v22 =	vsel vm0, v1, v60;
	v1 =	vsel vm0, v60, v1;
	v60 =	vsel vm15, v43, v49  }
0x31e: {  	v59 =	vld [tilespmem:s1+$0x180];
	v53 =	vsel vm0, v8, v0;
	vm0 =	vmmov vm3;
	vm3 =	vmmov vm2  }
0x31f: {  	v0 =	vimm.s32 $0x0;
	vm2 =	vgt.f32 v6, v50;
	vm1 =	vgt.f32 v54, v60  }
0x320: {  	v55 =	vmax.f32 v16, v1;
	v1 =	vmax.f32 v46, v32;
	v14 =	vsel vm2, v6, v50  }
0x321: {  	v0 =	vsel vm1, $0xFFFFFFFF, v0;
	v61 =	vsel vm1, v54, v60;
	vm1 =	vgt.f32 v40, v58  }
0x322: {  	[tilespmem:$0x1F700] =	vst v0;
	v0 =	vsel vm2, v50, v6;
	v5 =	vsel vm1, $0xFFFFFFFF, v5;
	v50 =	vmax.f32 v1, v47  }
0x323: {  	v9 =	vld [tilespmem:s0+$0x0];
	v1 =	vimm.s32 $0x0;
	[tilespmem:$0x1F710] =	vst v5;
	v5 =	vsel vm1, v40, v58;
	vm1 =	vgt.f32 v59, v61  }
0x324: {  	v23 =	vld [tilespmem:s1+$0x0];
	s31 =	sor.u32 $0x200, s3;
	v1 =	vsel vm1, $0xFFFFFFFF, v1  }
0x325: {  	v17 =	vld [tilespmem:s31+$0x4000];
	[tilespmem:$0x1F720] =	vst v1  }
0x326: {  	v1 =	vld [tilespmem:$0x1F720];
	_ =	sdelay $0x1  }
0x327: {  	vm6 =	vgt.f32 v9, v35  }
0x328: {  	v36 =	vsel vm6, v9, v35  }
0x329: {  	vm7 =	vgt.f32 v23, v36  }
0x32a: {  	s28 =	simm.s32 $0x0;
	v2 =	vsel vm7, v23, v36;
	s24 =	simm.s32 $0x0;
	vm1 =	vgt.f32 v17, v14;
	vm11 =	vnez.u8 v1  }
0x32b: {  	s25 =	simm.s32 $0x230;
	[tilespmem:$0x1F6E0] =	vst v7;
	s26 =	simm.s32 $0x40;
	s1 =	simm.s32 $0x0;
	v32 =	vsel vm1, v17, v14;
	v47 =	vsel vm1, v14, v17;
	v17 =	vsel vm11, v59, v61  }
.LBB2_12:
0x32c: {  	v6 =	vmov v22  }
0x32d: {  	[tilespmem:$0x1F550] =	vst v6;
	v6 =	vld [tilespmem:$0x1F720];
	_ =	sdelay $0x1  }
0x32e: {  	v15 =	vsel vm0, v21, v30  }
0x32f: {  	v15 =	vsel vm3, v12, v15  }
0x330: {  	v1 =	vsel vm14, v4, v42;
	v7 =	vmax.f32 v50, v0;
	v0 =	vmovc v32;
	v14 =	vsel vm2, v10, v15  }
0x331: {  	[tilespmem:$0x1F5E0] =	vst v0;
	v0 =	vmax.f32 v27, v1;
	v1 =	vld [tilespmem:$0x1F700];
	vm2 =	vnez.u8 v6;
	v6 =	vsel vm1, v8, v14  }
0x332: {  	[tilespmem:$0x1F670] =	vst v6;
	v6 =	vld [tilespmem:$0x1F6D0];
	_ =	sdelay $0x1  }
0x333: {  	v46 =	vsel vm15, v49, v43  }
0x334: {  	v16 =	vmax.f32 v7, v47;
	v0 =	vmax.f32 v0, v46;
	v14 =	vsel vm14, v21, v24  }
0x335: {  	v47 =	vsel vm2, v61, v59;
	v24 =	vsel vm15, v12, v14;
	vm0 =	vnez.u8 v1  }
0x336: {  	v1 =	vmovc v5;
	v7 =	vsel vm0, v60, v54;
	v24 =	vsel vm0, v10, v24;
	vm1 =	vnez.u8 v6  }
0x337: {  	[tilespmem:$0x1F5A0] =	vst v1;
	v0 =	vmax.f32 v0, v7;
	v6 =	vld [tilespmem:$0x1F6C0];
	v38 =	vsel vm1, v3, v38;
	v3 =	vsel vm2, v8, v24  }
0x338: {  	s0 =	sadd.s32 $0xFFFFFFD0, s25;
	s3 =	sadd.s32 $0x30, s26;
	v0 =	vmax.f32 v0, v47;
	[tilespmem:$0x1F530] =	vst v3;
	v3 =	vld [tilespmem:$0x1F6A0]  }
0x339: {  	s7 =	sor.u32 s3, s0;
	v1 =	vsel vm13, v45, v37;
	[tilespmem:$0x1F580] =	vst v0;
	v0 =	vmax.f32 v39, v38  }
0x33a: {  	s19 =	sor.u32 s26, s0;
	s7 =	sor.u32 $0x380, s7;
	v0 =	vmax.f32 v0, v1;
	v1 =	vld [tilespmem:$0x1F710]  }
0x33b: {  	s4 =	sadd.s32 $0x20, s26;
	s21 =	sadd.s32 $0x10, s26;
	s31 =	sor.u32 $0x380, s19;
	v51 =	vld [tilespmem:s7+$0x4000]  }
0x33c: {  	[tilespmem:$0x1F4F0] =	vst v57;
	v34 =	vsel vm5, v34, v13;
	p0 =	por !p0, !p0;
	s9 =	sor.u32 s4, s0;
	s17 =	sor.u32 s21, s0;
	v57 =	vld [tilespmem:s31+$0x4000]  }
0x33d: {  	[tilespmem:$0x1F560] =	vst v19;
	s30 =	sand.u32 $0xC00, s0;
	s3 =	sand.u32 $0x70, s3;
	s9 =	sor.u32 $0x380, s9;
	v27 =	vsel vm12, v48, v44;
	v30 =	vsel vm1, v21, v41;
	v48 =	vmax.f32 v3, v6;
	v3 =	vld [tilespmem:$0x1F690]  }
0x33e: {  	[tilespmem:$0x1F5F0] =	vst v53;
	v9 =	vsel vm6, v35, v9;
	s17 =	sor.u32 $0x380, s17;
	v53 =	vld [tilespmem:s9+$0x4000];
	s7 =	sor.u32 $0x4000, s30;
	s9 =	sand.u32 $0x60, s4;
	v19 =	vsel vm4, v21, v63;
	v30 =	vsel vm13, v12, v30  }
0x33f: {  	[tilespmem:$0x1F5B0] =	vst v55;
	v55 =	vld [tilespmem:s17+$0x4000];
	s17 =	sand.u32 $0x40, s26;
	s30 =	sand.u32 $0x50, s21;
	s31 =	sadd.s32 s26, s13;
	v7 =	vimm.s32 $0x0;
	v30 =	vsel vm12, v10, v30;
	vm0 =	vnez.u8 v1  }
0x340: {  	s4 =	simm.s32 $0x1;
	s19 =	sor.u32 s3, s7;
	s20 =	sor.u32 s9, s7;
	v0 =	vmax.f32 v0, v27;
	v1 =	vsel vm0, v58, v40;
	v6 =	vsel vm0, v8, v30  }
0x341: {  	s17 =	sor.u32 s17, s7;
	s21 =	sor.u32 s30, s7;
	s7 =	sadd.s32 $0x7830, s31;
	vm12 =	vgt.f32 v57, v26;
	v0 =	vmax.f32 v0, v1;
	v1 =	vsel vm4, v52, v11;
	[tilespmem:$0x1F520] =	vst v6;
	v6 =	vld [tilespmem:$0x1F6B0]  }
0x342: {  	s23 =	sadd.s32 $0x4, s23;
	s28 =	sadd.s32 $0x200, s28;
	s4 =	simm.s32 @!p0 $0x0;
	v49 =	vld [tilespmem:s17+$0x80];
	v1 =	vmax.f32 v56, v1;
	v56 =	vor.u32 s7, v62;
	v31 =	vsel vm8, v21, v3  }
0x343: {  	s9 =	sadd.s32 $0x7810, s31;
	s30 =	sadd.s32 $0x7820, s31;
	s4 =	sshll.u32 s4, $0x6;
	v38 =	vld [tilespmem:s17+$0x100];
	[tilespmem:$0x1F540] =	vst v0;
	v1 =	vmax.f32 v1, v34;
	v21 =	vsel vm7, v36, v23;
	v31 =	vsel vm9, v12, v31  }
0x344: {  	s3 =	sadd.s32 $0x7800, s31;
	s31 =	sand.u32 $0x7, s23;
	s4 =	sadd.s32 s4, s28;
	v0 =	vld [tilespmem:s20+$0x0];
	v3 =	vmovc v2;
	v12 =	vsel vm5, v12, v19;
	v1 =	vmax.f32 v1, v9;
	v13 =	vsel vm10, v10, v31  }
0x345: {  	[tilespmem:$0x1F4E0] =	vst v3;
	v3 =	vld [tilespmem:s17+$0x0];
	v23 =	vsel vm6, v10, v12;
	v1 =	vmax.f32 v1, v21;
	v12 =	vor.u32 s9, v62;
	s9 =	sshll.u32 s31, $0x4;
	s31 =	sor.u32 $0x200, s4  }
0x346: {  	v10 =	vor.u32 s30, v62;
	v21 =	vor.u32 s3, v62;
	vm0 =	vnez.u8 v6;
	v62 =	vld [tilespmem:s31+$0x4000]  }
0x347: {  	v47 =	vmovc v26;
	vm1 =	vgt.f32 v49, v33;
	v25 =	vsel vm12, v57, v26;
	s31 =	sor.u32 $0x280, s4;
	s4 =	sor.u32 $0x300, s4;
	v6 =	vsel vm0, v8, v13;
	v13 =	vld [tilespmem:s21+$0x0]  }
0x348: {  	v47 =	vsel vm12, v47, v57;
	vm13 =	vgt.f32 v55, v25;
	vm2 =	vgt.f32 v38, v5;
	v24 =	vld [tilespmem:s4+$0x4000]  }
0x349: {  	v54 =	vld [tilespmem:s19+$0x0];
	v45 =	vsel vm2, v38, v5;
	v5 =	vimm.s32 $0x0;
	[tilespmem:$0x1F5D0] =	vst v1;
	v9 =	vmovc v0;
	v0 =	vsel vm7, v8, v23  }
0x34a: {  	v52 =	vld [tilespmem:s21+$0x80];
	v1 =	vsel vm1, v33, v49;
	[tilespmem:$0x1F630] =	vst v0;
	v0 =	vimm.s32 $0x0;
	vm0 =	vgt.f32 v3, v2  }
0x34b: {  	v1 =	vmax.f32 v48, v1;
	[tilespmem:$0x1F690] =	vst v6;
	v6 =	vimm.s32 $0x0;
	v0 =	vsel vm0, $0xFFFFFFFF, v0  }
0x34c: {  	v34 =	vsel vm0, v3, v2;
	v2 =	vimm.s32 $0x0;
	[tilespmem:$0x1F600] =	vst v0;
	v0 =	vimm.s32 $0x0  }
0x34d: {  	v0 =	vsel vm1, $0xFFFFFFFF, v0;
	vm0 =	vgt.f32 v13, v34;
	vm8 =	vgt.f32 v24, v29  }
0x34e: {  	v11 =	vmovc v54;
	v54 =	vld [tilespmem:s20+$0x80];
	[tilespmem:$0x1F570] =	vst v0;
	v0 =	vsel vm1, v49, v33;
	v2 =	vsel vm0, $0xFFFFFFFF, v2;
	v35 =	vsel vm0, v13, v34  }
0x34f: {  	v50 =	vmovc v29;
	v23 =	vsel vm8, v24, v29;
	[tilespmem:$0x1F640] =	vst v2;
	vm1 =	vgt.f32 v52, v0;
	v2 =	vimm.s32 $0x0  }
0x350: {  	v57 =	vld [tilespmem:$0x1F6E0];
	v24 =	vsel vm8, v50, v24;
	vm0 =	vgt.f32 v9, v35;
	v2 =	vsel vm1, $0xFFFFFFFF, v2  }
0x351: {  	v36 =	vsel vm0, v9, v35;
	[tilespmem:$0x1F590] =	vst v2;
	v2 =	vsel vm1, v52, v0;
	v0 =	vsel vm1, v0, v52  }
0x352: {  	v52 =	vsel vm13, v55, v25;
	v25 =	vsel vm13, v25, v55;
	v0 =	vmax.f32 v1, v0  }
0x353: {  	v59 =	vld [tilespmem:s19+$0x80];
	v1 =	vimm.s32 $0x0;
	vm1 =	vgt.f32 v54, v2;
	vm14 =	vgt.f32 v53, v52  }
0x354: {  	v42 =	vld [tilespmem:s17+$0x180];
	v1 =	vsel vm0, $0xFFFFFFFF, v1;
	v41 =	vsel vm14, v53, v52;
	v52 =	vsel vm14, v52, v53  }
0x355: {  	v53 =	vsel vm12, v21, v57;
	v57 =	vld [tilespmem:$0x1F6F0];
	[tilespmem:$0x1F660] =	vst v1;
	v1 =	vimm.s32 $0x0;
	vm15 =	vgt.f32 v51, v41  }
0x356: {  	v44 =	vld [tilespmem:s20+$0x100];
	vm0 =	vgt.f32 v11, v36;
	v1 =	vsel vm1, $0xFFFFFFFF, v1;
	v26 =	vsel vm15, v51, v41  }
0x357: {  	v43 =	vld [tilespmem:s21+$0x180];
	v41 =	vsel vm15, v41, v51;
	[tilespmem:$0x1F5C0] =	vst v1;
	v1 =	vsel vm1, v54, v2;
	v2 =	vsel vm1, v2, v54  }
0x358: {  	s1 =	sadd.s32 $0x2, s1;
	v37 =	vld [tilespmem:s21+$0x100];
	v0 =	vmax.f32 v0, v2;
	vm1 =	vgt.f32 v59, v1;
	v2 =	vsel vm0, v11, v36  }
0x359: {  	s30 =	sand.u32 $0x3, s1;
	s3 =	sadd.s32 s0, s9;
	v54 =	vld [tilespmem:s20+$0x180];
	[tilespmem:$0x1F6A0] =	vst v0;
	v0 =	vimm.s32 $0x0;
	v6 =	vsel vm1, $0xFFFFFFFF, v6;
	v33 =	vsel vm1, v59, v1  }
0x35a: {  	s7 =	sshll.u32 s30, $0x5;
	s9 =	sadd.s32 $0x10, s3;
	v1 =	vsel vm1, v1, v59;
	vm1 =	vgt.f32 v42, v17;
	v59 =	vld [tilespmem:s19+$0x180];
	v47 =	vmax.f32 v57, v47  }
0x35b: {  	s0 =	sadd.s32 s0, s7;
	s20 =	sor.u32 $0x300, s9;
	v57 =	vsel vm13, v12, v53;
	v53 =	vld [tilespmem:$0x1F4F0];
	v0 =	vsel vm0, $0xFFFFFFFF, v0;
	[tilespmem:$0x1F6C0] =	vst v1;
	v1 =	vimm.s32 $0x0  }
0x35c: {  	s17 =	sor.u32 $0x200, s9;
	s0 =	sadd.s32 $0x20, s0;
	[tilespmem:$0x1F6B0] =	vst v6;
	vm0 =	vgt.f32 v62, v32;
	v49 =	vsel vm1, v42, v17;
	v6 =	vld [tilespmem:s20+$0x4000];
	v25 =	vmax.f32 v47, v25  }
0x35d: {  	v63 =	vld [tilespmem:s17+$0x4000];
	s21 =	sor.u32 $0x200, s0;
	[tilespmem:$0x1F680] =	vst v0;
	v1 =	vsel vm2, $0xFFFFFFFF, v1;
	vm2 =	vgt.f32 v43, v49;
	v25 =	vmax.f32 v25, v52  }
0x35e: {  	v0 =	vld [tilespmem:s21+$0x4000];
	s21 =	sor.u32 $0x280, s0;
	s0 =	sor.u32 $0x300, s0;
	[tilespmem:$0x1F6D0] =	vst v1;
	v1 =	vimm.s32 $0x0;
	v5 =	vsel vm2, $0xFFFFFFFF, v5;
	v60 =	vsel vm2, v43, v49  }
0x35f: {  	v19 =	vld [tilespmem:s0+$0x4000];
	v1 =	vsel vm1, $0xFFFFFFFF, v1;
	[tilespmem:$0x1F500] =	vst v5;
	v5 =	vimm.s32 $0x0;
	vm3 =	vgt.f32 v54, v60  }
0x360: {  	[tilespmem:$0x1F4D0] =	vst v1;
	v1 =	vimm.s32 $0x0;
	v61 =	vsel vm3, v54, v60;
	v24 =	vmax.f32 v53, v24  }
0x361: {  	v1 =	vsel vm0, $0xFFFFFFFF, v1;
	vm5 =	vgt.f32 v59, v61;
	vm9 =	vgt.f32 v6, v23  }
0x362: {  	s3 =	sadd.s32 $0x30, s3;
	[tilespmem:$0x1F510] =	vst v1;
	v1 =	vsel vm0, v62, v32;
	vm0 =	vgt.f32 v37, v45;
	v7 =	vsel vm5, $0xFFFFFFFF, v7  }
0x363: {  	v14 =	vld [tilespmem:s31+$0x4000];
	s31 =	sor.u32 $0x300, s3;
	v39 =	vsel vm9, v6, v23;
	v6 =	vsel vm9, v23, v6;
	v23 =	vsel vm14, v10, v57  }
0x364: {  	v8 =	vmovc v56;
	v28 =	vld [tilespmem:s31+$0x4000];
	vm1 =	vgt.f32 v63, v1;
	v48 =	vsel vm0, v37, v45;
	vm10 =	vgt.f32 v19, v39  }
0x365: {  	v40 =	vld [tilespmem:s19+$0x100];
	s30 =	sor.u32 $0x200, s3;
	[tilespmem:$0x1F720] =	vst v7;
	vm13 =	vmmov vm0;
	v23 =	vsel vm15, v8, v23;
	v6 =	vmax.f32 v24, v6  }
0x366: {  	v15 =	vld [tilespmem:s30+$0x4000];
	v5 =	vsel vm1, $0xFFFFFFFF, v5;
	v46 =	vsel vm1, v63, v1;
	vm2 =	vgt.f32 v44, v48;
	[tilespmem:$0x1F6E0] =	vst v23  }
0x367: {  	s30 =	sor.u32 $0x280, s3;
	v57 =	vld [tilespmem:$0x1F510];
	v23 =	vmax.f32 v25, v41;
	[tilespmem:$0x1F610] =	vst v5;
	vm1 =	vgt.f32 v0, v46;
	v5 =	vimm.s32 $0x0  }
0x368: {  	v18 =	vld [tilespmem:s30+$0x4000];
	v7 =	vsel vm10, v19, v39;
	v19 =	vsel vm10, v39, v19;
	[tilespmem:$0x1F6F0] =	vst v23;
	v5 =	vsel vm1, $0xFFFFFFFF, v5  }
0x369: {  	s19 =	sor.u32 $0x280, s9;
	v58 =	vsel vm2, v44, v48;
	vm11 =	vgt.f32 v28, v7;
	v23 =	vld [tilespmem:$0x1F550];
	[tilespmem:$0x1F620] =	vst v5;
	v5 =	vimm.s32 $0x0  }
0x36a: {  	[tilespmem:$0x1F650] =	vst v16;
	v27 =	vld [tilespmem:s19+$0x4000];
	v6 =	vmax.f32 v6, v19;
	vm4 =	vgt.f32 v40, v58;
	v5 =	vsel vm3, $0xFFFFFFFF, v5  }
0x36b: {  	v16 =	vld [tilespmem:s21+$0x4000];
	v29 =	vsel vm11, v28, v7;
	v7 =	vsel vm11, v7, v28;
	[tilespmem:$0x1F700] =	vst v5;
	v5 =	vimm.s32 $0x0  }
0x36c: {  	vm0 =	vnez.u8 v57;
	v57 =	vmax.f32 v6, v7;
	v6 =	vld [tilespmem:$0x1F5B0];
	v5 =	vsel vm4, $0xFFFFFFFF, v5  }
0x36d: {  	v52 =	vld [tilespmem:$0x1F4E0];
	[tilespmem:$0x1F710] =	vst v5;
	v5 =	vsel vm4, v40, v58;
	vm4 =	vgt.f32 v14, v22  }
0x36e: {  	v20 =	vsel vm4, v14, v22;
	v14 =	vsel vm4, v23, v14;
	v23 =	vld [tilespmem:$0x1F560]  }
0x36f: {  	v4 =	vmov v17;
	v55 =	vld [tilespmem:$0x1F500];
	v17 =	vsel vm5, v59, v61;
	vm5 =	vgt.f32 v27, v20  }
0x370: {  	v51 =	vld [tilespmem:$0x1F4D0];
	v31 =	vsel vm5, v27, v20  }
0x371: {  	v24 =	vld [tilespmem:$0x1F530];
	v6 =	vmax.f32 v6, v14;
	v19 =	vsel vm5, v20, v27;
	vm6 =	vgt.f32 v16, v31  }
0x372: {  	v6 =	vmax.f32 v6, v19;
	v56 =	vsel vm6, v16, v31;
	v7 =	vsel vm6, v31, v16;
	v16 =	vld [tilespmem:$0x1F5C0]  }
0x373: {  	v23 =	vsel vm8, v21, v23;
	v6 =	vmax.f32 v6, v7;
	v7 =	vld [tilespmem:$0x1F610]  }
0x374: {  	v41 =	vld [tilespmem:$0x1F520];
	v20 =	vsel vm9, v12, v23  }
0x375: {  	v39 =	vld [tilespmem:$0x1F540];
	v14 =	vsel vm10, v10, v20  }
0x376: {  	vm7 =	vgt.f32 v18, v56;
	v19 =	vsel vm11, v8, v14;
	v14 =	vld [tilespmem:$0x1F5E0]  }
0x377: {  	v22 =	vsel vm7, v18, v56;
	vm10 =	vnez.u8 v16;
	v16 =	vsel vm7, v56, v18;
	v18 =	vld [tilespmem:$0x1F5F0]  }
0x378: {  	vm12 =	vmmov vm2;
	vm2 =	vnez.u8 v7;
	v7 =	vld [tilespmem:$0x1F620]  }
0x379: {  	vm15 =	vnez.u8 v55;
	v55 =	vmax.f32 v6, v16;
	v6 =	vld [tilespmem:$0x1F650]  }
0x37a: {  	v25 =	vld [tilespmem:$0x1F570]  }
0x37b: {  	v23 =	vld [tilespmem:$0x1F590]  }
0x37c: {  	v20 =	vld [tilespmem:$0x1F600];
	vm3 =	vmmov vm2;
	v1 =	vsel vm2, v1, v63;
	v18 =	vsel vm4, v21, v18  }
0x37d: {  	v14 =	vsel vm0, v14, v62;
	vm2 =	vnez.u8 v7;
	v7 =	vsel vm5, v12, v18;
	v18 =	vld [tilespmem:$0x1F640]  }
0x37e: {  	s24 =	sadd.s32 $0x4, s24;
	v30 =	vsel vm1, v0, v46;
	v6 =	vmax.f32 v6, v14;
	v14 =	vld [tilespmem:$0x1F660]  }
0x37f: {  	p1 =	slt.u32 s24, $0x1C;
	vm1 =	vgt.f32 v15, v30;
	v50 =	vmax.f32 v6, v1;
	v1 =	vld [tilespmem:$0x1F680]  }
.Ltmp5:
0x380: {  	v32 =	vsel vm1, v15, v30;
	v47 =	vsel vm1, v30, v15;
	v30 =	vld [tilespmem:$0x1F670];
	(pc) =	sbr.rel @p1 .LBB2_12-.Ltmp5, $4  }
0x381: {  	vm14 =	vnez.u8 v51;
	v27 =	vld [tilespmem:$0x1F580];
	vm8 =	vnez.u8 v25  }
0x382: {  	v56 =	vld [tilespmem:$0x1F5D0];
	vm9 =	vnez.u8 v23;
	v62 =	vlaneseq.u32;
	v7 =	vsel vm6, v10, v7  }
0x383: {  	v23 =	vmovc v11;
	v11 =	vmovc v3;
	v3 =	vld [tilespmem:$0x1F5A0];
	vm4 =	vnez.u8 v20;
	v0 =	vsel vm2, v46, v0;
	v53 =	vsel vm7, v8, v7  }
0x384: {  	s25 =	sadd.s32 $0x200, s25;
	s26 =	sadd.s32 $0x40, s26;
	v63 =	vld [tilespmem:$0x1F630];
	vm5 =	vnez.u8 v18;
	vm6 =	vnez.u8 v14;
	vm7 =	vnez.u8 v1  }
0x385: {  	v1 =	vsel vm0, v21, v30  }
0x386: {  	v1 =	vsel vm3, v12, v1  }
0x387: {  	v1 =	vsel vm2, v10, v1  }
0x388: {  	v0 =	vmax.f32 v50, v0;
	v6 =	vld [tilespmem:$0x1F6D0];
	v46 =	vsel vm1, v8, v1;
	v1 =	vsel vm14, v4, v42  }
0x389: {  	v4 =	vsel vm15, v49, v43;
	v43 =	vmax.f32 v0, v47;
	v0 =	vld [tilespmem:$0x1F700];
	v1 =	vmax.f32 v27, v1  }
0x38a: {  	v1 =	vmax.f32 v1, v4;
	v4 =	vld [tilespmem:$0x1F720];
	_ =	sdelay $0x3  }
0x38b: {  	vm1 =	vnez.u8 v6;
	vm0 =	vnez.u8 v0  }
0x38c: {  	s0 =	simm.s32 $0x0;
	s1 =	rddreg [dreg:$0x6];
	v6 =	vsel vm1, v3, v38;
	v0 =	vsel vm0, v60, v54;
	vm2 =	vnez.u8 v4  }
0x38d: {  	[tilespmem:s29], [sflag:$0x3] =	stream.linear.gather [hbm4b:s1+s0], $0x1400, $0x38;
	v3 =	vsel vm14, v21, v24;
	v0 =	vmax.f32 v1, v0;
	v4 =	vsel vm2, v61, v59;
	[tilespmem:$0x6000] =	vst v63  }
0x38e: {  	_ =	swait.ge [sflag:s18], $0x1400;
	v1 =	vsel vm13, v45, v37;
	v15 =	vmax.f32 v0, v4;
	v0 =	vmax.f32 v39, v6  }
0x38f: {  	v7 =	vsel vm15, v12, v3;
	v3 =	vld [tilespmem:$0x1F6A0];
	v4 =	vsel vm12, v48, v44;
	v0 =	vmax.f32 v0, v1  }
0x390: {  	v0 =	vmax.f32 v0, v4;
	v4 =	vld [tilespmem:$0x1F6C0];
	_ =	sdelay $0x2  }
0x391: {  	v1 =	vld [tilespmem:$0x1F710];
	_ =	sdelay $0x1  }
0x392: {  	v6 =	vsel vm0, v10, v7;
	v16 =	vmax.f32 v3, v4;
	v3 =	vld [tilespmem:$0x1F690]  }
0x393: {  	v38 =	vsel vm2, v8, v6;
	v6 =	vsel vm1, v21, v41  }
0x394: {  	s26 =	sand.u32 $0x40, s0;
	s3 =	sand.u32 $0x1C00, s0;
	[sflag:s18] =	ssyncset.done $0x0;
	v6 =	vsel vm13, v12, v6  }
0x395: {  	s1 =	sor.u32 s26, s3;
	[sflag:s18] =	ssyncadd.s32 $0xFFFFEC00;
	v6 =	vsel vm12, v10, v6;
	vm0 =	vnez.u8 v1  }
0x396: {  	v20 =	vld [tilespmem:s1+$0x4080];
	v1 =	vsel vm0, v58, v40;
	v50 =	vsel vm0, v8, v6;
	v6 =	vsel vm4, v21, v63  }
0x397: {  	v37 =	vmax.f32 v0, v1;
	v0 =	vsel vm4, v52, v11;
	v7 =	vsel vm8, v21, v3;
	v3 =	vld [tilespmem:$0x1F6B0]  }
0x398: {  	v0 =	vmax.f32 v56, v0;
	v1 =	vsel vm9, v12, v7;
	v7 =	vsel vm5, v34, v13;
	v13 =	vld [tilespmem:s1+$0x4000]  }
0x399: {  	v9 =	vsel vm6, v35, v9;
	v24 =	vld [tilespmem:s1+$0x4090];
	v6 =	vsel vm5, v12, v6;
	v0 =	vmax.f32 v0, v7  }
0x39a: {  	v6 =	vsel vm6, v10, v6;
	v7 =	vsel vm7, v36, v23;
	v0 =	vmax.f32 v0, v9  }
0x39b: {  	v52 =	vsel vm7, v8, v6;
	vm7 =	vgt.f32 v20, v33;
	v23 =	vmax.f32 v0, v7;
	v0 =	vld [tilespmem:s1+$0x40A0]  }
0x39c: {  	v18 =	vld [tilespmem:s1+$0x40B0];
	v1 =	vsel vm10, v10, v1;
	v6 =	vsel vm7, v20, v33;
	vm0 =	vnez.u8 v3  }
0x39d: {  	p0 =	por $0x0, $0x0;
	s9 =	simm.s32 $0x1;
	v27 =	vld [tilespmem:s1+$0x4100];
	v20 =	vsel vm7, v33, v20;
	v4 =	vsel vm0, v8, v1;
	vm5 =	vgt.f32 v13, v2  }
0x39e: {  	s7 =	simm.s32 $0xF4020;
	s9 =	simm.s32 @!p0 $0x0;
	[tilespmem:$0x1F450] =	vst v2;
	v47 =	vld [tilespmem:s1+$0x4180];
	vm0 =	vgt.f32 v24, v6;
	v59 =	vsel vm5, v13, v2;
	v2 =	vimm.s32 $0x0  }
0x39f: {  	s0 =	sor.u32 s0, s0;
	s30 =	sshll.u32 s9, $0x6;
	v31 =	vld [tilespmem:s1+$0x4110];
	v7 =	vor.u32 s7, v62;
	v25 =	vsel vm0, v24, v6;
	v2 =	vsel vm0, $0xFFFFFFFF, v2  }
0x3a0: {  	s0 =	sor.u32 $0x380, s0;
	s31 =	sadd.s32 $0x0, s30;
	v48 =	vld [tilespmem:s1+$0x4030];
	v6 =	vsel vm0, v6, v24;
	[tilespmem:$0x1F460] =	vst v2;
	vm0 =	vgt.f32 v0, v25;
	v2 =	vimm.s32 $0x0  }
0x3a1: {  	s17 =	sadd.s32 $0x10, s31;
	v16 =	vmax.f32 v16, v20;
	v20 =	vld [tilespmem:s0+$0x4000];
	v24 =	vsel vm0, v0, v25;
	v2 =	vsel vm0, $0xFFFFFFFF, v2  }
0x3a2: {  	s9 =	sadd.s32 $0x20, s31;
	v12 =	vld [tilespmem:s1+$0x4010];
	s7 =	sor.u32 $0x380, s17;
	v0 =	vsel vm0, v25, v0;
	[tilespmem:$0x1F470] =	vst v2;
	vm0 =	vgt.f32 v18, v24;
	v2 =	vimm.s32 $0x0  }
0x3a3: {  	s19 =	sor.u32 $0x380, s9;
	v6 =	vmax.f32 v16, v6;
	v16 =	vld [tilespmem:s7+$0x4000];
	v2 =	vsel vm0, $0xFFFFFFFF, v2  }
0x3a4: {  	v61 =	vmax.f32 v6, v0;
	v0 =	vld [tilespmem:s19+$0x4000];
	s19 =	sadd.s32 $0x30, s31;
	[tilespmem:$0x1F480] =	vst v2;
	v2 =	vsel vm0, v24, v18  }
0x3a5: {  	vm1 =	vgt.f32 v27, v5;
	v58 =	vld [tilespmem:s1+$0x4020];
	s21 =	sor.u32 $0x380, s19;
	[tilespmem:$0x1F490] =	vst v2;
	v2 =	vimm.s32 $0x0  }
0x3a6: {  	s4 =	simm.s32 $0xF4010;
	vm13 =	vgt.f32 v47, v17;
	vm2 =	vgt.f32 v20, v26;
	v25 =	vld [tilespmem:s21+$0x4000];
	v2 =	vsel vm1, $0xFFFFFFFF, v2  }
0x3a7: {  	v8 =	vor.u32 s4, v62;
	s4 =	sor.u32 $0x200, s31;
	v60 =	vsel vm0, v18, v24;
	v18 =	vsel vm2, v20, v26;
	[tilespmem:$0x1F4A0] =	vst v2;
	v2 =	vld [tilespmem:$0x1F6E0]  }
0x3a8: {  	v44 =	vsel vm1, v27, v5;
	v28 =	vld [tilespmem:s4+$0x4000];
	vm6 =	vgt.f32 v12, v59;
	vm3 =	vgt.f32 v16, v18  }
0x3a9: {  	s20 =	sor.u32 $0x300, s31;
	v45 =	vsel vm13, v47, v17;
	v33 =	vsel vm6, v12, v59;
	v24 =	vsel vm3, v16, v18  }
0x3aa: {  	s29 =	simm.s32 $0xF4000;
	vm14 =	vgt.f32 v31, v44;
	vm8 =	vgt.f32 v58, v33;
	v6 =	vld [tilespmem:s20+$0x4000];
	vm4 =	vgt.f32 v0, v24  }
0x3ab: {  	s23 =	sor.u32 $0x300, s17;
	v21 =	vor.u32 s29, v62;
	v36 =	vsel vm8, v58, v33;
	v51 =	vsel vm4, v0, v24  }
0x3ac: {  	v34 =	vld [tilespmem:s23+$0x4000];
	v20 =	vsel vm2, v26, v20;
	v54 =	vsel vm2, v21, v2;
	vm2 =	vgt.f32 v25, v51  }
0x3ad: {  	s28 =	simm.s32 $0xF4030;
	vm10 =	vgt.f32 v48, v36;
	vm0 =	vgt.f32 v28, v32;
	v2 =	vsel vm2, v25, v51  }
0x3ae: {  	v1 =	vor.u32 s28, v62;
	v35 =	vsel vm10, v48, v36;
	v41 =	vsel vm0, v28, v32;
	[tilespmem:$0x1F4B0] =	vst v2;
	v2 =	vld [tilespmem:$0x1F6F0]  }
0x3af: {  	s24 =	sor.u32 $0x300, s9;
	v11 =	vsel vm0, v32, v28;
	v46 =	vsel vm0, v21, v46;
	vm1 =	vgt.f32 v6, v29  }
0x3b0: {  	s3 =	sor.u32 $0x280, s31;
	v26 =	vld [tilespmem:s24+$0x4000];
	v16 =	vsel vm3, v18, v16;
	v40 =	vsel vm2, v51, v25;
	v25 =	vsel vm1, v6, v29  }
0x3b1: {  	v18 =	vld [tilespmem:s3+$0x4000];
	v56 =	vsel vm3, v8, v54;
	v6 =	vsel vm1, v29, v6;
	vm3 =	vgt.f32 v34, v25  }
0x3b2: {  	v42 =	vld [tilespmem:s1+$0x4190];
	s25 =	sor.u32 $0x300, s19;
	v0 =	vsel vm4, v24, v0;
	v6 =	vmax.f32 v57, v6;
	v29 =	vsel vm3, v25, v34  }
0x3b3: {  	s26 =	sor.u32 $0x200, s17;
	v3 =	vld [tilespmem:s25+$0x4000];
	v14 =	vsel vm1, v21, v19;
	v29 =	vmax.f32 v6, v29;
	v20 =	vmax.f32 v2, v20  }
0x3b4: {  	v49 =	vld [tilespmem:s26+$0x4000];
	v2 =	vimm.s32 $0x0;
	v16 =	vmax.f32 v20, v16;
	v20 =	vsel vm3, v34, v25  }
0x3b5: {  	s28 =	sor.u32 $0x280, s17;
	v25 =	vsel vm4, v7, v56;
	vm4 =	vgt.f32 v26, v20;
	v0 =	vmax.f32 v16, v0  }
0x3b6: {  	v25 =	vsel vm2, v1, v25;
	v16 =	vld [tilespmem:s28+$0x4000];
	vm2 =	vgt.f32 v18, v22;
	v57 =	vsel vm4, v26, v20  }
0x3b7: {  	v20 =	vsel vm4, v20, v26;
	v63 =	vsel vm2, v18, v22;
	v22 =	vsel vm2, v22, v18  }
0x3b8: {  	s29 =	sor.u32 $0x280, s9;
	v18 =	vsel vm3, v8, v14;
	vm3 =	vgt.f32 v42, v45;
	vm1 =	vgt.f32 v3, v57  }
0x3b9: {  	v51 =	vld [tilespmem:s29+$0x4000];
	v14 =	vsel vm4, v7, v18;
	vm4 =	vgt.f32 v49, v41;
	v18 =	vsel vm2, v21, v53  }
0x3ba: {  	s30 =	sor.u32 $0x280, s19;
	v20 =	vmax.f32 v29, v20;
	v22 =	vmax.f32 v55, v22;
	v30 =	vsel vm1, v3, v57  }
0x3bb: {  	v26 =	vsel vm1, v57, v3;
	v3 =	vld [tilespmem:s30+$0x4000];
	v34 =	vsel vm4, v49, v41;
	vm2 =	vgt.f32 v16, v63  }
0x3bc: {  	v39 =	vld [tilespmem:s1+$0x41A0];
	v41 =	vsel vm4, v41, v49;
	v49 =	vsel vm13, v17, v47;
	v10 =	vsel vm2, v16, v63  }
0x3bd: {  	v24 =	vld [tilespmem:s1+$0x4120];
	v16 =	vsel vm2, v63, v16;
	v53 =	vsel vm2, v8, v18;
	v63 =	vmax.f32 v0, v40  }
0x3be: {  	s0 =	sor.u32 $0x200, s9;
	v18 =	vmax.f32 v20, v26;
	v20 =	vld [tilespmem:s1+$0x41B0];
	vm2 =	vgt.f32 v51, v10;
	v16 =	vmax.f32 v22, v16  }
0x3bf: {  	v0 =	vsel vm2, v51, v10;
	v40 =	vsel vm2, v10, v51;
	v10 =	vld [tilespmem:s0+$0x4000];
	v51 =	vsel vm14, v31, v44  }
0x3c0: {  	s31 =	sor.u32 $0x200, s19;
	v54 =	vsel vm2, v7, v53;
	v53 =	vsel vm3, v42, v45;
	vm2 =	vgt.f32 v3, v0  }
0x3c1: {  	v16 =	vmax.f32 v16, v40;
	v29 =	vsel vm2, v3, v0;
	v0 =	vsel vm2, v0, v3;
	v3 =	vld [tilespmem:s31+$0x4000]  }
0x3c2: {  	v19 =	vsel vm2, v1, v54;
	vm2 =	vgt.f32 v39, v53;
	v6 =	vmax.f32 v16, v0  }
0x3c3: {  	v40 =	vld [tilespmem:s1+$0x4130];
	v16 =	vsel vm1, v1, v14;
	vm1 =	vgt.f32 v24, v51;
	v56 =	vsel vm2, v39, v53  }
0x3c4: {  	v0 =	vmax.f32 v43, v11;
	vm11 =	vgt.f32 v20, v56;
	vm0 =	vgt.f32 v10, v34  }
0x3c5: {  	v54 =	vsel vm1, v24, v51;
	v2 =	vsel vm11, $0xFFFFFFFF, v2;
	v57 =	vsel vm0, v10, v34  }
0x3c6: {  	vm9 =	vmmov vm0;
	v14 =	vsel vm0, v34, v10;
	vm0 =	vgt.f32 v3, v57  }
0x3c7: {  	v10 =	vmax.f32 v0, v41;
	v41 =	vsel vm0, v3, v57;
	vm15 =	vmmov vm0  }
0x3c8: {  	v0 =	vsel vm0, v57, v3;
	vm0 =	vmmov vm13;
	vm13 =	vgt.f32 v40, v54  }
0x3c9: {  	s23 =	simm.s32 $0x200;
	s24 =	simm.s32 $0x40;
	s1 =	simm.s32 $0x0;
	v17 =	vsel vm11, v20, v56;
	[tilespmem:$0x1F4C0] =	vst v2;
	v47 =	vmax.f32 v10, v14;
	v43 =	vsel vm13, v40, v54  }
.LBB2_14:
0x3ca: {  	v2 =	vmov v41  }
0x3cb: {  	[tilespmem:$0x1F370] =	vst v2;
	v2 =	vld [tilespmem:$0x1F4C0];
	_ =	sdelay $0x4  }
0x3cc: {  	[tilespmem:$0x1F310] =	vst v16;
	v34 =	vsel vm4, v8, v46;
	v16 =	vld [tilespmem:$0x1F4B0];
	vm4 =	vnez.u8 v2;
	v2 =	vmov v29  }
0x3cd: {  	[tilespmem:$0x1F300] =	vst v2;
	v2 =	vld [tilespmem:$0x1F4A0];
	_ =	sdelay $0x1  }
0x3ce: {  	[tilespmem:$0x1F330] =	vst v6;
	v6 =	vmax.f32 v47, v0;
	v0 =	vmov v17  }
0x3cf: {  	[tilespmem:$0x1F420] =	vst v0;
	v0 =	vmax.f32 v15, v49;
	v15 =	vsel vm0, v21, v38  }
0x3d0: {  	v15 =	vsel vm3, v8, v15  }
0x3d1: {  	v49 =	vsel vm9, v7, v34;
	v15 =	vsel vm2, v7, v15;
	vm9 =	vnez.u8 v2;
	v2 =	vmovc v16  }
0x3d2: {  	[tilespmem:$0x1F270] =	vst v2;
	v2 =	vsel vm4, v1, v15  }
0x3d3: {  	v42 =	vsel vm3, v45, v42;
	[tilespmem:$0x1F2F0] =	vst v2;
	v2 =	vld [tilespmem:$0x1F490]  }
0x3d4: {  	v9 =	vmax.f32 v0, v42;
	v0 =	vmov v30;
	v34 =	vsel vm9, v5, v27  }
0x3d5: {  	v31 =	vsel vm14, v44, v31;
	[tilespmem:$0x1F290] =	vst v0;
	v0 =	vmax.f32 v37, v34  }
0x3d6: {  	v14 =	vsel vm1, v51, v24;
	v0 =	vmax.f32 v0, v31  }
0x3d7: {  	v31 =	vsel vm13, v54, v40;
	v0 =	vmax.f32 v0, v14  }
0x3d8: {  	v11 =	vsel vm9, v21, v50;
	v0 =	vmax.f32 v0, v31;
	v50 =	vmax.f32 v61, v2;
	v2 =	vld [tilespmem:$0x1F460]  }
0x3d9: {  	[tilespmem:$0x1F2A0] =	vst v0;
	v0 =	vld [tilespmem:$0x1F450]  }
0x3da: {  	v3 =	vsel vm2, v53, v39  }
0x3db: {  	[tilespmem:$0x1F390] =	vst v19;
	v3 =	vmax.f32 v9, v3;
	v32 =	vsel vm4, v56, v20  }
0x3dc: {  	[tilespmem:$0x1F3C0] =	vst v6;
	v3 =	vmax.f32 v3, v32  }
0x3dd: {  	s0 =	sand.u32 $0x40, s24;
	s3 =	sand.u32 $0x1C00, s23;
	v10 =	vsel vm8, v33, v58;
	v19 =	vsel vm7, v21, v4;
	[tilespmem:$0x1F360] =	vst v3;
	v3 =	vld [tilespmem:$0x1F470];
	vm0 =	vnez.u8 v2;
	v2 =	vmovc v35  }
0x3de: {  	s0 =	sor.u32 s0, s3;
	v6 =	vsel vm15, v1, v49;
	v27 =	vsel vm6, v59, v12;
	v0 =	vsel vm5, v0, v13;
	[tilespmem:$0x1F450] =	vst v2;
	v2 =	vld [tilespmem:$0x1F480]  }
0x3df: {  	v9 =	vld [tilespmem:s0+$0x4000];
	v21 =	vsel vm5, v21, v52;
	v11 =	vsel vm14, v8, v11;
	v0 =	vmax.f32 v23, v0  }
0x3e0: {  	v11 =	vsel vm1, v7, v11;
	v23 =	vsel vm10, v36, v48;
	v0 =	vmax.f32 v0, v27  }
0x3e1: {  	v51 =	vld [tilespmem:s0+$0x4080];
	v4 =	vsel vm0, v8, v19;
	v8 =	vsel vm6, v8, v21;
	v0 =	vmax.f32 v0, v10  }
0x3e2: {  	vm0 =	vnez.u8 v3;
	v27 =	vsel vm8, v7, v8;
	v0 =	vmax.f32 v0, v23  }
0x3e3: {  	v54 =	vld [tilespmem:s0+$0x4090];
	v12 =	vsel vm0, v7, v4;
	[tilespmem:$0x1F2D0] =	vst v0;
	v0 =	vsel vm10, v1, v27;
	vm0 =	vnez.u8 v2  }
0x3e4: {  	vm1 =	vgt.f32 v9, v35;
	[tilespmem:$0x1F2E0] =	vst v0;
	v0 =	vimm.s32 $0x0;
	v2 =	vsel vm0, v1, v12;
	v12 =	vld [tilespmem:s0+$0x4010]  }
0x3e5: {  	[tilespmem:$0x1F430] =	vst v6;
	v6 =	vsel vm1, v9, v35;
	v0 =	vsel vm1, $0xFFFFFFFF, v0  }
0x3e6: {  	s21 =	sadd.s32 $0xF4030, s24;
	s4 =	sadd.s32 $0xF4010, s24;
	v49 =	vld [tilespmem:s0+$0x40A0];
	v3 =	vsel vm13, v1, v11;
	[tilespmem:$0x1F3B0] =	vst v0;
	vm0 =	vgt.f32 v51, v60;
	v0 =	vimm.s32 $0x0  }
0x3e7: {  	v57 =	vld [tilespmem:s0+$0x4020];
	v21 =	vor.u32 s21, v62;
	v8 =	vor.u32 s4, v62;
	[tilespmem:$0x1F440] =	vst v2;
	v0 =	vsel vm0, $0xFFFFFFFF, v0  }
0x3e8: {  	v20 =	vmovc v30;
	v30 =	vsel vm0, v60, v51;
	v2 =	vimm.s32 $0x0;
	[tilespmem:$0x1F410] =	vst v0;
	v0 =	vsel vm0, v51, v60  }
0x3e9: {  	v56 =	vld [tilespmem:s0+$0x4130];
	v30 =	vmax.f32 v50, v30;
	vm1 =	vgt.f32 v54, v0;
	vm0 =	vgt.f32 v12, v6  }
0x3ea: {  	v53 =	vld [tilespmem:s0+$0x4030];
	v55 =	vsel vm1, v54, v0;
	v0 =	vsel vm1, v0, v54;
	v2 =	vsel vm0, $0xFFFFFFFF, v2  }
0x3eb: {  	p0 =	por !p0, !p0;
	s3 =	simm.s32 $0x1;
	v45 =	vld [tilespmem:s0+$0x40B0];
	v5 =	vmovc v43;
	v33 =	vsel vm0, v12, v6;
	vm0 =	vgt.f32 v49, v55;
	[tilespmem:$0x1F3F0] =	vst v2;
	v2 =	vimm.s32 $0x0  }
0x3ec: {  	s3 =	simm.s32 @!p0 $0x0;
	v24 =	vmovc v57;
	[tilespmem:$0x1F340] =	vst v5;
	v0 =	vmax.f32 v30, v0;
	v30 =	vsel vm0, v55, v49;
	v2 =	vsel vm1, $0xFFFFFFFF, v2  }
0x3ed: {  	s7 =	sadd.s32 $0xF4020, s24;
	s3 =	sshll.u32 s3, $0x6;
	v27 =	vld [tilespmem:s0+$0x4100];
	vm1 =	vgt.f32 v24, v33;
	v0 =	vmax.f32 v0, v30;
	[tilespmem:$0x1F460] =	vst v2;
	v2 =	vimm.s32 $0x0  }
0x3ee: {  	v47 =	vld [tilespmem:s0+$0x41B0];
	s26 =	sadd.s32 s3, s23;
	v40 =	vmovc v56;
	v7 =	vor.u32 s7, v62;
	v56 =	vsel vm0, v49, v55;
	[tilespmem:$0x1F400] =	vst v0;
	v2 =	vsel vm1, $0xFFFFFFFF, v2  }
0x3ef: {  	s17 =	sor.u32 $0x300, s26;
	v57 =	vld [tilespmem:s0+$0x4180];
	v5 =	vmovc v53;
	v26 =	vsel vm1, v24, v33;
	v0 =	vimm.s32 $0x0;
	[tilespmem:$0x1F320] =	vst v2;
	v2 =	vimm.s32 $0x0  }
0x3f0: {  	s9 =	sadd.s32 $0xF4000, s24;
	s25 =	sor.u32 s23, s24;
	s29 =	sor.u32 $0x200, s26;
	v34 =	vmovc v63;
	v63 =	vld [tilespmem:s17+$0x4000];
	vm1 =	vgt.f32 v5, v26;
	v2 =	vsel vm0, $0xFFFFFFFF, v2;
	vm0 =	vgt.f32 v45, v56  }
0x3f1: {  	s28 =	sor.u32 $0x380, s25;
	v58 =	vld [tilespmem:s29+$0x4000];
	v1 =	vmovc v21;
	v21 =	vor.u32 s9, v62;
	v0 =	vsel vm1, $0xFFFFFFFF, v0;
	[tilespmem:$0x1F470] =	vst v2;
	v2 =	vsel vm0, v56, v45  }
0x3f2: {  	v62 =	vld [tilespmem:s28+$0x4000];
	v49 =	vsel vm1, v5, v26;
	vm1 =	vgt.f32 v27, v43;
	[tilespmem:$0x1F490] =	vst v2;
	v2 =	vimm.s32 $0x0  }
0x3f3: {  	s31 =	sadd.s32 $0x10, s26;
	v31 =	vld [tilespmem:s0+$0x4110];
	[tilespmem:$0x1F350] =	vst v0;
	v2 =	vsel vm1, $0xFFFFFFFF, v2  }
0x3f4: {  	v42 =	vld [tilespmem:s0+$0x4190];
	vm2 =	vgt.f32 v57, v17;
	s4 =	sor.u32 $0x380, s31;
	v0 =	vimm.s32 $0x0;
	[tilespmem:$0x1F4A0] =	vst v2;
	v2 =	vimm.s32 $0x0  }
0x3f5: {  	vm8 =	vgt.f32 v63, v20;
	v10 =	vld [tilespmem:s4+$0x4000];
	v0 =	vsel vm0, $0xFFFFFFFF, v0;
	v2 =	vsel vm2, $0xFFFFFFFF, v2  }
0x3f6: {  	v39 =	vld [tilespmem:s0+$0x41A0];
	s9 =	sor.u32 $0x200, s31;
	v35 =	vsel vm0, v45, v56;
	vm0 =	vgt.f32 v58, v41;
	[tilespmem:$0x1F280] =	vst v2;
	v2 =	vimm.s32 $0x0  }
0x3f7: {  	s19 =	sadd.s32 $0x20, s26;
	v59 =	vld [tilespmem:s9+$0x4000];
	vm12 =	vgt.f32 v62, v16;
	v44 =	vsel vm1, v27, v43;
	v2 =	vsel vm0, $0xFFFFFFFF, v2  }
0x3f8: {  	s20 =	sor.u32 $0x200, s19;
	v32 =	vld [tilespmem:s0+$0x4120];
	v45 =	vsel vm2, v57, v17;
	vm2 =	vgt.f32 v31, v44;
	[tilespmem:$0x1F380] =	vst v2;
	v2 =	vimm.s32 $0x0  }
0x3f9: {  	s3 =	sor.u32 $0x380, s19;
	s0 =	sadd.s32 $0x30, s26;
	v55 =	vsel vm8, v63, v20;
	v20 =	vsel vm12, v62, v16;
	[tilespmem:$0x1F480] =	vst v0;
	v0 =	vld [tilespmem:s20+$0x4000];
	v2 =	vsel vm2, $0xFFFFFFFF, v2  }
0x3fa: {  	s29 =	sor.u32 $0x300, s31;
	v13 =	vmovc v25;
	v25 =	vld [tilespmem:s3+$0x4000];
	s28 =	sor.u32 $0x280, s31;
	s21 =	sor.u32 $0x200, s0;
	vm13 =	vgt.f32 v10, v20;
	vm1 =	vgt.f32 v42, v45;
	[tilespmem:$0x1F2B0] =	vst v2;
	v2 =	vimm.s32 $0x0  }
0x3fb: {  	[tilespmem:$0x1F3E0] =	vst v3;
	s25 =	sor.u32 $0x280, s0;
	s31 =	sor.u32 $0x300, s0;
	s0 =	sor.u32 $0x380, s0;
	v37 =	vsel vm13, v10, v20;
	v3 =	vsel vm0, v58, v41;
	v2 =	vsel vm1, $0xFFFFFFFF, v2  }
0x3fc: {  	v16 =	vld [tilespmem:s0+$0x4000];
	v10 =	vsel vm13, v20, v10;
	vm0 =	vgt.f32 v59, v3;
	[tilespmem:$0x1F2C0] =	vst v2;
	v2 =	vimm.s32 $0x0  }
0x3fd: {  	v53 =	vsel vm1, v42, v45;
	v50 =	vsel vm0, v59, v3;
	v2 =	vsel vm0, $0xFFFFFFFF, v2  }
0x3fe: {  	vm15 =	vgt.f32 v39, v53;
	vm0 =	vgt.f32 v0, v50;
	[tilespmem:$0x1F3A0] =	vst v2;
	v2 =	vimm.s32 $0x0  }
0x3ff: {  	vm14 =	vgt.f32 v25, v37;
	v56 =	vsel vm15, v39, v53;
	v2 =	vsel vm0, $0xFFFFFFFF, v2  }
0x400: {  	v4 =	vsel vm14, v25, v37;
	vm3 =	vgt.f32 v47, v56;
	[tilespmem:$0x1F3D0] =	vst v2;
	v2 =	vimm.s32 $0x0  }
0x401: {  	v17 =	vsel vm3, v47, v56;
	v2 =	vsel vm3, $0xFFFFFFFF, v2;
	vm3 =	vgt.f32 v16, v4  }
0x402: {  	v20 =	vsel vm14, v37, v25;
	v25 =	vsel vm12, v21, v13;
	v13 =	vld [tilespmem:$0x1F280];
	v46 =	vsel vm3, v16, v4  }
0x403: {  	[tilespmem:$0x1F4B0] =	vst v46;
	v46 =	vld [tilespmem:$0x1F270];
	_ =	sdelay $0x4  }
0x404: {  	v46 =	vsel vm12, v46, v62;
	vm12 =	vnez.u8 v13;
	v13 =	vmov v9;
	v9 =	vld [tilespmem:$0x1F290];
	_ =	sdelay $0x4  }
0x405: {  	v4 =	vsel vm3, v4, v16;
	v16 =	vsel vm8, v9, v63;
	v9 =	vld [tilespmem:$0x1F2B0];
	_ =	sdelay $0x3  }
0x406: {  	v25 =	vsel vm13, v8, v25  }
0x407: {  	v25 =	vsel vm14, v7, v25;
	vm14 =	vnez.u8 v9;
	v9 =	vld [tilespmem:$0x1F2C0];
	_ =	sdelay $0x1  }
0x408: {  	s30 =	sor.u32 $0x280, s26;
	v11 =	vld [tilespmem:s29+$0x4000]  }
0x409: {  	v60 =	vld [tilespmem:s30+$0x4000];
	_ =	sdelay $0x1  }
0x40a: {  	v25 =	vsel vm3, v1, v25;
	vm3 =	vnez.u8 v9;
	v9 =	vld [tilespmem:$0x1F300];
	_ =	sdelay $0x1  }
0x40b: {  	vm9 =	vgt.f32 v11, v55;
	v46 =	vmax.f32 v34, v46  }
0x40c: {  	v36 =	vmovc v18;
	s30 =	sor.u32 $0x300, s19;
	vm4 =	vgt.f32 v60, v29;
	v28 =	vsel vm9, v11, v55;
	v10 =	vmax.f32 v46, v10  }
0x40d: {  	v23 =	vld [tilespmem:s30+$0x4000];
	v11 =	vsel vm9, v55, v11;
	v10 =	vmax.f32 v10, v20;
	v16 =	vmax.f32 v36, v16  }
0x40e: {  	v63 =	vmax.f32 v10, v4;
	v4 =	vmax.f32 v16, v11;
	v16 =	vsel vm4, v9, v60;
	v9 =	vld [tilespmem:$0x1F310]  }
0x40f: {  	v52 =	vld [tilespmem:s31+$0x4000]  }
0x410: {  	v15 =	vld [tilespmem:s28+$0x4000];
	_ =	sdelay $0x1  }
0x411: {  	vm10 =	vgt.f32 v23, v28  }
0x412: {  	v38 =	vsel vm10, v23, v28;
	v36 =	vmov v26;
	v26 =	vsel vm8, v21, v9;
	v9 =	vld [tilespmem:$0x1F320]  }
0x413: {  	v18 =	vsel vm4, v60, v29;
	vm11 =	vgt.f32 v52, v38;
	v10 =	vsel vm10, v28, v23  }
0x414: {  	vm5 =	vgt.f32 v15, v18;
	v11 =	vsel vm11, v38, v52;
	v4 =	vmax.f32 v4, v10  }
0x415: {  	v22 =	vsel vm5, v15, v18;
	v10 =	vsel vm5, v18, v15;
	v18 =	vmax.f32 v4, v11;
	v4 =	vld [tilespmem:$0x1F330];
	_ =	sdelay $0x1  }
0x416: {  	vm8 =	vnez.u8 v9;
	v9 =	vld [tilespmem:$0x1F350];
	_ =	sdelay $0x2  }
0x417: {  	v4 =	vmax.f32 v4, v16  }
0x418: {  	v4 =	vmax.f32 v4, v10;
	v10 =	vld [tilespmem:$0x1F380];
	v15 =	vsel vm9, v8, v26  }
0x419: {  	v15 =	vsel vm10, v7, v15;
	vm10 =	vnez.u8 v9;
	v9 =	vld [tilespmem:$0x1F370]  }
0x41a: {  	s26 =	sor.u32 $0x280, s19  }
0x41b: {  	v48 =	vld [tilespmem:s26+$0x4000];
	_ =	sdelay $0x1  }
0x41c: {  	v14 =	vld [tilespmem:s25+$0x4000];
	v30 =	vsel vm11, v52, v38;
	v16 =	vsel vm11, v1, v15;
	vm11 =	vnez.u8 v10  }
0x41d: {  	v10 =	vsel vm11, v9, v58;
	v9 =	vld [tilespmem:$0x1F390];
	_ =	sdelay $0x1  }
0x41e: {  	vm6 =	vgt.f32 v48, v22  }
0x41f: {  	[tilespmem:$0x1F4C0] =	vst v2;
	v2 =	vsel vm6, v48, v22  }
0x420: {  	vm7 =	vgt.f32 v14, v2  }
0x421: {  	v29 =	vsel vm7, v14, v2;
	v2 =	vsel vm7, v2, v14;
	v14 =	vsel vm4, v21, v9;
	v9 =	vld [tilespmem:$0x1F3A0];
	_ =	sdelay $0x4  }
0x422: {  	vm4 =	vnez.u8 v9  }
0x423: {  	v3 =	vsel vm4, v3, v59;
	v59 =	vmov v6;
	v6 =	vld [tilespmem:$0x1F3B0];
	_ =	sdelay $0x2  }
0x424: {  	v11 =	vsel vm6, v22, v48  }
0x425: {  	v51 =	vsel vm2, v31, v44;
	v4 =	vmax.f32 v4, v11  }
0x426: {  	v11 =	vsel vm5, v8, v14;
	vm5 =	vnez.u8 v6;
	v6 =	vmax.f32 v4, v2;
	v4 =	vld [tilespmem:$0x1F3D0]  }
0x427: {  	vm1 =	vgt.f32 v32, v51;
	v2 =	vld [tilespmem:$0x1F3C0]  }
0x428: {  	v54 =	vsel vm1, v32, v51  }
0x429: {  	vm2 =	vgt.f32 v40, v54  }
0x42a: {  	v43 =	vsel vm2, v40, v54  }
0x42b: {  	v61 =	vld [tilespmem:s21+$0x4000];
	vm13 =	vmmov vm2;
	vm2 =	vmmov vm15;
	vm15 =	vnez.u8 v4  }
0x42c: {  	v19 =	vsel vm0, v0, v50;
	v2 =	vmax.f32 v2, v10;
	v4 =	vsel vm15, v50, v0;
	v0 =	vld [tilespmem:$0x1F3F0]  }
0x42d: {  	v2 =	vmax.f32 v2, v3;
	v3 =	vld [tilespmem:$0x1F410];
	_ =	sdelay $0x2  }
0x42e: {  	vm0 =	vgt.f32 v61, v19  }
0x42f: {  	v41 =	vsel vm0, v61, v19;
	v10 =	vsel vm6, v7, v11;
	vm6 =	vnez.u8 v0  }
0x430: {  	v0 =	vsel vm0, v19, v61;
	v19 =	vsel vm7, v1, v10;
	vm7 =	vnez.u8 v3;
	v3 =	vld [tilespmem:$0x1F420]  }
0x431: {  	v37 =	vld [tilespmem:$0x1F2A0]  }
0x432: {  	v23 =	vld [tilespmem:$0x1F2D0]  }
0x433: {  	v52 =	vld [tilespmem:$0x1F2E0]  }
0x434: {  	s1 =	sadd.s32 $0x4, s1;
	v38 =	vld [tilespmem:$0x1F2F0]  }
0x435: {  	p1 =	slt.u32 s1, $0x20;
	v60 =	vmov v35;
	v35 =	vmov v49;
	v49 =	vsel vm12, v3, v57;
	v3 =	vld [tilespmem:$0x1F430]  }
.Ltmp6:
0x436: {  	v48 =	vmov v5;
	v5 =	vld [tilespmem:$0x1F340];
	(pc) =	sbr.rel @p1 .LBB2_14-.Ltmp6, $4  }
0x437: {  	v15 =	vld [tilespmem:$0x1F360]  }
0x438: {  	v50 =	vld [tilespmem:$0x1F3E0]  }
0x439: {  	v62 =	vlaneseq.u32;
	v20 =	vmovc v47;
	vm9 =	vmmov vm15;
	v47 =	vmax.f32 v2, v4;
	v4 =	vld [tilespmem:$0x1F440]  }
0x43a: {  	s24 =	sadd.s32 $0x40, s24;
	s23 =	sadd.s32 $0x200, s23;
	v58 =	vmovc v24;
	v24 =	vmovc v32;
	vm15 =	vmmov vm0;
	v61 =	vld [tilespmem:$0x1F400];
	vm0 =	vmmov vm12;
	v46 =	vsel vm11, v21, v3  }
0x43b: {  	[tilespmem:$0x5400] =	vst v35  }
0x43c: {  	[tilespmem:$0x5480] =	vst v60  }
0x43d: {  	[tilespmem:$0x5500] =	vst v43  }
0x43e: {  	v3 =	vld [tilespmem:$0x1F450];
	[tilespmem:$0x5580] =	vst v17  }
0x43f: {  	v11 =	vld [tilespmem:$0x1F460];
	[tilespmem:$0x5600] =	vst v41  }
0x440: {  	v32 =	vld [tilespmem:$0x1F4A0];
	[tilespmem:$0x5680] =	vst v29  }
0x441: {  	v22 =	vsel vm5, v21, v52;
	v10 =	vsel vm6, v59, v12;
	v9 =	vsel vm8, v33, v58;
	v34 =	vld [tilespmem:$0x1F470];
	[tilespmem:$0x5A80] =	vst v19  }
0x442: {  	v26 =	vsel vm10, v36, v48;
	v28 =	vsel vm0, v21, v38;
	v35 =	vsel vm14, v44, v31;
	v36 =	vld [tilespmem:$0x1F480];
	[tilespmem:$0x5E80] =	vst v6  }
0x443: {  	v38 =	vsel vm1, v51, v24;
	v44 =	vld [tilespmem:$0x1F490];
	v51 =	vsel vm3, v45, v42;
	v58 =	vsel vm4, v8, v46;
	[tilespmem:$0x5700] =	vst v30  }
0x444: {  	v0 =	vmax.f32 v47, v0;
	[tilespmem:$0x5B00] =	vst v16;
	v2 =	vsel vm7, v21, v4;
	v4 =	vsel vm6, v8, v22  }
0x445: {  	[tilespmem:$0x5F00] =	vst v18;
	v52 =	vmax.f32 v15, v49;
	v59 =	vsel vm9, v7, v58;
	v4 =	vsel vm8, v7, v4  }
0x446: {  	[tilespmem:$0x5B80] =	vst v25;
	v60 =	vsel vm15, v1, v59;
	v3 =	vsel vm5, v3, v13;
	v4 =	vsel vm10, v1, v4  }
0x447: {  	[tilespmem:$0x5F80] =	vst v63;
	vm8 =	vnez.u8 v11;
	vm10 =	vnez.u8 v32;
	vm11 =	vnez.u8 v34  }
0x448: {  	[tilespmem:$0x5E00] =	vst v0;
	vm12 =	vnez.u8 v36;
	v11 =	vmax.f32 v61, v44;
	v3 =	vmax.f32 v23, v3  }
0x449: {  	v57 =	vld [tilespmem:$0x1F4C0];
	v2 =	vsel vm8, v8, v2;
	[tilespmem:$0x5800] =	vst v4;
	v4 =	vsel vm10, v5, v27;
	v33 =	vsel vm10, v21, v50  }
0x44a: {  	[tilespmem:$0x5A00] =	vst v60;
	v61 =	vld [tilespmem:$0x1F4B0];
	v50 =	vsel vm13, v54, v40;
	v3 =	vmax.f32 v3, v10;
	v2 =	vsel vm11, v7, v2  }
0x44b: {  	[tilespmem:$0x5C80] =	vst v11;
	v5 =	vsel vm14, v8, v33;
	v3 =	vmax.f32 v3, v9;
	v2 =	vsel vm12, v1, v2  }
0x44c: {  	v4 =	vmax.f32 v37, v4;
	v48 =	vsel vm1, v7, v5;
	v3 =	vmax.f32 v3, v26;
	[tilespmem:$0x5880] =	vst v2  }
0x44d: {  	v54 =	vsel vm2, v53, v39;
	v2 =	vsel vm13, v1, v48;
	[tilespmem:$0x5C00] =	vst v3;
	v3 =	vmax.f32 v4, v35  }
0x44e: {  	vm14 =	vnez.u8 v57;
	v9 =	vsel vm3, v8, v28;
	[tilespmem:$0x5900] =	vst v2;
	v3 =	vmax.f32 v3, v38  }
0x44f: {  	v5 =	vmax.f32 v52, v51;
	v55 =	vsel vm2, v7, v9;
	[tilespmem:$0x5780] =	vst v61;
	v3 =	vmax.f32 v3, v50  }
0x450: {  	v4 =	vsel vm14, v1, v55;
	v2 =	vmax.f32 v5, v54;
	[tilespmem:$0x5D00] =	vst v3;
	v3 =	vsel vm14, v56, v20  }
0x451: {  	[tilespmem:$0x5980] =	vst v4;
	v2 =	vmax.f32 v2, v3  }
0x452: {  	s0 =	simm.s32 $0x5400;
	[tilespmem:$0x5D80] =	vst v2  }
0x453: {  	[hbm4b:s10+s2] =	stream.linear.scatter [tilespmem:s0], [sflag:$0x3], $0x400, $0x38;
	[tilespmem:$0x6000] =	vst v63  }
0x454: {  	_ =	swait.ge [sflag:s18], $0x400  }
0x455: {  	[sflag:s18] =	ssyncset.done $0x0  }
0x456: {  	s30 =	simm.s32 $0x5800;
	[sflag:s18] =	ssyncadd.s32 $0xFFFFFC00  }
0x457: {  	[hbm4b:s8+s2] =	stream.linear.scatter [tilespmem:s30], [sflag:$0x3], $0x400, $0x38;
	[tilespmem:$0x6000] =	vst v63  }
0x458: {  	s22 =	sadd.s32 $0x1, s22;
	_ =	swait.ge [sflag:s18], $0x400  }
0x459: {  	p0 =	sne.s32 s22, s12;
	[sflag:s18] =	ssyncset.done $0x0  }
.Ltmp7:
0x45a: {  	s31 =	simm.s32 $0x5C00;
	[sflag:s18] =	ssyncadd.s32 $0xFFFFFC00;
	(pc) =	sbr.rel @p0 .LBB2_1-.Ltmp7, $4  }
0x45b: {  	[hbm4b:s11+s2] =	stream.linear.scatter [tilespmem:s31], [sflag:$0x3], $0x400, $0x38;
	[tilespmem:$0x6000] =	vst v63  }
0x45c: {  	_ =	swait.ge [sflag:s18], $0x400  }
0x45d: {  	[sflag:s18] =	ssyncset.done $0x0  }
0x45e: {  	[sflag:s18] =	ssyncadd.s32 $0xFFFFFC00  }
0x45f: {  	_ =	sfence.sel $0x180000  }
0x460: {  	[bflag:$0x0] =	sbarrier.arrive $0xFFFF  }
0x461: {  	_ =	strace $0x90000047  }
0x462: {  	s0 =	stileid.u32;
	[bflag:$0x2] =	sbarrier.arrive $0xFFFF  }
0x463: {  	p0 =	sne.s32 s0, $0x0;
	s0 =	rddreg [dreg:$0x2]  }
0x464: {  	s0 =	sadd.s32 @!p0 $0x100000, s0  }
0x465: {  	[sflag:s0] =	ssyncadd.tile.s32 @!p0 $0x1;
	_ =	shalt  }
.Lfunc_end2:
_tile_overlayer_lowered:
.L_overlay_start_2:
0x466: {  	(tag) =	ssettag $0x2  }
0x467: {  	s0 =	rddreg [dreg:$0x0];
	s2 =	stileid.u32  }
0x468: {  	s1 =	rddreg [dreg:$0x1];
	p0 =	sne.s32 s2, $0x0  }
0x469: {  	s3 =	rddreg [dreg:$0x2];
	[bflag:$0x3] =	sbarrier.arrive $0xFFFF;
	s2 =	simm.s32 @!p0 $0x1C03  }
0x46a: {  	[timem:s3], [sflag:s2] =	dma.local @!p0 [hbm:s0], s1  }
0x46b: {  	s0 =	simm.s32 @!p0 $0x3  }
0x46c: {  	_ =	swait.ge @!p0 [sflag:s0], s1  }
0x46d: {  	s1 =	ssub.s32 @!p0 $0x0, s1;
	[sflag:s0] =	ssyncset.done @!p0 $0x0  }
0x46e: {  	[sflag:s0] =	ssyncadd.s32 @!p0 s1  }
0x46f: {  	[bflag:$0x3] =	sbarrier.arrive $0xFFFF  }
0x470: {  	_ =	shalt  }

</sc_bundles>
